<compile_context>
chip_gen: v7x
topology: tpu7x:2x2x1
jax: 0.10.2.dev20260603
libtpu: 0.0.44.dev20260713+nightly
codegen_flags: <defaults>
</compile_context>

<pallas_src>
import functools

import jax
import jax.numpy as jnp
from jax import lax
from jax.experimental import pallas as pl
from jax.experimental.pallas import tpu as pltpu
from jax.experimental.pallas import tpu_sc as plsc

VOCAB = 1000000
EMB_D = 32
SEQ = 50
NUM_WORKERS = 32
TOK_COLS = 128
CHUNK = 10
N_CHUNKS = SEQ // CHUNK

FOLD = 128 // EMB_D
TBLK = 65536
STRIP = TBLK // FOLD
SHIFT = STRIP.bit_length() - 1
N_BLK = (VOCAB + TBLK - 1) // TBLK
W_ROWS = N_BLK * STRIP
W_FLAT = W_ROWS * FOLD


def _fold_table_body(t_ref, w_ref):
    t = t_ref[...]
    t_r = jnp.concatenate(
        [t[:, j * STRIP:(j + 1) * STRIP] for j in range(FOLD)], axis=0)
    w_ref[...] = t_r.T


def _idx_body(t_ref, o_ref):
    r = t_ref[...]
    g = (r & ~(TBLK - 1)) | ((r & (STRIP - 1)) << 2) | ((r >> SHIFT) & 3)
    o_ref[0:SEQ, :] = g
    o_ref[SEQ:56, :] = jnp.zeros((56 - SEQ, 4096), jnp.int32)


def _gather_body(table_hbm, idx_hbm, out_hbm, idx_v, rows_v, sem0, sem1, osem0, osem1):
    wid = lax.axis_index("s") * 2 + lax.axis_index("c")
    base = wid * TOK_COLS
    pltpu.sync_copy(idx_hbm.at[pl.ds(0, SEQ), pl.ds(base, TOK_COLS)], idx_v)
    gsems = (sem0, sem1)
    osems = (osem0, osem1)
    gd = [None, None]
    od = [None, None]
    for c in range(N_CHUNKS):
        b = c & 1
        if od[b] is not None:
            for dsc in od[b]:
                dsc.wait()
        gd[b] = [
            pltpu.async_copy(
                table_hbm.at[idx_v.at[c * CHUNK + i]], rows_v.at[b, i], gsems[b])
            for i in range(CHUNK)
        ]
        if c > 0:
            pb = (c - 1) & 1
            for dsc in gd[pb]:
                dsc.wait()
            od[pb] = [
                pltpu.async_copy(
                    rows_v.at[pb, i],
                    out_hbm.at[pl.ds(base, TOK_COLS), (c - 1) * CHUNK + i],
                    osems[pb])
                for i in range(CHUNK)
            ]
    lb = (N_CHUNKS - 1) & 1
    for dsc in gd[lb]:
        dsc.wait()
    od[lb] = [
        pltpu.async_copy(
            rows_v.at[lb, i],
            out_hbm.at[pl.ds(base, TOK_COLS), (N_CHUNKS - 1) * CHUNK + i],
            osems[lb])
        for i in range(CHUNK)
    ]
    for dsc in od[1 - lb]:
        dsc.wait()
    for dsc in od[lb]:
        dsc.wait()


@jax.jit
def _embedding_lookup(token_ids, embedding_matrix):
    tab_t = embedding_matrix.T
    w = pl.pallas_call(
        _fold_table_body,
        grid=(N_BLK,),
        in_specs=[pl.BlockSpec((EMB_D, TBLK), lambda k: (0, k))],
        out_specs=pl.BlockSpec((STRIP, 128), lambda k: (k, 0)),
        out_shape=jax.ShapeDtypeStruct((W_ROWS, 128), jnp.float32),
    )(tab_t)

    tid_t = token_ids.astype(jnp.int32).T
    idx_t = pl.pallas_call(
        _idx_body,
        out_shape=jax.ShapeDtypeStruct((56, 4096), jnp.int32),
    )(tid_t)

    table_rm = w.reshape(W_FLAT, EMB_D)
    mesh = plsc.VectorSubcoreMesh(core_axis_name="c", subcore_axis_name="s")
    k = functools.partial(
        pl.kernel,
        mesh=mesh,
        out_type=jax.ShapeDtypeStruct((4096, SEQ, EMB_D), jnp.float32),
        scratch_types=[
            pltpu.VMEM((SEQ, TOK_COLS), jnp.int32),
            pltpu.VMEM((2, CHUNK, TOK_COLS, EMB_D), jnp.float32),
            pltpu.SemaphoreType.DMA,
            pltpu.SemaphoreType.DMA,
            pltpu.SemaphoreType.DMA,
            pltpu.SemaphoreType.DMA,
        ],
        compiler_params=pltpu.CompilerParams(use_tc_tiling_on_sc=False),
    )(_gather_body)
    return k(table_rm, idx_t)


def kernel(token_ids, embedding_matrix):
    return _embedding_lookup(token_ids, embedding_matrix)

# --- scband reference (transcript-rebuilt; emitter-appended) ---
"""Pipeline reference for scband-embedding-83090437308626 (READ-ONLY COPY).

The authoritative reference and input builder live on the scoring server;
editing this copy changes nothing except your own understanding.
"""

import jax, jax.numpy as jnp
import numpy as np

NUM_EMBEDDINGS = 1000000
EMBEDDING_DIM = 32

def setup_inputs(seed: int = 0) -> dict:
    key = jax.random.key(seed)
    k_idx, k_tab = jax.random.split(key)
    token_ids = jax.random.randint(k_idx, (4096, 50), 0, NUM_EMBEDDINGS, dtype=jnp.int64 if jax.config.jax_enable_x64 else jnp.int32)
    # trunc_normal_(mean=0, std=0.02) approximated by truncated normal in [-2, 2] scaled by std
    embedding_matrix = jax.random.truncated_normal(k_tab, -2.0, 2.0, (NUM_EMBEDDINGS, EMBEDDING_DIM), dtype=jnp.float32) * 0.02
    return {"token_ids": token_ids, "embedding_matrix": embedding_matrix}

def reference(token_ids, embedding_matrix):
    # Faithful to torch: embedding_matrix[token_ids]
    return jnp.take(embedding_matrix, token_ids, axis=0)

if __name__ == "__main__":
    import jax
    _d = setup_inputs()
    print(jax.jit(kernel)(*tuple(_d.values())))

</pallas_src>

<mosaic_0001>
#map = affine_map<(d0, d1) -> (0, 0)>
#map1 = affine_map<(d0, d1) -> (0, 0, 0)>
module attributes {stable_mosaic.version = 14 : i64} {
  func.func @_gather_body(%arg0: i32, %arg1: i32, %arg2: memref<1048576x32xf32, #tpu.memory_space<hbm>>, %arg3: memref<56x4096xi32, #tpu.memory_space<hbm>>, %arg4: memref<4096x50x32xf32, #tpu.memory_space<hbm>>, %arg5: memref<50x128xi32, #tpu.memory_space<vmem>>, %arg6: memref<2x10x128x32xf32, #tpu.memory_space<vmem>>, %arg7: memref<!tpu.dma_semaphore, #tpu.memory_space<semaphore_mem>>, %arg8: memref<!tpu.dma_semaphore, #tpu.memory_space<semaphore_mem>>, %arg9: memref<!tpu.dma_semaphore, #tpu.memory_space<semaphore_mem>>, %arg10: memref<!tpu.dma_semaphore, #tpu.memory_space<semaphore_mem>>) attributes {dimension_semantics = [#tpu.dimension_semantics<core_parallel>, #tpu.dimension_semantics<subcore_parallel>], iteration_bounds = array<i64: 2, 16>, scalar_prefetch = 0 : i64, scratch_operands = 6 : i64, tpu.core_type = #tpu.core_type<sc_vector_subcore>, window_params = [{transform_indices = #map}, {transform_indices = #map}, {transform_indices = #map1}]} {
    %mul3A = arith.constant 2 : i32
    %mul3A_0 = arith.muli %arg1, %mul3A : i32
    %add3A = arith.addi %mul3A_0, %arg0 : i32
    %mul3A_1 = arith.constant 128 : i32
    %mul3A_2 = arith.muli %add3A, %mul3A_1 : i32
    "tpu.region"() ({
      %run_scoped3A = tpu.sem_alloc : memref<!tpu.dma_semaphore, #tpu.memory_space<semaphore_mem>>
      %dma_start3A_3001 = arith.constant 0 : i32
      %dma_start3A_3002 = tpu.memref_slice %arg3[%dma_start3A_3001, %mul3A_2] : memref<56x4096xi32, #tpu.memory_space<hbm>> -> memref<50x128xi32, #tpu.memory_space<hbm>>
      %dma_start3A_3003 = arith.constant 0 : i32
      %dma_start3A_3004 = tpu.memref_slice %arg3[%dma_start3A_3003, %mul3A_2] : memref<56x4096xi32, #tpu.memory_space<hbm>> -> memref<50x128xi32, #tpu.memory_space<hbm>>
      tpu.enqueue_dma source(%dma_start3A_3004 : memref<50x128xi32, #tpu.memory_space<hbm>>) target(%arg5 : memref<50x128xi32, #tpu.memory_space<vmem>>) target_semaphore(%run_scoped3A : memref<!tpu.dma_semaphore, #tpu.memory_space<semaphore_mem>>)
      %dma_wait3A_3005 = arith.constant 0 : i32
      %dma_wait3A_3006 = tpu.memref_slice %arg3[%dma_wait3A_3005, %mul3A_2] : memref<56x4096xi32, #tpu.memory_space<hbm>> -> memref<50x128xi32, #tpu.memory_space<hbm>>
      %dma_wait3A_3007 = arith.constant 0 : i32
      %dma_wait3A_3008 = tpu.memref_slice %arg3[%dma_wait3A_3007, %mul3A_2] : memref<56x4096xi32, #tpu.memory_space<hbm>> -> memref<50x128xi32, #tpu.memory_space<hbm>>
      tpu.wait_dma2 semaphore(%run_scoped3A : memref<!tpu.dma_semaphore, #tpu.memory_space<semaphore_mem>>) src(%dma_wait3A_3008 : memref<50x128xi32, #tpu.memory_space<hbm>>) dst(%arg5 : memref<50x128xi32, #tpu.memory_space<vmem>>)
      tpu.yield
    }) : () -> ()
    %dma_start3A = arith.constant 0 : i32
    %dma_start3A_3 = arith.constant 0 : i32
    %dma_start3A_4 = arith.constant 0 : i32
    %dma_start3A_5 = arith.constant 0 : i32
    %dma_start3A_6 = arith.constant 0 : i32
    %dma_start3A_7 = tpu.memref_slice %arg6[%dma_start3A_3, %dma_start3A_4, %dma_start3A_5, %dma_start3A_6] : memref<2x10x128x32xf32, #tpu.memory_space<vmem>> -> memref<1x1x128x32xf32, #tpu.memory_space<vmem>>
    %dma_start3A_8 = tpu.memref_squeeze %dma_start3A_7 : memref<1x1x128x32xf32, #tpu.memory_space<vmem>> -> memref<128x32xf32, #tpu.memory_space<vmem>>
    %dma_start3A_9 = arith.constant 0 : i32
    %dma_start3A_10 = tpu.memref_slice %arg5[%dma_start3A, %dma_start3A_9] : memref<50x128xi32, #tpu.memory_space<vmem>> -> memref<1x128xi32, #tpu.memory_space<vmem>>
    %dma_start3A_11 = tpu.memref_squeeze %dma_start3A_10 : memref<1x128xi32, #tpu.memory_space<vmem>> -> memref<128xi32, #tpu.memory_space<vmem>>
    %dma_start3A_12 = arith.constant 0 : i32
    %dma_start3A_13 = arith.constant 0 : i32
    %dma_start3A_14 = tpu.memref_slice %arg2[%dma_start3A_12, %dma_start3A_13] : memref<1048576x32xf32, #tpu.memory_space<hbm>> -> memref<1048576x32xf32, #tpu.memory_space<hbm>>
    tpu.enqueue_indirect_dma source(%dma_start3A_14 : memref<1048576x32xf32, #tpu.memory_space<hbm>>) target(%dma_start3A_8 : memref<128x32xf32, #tpu.memory_space<vmem>>) offsets(%dma_start3A_11 : memref<128xi32, #tpu.memory_space<vmem>>) semaphore(%arg7 : memref<!tpu.dma_semaphore, #tpu.memory_space<semaphore_mem>>)
    %dma_start3A_15 = arith.constant 1 : i32
    %dma_start3A_16 = arith.constant 0 : i32
    %dma_start3A_17 = arith.constant 1 : i32
    %dma_start3A_18 = arith.constant 0 : i32
    %dma_start3A_19 = arith.constant 0 : i32
    %dma_start3A_20 = tpu.memref_slice %arg6[%dma_start3A_16, %dma_start3A_17, %dma_start3A_18, %dma_start3A_19] : memref<2x10x128x32xf32, #tpu.memory_space<vmem>> -> memref<1x1x128x32xf32, #tpu.memory_space<vmem>>
    %dma_start3A_21 = tpu.memref_squeeze %dma_start3A_20 : memref<1x1x128x32xf32, #tpu.memory_space<vmem>> -> memref<128x32xf32, #tpu.memory_space<vmem>>
    %dma_start3A_22 = arith.constant 0 : i32
    %dma_start3A_23 = tpu.memref_slice %arg5[%dma_start3A_15, %dma_start3A_22] : memref<50x128xi32, #tpu.memory_space<vmem>> -> memref<1x128xi32, #tpu.memory_space<vmem>>
    %dma_start3A_24 = tpu.memref_squeeze %dma_start3A_23 : memref<1x128xi32, #tpu.memory_space<vmem>> -> memref<128xi32, #tpu.memory_space<vmem>>
    %dma_start3A_25 = arith.constant 0 : i32
    %dma_start3A_26 = arith.constant 0 : i32
    %dma_start3A_27 = tpu.memref_slice %arg2[%dma_start3A_25, %dma_start3A_26] : memref<1048576x32xf32, #tpu.memory_space<hbm>> -> memref<1048576x32xf32, #tpu.memory_space<hbm>>
    tpu.enqueue_indirect_dma source(%dma_start3A_27 : memref<1048576x32xf32, #tpu.memory_space<hbm>>) target(%dma_start3A_21 : memref<128x32xf32, #tpu.memory_space<vmem>>) offsets(%dma_start3A_24 : memref<128xi32, #tpu.memory_space<vmem>>) semaphore(%arg7 : memref<!tpu.dma_semaphore, #tpu.memory_space<semaphore_mem>>)
    %dma_start3A_28 = arith.constant 2 : i32
    %dma_start3A_29 = arith.constant 0 : i32
    %dma_start3A_30 = arith.constant 2 : i32
    %dma_start3A_31 = arith.constant 0 : i32
    %dma_start3A_32 = arith.constant 0 : i32
    %dma_start3A_33 = tpu.memref_slice %arg6[%dma_start3A_29, %dma_start3A_30, %dma_start3A_31, %dma_start3A_32] : memref<2x10x128x32xf32, #tpu.memory_space<vmem>> -> memref<1x1x128x32xf32, #tpu.memory_space<vmem>>
    %dma_start3A_34 = tpu.memref_squeeze %dma_start3A_33 : memref<1x1x128x32xf32, #tpu.memory_space<vmem>> -> memref<128x32xf32, #tpu.memory_space<vmem>>
    %dma_start3A_35 = arith.constant 0 : i32
    %dma_start3A_36 = tpu.memref_slice %arg5[%dma_start3A_28, %dma_start3A_35] : memref<50x128xi32, #tpu.memory_space<vmem>> -> memref<1x128xi32, #tpu.memory_space<vmem>>
    %dma_start3A_37 = tpu.memref_squeeze %dma_start3A_36 : memref<1x128xi32, #tpu.memory_space<vmem>> -> memref<128xi32, #tpu.memory_space<vmem>>
    %dma_start3A_38 = arith.constant 0 : i32
    %dma_start3A_39 = arith.constant 0 : i32
    %dma_start3A_40 = tpu.memref_slice %arg2[%dma_start3A_38, %dma_start3A_39] : memref<1048576x32xf32, #tpu.memory_space<hbm>> -> memref<1048576x32xf32, #tpu.memory_space<hbm>>
    tpu.enqueue_indirect_dma source(%dma_start3A_40 : memref<1048576x32xf32, #tpu.memory_space<hbm>>) target(%dma_start3A_34 : memref<128x32xf32, #tpu.memory_space<vmem>>) offsets(%dma_start3A_37 : memref<128xi32, #tpu.memory_space<vmem>>) semaphore(%arg7 : memref<!tpu.dma_semaphore, #tpu.memory_space<semaphore_mem>>)
    %dma_start3A_41 = arith.constant 3 : i32
    %dma_start3A_42 = arith.constant 0 : i32
    %dma_start3A_43 = arith.constant 3 : i32
    %dma_start3A_44 = arith.constant 0 : i32
    %dma_start3A_45 = arith.constant 0 : i32
    %dma_start3A_46 = tpu.memref_slice %arg6[%dma_start3A_42, %dma_start3A_43, %dma_start3A_44, %dma_start3A_45] : memref<2x10x128x32xf32, #tpu.memory_space<vmem>> -> memref<1x1x128x32xf32, #tpu.memory_space<vmem>>
    %dma_start3A_47 = tpu.memref_squeeze %dma_start3A_46 : memref<1x1x128x32xf32, #tpu.memory_space<vmem>> -> memref<128x32xf32, #tpu.memory_space<vmem>>
    %dma_start3A_48 = arith.constant 0 : i32
    %dma_start3A_49 = tpu.memref_slice %arg5[%dma_start3A_41, %dma_start3A_48] : memref<50x128xi32, #tpu.memory_space<vmem>> -> memref<1x128xi32, #tpu.memory_space<vmem>>
    %dma_start3A_50 = tpu.memref_squeeze %dma_start3A_49 : memref<1x128xi32, #tpu.memory_space<vmem>> -> memref<128xi32, #tpu.memory_space<vmem>>
    %dma_start3A_51 = arith.constant 0 : i32
    %dma_start3A_52 = arith.constant 0 : i32
    %dma_start3A_53 = tpu.memref_slice %arg2[%dma_start3A_51, %dma_start3A_52] : memref<1048576x32xf32, #tpu.memory_space<hbm>> -> memref<1048576x32xf32, #tpu.memory_space<hbm>>
    tpu.enqueue_indirect_dma source(%dma_start3A_53 : memref<1048576x32xf32, #tpu.memory_space<hbm>>) target(%dma_start3A_47 : memref<128x32xf32, #tpu.memory_space<vmem>>) offsets(%dma_start3A_50 : memref<128xi32, #tpu.memory_space<vmem>>) semaphore(%arg7 : memref<!tpu.dma_semaphore, #tpu.memory_space<semaphore_mem>>)
    %dma_start3A_54 = arith.constant 4 : i32
    %dma_start3A_55 = arith.constant 0 : i32
    %dma_start3A_56 = arith.constant 4 : i32
    %dma_start3A_57 = arith.constant 0 : i32
    %dma_start3A_58 = arith.constant 0 : i32
    %dma_start3A_59 = tpu.memref_slice %arg6[%dma_start3A_55, %dma_start3A_56, %dma_start3A_57, %dma_start3A_58] : memref<2x10x128x32xf32, #tpu.memory_space<vmem>> -> memref<1x1x128x32xf32, #tpu.memory_space<vmem>>
    %dma_start3A_60 = tpu.memref_squeeze %dma_start3A_59 : memref<1x1x128x32xf32, #tpu.memory_space<vmem>> -> memref<128x32xf32, #tpu.memory_space<vmem>>
    %dma_start3A_61 = arith.constant 0 : i32
    %dma_start3A_62 = tpu.memref_slice %arg5[%dma_start3A_54, %dma_start3A_61] : memref<50x128xi32, #tpu.memory_space<vmem>> -> memref<1x128xi32, #tpu.memory_space<vmem>>
    %dma_start3A_63 = tpu.memref_squeeze %dma_start3A_62 : memref<1x128xi32, #tpu.memory_space<vmem>> -> memref<128xi32, #tpu.memory_space<vmem>>
    %dma_start3A_64 = arith.constant 0 : i32
    %dma_start3A_65 = arith.constant 0 : i32
    %dma_start3A_66 = tpu.memref_slice %arg2[%dma_start3A_64, %dma_start3A_65] : memref<1048576x32xf32, #tpu.memory_space<hbm>> -> memref<1048576x32xf32, #tpu.memory_space<hbm>>
    tpu.enqueue_indirect_dma source(%dma_start3A_66 : memref<1048576x32xf32, #tpu.memory_space<hbm>>) target(%dma_start3A_60 : memref<128x32xf32, #tpu.memory_space<vmem>>) offsets(%dma_start3A_63 : memref<128xi32, #tpu.memory_space<vmem>>) semaphore(%arg7 : memref<!tpu.dma_semaphore, #tpu.memory_space<semaphore_mem>>)
    %dma_start3A_67 = arith.constant 5 : i32
    %dma_start3A_68 = arith.constant 0 : i32
    %dma_start3A_69 = arith.constant 5 : i32
    %dma_start3A_70 = arith.constant 0 : i32
    %dma_start3A_71 = arith.constant 0 : i32
    %dma_start3A_72 = tpu.memref_slice %arg6[%dma_start3A_68, %dma_start3A_69, %dma_start3A_70, %dma_start3A_71] : memref<2x10x128x32xf32, #tpu.memory_space<vmem>> -> memref<1x1x128x32xf32, #tpu.memory_space<vmem>>
    %dma_start3A_73 = tpu.memref_squeeze %dma_start3A_72 : memref<1x1x128x32xf32, #tpu.memory_space<vmem>> -> memref<128x32xf32, #tpu.memory_space<vmem>>
    %dma_start3A_74 = arith.constant 0 : i32
    %dma_start3A_75 = tpu.memref_slice %arg5[%dma_start3A_67, %dma_start3A_74] : memref<50x128xi32, #tpu.memory_space<vmem>> -> memref<1x128xi32, #tpu.memory_space<vmem>>
    %dma_start3A_76 = tpu.memref_squeeze %dma_start3A_75 : memref<1x128xi32, #tpu.memory_space<vmem>> -> memref<128xi32, #tpu.memory_space<vmem>>
    %dma_start3A_77 = arith.constant 0 : i32
    %dma_start3A_78 = arith.constant 0 : i32
    %dma_start3A_79 = tpu.memref_slice %arg2[%dma_start3A_77, %dma_start3A_78] : memref<1048576x32xf32, #tpu.memory_space<hbm>> -> memref<1048576x32xf32, #tpu.memory_space<hbm>>
    tpu.enqueue_indirect_dma source(%dma_start3A_79 : memref<1048576x32xf32, #tpu.memory_space<hbm>>) target(%dma_start3A_73 : memref<128x32xf32, #tpu.memory_space<vmem>>) offsets(%dma_start3A_76 : memref<128xi32, #tpu.memory_space<vmem>>) semaphore(%arg7 : memref<!tpu.dma_semaphore, #tpu.memory_space<semaphore_mem>>)
    %dma_start3A_80 = arith.constant 6 : i32
    %dma_start3A_81 = arith.constant 0 : i32
    %dma_start3A_82 = arith.constant 6 : i32
    %dma_start3A_83 = arith.constant 0 : i32
    %dma_start3A_84 = arith.constant 0 : i32
    %dma_start3A_85 = tpu.memref_slice %arg6[%dma_start3A_81, %dma_start3A_82, %dma_start3A_83, %dma_start3A_84] : memref<2x10x128x32xf32, #tpu.memory_space<vmem>> -> memref<1x1x128x32xf32, #tpu.memory_space<vmem>>
    %dma_start3A_86 = tpu.memref_squeeze %dma_start3A_85 : memref<1x1x128x32xf32, #tpu.memory_space<vmem>> -> memref<128x32xf32, #tpu.memory_space<vmem>>
    %dma_start3A_87 = arith.constant 0 : i32
    %dma_start3A_88 = tpu.memref_slice %arg5[%dma_start3A_80, %dma_start3A_87] : memref<50x128xi32, #tpu.memory_space<vmem>> -> memref<1x128xi32, #tpu.memory_space<vmem>>
    %dma_start3A_89 = tpu.memref_squeeze %dma_start3A_88 : memref<1x128xi32, #tpu.memory_space<vmem>> -> memref<128xi32, #tpu.memory_space<vmem>>
    %dma_start3A_90 = arith.constant 0 : i32
    %dma_start3A_91 = arith.constant 0 : i32
    %dma_start3A_92 = tpu.memref_slice %arg2[%dma_start3A_90, %dma_start3A_91] : memref<1048576x32xf32, #tpu.memory_space<hbm>> -> memref<1048576x32xf32, #tpu.memory_space<hbm>>
    tpu.enqueue_indirect_dma source(%dma_start3A_92 : memref<1048576x32xf32, #tpu.memory_space<hbm>>) target(%dma_start3A_86 : memref<128x32xf32, #tpu.memory_space<vmem>>) offsets(%dma_start3A_89 : memref<128xi32, #tpu.memory_space<vmem>>) semaphore(%arg7 : memref<!tpu.dma_semaphore, #tpu.memory_space<semaphore_mem>>)
    %dma_start3A_93 = arith.constant 7 : i32
    %dma_start3A_94 = arith.constant 0 : i32
    %dma_start3A_95 = arith.constant 7 : i32
    %dma_start3A_96 = arith.constant 0 : i32
    %dma_start3A_97 = arith.constant 0 : i32
    %dma_start3A_98 = tpu.memref_slice %arg6[%dma_start3A_94, %dma_start3A_95, %dma_start3A_96, %dma_start3A_97] : memref<2x10x128x32xf32, #tpu.memory_space<vmem>> -> memref<1x1x128x32xf32, #tpu.memory_space<vmem>>
    %dma_start3A_99 = tpu.memref_squeeze %dma_start3A_98 : memref<1x1x128x32xf32, #tpu.memory_space<vmem>> -> memref<128x32xf32, #tpu.memory_space<vmem>>
    %dma_start3A_100 = arith.constant 0 : i32
    %dma_start3A_101 = tpu.memref_slice %arg5[%dma_start3A_93, %dma_start3A_100] : memref<50x128xi32, #tpu.memory_space<vmem>> -> memref<1x128xi32, #tpu.memory_space<vmem>>
    %dma_start3A_102 = tpu.memref_squeeze %dma_start3A_101 : memref<1x128xi32, #tpu.memory_space<vmem>> -> memref<128xi32, #tpu.memory_space<vmem>>
    %dma_start3A_103 = arith.constant 0 : i32
    %dma_start3A_104 = arith.constant 0 : i32
    %dma_start3A_105 = tpu.memref_slice %arg2[%dma_start3A_103, %dma_start3A_104] : memref<1048576x32xf32, #tpu.memory_space<hbm>> -> memref<1048576x32xf32, #tpu.memory_space<hbm>>
    tpu.enqueue_indirect_dma source(%dma_start3A_105 : memref<1048576x32xf32, #tpu.memory_space<hbm>>) target(%dma_start3A_99 : memref<128x32xf32, #tpu.memory_space<vmem>>) offsets(%dma_start3A_102 : memref<128xi32, #tpu.memory_space<vmem>>) semaphore(%arg7 : memref<!tpu.dma_semaphore, #tpu.memory_space<semaphore_mem>>)
    %dma_start3A_106 = arith.constant 8 : i32
    %dma_start3A_107 = arith.constant 0 : i32
    %dma_start3A_108 = arith.constant 8 : i32
    %dma_start3A_109 = arith.constant 0 : i32
    %dma_start3A_110 = arith.constant 0 : i32
    %dma_start3A_111 = tpu.memref_slice %arg6[%dma_start3A_107, %dma_start3A_108, %dma_start3A_109, %dma_start3A_110] : memref<2x10x128x32xf32, #tpu.memory_space<vmem>> -> memref<1x1x128x32xf32, #tpu.memory_space<vmem>>
    %dma_start3A_112 = tpu.memref_squeeze %dma_start3A_111 : memref<1x1x128x32xf32, #tpu.memory_space<vmem>> -> memref<128x32xf32, #tpu.memory_space<vmem>>
    %dma_start3A_113 = arith.constant 0 : i32
    %dma_start3A_114 = tpu.memref_slice %arg5[%dma_start3A_106, %dma_start3A_113] : memref<50x128xi32, #tpu.memory_space<vmem>> -> memref<1x128xi32, #tpu.memory_space<vmem>>
    %dma_start3A_115 = tpu.memref_squeeze %dma_start3A_114 : memref<1x128xi32, #tpu.memory_space<vmem>> -> memref<128xi32, #tpu.memory_space<vmem>>
    %dma_start3A_116 = arith.constant 0 : i32
    %dma_start3A_117 = arith.constant 0 : i32
    %dma_start3A_118 = tpu.memref_slice %arg2[%dma_start3A_116, %dma_start3A_117] : memref<1048576x32xf32, #tpu.memory_space<hbm>> -> memref<1048576x32xf32, #tpu.memory_space<hbm>>
    tpu.enqueue_indirect_dma source(%dma_start3A_118 : memref<1048576x32xf32, #tpu.memory_space<hbm>>) target(%dma_start3A_112 : memref<128x32xf32, #tpu.memory_space<vmem>>) offsets(%dma_start3A_115 : memref<128xi32, #tpu.memory_space<vmem>>) semaphore(%arg7 : memref<!tpu.dma_semaphore, #tpu.memory_space<semaphore_mem>>)
    %dma_start3A_119 = arith.constant 9 : i32
    %dma_start3A_120 = arith.constant 0 : i32
    %dma_start3A_121 = arith.constant 9 : i32
    %dma_start3A_122 = arith.constant 0 : i32
    %dma_start3A_123 = arith.constant 0 : i32
    %dma_start3A_124 = tpu.memref_slice %arg6[%dma_start3A_120, %dma_start3A_121, %dma_start3A_122, %dma_start3A_123] : memref<2x10x128x32xf32, #tpu.memory_space<vmem>> -> memref<1x1x128x32xf32, #tpu.memory_space<vmem>>
    %dma_start3A_125 = tpu.memref_squeeze %dma_start3A_124 : memref<1x1x128x32xf32, #tpu.memory_space<vmem>> -> memref<128x32xf32, #tpu.memory_space<vmem>>
    %dma_start3A_126 = arith.constant 0 : i32
    %dma_start3A_127 = tpu.memref_slice %arg5[%dma_start3A_119, %dma_start3A_126] : memref<50x128xi32, #tpu.memory_space<vmem>> -> memref<1x128xi32, #tpu.memory_space<vmem>>
    %dma_start3A_128 = tpu.memref_squeeze %dma_start3A_127 : memref<1x128xi32, #tpu.memory_space<vmem>> -> memref<128xi32, #tpu.memory_space<vmem>>
    %dma_start3A_129 = arith.constant 0 : i32
    %dma_start3A_130 = arith.constant 0 : i32
    %dma_start3A_131 = tpu.memref_slice %arg2[%dma_start3A_129, %dma_start3A_130] : memref<1048576x32xf32, #tpu.memory_space<hbm>> -> memref<1048576x32xf32, #tpu.memory_space<hbm>>
    tpu.enqueue_indirect_dma source(%dma_start3A_131 : memref<1048576x32xf32, #tpu.memory_space<hbm>>) target(%dma_start3A_125 : memref<128x32xf32, #tpu.memory_space<vmem>>) offsets(%dma_start3A_128 : memref<128xi32, #tpu.memory_space<vmem>>) semaphore(%arg7 : memref<!tpu.dma_semaphore, #tpu.memory_space<semaphore_mem>>)
    %dma_start3A_132 = arith.constant 10 : i32
    %dma_start3A_133 = arith.constant 1 : i32
    %dma_start3A_134 = arith.constant 0 : i32
    %dma_start3A_135 = arith.constant 0 : i32
    %dma_start3A_136 = arith.constant 0 : i32
    %dma_start3A_137 = tpu.memref_slice %arg6[%dma_start3A_133, %dma_start3A_134, %dma_start3A_135, %dma_start3A_136] : memref<2x10x128x32xf32, #tpu.memory_space<vmem>> -> memref<1x1x128x32xf32, #tpu.memory_space<vmem>>
    %dma_start3A_138 = tpu.memref_squeeze %dma_start3A_137 : memref<1x1x128x32xf32, #tpu.memory_space<vmem>> -> memref<128x32xf32, #tpu.memory_space<vmem>>
    %dma_start3A_139 = arith.constant 0 : i32
    %dma_start3A_140 = tpu.memref_slice %arg5[%dma_start3A_132, %dma_start3A_139] : memref<50x128xi32, #tpu.memory_space<vmem>> -> memref<1x128xi32, #tpu.memory_space<vmem>>
    %dma_start3A_141 = tpu.memref_squeeze %dma_start3A_140 : memref<1x128xi32, #tpu.memory_space<vmem>> -> memref<128xi32, #tpu.memory_space<vmem>>
    %dma_start3A_142 = arith.constant 0 : i32
    %dma_start3A_143 = arith.constant 0 : i32
    %dma_start3A_144 = tpu.memref_slice %arg2[%dma_start3A_142, %dma_start3A_143] : memref<1048576x32xf32, #tpu.memory_space<hbm>> -> memref<1048576x32xf32, #tpu.memory_space<hbm>>
    tpu.enqueue_indirect_dma source(%dma_start3A_144 : memref<1048576x32xf32, #tpu.memory_space<hbm>>) target(%dma_start3A_138 : memref<128x32xf32, #tpu.memory_space<vmem>>) offsets(%dma_start3A_141 : memref<128xi32, #tpu.memory_space<vmem>>) semaphore(%arg8 : memref<!tpu.dma_semaphore, #tpu.memory_space<semaphore_mem>>)
    %dma_start3A_145 = arith.constant 11 : i32
    %dma_start3A_146 = arith.constant 1 : i32
    %dma_start3A_147 = arith.constant 1 : i32
    %dma_start3A_148 = arith.constant 0 : i32
    %dma_start3A_149 = arith.constant 0 : i32
    %dma_start3A_150 = tpu.memref_slice %arg6[%dma_start3A_146, %dma_start3A_147, %dma_start3A_148, %dma_start3A_149] : memref<2x10x128x32xf32, #tpu.memory_space<vmem>> -> memref<1x1x128x32xf32, #tpu.memory_space<vmem>>
    %dma_start3A_151 = tpu.memref_squeeze %dma_start3A_150 : memref<1x1x128x32xf32, #tpu.memory_space<vmem>> -> memref<128x32xf32, #tpu.memory_space<vmem>>
    %dma_start3A_152 = arith.constant 0 : i32
    %dma_start3A_153 = tpu.memref_slice %arg5[%dma_start3A_145, %dma_start3A_152] : memref<50x128xi32, #tpu.memory_space<vmem>> -> memref<1x128xi32, #tpu.memory_space<vmem>>
    %dma_start3A_154 = tpu.memref_squeeze %dma_start3A_153 : memref<1x128xi32, #tpu.memory_space<vmem>> -> memref<128xi32, #tpu.memory_space<vmem>>
    %dma_start3A_155 = arith.constant 0 : i32
    %dma_start3A_156 = arith.constant 0 : i32
    %dma_start3A_157 = tpu.memref_slice %arg2[%dma_start3A_155, %dma_start3A_156] : memref<1048576x32xf32, #tpu.memory_space<hbm>> -> memref<1048576x32xf32, #tpu.memory_space<hbm>>
    tpu.enqueue_indirect_dma source(%dma_start3A_157 : memref<1048576x32xf32, #tpu.memory_space<hbm>>) target(%dma_start3A_151 : memref<128x32xf32, #tpu.memory_space<vmem>>) offsets(%dma_start3A_154 : memref<128xi32, #tpu.memory_space<vmem>>) semaphore(%arg8 : memref<!tpu.dma_semaphore, #tpu.memory_space<semaphore_mem>>)
    %dma_start3A_158 = arith.constant 12 : i32
    %dma_start3A_159 = arith.constant 1 : i32
    %dma_start3A_160 = arith.constant 2 : i32
    %dma_start3A_161 = arith.constant 0 : i32
    %dma_start3A_162 = arith.constant 0 : i32
    %dma_start3A_163 = tpu.memref_slice %arg6[%dma_start3A_159, %dma_start3A_160, %dma_start3A_161, %dma_start3A_162] : memref<2x10x128x32xf32, #tpu.memory_space<vmem>> -> memref<1x1x128x32xf32, #tpu.memory_space<vmem>>
    %dma_start3A_164 = tpu.memref_squeeze %dma_start3A_163 : memref<1x1x128x32xf32, #tpu.memory_space<vmem>> -> memref<128x32xf32, #tpu.memory_space<vmem>>
    %dma_start3A_165 = arith.constant 0 : i32
    %dma_start3A_166 = tpu.memref_slice %arg5[%dma_start3A_158, %dma_start3A_165] : memref<50x128xi32, #tpu.memory_space<vmem>> -> memref<1x128xi32, #tpu.memory_space<vmem>>
    %dma_start3A_167 = tpu.memref_squeeze %dma_start3A_166 : memref<1x128xi32, #tpu.memory_space<vmem>> -> memref<128xi32, #tpu.memory_space<vmem>>
    %dma_start3A_168 = arith.constant 0 : i32
    %dma_start3A_169 = arith.constant 0 : i32
    %dma_start3A_170 = tpu.memref_slice %arg2[%dma_start3A_168, %dma_start3A_169] : memref<1048576x32xf32, #tpu.memory_space<hbm>> -> memref<1048576x32xf32, #tpu.memory_space<hbm>>
    tpu.enqueue_indirect_dma source(%dma_start3A_170 : memref<1048576x32xf32, #tpu.memory_space<hbm>>) target(%dma_start3A_164 : memref<128x32xf32, #tpu.memory_space<vmem>>) offsets(%dma_start3A_167 : memref<128xi32, #tpu.memory_space<vmem>>) semaphore(%arg8 : memref<!tpu.dma_semaphore, #tpu.memory_space<semaphore_mem>>)
    %dma_start3A_171 = arith.constant 13 : i32
    %dma_start3A_172 = arith.constant 1 : i32
    %dma_start3A_173 = arith.constant 3 : i32
    %dma_start3A_174 = arith.constant 0 : i32
    %dma_start3A_175 = arith.constant 0 : i32
    %dma_start3A_176 = tpu.memref_slice %arg6[%dma_start3A_172, %dma_start3A_173, %dma_start3A_174, %dma_start3A_175] : memref<2x10x128x32xf32, #tpu.memory_space<vmem>> -> memref<1x1x128x32xf32, #tpu.memory_space<vmem>>
    %dma_start3A_177 = tpu.memref_squeeze %dma_start3A_176 : memref<1x1x128x32xf32, #tpu.memory_space<vmem>> -> memref<128x32xf32, #tpu.memory_space<vmem>>
    %dma_start3A_178 = arith.constant 0 : i32
    %dma_start3A_179 = tpu.memref_slice %arg5[%dma_start3A_171, %dma_start3A_178] : memref<50x128xi32, #tpu.memory_space<vmem>> -> memref<1x128xi32, #tpu.memory_space<vmem>>
    %dma_start3A_180 = tpu.memref_squeeze %dma_start3A_179 : memref<1x128xi32, #tpu.memory_space<vmem>> -> memref<128xi32, #tpu.memory_space<vmem>>
    %dma_start3A_181 = arith.constant 0 : i32
    %dma_start3A_182 = arith.constant 0 : i32
    %dma_start3A_183 = tpu.memref_slice %arg2[%dma_start3A_181, %dma_start3A_182] : memref<1048576x32xf32, #tpu.memory_space<hbm>> -> memref<1048576x32xf32, #tpu.memory_space<hbm>>
    tpu.enqueue_indirect_dma source(%dma_start3A_183 : memref<1048576x32xf32, #tpu.memory_space<hbm>>) target(%dma_start3A_177 : memref<128x32xf32, #tpu.memory_space<vmem>>) offsets(%dma_start3A_180 : memref<128xi32, #tpu.memory_space<vmem>>) semaphore(%arg8 : memref<!tpu.dma_semaphore, #tpu.memory_space<semaphore_mem>>)
    %dma_start3A_184 = arith.constant 14 : i32
    %dma_start3A_185 = arith.constant 1 : i32
    %dma_start3A_186 = arith.constant 4 : i32
    %dma_start3A_187 = arith.constant 0 : i32
    %dma_start3A_188 = arith.constant 0 : i32
    %dma_start3A_189 = tpu.memref_slice %arg6[%dma_start3A_185, %dma_start3A_186, %dma_start3A_187, %dma_start3A_188] : memref<2x10x128x32xf32, #tpu.memory_space<vmem>> -> memref<1x1x128x32xf32, #tpu.memory_space<vmem>>
    %dma_start3A_190 = tpu.memref_squeeze %dma_start3A_189 : memref<1x1x128x32xf32, #tpu.memory_space<vmem>> -> memref<128x32xf32, #tpu.memory_space<vmem>>
    %dma_start3A_191 = arith.constant 0 : i32
    %dma_start3A_192 = tpu.memref_slice %arg5[%dma_start3A_184, %dma_start3A_191] : memref<50x128xi32, #tpu.memory_space<vmem>> -> memref<1x128xi32, #tpu.memory_space<vmem>>
    %dma_start3A_193 = tpu.memref_squeeze %dma_start3A_192 : memref<1x128xi32, #tpu.memory_space<vmem>> -> memref<128xi32, #tpu.memory_space<vmem>>
    %dma_start3A_194 = arith.constant 0 : i32
    %dma_start3A_195 = arith.constant 0 : i32
    %dma_start3A_196 = tpu.memref_slice %arg2[%dma_start3A_194, %dma_start3A_195] : memref<1048576x32xf32, #tpu.memory_space<hbm>> -> memref<1048576x32xf32, #tpu.memory_space<hbm>>
    tpu.enqueue_indirect_dma source(%dma_start3A_196 : memref<1048576x32xf32, #tpu.memory_space<hbm>>) target(%dma_start3A_190 : memref<128x32xf32, #tpu.memory_space<vmem>>) offsets(%dma_start3A_193 : memref<128xi32, #tpu.memory_space<vmem>>) semaphore(%arg8 : memref<!tpu.dma_semaphore, #tpu.memory_space<semaphore_mem>>)
    %dma_start3A_197 = arith.constant 15 : i32
    %dma_start3A_198 = arith.constant 1 : i32
    %dma_start3A_199 = arith.constant 5 : i32
    %dma_start3A_200 = arith.constant 0 : i32
    %dma_start3A_201 = arith.constant 0 : i32
    %dma_start3A_202 = tpu.memref_slice %arg6[%dma_start3A_198, %dma_start3A_199, %dma_start3A_200, %dma_start3A_201] : memref<2x10x128x32xf32, #tpu.memory_space<vmem>> -> memref<1x1x128x32xf32, #tpu.memory_space<vmem>>
    %dma_start3A_203 = tpu.memref_squeeze %dma_start3A_202 : memref<1x1x128x32xf32, #tpu.memory_space<vmem>> -> memref<128x32xf32, #tpu.memory_space<vmem>>
    %dma_start3A_204 = arith.constant 0 : i32
    %dma_start3A_205 = tpu.memref_slice %arg5[%dma_start3A_197, %dma_start3A_204] : memref<50x128xi32, #tpu.memory_space<vmem>> -> memref<1x128xi32, #tpu.memory_space<vmem>>
    %dma_start3A_206 = tpu.memref_squeeze %dma_start3A_205 : memref<1x128xi32, #tpu.memory_space<vmem>> -> memref<128xi32, #tpu.memory_space<vmem>>
    %dma_start3A_207 = arith.constant 0 : i32
    %dma_start3A_208 = arith.constant 0 : i32
    %dma_start3A_209 = tpu.memref_slice %arg2[%dma_start3A_207, %dma_start3A_208] : memref<1048576x32xf32, #tpu.memory_space<hbm>> -> memref<1048576x32xf32, #tpu.memory_space<hbm>>
    tpu.enqueue_indirect_dma source(%dma_start3A_209 : memref<1048576x32xf32, #tpu.memory_space<hbm>>) target(%dma_start3A_203 : memref<128x32xf32, #tpu.memory_space<vmem>>) offsets(%dma_start3A_206 : memref<128xi32, #tpu.memory_space<vmem>>) semaphore(%arg8 : memref<!tpu.dma_semaphore, #tpu.memory_space<semaphore_mem>>)
    %dma_start3A_210 = arith.constant 16 : i32
    %dma_start3A_211 = arith.constant 1 : i32
    %dma_start3A_212 = arith.constant 6 : i32
    %dma_start3A_213 = arith.constant 0 : i32
    %dma_start3A_214 = arith.constant 0 : i32
    %dma_start3A_215 = tpu.memref_slice %arg6[%dma_start3A_211, %dma_start3A_212, %dma_start3A_213, %dma_start3A_214] : memref<2x10x128x32xf32, #tpu.memory_space<vmem>> -> memref<1x1x128x32xf32, #tpu.memory_space<vmem>>
    %dma_start3A_216 = tpu.memref_squeeze %dma_start3A_215 : memref<1x1x128x32xf32, #tpu.memory_space<vmem>> -> memref<128x32xf32, #tpu.memory_space<vmem>>
    %dma_start3A_217 = arith.constant 0 : i32
    %dma_start3A_218 = tpu.memref_slice %arg5[%dma_start3A_210, %dma_start3A_217] : memref<50x128xi32, #tpu.memory_space<vmem>> -> memref<1x128xi32, #tpu.memory_space<vmem>>
    %dma_start3A_219 = tpu.memref_squeeze %dma_start3A_218 : memref<1x128xi32, #tpu.memory_space<vmem>> -> memref<128xi32, #tpu.memory_space<vmem>>
    %dma_start3A_220 = arith.constant 0 : i32
    %dma_start3A_221 = arith.constant 0 : i32
    %dma_start3A_222 = tpu.memref_slice %arg2[%dma_start3A_220, %dma_start3A_221] : memref<1048576x32xf32, #tpu.memory_space<hbm>> -> memref<1048576x32xf32, #tpu.memory_space<hbm>>
    tpu.enqueue_indirect_dma source(%dma_start3A_222 : memref<1048576x32xf32, #tpu.memory_space<hbm>>) target(%dma_start3A_216 : memref<128x32xf32, #tpu.memory_space<vmem>>) offsets(%dma_start3A_219 : memref<128xi32, #tpu.memory_space<vmem>>) semaphore(%arg8 : memref<!tpu.dma_semaphore, #tpu.memory_space<semaphore_mem>>)
    %dma_start3A_223 = arith.constant 17 : i32
    %dma_start3A_224 = arith.constant 1 : i32
    %dma_start3A_225 = arith.constant 7 : i32
    %dma_start3A_226 = arith.constant 0 : i32
    %dma_start3A_227 = arith.constant 0 : i32
    %dma_start3A_228 = tpu.memref_slice %arg6[%dma_start3A_224, %dma_start3A_225, %dma_start3A_226, %dma_start3A_227] : memref<2x10x128x32xf32, #tpu.memory_space<vmem>> -> memref<1x1x128x32xf32, #tpu.memory_space<vmem>>
    %dma_start3A_229 = tpu.memref_squeeze %dma_start3A_228 : memref<1x1x128x32xf32, #tpu.memory_space<vmem>> -> memref<128x32xf32, #tpu.memory_space<vmem>>
    %dma_start3A_230 = arith.constant 0 : i32
    %dma_start3A_231 = tpu.memref_slice %arg5[%dma_start3A_223, %dma_start3A_230] : memref<50x128xi32, #tpu.memory_space<vmem>> -> memref<1x128xi32, #tpu.memory_space<vmem>>
    %dma_start3A_232 = tpu.memref_squeeze %dma_start3A_231 : memref<1x128xi32, #tpu.memory_space<vmem>> -> memref<128xi32, #tpu.memory_space<vmem>>
    %dma_start3A_233 = arith.constant 0 : i32
    %dma_start3A_234 = arith.constant 0 : i32
    %dma_start3A_235 = tpu.memref_slice %arg2[%dma_start3A_233, %dma_start3A_234] : memref<1048576x32xf32, #tpu.memory_space<hbm>> -> memref<1048576x32xf32, #tpu.memory_space<hbm>>
    tpu.enqueue_indirect_dma source(%dma_start3A_235 : memref<1048576x32xf32, #tpu.memory_space<hbm>>) target(%dma_start3A_229 : memref<128x32xf32, #tpu.memory_space<vmem>>) offsets(%dma_start3A_232 : memref<128xi32, #tpu.memory_space<vmem>>) semaphore(%arg8 : memref<!tpu.dma_semaphore, #tpu.memory_space<semaphore_mem>>)
    %dma_start3A_236 = arith.constant 18 : i32
    %dma_start3A_237 = arith.constant 1 : i32
    %dma_start3A_238 = arith.constant 8 : i32
    %dma_start3A_239 = arith.constant 0 : i32
    %dma_start3A_240 = arith.constant 0 : i32
    %dma_start3A_241 = tpu.memref_slice %arg6[%dma_start3A_237, %dma_start3A_238, %dma_start3A_239, %dma_start3A_240] : memref<2x10x128x32xf32, #tpu.memory_space<vmem>> -> memref<1x1x128x32xf32, #tpu.memory_space<vmem>>
    %dma_start3A_242 = tpu.memref_squeeze %dma_start3A_241 : memref<1x1x128x32xf32, #tpu.memory_space<vmem>> -> memref<128x32xf32, #tpu.memory_space<vmem>>
    %dma_start3A_243 = arith.constant 0 : i32
    %dma_start3A_244 = tpu.memref_slice %arg5[%dma_start3A_236, %dma_start3A_243] : memref<50x128xi32, #tpu.memory_space<vmem>> -> memref<1x128xi32, #tpu.memory_space<vmem>>
    %dma_start3A_245 = tpu.memref_squeeze %dma_start3A_244 : memref<1x128xi32, #tpu.memory_space<vmem>> -> memref<128xi32, #tpu.memory_space<vmem>>
    %dma_start3A_246 = arith.constant 0 : i32
    %dma_start3A_247 = arith.constant 0 : i32
    %dma_start3A_248 = tpu.memref_slice %arg2[%dma_start3A_246, %dma_start3A_247] : memref<1048576x32xf32, #tpu.memory_space<hbm>> -> memref<1048576x32xf32, #tpu.memory_space<hbm>>
    tpu.enqueue_indirect_dma source(%dma_start3A_248 : memref<1048576x32xf32, #tpu.memory_space<hbm>>) target(%dma_start3A_242 : memref<128x32xf32, #tpu.memory_space<vmem>>) offsets(%dma_start3A_245 : memref<128xi32, #tpu.memory_space<vmem>>) semaphore(%arg8 : memref<!tpu.dma_semaphore, #tpu.memory_space<semaphore_mem>>)
    %dma_start3A_249 = arith.constant 19 : i32
    %dma_start3A_250 = arith.constant 1 : i32
    %dma_start3A_251 = arith.constant 9 : i32
    %dma_start3A_252 = arith.constant 0 : i32
    %dma_start3A_253 = arith.constant 0 : i32
    %dma_start3A_254 = tpu.memref_slice %arg6[%dma_start3A_250, %dma_start3A_251, %dma_start3A_252, %dma_start3A_253] : memref<2x10x128x32xf32, #tpu.memory_space<vmem>> -> memref<1x1x128x32xf32, #tpu.memory_space<vmem>>
    %dma_start3A_255 = tpu.memref_squeeze %dma_start3A_254 : memref<1x1x128x32xf32, #tpu.memory_space<vmem>> -> memref<128x32xf32, #tpu.memory_space<vmem>>
    %dma_start3A_256 = arith.constant 0 : i32
    %dma_start3A_257 = tpu.memref_slice %arg5[%dma_start3A_249, %dma_start3A_256] : memref<50x128xi32, #tpu.memory_space<vmem>> -> memref<1x128xi32, #tpu.memory_space<vmem>>
    %dma_start3A_258 = tpu.memref_squeeze %dma_start3A_257 : memref<1x128xi32, #tpu.memory_space<vmem>> -> memref<128xi32, #tpu.memory_space<vmem>>
    %dma_start3A_259 = arith.constant 0 : i32
    %dma_start3A_260 = arith.constant 0 : i32
    %dma_start3A_261 = tpu.memref_slice %arg2[%dma_start3A_259, %dma_start3A_260] : memref<1048576x32xf32, #tpu.memory_space<hbm>> -> memref<1048576x32xf32, #tpu.memory_space<hbm>>
    tpu.enqueue_indirect_dma source(%dma_start3A_261 : memref<1048576x32xf32, #tpu.memory_space<hbm>>) target(%dma_start3A_255 : memref<128x32xf32, #tpu.memory_space<vmem>>) offsets(%dma_start3A_258 : memref<128xi32, #tpu.memory_space<vmem>>) semaphore(%arg8 : memref<!tpu.dma_semaphore, #tpu.memory_space<semaphore_mem>>)
    %dma_wait3A = arith.constant 0 : i32
    %dma_wait3A_262 = arith.constant 0 : i32
    %dma_wait3A_263 = arith.constant 0 : i32
    %dma_wait3A_264 = arith.constant 0 : i32
    %dma_wait3A_265 = arith.constant 0 : i32
    %dma_wait3A_266 = tpu.memref_slice %arg6[%dma_wait3A_262, %dma_wait3A_263, %dma_wait3A_264, %dma_wait3A_265] : memref<2x10x128x32xf32, #tpu.memory_space<vmem>> -> memref<1x1x128x32xf32, #tpu.memory_space<vmem>>
    %dma_wait3A_267 = tpu.memref_squeeze %dma_wait3A_266 : memref<1x1x128x32xf32, #tpu.memory_space<vmem>> -> memref<128x32xf32, #tpu.memory_space<vmem>>
    %dma_wait3A_268 = arith.constant 0 : i32
    %dma_wait3A_269 = tpu.memref_slice %arg5[%dma_wait3A, %dma_wait3A_268] : memref<50x128xi32, #tpu.memory_space<vmem>> -> memref<1x128xi32, #tpu.memory_space<vmem>>
    %dma_wait3A_270 = tpu.memref_squeeze %dma_wait3A_269 : memref<1x128xi32, #tpu.memory_space<vmem>> -> memref<128xi32, #tpu.memory_space<vmem>>
    %dma_wait3A_271 = arith.constant 0 : i32
    %dma_wait3A_272 = arith.constant 0 : i32
    %dma_wait3A_273 = tpu.memref_slice %arg2[%dma_wait3A_271, %dma_wait3A_272] : memref<1048576x32xf32, #tpu.memory_space<hbm>> -> memref<1048576x32xf32, #tpu.memory_space<hbm>>
    tpu.wait_indirect_dma semaphore(%arg7 : memref<!tpu.dma_semaphore, #tpu.memory_space<semaphore_mem>>) src(%dma_wait3A_273 : memref<1048576x32xf32, #tpu.memory_space<hbm>>) dst(%dma_wait3A_267 : memref<128x32xf32, #tpu.memory_space<vmem>>)
    %dma_wait3A_274 = arith.constant 1 : i32
    %dma_wait3A_275 = arith.constant 0 : i32
    %dma_wait3A_276 = arith.constant 1 : i32
    %dma_wait3A_277 = arith.constant 0 : i32
    %dma_wait3A_278 = arith.constant 0 : i32
    %dma_wait3A_279 = tpu.memref_slice %arg6[%dma_wait3A_275, %dma_wait3A_276, %dma_wait3A_277, %dma_wait3A_278] : memref<2x10x128x32xf32, #tpu.memory_space<vmem>> -> memref<1x1x128x32xf32, #tpu.memory_space<vmem>>
    %dma_wait3A_280 = tpu.memref_squeeze %dma_wait3A_279 : memref<1x1x128x32xf32, #tpu.memory_space<vmem>> -> memref<128x32xf32, #tpu.memory_space<vmem>>
    %dma_wait3A_281 = arith.constant 0 : i32
    %dma_wait3A_282 = tpu.memref_slice %arg5[%dma_wait3A_274, %dma_wait3A_281] : memref<50x128xi32, #tpu.memory_space<vmem>> -> memref<1x128xi32, #tpu.memory_space<vmem>>
    %dma_wait3A_283 = tpu.memref_squeeze %dma_wait3A_282 : memref<1x128xi32, #tpu.memory_space<vmem>> -> memref<128xi32, #tpu.memory_space<vmem>>
    %dma_wait3A_284 = arith.constant 0 : i32
    %dma_wait3A_285 = arith.constant 0 : i32
    %dma_wait3A_286 = tpu.memref_slice %arg2[%dma_wait3A_284, %dma_wait3A_285] : memref<1048576x32xf32, #tpu.memory_space<hbm>> -> memref<1048576x32xf32, #tpu.memory_space<hbm>>
    tpu.wait_indirect_dma semaphore(%arg7 : memref<!tpu.dma_semaphore, #tpu.memory_space<semaphore_mem>>) src(%dma_wait3A_286 : memref<1048576x32xf32, #tpu.memory_space<hbm>>) dst(%dma_wait3A_280 : memref<128x32xf32, #tpu.memory_space<vmem>>)
    %dma_wait3A_287 = arith.constant 2 : i32
    %dma_wait3A_288 = arith.constant 0 : i32
    %dma_wait3A_289 = arith.constant 2 : i32
    %dma_wait3A_290 = arith.constant 0 : i32
    %dma_wait3A_291 = arith.constant 0 : i32
    %dma_wait3A_292 = tpu.memref_slice %arg6[%dma_wait3A_288, %dma_wait3A_289, %dma_wait3A_290, %dma_wait3A_291] : memref<2x10x128x32xf32, #tpu.memory_space<vmem>> -> memref<1x1x128x32xf32, #tpu.memory_space<vmem>>
    %dma_wait3A_293 = tpu.memref_squeeze %dma_wait3A_292 : memref<1x1x128x32xf32, #tpu.memory_space<vmem>> -> memref<128x32xf32, #tpu.memory_space<vmem>>
    %dma_wait3A_294 = arith.constant 0 : i32
    %dma_wait3A_295 = tpu.memref_slice %arg5[%dma_wait3A_287, %dma_wait3A_294] : memref<50x128xi32, #tpu.memory_space<vmem>> -> memref<1x128xi32, #tpu.memory_space<vmem>>
    %dma_wait3A_296 = tpu.memref_squeeze %dma_wait3A_295 : memref<1x128xi32, #tpu.memory_space<vmem>> -> memref<128xi32, #tpu.memory_space<vmem>>
    %dma_wait3A_297 = arith.constant 0 : i32
    %dma_wait3A_298 = arith.constant 0 : i32
    %dma_wait3A_299 = tpu.memref_slice %arg2[%dma_wait3A_297, %dma_wait3A_298] : memref<1048576x32xf32, #tpu.memory_space<hbm>> -> memref<1048576x32xf32, #tpu.memory_space<hbm>>
    tpu.wait_indirect_dma semaphore(%arg7 : memref<!tpu.dma_semaphore, #tpu.memory_space<semaphore_mem>>) src(%dma_wait3A_299 : memref<1048576x32xf32, #tpu.memory_space<hbm>>) dst(%dma_wait3A_293 : memref<128x32xf32, #tpu.memory_space<vmem>>)
    %dma_wait3A_300 = arith.constant 3 : i32
    %dma_wait3A_301 = arith.constant 0 : i32
    %dma_wait3A_302 = arith.constant 3 : i32
    %dma_wait3A_303 = arith.constant 0 : i32
    %dma_wait3A_304 = arith.constant 0 : i32
    %dma_wait3A_305 = tpu.memref_slice %arg6[%dma_wait3A_301, %dma_wait3A_302, %dma_wait3A_303, %dma_wait3A_304] : memref<2x10x128x32xf32, #tpu.memory_space<vmem>> -> memref<1x1x128x32xf32, #tpu.memory_space<vmem>>
    %dma_wait3A_306 = tpu.memref_squeeze %dma_wait3A_305 : memref<1x1x128x32xf32, #tpu.memory_space<vmem>> -> memref<128x32xf32, #tpu.memory_space<vmem>>
    %dma_wait3A_307 = arith.constant 0 : i32
    %dma_wait3A_308 = tpu.memref_slice %arg5[%dma_wait3A_300, %dma_wait3A_307] : memref<50x128xi32, #tpu.memory_space<vmem>> -> memref<1x128xi32, #tpu.memory_space<vmem>>
    %dma_wait3A_309 = tpu.memref_squeeze %dma_wait3A_308 : memref<1x128xi32, #tpu.memory_space<vmem>> -> memref<128xi32, #tpu.memory_space<vmem>>
    %dma_wait3A_310 = arith.constant 0 : i32
    %dma_wait3A_311 = arith.constant 0 : i32
    %dma_wait3A_312 = tpu.memref_slice %arg2[%dma_wait3A_310, %dma_wait3A_311] : memref<1048576x32xf32, #tpu.memory_space<hbm>> -> memref<1048576x32xf32, #tpu.memory_space<hbm>>
    tpu.wait_indirect_dma semaphore(%arg7 : memref<!tpu.dma_semaphore, #tpu.memory_space<semaphore_mem>>) src(%dma_wait3A_312 : memref<1048576x32xf32, #tpu.memory_space<hbm>>) dst(%dma_wait3A_306 : memref<128x32xf32, #tpu.memory_space<vmem>>)
    %dma_wait3A_313 = arith.constant 4 : i32
    %dma_wait3A_314 = arith.constant 0 : i32
    %dma_wait3A_315 = arith.constant 4 : i32
    %dma_wait3A_316 = arith.constant 0 : i32
    %dma_wait3A_317 = arith.constant 0 : i32
    %dma_wait3A_318 = tpu.memref_slice %arg6[%dma_wait3A_314, %dma_wait3A_315, %dma_wait3A_316, %dma_wait3A_317] : memref<2x10x128x32xf32, #tpu.memory_space<vmem>> -> memref<1x1x128x32xf32, #tpu.memory_space<vmem>>
    %dma_wait3A_319 = tpu.memref_squeeze %dma_wait3A_318 : memref<1x1x128x32xf32, #tpu.memory_space<vmem>> -> memref<128x32xf32, #tpu.memory_space<vmem>>
    %dma_wait3A_320 = arith.constant 0 : i32
    %dma_wait3A_321 = tpu.memref_slice %arg5[%dma_wait3A_313, %dma_wait3A_320] : memref<50x128xi32, #tpu.memory_space<vmem>> -> memref<1x128xi32, #tpu.memory_space<vmem>>
    %dma_wait3A_322 = tpu.memref_squeeze %dma_wait3A_321 : memref<1x128xi32, #tpu.memory_space<vmem>> -> memref<128xi32, #tpu.memory_space<vmem>>
    %dma_wait3A_323 = arith.constant 0 : i32
    %dma_wait3A_324 = arith.constant 0 : i32
    %dma_wait3A_325 = tpu.memref_slice %arg2[%dma_wait3A_323, %dma_wait3A_324] : memref<1048576x32xf32, #tpu.memory_space<hbm>> -> memref<1048576x32xf32, #tpu.memory_space<hbm>>
    tpu.wait_indirect_dma semaphore(%arg7 : memref<!tpu.dma_semaphore, #tpu.memory_space<semaphore_mem>>) src(%dma_wait3A_325 : memref<1048576x32xf32, #tpu.memory_space<hbm>>) dst(%dma_wait3A_319 : memref<128x32xf32, #tpu.memory_space<vmem>>)
    %dma_wait3A_326 = arith.constant 5 : i32
    %dma_wait3A_327 = arith.constant 0 : i32
    %dma_wait3A_328 = arith.constant 5 : i32
    %dma_wait3A_329 = arith.constant 0 : i32
    %dma_wait3A_330 = arith.constant 0 : i32
    %dma_wait3A_331 = tpu.memref_slice %arg6[%dma_wait3A_327, %dma_wait3A_328, %dma_wait3A_329, %dma_wait3A_330] : memref<2x10x128x32xf32, #tpu.memory_space<vmem>> -> memref<1x1x128x32xf32, #tpu.memory_space<vmem>>
    %dma_wait3A_332 = tpu.memref_squeeze %dma_wait3A_331 : memref<1x1x128x32xf32, #tpu.memory_space<vmem>> -> memref<128x32xf32, #tpu.memory_space<vmem>>
    %dma_wait3A_333 = arith.constant 0 : i32
    %dma_wait3A_334 = tpu.memref_slice %arg5[%dma_wait3A_326, %dma_wait3A_333] : memref<50x128xi32, #tpu.memory_space<vmem>> -> memref<1x128xi32, #tpu.memory_space<vmem>>
    %dma_wait3A_335 = tpu.memref_squeeze %dma_wait3A_334 : memref<1x128xi32, #tpu.memory_space<vmem>> -> memref<128xi32, #tpu.memory_space<vmem>>
    %dma_wait3A_336 = arith.constant 0 : i32
    %dma_wait3A_337 = arith.constant 0 : i32
    %dma_wait3A_338 = tpu.memref_slice %arg2[%dma_wait3A_336, %dma_wait3A_337] : memref<1048576x32xf32, #tpu.memory_space<hbm>> -> memref<1048576x32xf32, #tpu.memory_space<hbm>>
    tpu.wait_indirect_dma semaphore(%arg7 : memref<!tpu.dma_semaphore, #tpu.memory_space<semaphore_mem>>) src(%dma_wait3A_338 : memref<1048576x32xf32, #tpu.memory_space<hbm>>) dst(%dma_wait3A_332 : memref<128x32xf32, #tpu.memory_space<vmem>>)
    %dma_wait3A_339 = arith.constant 6 : i32
    %dma_wait3A_340 = arith.constant 0 : i32
    %dma_wait3A_341 = arith.constant 6 : i32
    %dma_wait3A_342 = arith.constant 0 : i32
    %dma_wait3A_343 = arith.constant 0 : i32
    %dma_wait3A_344 = tpu.memref_slice %arg6[%dma_wait3A_340, %dma_wait3A_341, %dma_wait3A_342, %dma_wait3A_343] : memref<2x10x128x32xf32, #tpu.memory_space<vmem>> -> memref<1x1x128x32xf32, #tpu.memory_space<vmem>>
    %dma_wait3A_345 = tpu.memref_squeeze %dma_wait3A_344 : memref<1x1x128x32xf32, #tpu.memory_space<vmem>> -> memref<128x32xf32, #tpu.memory_space<vmem>>
    %dma_wait3A_346 = arith.constant 0 : i32
    %dma_wait3A_347 = tpu.memref_slice %arg5[%dma_wait3A_339, %dma_wait3A_346] : memref<50x128xi32, #tpu.memory_space<vmem>> -> memref<1x128xi32, #tpu.memory_space<vmem>>
    %dma_wait3A_348 = tpu.memref_squeeze %dma_wait3A_347 : memref<1x128xi32, #tpu.memory_space<vmem>> -> memref<128xi32, #tpu.memory_space<vmem>>
    %dma_wait3A_349 = arith.constant 0 : i32
    %dma_wait3A_350 = arith.constant 0 : i32
    %dma_wait3A_351 = tpu.memref_slice %arg2[%dma_wait3A_349, %dma_wait3A_350] : memref<1048576x32xf32, #tpu.memory_space<hbm>> -> memref<1048576x32xf32, #tpu.memory_space<hbm>>
    tpu.wait_indirect_dma semaphore(%arg7 : memref<!tpu.dma_semaphore, #tpu.memory_space<semaphore_mem>>) src(%dma_wait3A_351 : memref<1048576x32xf32, #tpu.memory_space<hbm>>) dst(%dma_wait3A_345 : memref<128x32xf32, #tpu.memory_space<vmem>>)
    %dma_wait3A_352 = arith.constant 7 : i32
    %dma_wait3A_353 = arith.constant 0 : i32
    %dma_wait3A_354 = arith.constant 7 : i32
    %dma_wait3A_355 = arith.constant 0 : i32
    %dma_wait3A_356 = arith.constant 0 : i32
    %dma_wait3A_357 = tpu.memref_slice %arg6[%dma_wait3A_353, %dma_wait3A_354, %dma_wait3A_355, %dma_wait3A_356] : memref<2x10x128x32xf32, #tpu.memory_space<vmem>> -> memref<1x1x128x32xf32, #tpu.memory_space<vmem>>
    %dma_wait3A_358 = tpu.memref_squeeze %dma_wait3A_357 : memref<1x1x128x32xf32, #tpu.memory_space<vmem>> -> memref<128x32xf32, #tpu.memory_space<vmem>>
    %dma_wait3A_359 = arith.constant 0 : i32
    %dma_wait3A_360 = tpu.memref_slice %arg5[%dma_wait3A_352, %dma_wait3A_359] : memref<50x128xi32, #tpu.memory_space<vmem>> -> memref<1x128xi32, #tpu.memory_space<vmem>>
    %dma_wait3A_361 = tpu.memref_squeeze %dma_wait3A_360 : memref<1x128xi32, #tpu.memory_space<vmem>> -> memref<128xi32, #tpu.memory_space<vmem>>
    %dma_wait3A_362 = arith.constant 0 : i32
    %dma_wait3A_363 = arith.constant 0 : i32
    %dma_wait3A_364 = tpu.memref_slice %arg2[%dma_wait3A_362, %dma_wait3A_363] : memref<1048576x32xf32, #tpu.memory_space<hbm>> -> memref<1048576x32xf32, #tpu.memory_space<hbm>>
    tpu.wait_indirect_dma semaphore(%arg7 : memref<!tpu.dma_semaphore, #tpu.memory_space<semaphore_mem>>) src(%dma_wait3A_364 : memref<1048576x32xf32, #tpu.memory_space<hbm>>) dst(%dma_wait3A_358 : memref<128x32xf32, #tpu.memory_space<vmem>>)
    %dma_wait3A_365 = arith.constant 8 : i32
    %dma_wait3A_366 = arith.constant 0 : i32
    %dma_wait3A_367 = arith.constant 8 : i32
    %dma_wait3A_368 = arith.constant 0 : i32
    %dma_wait3A_369 = arith.constant 0 : i32
    %dma_wait3A_370 = tpu.memref_slice %arg6[%dma_wait3A_366, %dma_wait3A_367, %dma_wait3A_368, %dma_wait3A_369] : memref<2x10x128x32xf32, #tpu.memory_space<vmem>> -> memref<1x1x128x32xf32, #tpu.memory_space<vmem>>
    %dma_wait3A_371 = tpu.memref_squeeze %dma_wait3A_370 : memref<1x1x128x32xf32, #tpu.memory_space<vmem>> -> memref<128x32xf32, #tpu.memory_space<vmem>>
    %dma_wait3A_372 = arith.constant 0 : i32
    %dma_wait3A_373 = tpu.memref_slice %arg5[%dma_wait3A_365, %dma_wait3A_372] : memref<50x128xi32, #tpu.memory_space<vmem>> -> memref<1x128xi32, #tpu.memory_space<vmem>>
    %dma_wait3A_374 = tpu.memref_squeeze %dma_wait3A_373 : memref<1x128xi32, #tpu.memory_space<vmem>> -> memref<128xi32, #tpu.memory_space<vmem>>
    %dma_wait3A_375 = arith.constant 0 : i32
    %dma_wait3A_376 = arith.constant 0 : i32
    %dma_wait3A_377 = tpu.memref_slice %arg2[%dma_wait3A_375, %dma_wait3A_376] : memref<1048576x32xf32, #tpu.memory_space<hbm>> -> memref<1048576x32xf32, #tpu.memory_space<hbm>>
    tpu.wait_indirect_dma semaphore(%arg7 : memref<!tpu.dma_semaphore, #tpu.memory_space<semaphore_mem>>) src(%dma_wait3A_377 : memref<1048576x32xf32, #tpu.memory_space<hbm>>) dst(%dma_wait3A_371 : memref<128x32xf32, #tpu.memory_space<vmem>>)
    %dma_wait3A_378 = arith.constant 9 : i32
    %dma_wait3A_379 = arith.constant 0 : i32
    %dma_wait3A_380 = arith.constant 9 : i32
    %dma_wait3A_381 = arith.constant 0 : i32
    %dma_wait3A_382 = arith.constant 0 : i32
    %dma_wait3A_383 = tpu.memref_slice %arg6[%dma_wait3A_379, %dma_wait3A_380, %dma_wait3A_381, %dma_wait3A_382] : memref<2x10x128x32xf32, #tpu.memory_space<vmem>> -> memref<1x1x128x32xf32, #tpu.memory_space<vmem>>
    %dma_wait3A_384 = tpu.memref_squeeze %dma_wait3A_383 : memref<1x1x128x32xf32, #tpu.memory_space<vmem>> -> memref<128x32xf32, #tpu.memory_space<vmem>>
    %dma_wait3A_385 = arith.constant 0 : i32
    %dma_wait3A_386 = tpu.memref_slice %arg5[%dma_wait3A_378, %dma_wait3A_385] : memref<50x128xi32, #tpu.memory_space<vmem>> -> memref<1x128xi32, #tpu.memory_space<vmem>>
    %dma_wait3A_387 = tpu.memref_squeeze %dma_wait3A_386 : memref<1x128xi32, #tpu.memory_space<vmem>> -> memref<128xi32, #tpu.memory_space<vmem>>
    %dma_wait3A_388 = arith.constant 0 : i32
    %dma_wait3A_389 = arith.constant 0 : i32
    %dma_wait3A_390 = tpu.memref_slice %arg2[%dma_wait3A_388, %dma_wait3A_389] : memref<1048576x32xf32, #tpu.memory_space<hbm>> -> memref<1048576x32xf32, #tpu.memory_space<hbm>>
    tpu.wait_indirect_dma semaphore(%arg7 : memref<!tpu.dma_semaphore, #tpu.memory_space<semaphore_mem>>) src(%dma_wait3A_390 : memref<1048576x32xf32, #tpu.memory_space<hbm>>) dst(%dma_wait3A_384 : memref<128x32xf32, #tpu.memory_space<vmem>>)
    %dma_start3A_391 = arith.constant 0 : i32
    %dma_start3A_392 = arith.constant 0 : i32
    %dma_start3A_393 = arith.constant 0 : i32
    %dma_start3A_394 = arith.constant 0 : i32
    %dma_start3A_395 = arith.constant 0 : i32
    %dma_start3A_396 = tpu.memref_slice %arg6[%dma_start3A_391, %dma_start3A_392, %dma_start3A_394, %dma_start3A_395] : memref<2x10x128x32xf32, #tpu.memory_space<vmem>> -> memref<1x1x128x32xf32, #tpu.memory_space<vmem>>
    %dma_start3A_397 = tpu.memref_squeeze %dma_start3A_396 : memref<1x1x128x32xf32, #tpu.memory_space<vmem>> -> memref<128x32xf32, #tpu.memory_space<vmem>>
    %dma_start3A_398 = arith.constant 0 : i32
    %dma_start3A_399 = tpu.memref_slice %arg4[%mul3A_2, %dma_start3A_393, %dma_start3A_398] : memref<4096x50x32xf32, #tpu.memory_space<hbm>> -> memref<128x1x32xf32, #tpu.memory_space<hbm>>
    %dma_start3A_400 = tpu.memref_squeeze %dma_start3A_399 : memref<128x1x32xf32, #tpu.memory_space<hbm>> -> memref<128x32xf32, #tpu.memory_space<hbm>>
    %dma_start3A_401 = arith.constant 0 : i32
    %dma_start3A_402 = tpu.memref_slice %arg4[%mul3A_2, %dma_start3A_393, %dma_start3A_401] : memref<4096x50x32xf32, #tpu.memory_space<hbm>> -> memref<128x1x32xf32, #tpu.memory_space<hbm>>
    %dma_start3A_403 = tpu.memref_squeeze %dma_start3A_402 : memref<128x1x32xf32, #tpu.memory_space<hbm>> -> memref<128x32xf32, #tpu.memory_space<hbm>>
    %dma_start3A_404 = arith.constant 0 : i32
    %dma_start3A_405 = arith.constant 0 : i32
    %dma_start3A_406 = tpu.memref_slice %arg6[%dma_start3A_391, %dma_start3A_392, %dma_start3A_404, %dma_start3A_405] : memref<2x10x128x32xf32, #tpu.memory_space<vmem>> -> memref<1x1x128x32xf32, #tpu.memory_space<vmem>>
    %dma_start3A_407 = tpu.memref_squeeze %dma_start3A_406 : memref<1x1x128x32xf32, #tpu.memory_space<vmem>> -> memref<128x32xf32, #tpu.memory_space<vmem>>
    tpu.enqueue_dma source(%dma_start3A_407 : memref<128x32xf32, #tpu.memory_space<vmem>>) target(%dma_start3A_403 : memref<128x32xf32, #tpu.memory_space<hbm>>) target_semaphore(%arg9 : memref<!tpu.dma_semaphore, #tpu.memory_space<semaphore_mem>>)
    %dma_start3A_408 = arith.constant 0 : i32
    %dma_start3A_409 = arith.constant 1 : i32
    %dma_start3A_410 = arith.constant 1 : i32
    %dma_start3A_411 = arith.constant 0 : i32
    %dma_start3A_412 = arith.constant 0 : i32
    %dma_start3A_413 = tpu.memref_slice %arg6[%dma_start3A_408, %dma_start3A_409, %dma_start3A_411, %dma_start3A_412] : memref<2x10x128x32xf32, #tpu.memory_space<vmem>> -> memref<1x1x128x32xf32, #tpu.memory_space<vmem>>
    %dma_start3A_414 = tpu.memref_squeeze %dma_start3A_413 : memref<1x1x128x32xf32, #tpu.memory_space<vmem>> -> memref<128x32xf32, #tpu.memory_space<vmem>>
    %dma_start3A_415 = arith.constant 0 : i32
    %dma_start3A_416 = tpu.memref_slice %arg4[%mul3A_2, %dma_start3A_410, %dma_start3A_415] : memref<4096x50x32xf32, #tpu.memory_space<hbm>> -> memref<128x1x32xf32, #tpu.memory_space<hbm>>
    %dma_start3A_417 = tpu.memref_squeeze %dma_start3A_416 : memref<128x1x32xf32, #tpu.memory_space<hbm>> -> memref<128x32xf32, #tpu.memory_space<hbm>>
    %dma_start3A_418 = arith.constant 0 : i32
    %dma_start3A_419 = tpu.memref_slice %arg4[%mul3A_2, %dma_start3A_410, %dma_start3A_418] : memref<4096x50x32xf32, #tpu.memory_space<hbm>> -> memref<128x1x32xf32, #tpu.memory_space<hbm>>
    %dma_start3A_420 = tpu.memref_squeeze %dma_start3A_419 : memref<128x1x32xf32, #tpu.memory_space<hbm>> -> memref<128x32xf32, #tpu.memory_space<hbm>>
    %dma_start3A_421 = arith.constant 0 : i32
    %dma_start3A_422 = arith.constant 0 : i32
    %dma_start3A_423 = tpu.memref_slice %arg6[%dma_start3A_408, %dma_start3A_409, %dma_start3A_421, %dma_start3A_422] : memref<2x10x128x32xf32, #tpu.memory_space<vmem>> -> memref<1x1x128x32xf32, #tpu.memory_space<vmem>>
    %dma_start3A_424 = tpu.memref_squeeze %dma_start3A_423 : memref<1x1x128x32xf32, #tpu.memory_space<vmem>> -> memref<128x32xf32, #tpu.memory_space<vmem>>
    tpu.enqueue_dma source(%dma_start3A_424 : memref<128x32xf32, #tpu.memory_space<vmem>>) target(%dma_start3A_420 : memref<128x32xf32, #tpu.memory_space<hbm>>) target_semaphore(%arg9 : memref<!tpu.dma_semaphore, #tpu.memory_space<semaphore_mem>>)
    %dma_start3A_425 = arith.constant 0 : i32
    %dma_start3A_426 = arith.constant 2 : i32
    %dma_start3A_427 = arith.constant 2 : i32
    %dma_start3A_428 = arith.constant 0 : i32
    %dma_start3A_429 = arith.constant 0 : i32
    %dma_start3A_430 = tpu.memref_slice %arg6[%dma_start3A_425, %dma_start3A_426, %dma_start3A_428, %dma_start3A_429] : memref<2x10x128x32xf32, #tpu.memory_space<vmem>> -> memref<1x1x128x32xf32, #tpu.memory_space<vmem>>
    %dma_start3A_431 = tpu.memref_squeeze %dma_start3A_430 : memref<1x1x128x32xf32, #tpu.memory_space<vmem>> -> memref<128x32xf32, #tpu.memory_space<vmem>>
    %dma_start3A_432 = arith.constant 0 : i32
    %dma_start3A_433 = tpu.memref_slice %arg4[%mul3A_2, %dma_start3A_427, %dma_start3A_432] : memref<4096x50x32xf32, #tpu.memory_space<hbm>> -> memref<128x1x32xf32, #tpu.memory_space<hbm>>
    %dma_start3A_434 = tpu.memref_squeeze %dma_start3A_433 : memref<128x1x32xf32, #tpu.memory_space<hbm>> -> memref<128x32xf32, #tpu.memory_space<hbm>>
    %dma_start3A_435 = arith.constant 0 : i32
    %dma_start3A_436 = tpu.memref_slice %arg4[%mul3A_2, %dma_start3A_427, %dma_start3A_435] : memref<4096x50x32xf32, #tpu.memory_space<hbm>> -> memref<128x1x32xf32, #tpu.memory_space<hbm>>
    %dma_start3A_437 = tpu.memref_squeeze %dma_start3A_436 : memref<128x1x32xf32, #tpu.memory_space<hbm>> -> memref<128x32xf32, #tpu.memory_space<hbm>>
    %dma_start3A_438 = arith.constant 0 : i32
    %dma_start3A_439 = arith.constant 0 : i32
    %dma_start3A_440 = tpu.memref_slice %arg6[%dma_start3A_425, %dma_start3A_426, %dma_start3A_438, %dma_start3A_439] : memref<2x10x128x32xf32, #tpu.memory_space<vmem>> -> memref<1x1x128x32xf32, #tpu.memory_space<vmem>>
    %dma_start3A_441 = tpu.memref_squeeze %dma_start3A_440 : memref<1x1x128x32xf32, #tpu.memory_space<vmem>> -> memref<128x32xf32, #tpu.memory_space<vmem>>
    tpu.enqueue_dma source(%dma_start3A_441 : memref<128x32xf32, #tpu.memory_space<vmem>>) target(%dma_start3A_437 : memref<128x32xf32, #tpu.memory_space<hbm>>) target_semaphore(%arg9 : memref<!tpu.dma_semaphore, #tpu.memory_space<semaphore_mem>>)
    %dma_start3A_442 = arith.constant 0 : i32
    %dma_start3A_443 = arith.constant 3 : i32
    %dma_start3A_444 = arith.constant 3 : i32
    %dma_start3A_445 = arith.constant 0 : i32
    %dma_start3A_446 = arith.constant 0 : i32
    %dma_start3A_447 = tpu.memref_slice %arg6[%dma_start3A_442, %dma_start3A_443, %dma_start3A_445, %dma_start3A_446] : memref<2x10x128x32xf32, #tpu.memory_space<vmem>> -> memref<1x1x128x32xf32, #tpu.memory_space<vmem>>
    %dma_start3A_448 = tpu.memref_squeeze %dma_start3A_447 : memref<1x1x128x32xf32, #tpu.memory_space<vmem>> -> memref<128x32xf32, #tpu.memory_space<vmem>>
    %dma_start3A_449 = arith.constant 0 : i32
    %dma_start3A_450 = tpu.memref_slice %arg4[%mul3A_2, %dma_start3A_444, %dma_start3A_449] : memref<4096x50x32xf32, #tpu.memory_space<hbm>> -> memref<128x1x32xf32, #tpu.memory_space<hbm>>
    %dma_start3A_451 = tpu.memref_squeeze %dma_start3A_450 : memref<128x1x32xf32, #tpu.memory_space<hbm>> -> memref<128x32xf32, #tpu.memory_space<hbm>>
    %dma_start3A_452 = arith.constant 0 : i32
    %dma_start3A_453 = tpu.memref_slice %arg4[%mul3A_2, %dma_start3A_444, %dma_start3A_452] : memref<4096x50x32xf32, #tpu.memory_space<hbm>> -> memref<128x1x32xf32, #tpu.memory_space<hbm>>
    %dma_start3A_454 = tpu.memref_squeeze %dma_start3A_453 : memref<128x1x32xf32, #tpu.memory_space<hbm>> -> memref<128x32xf32, #tpu.memory_space<hbm>>
    %dma_start3A_455 = arith.constant 0 : i32
    %dma_start3A_456 = arith.constant 0 : i32
    %dma_start3A_457 = tpu.memref_slice %arg6[%dma_start3A_442, %dma_start3A_443, %dma_start3A_455, %dma_start3A_456] : memref<2x10x128x32xf32, #tpu.memory_space<vmem>> -> memref<1x1x128x32xf32, #tpu.memory_space<vmem>>
    %dma_start3A_458 = tpu.memref_squeeze %dma_start3A_457 : memref<1x1x128x32xf32, #tpu.memory_space<vmem>> -> memref<128x32xf32, #tpu.memory_space<vmem>>
    tpu.enqueue_dma source(%dma_start3A_458 : memref<128x32xf32, #tpu.memory_space<vmem>>) target(%dma_start3A_454 : memref<128x32xf32, #tpu.memory_space<hbm>>) target_semaphore(%arg9 : memref<!tpu.dma_semaphore, #tpu.memory_space<semaphore_mem>>)
    %dma_start3A_459 = arith.constant 0 : i32
    %dma_start3A_460 = arith.constant 4 : i32
    %dma_start3A_461 = arith.constant 4 : i32
    %dma_start3A_462 = arith.constant 0 : i32
    %dma_start3A_463 = arith.constant 0 : i32
    %dma_start3A_464 = tpu.memref_slice %arg6[%dma_start3A_459, %dma_start3A_460, %dma_start3A_462, %dma_start3A_463] : memref<2x10x128x32xf32, #tpu.memory_space<vmem>> -> memref<1x1x128x32xf32, #tpu.memory_space<vmem>>
    %dma_start3A_465 = tpu.memref_squeeze %dma_start3A_464 : memref<1x1x128x32xf32, #tpu.memory_space<vmem>> -> memref<128x32xf32, #tpu.memory_space<vmem>>
    %dma_start3A_466 = arith.constant 0 : i32
    %dma_start3A_467 = tpu.memref_slice %arg4[%mul3A_2, %dma_start3A_461, %dma_start3A_466] : memref<4096x50x32xf32, #tpu.memory_space<hbm>> -> memref<128x1x32xf32, #tpu.memory_space<hbm>>
    %dma_start3A_468 = tpu.memref_squeeze %dma_start3A_467 : memref<128x1x32xf32, #tpu.memory_space<hbm>> -> memref<128x32xf32, #tpu.memory_space<hbm>>
    %dma_start3A_469 = arith.constant 0 : i32
    %dma_start3A_470 = tpu.memref_slice %arg4[%mul3A_2, %dma_start3A_461, %dma_start3A_469] : memref<4096x50x32xf32, #tpu.memory_space<hbm>> -> memref<128x1x32xf32, #tpu.memory_space<hbm>>
    %dma_start3A_471 = tpu.memref_squeeze %dma_start3A_470 : memref<128x1x32xf32, #tpu.memory_space<hbm>> -> memref<128x32xf32, #tpu.memory_space<hbm>>
    %dma_start3A_472 = arith.constant 0 : i32
    %dma_start3A_473 = arith.constant 0 : i32
    %dma_start3A_474 = tpu.memref_slice %arg6[%dma_start3A_459, %dma_start3A_460, %dma_start3A_472, %dma_start3A_473] : memref<2x10x128x32xf32, #tpu.memory_space<vmem>> -> memref<1x1x128x32xf32, #tpu.memory_space<vmem>>
    %dma_start3A_475 = tpu.memref_squeeze %dma_start3A_474 : memref<1x1x128x32xf32, #tpu.memory_space<vmem>> -> memref<128x32xf32, #tpu.memory_space<vmem>>
    tpu.enqueue_dma source(%dma_start3A_475 : memref<128x32xf32, #tpu.memory_space<vmem>>) target(%dma_start3A_471 : memref<128x32xf32, #tpu.memory_space<hbm>>) target_semaphore(%arg9 : memref<!tpu.dma_semaphore, #tpu.memory_space<semaphore_mem>>)
    %dma_start3A_476 = arith.constant 0 : i32
    %dma_start3A_477 = arith.constant 5 : i32
    %dma_start3A_478 = arith.constant 5 : i32
    %dma_start3A_479 = arith.constant 0 : i32
    %dma_start3A_480 = arith.constant 0 : i32
    %dma_start3A_481 = tpu.memref_slice %arg6[%dma_start3A_476, %dma_start3A_477, %dma_start3A_479, %dma_start3A_480] : memref<2x10x128x32xf32, #tpu.memory_space<vmem>> -> memref<1x1x128x32xf32, #tpu.memory_space<vmem>>
    %dma_start3A_482 = tpu.memref_squeeze %dma_start3A_481 : memref<1x1x128x32xf32, #tpu.memory_space<vmem>> -> memref<128x32xf32, #tpu.memory_space<vmem>>
    %dma_start3A_483 = arith.constant 0 : i32
    %dma_start3A_484 = tpu.memref_slice %arg4[%mul3A_2, %dma_start3A_478, %dma_start3A_483] : memref<4096x50x32xf32, #tpu.memory_space<hbm>> -> memref<128x1x32xf32, #tpu.memory_space<hbm>>
    %dma_start3A_485 = tpu.memref_squeeze %dma_start3A_484 : memref<128x1x32xf32, #tpu.memory_space<hbm>> -> memref<128x32xf32, #tpu.memory_space<hbm>>
    %dma_start3A_486 = arith.constant 0 : i32
    %dma_start3A_487 = tpu.memref_slice %arg4[%mul3A_2, %dma_start3A_478, %dma_start3A_486] : memref<4096x50x32xf32, #tpu.memory_space<hbm>> -> memref<128x1x32xf32, #tpu.memory_space<hbm>>
    %dma_start3A_488 = tpu.memref_squeeze %dma_start3A_487 : memref<128x1x32xf32, #tpu.memory_space<hbm>> -> memref<128x32xf32, #tpu.memory_space<hbm>>
    %dma_start3A_489 = arith.constant 0 : i32
    %dma_start3A_490 = arith.constant 0 : i32
    %dma_start3A_491 = tpu.memref_slice %arg6[%dma_start3A_476, %dma_start3A_477, %dma_start3A_489, %dma_start3A_490] : memref<2x10x128x32xf32, #tpu.memory_space<vmem>> -> memref<1x1x128x32xf32, #tpu.memory_space<vmem>>
    %dma_start3A_492 = tpu.memref_squeeze %dma_start3A_491 : memref<1x1x128x32xf32, #tpu.memory_space<vmem>> -> memref<128x32xf32, #tpu.memory_space<vmem>>
    tpu.enqueue_dma source(%dma_start3A_492 : memref<128x32xf32, #tpu.memory_space<vmem>>) target(%dma_start3A_488 : memref<128x32xf32, #tpu.memory_space<hbm>>) target_semaphore(%arg9 : memref<!tpu.dma_semaphore, #tpu.memory_space<semaphore_mem>>)
    %dma_start3A_493 = arith.constant 0 : i32
    %dma_start3A_494 = arith.constant 6 : i32
    %dma_start3A_495 = arith.constant 6 : i32
    %dma_start3A_496 = arith.constant 0 : i32
    %dma_start3A_497 = arith.constant 0 : i32
    %dma_start3A_498 = tpu.memref_slice %arg6[%dma_start3A_493, %dma_start3A_494, %dma_start3A_496, %dma_start3A_497] : memref<2x10x128x32xf32, #tpu.memory_space<vmem>> -> memref<1x1x128x32xf32, #tpu.memory_space<vmem>>
    %dma_start3A_499 = tpu.memref_squeeze %dma_start3A_498 : memref<1x1x128x32xf32, #tpu.memory_space<vmem>> -> memref<128x32xf32, #tpu.memory_space<vmem>>
    %dma_start3A_500 = arith.constant 0 : i32
    %dma_start3A_501 = tpu.memref_slice %arg4[%mul3A_2, %dma_start3A_495, %dma_start3A_500] : memref<4096x50x32xf32, #tpu.memory_space<hbm>> -> memref<128x1x32xf32, #tpu.memory_space<hbm>>
    %dma_start3A_502 = tpu.memref_squeeze %dma_start3A_501 : memref<128x1x32xf32, #tpu.memory_space<hbm>> -> memref<128x32xf32, #tpu.memory_space<hbm>>
    %dma_start3A_503 = arith.constant 0 : i32
    %dma_start3A_504 = tpu.memref_slice %arg4[%mul3A_2, %dma_start3A_495, %dma_start3A_503] : memref<4096x50x32xf32, #tpu.memory_space<hbm>> -> memref<128x1x32xf32, #tpu.memory_space<hbm>>
    %dma_start3A_505 = tpu.memref_squeeze %dma_start3A_504 : memref<128x1x32xf32, #tpu.memory_space<hbm>> -> memref<128x32xf32, #tpu.memory_space<hbm>>
    %dma_start3A_506 = arith.constant 0 : i32
    %dma_start3A_507 = arith.constant 0 : i32
    %dma_start3A_508 = tpu.memref_slice %arg6[%dma_start3A_493, %dma_start3A_494, %dma_start3A_506, %dma_start3A_507] : memref<2x10x128x32xf32, #tpu.memory_space<vmem>> -> memref<1x1x128x32xf32, #tpu.memory_space<vmem>>
    %dma_start3A_509 = tpu.memref_squeeze %dma_start3A_508 : memref<1x1x128x32xf32, #tpu.memory_space<vmem>> -> memref<128x32xf32, #tpu.memory_space<vmem>>
    tpu.enqueue_dma source(%dma_start3A_509 : memref<128x32xf32, #tpu.memory_space<vmem>>) target(%dma_start3A_505 : memref<128x32xf32, #tpu.memory_space<hbm>>) target_semaphore(%arg9 : memref<!tpu.dma_semaphore, #tpu.memory_space<semaphore_mem>>)
    %dma_start3A_510 = arith.constant 0 : i32
    %dma_start3A_511 = arith.constant 7 : i32
    %dma_start3A_512 = arith.constant 7 : i32
    %dma_start3A_513 = arith.constant 0 : i32
    %dma_start3A_514 = arith.constant 0 : i32
    %dma_start3A_515 = tpu.memref_slice %arg6[%dma_start3A_510, %dma_start3A_511, %dma_start3A_513, %dma_start3A_514] : memref<2x10x128x32xf32, #tpu.memory_space<vmem>> -> memref<1x1x128x32xf32, #tpu.memory_space<vmem>>
    %dma_start3A_516 = tpu.memref_squeeze %dma_start3A_515 : memref<1x1x128x32xf32, #tpu.memory_space<vmem>> -> memref<128x32xf32, #tpu.memory_space<vmem>>
    %dma_start3A_517 = arith.constant 0 : i32
    %dma_start3A_518 = tpu.memref_slice %arg4[%mul3A_2, %dma_start3A_512, %dma_start3A_517] : memref<4096x50x32xf32, #tpu.memory_space<hbm>> -> memref<128x1x32xf32, #tpu.memory_space<hbm>>
    %dma_start3A_519 = tpu.memref_squeeze %dma_start3A_518 : memref<128x1x32xf32, #tpu.memory_space<hbm>> -> memref<128x32xf32, #tpu.memory_space<hbm>>
    %dma_start3A_520 = arith.constant 0 : i32
    %dma_start3A_521 = tpu.memref_slice %arg4[%mul3A_2, %dma_start3A_512, %dma_start3A_520] : memref<4096x50x32xf32, #tpu.memory_space<hbm>> -> memref<128x1x32xf32, #tpu.memory_space<hbm>>
    %dma_start3A_522 = tpu.memref_squeeze %dma_start3A_521 : memref<128x1x32xf32, #tpu.memory_space<hbm>> -> memref<128x32xf32, #tpu.memory_space<hbm>>
    %dma_start3A_523 = arith.constant 0 : i32
    %dma_start3A_524 = arith.constant 0 : i32
    %dma_start3A_525 = tpu.memref_slice %arg6[%dma_start3A_510, %dma_start3A_511, %dma_start3A_523, %dma_start3A_524] : memref<2x10x128x32xf32, #tpu.memory_space<vmem>> -> memref<1x1x128x32xf32, #tpu.memory_space<vmem>>
    %dma_start3A_526 = tpu.memref_squeeze %dma_start3A_525 : memref<1x1x128x32xf32, #tpu.memory_space<vmem>> -> memref<128x32xf32, #tpu.memory_space<vmem>>
    tpu.enqueue_dma source(%dma_start3A_526 : memref<128x32xf32, #tpu.memory_space<vmem>>) target(%dma_start3A_522 : memref<128x32xf32, #tpu.memory_space<hbm>>) target_semaphore(%arg9 : memref<!tpu.dma_semaphore, #tpu.memory_space<semaphore_mem>>)
    %dma_start3A_527 = arith.constant 0 : i32
    %dma_start3A_528 = arith.constant 8 : i32
    %dma_start3A_529 = arith.constant 8 : i32
    %dma_start3A_530 = arith.constant 0 : i32
    %dma_start3A_531 = arith.constant 0 : i32
    %dma_start3A_532 = tpu.memref_slice %arg6[%dma_start3A_527, %dma_start3A_528, %dma_start3A_530, %dma_start3A_531] : memref<2x10x128x32xf32, #tpu.memory_space<vmem>> -> memref<1x1x128x32xf32, #tpu.memory_space<vmem>>
    %dma_start3A_533 = tpu.memref_squeeze %dma_start3A_532 : memref<1x1x128x32xf32, #tpu.memory_space<vmem>> -> memref<128x32xf32, #tpu.memory_space<vmem>>
    %dma_start3A_534 = arith.constant 0 : i32
    %dma_start3A_535 = tpu.memref_slice %arg4[%mul3A_2, %dma_start3A_529, %dma_start3A_534] : memref<4096x50x32xf32, #tpu.memory_space<hbm>> -> memref<128x1x32xf32, #tpu.memory_space<hbm>>
    %dma_start3A_536 = tpu.memref_squeeze %dma_start3A_535 : memref<128x1x32xf32, #tpu.memory_space<hbm>> -> memref<128x32xf32, #tpu.memory_space<hbm>>
    %dma_start3A_537 = arith.constant 0 : i32
    %dma_start3A_538 = tpu.memref_slice %arg4[%mul3A_2, %dma_start3A_529, %dma_start3A_537] : memref<4096x50x32xf32, #tpu.memory_space<hbm>> -> memref<128x1x32xf32, #tpu.memory_space<hbm>>
    %dma_start3A_539 = tpu.memref_squeeze %dma_start3A_538 : memref<128x1x32xf32, #tpu.memory_space<hbm>> -> memref<128x32xf32, #tpu.memory_space<hbm>>
    %dma_start3A_540 = arith.constant 0 : i32
    %dma_start3A_541 = arith.constant 0 : i32
    %dma_start3A_542 = tpu.memref_slice %arg6[%dma_start3A_527, %dma_start3A_528, %dma_start3A_540, %dma_start3A_541] : memref<2x10x128x32xf32, #tpu.memory_space<vmem>> -> memref<1x1x128x32xf32, #tpu.memory_space<vmem>>
    %dma_start3A_543 = tpu.memref_squeeze %dma_start3A_542 : memref<1x1x128x32xf32, #tpu.memory_space<vmem>> -> memref<128x32xf32, #tpu.memory_space<vmem>>
    tpu.enqueue_dma source(%dma_start3A_543 : memref<128x32xf32, #tpu.memory_space<vmem>>) target(%dma_start3A_539 : memref<128x32xf32, #tpu.memory_space<hbm>>) target_semaphore(%arg9 : memref<!tpu.dma_semaphore, #tpu.memory_space<semaphore_mem>>)
    %dma_start3A_544 = arith.constant 0 : i32
    %dma_start3A_545 = arith.constant 9 : i32
    %dma_start3A_546 = arith.constant 9 : i32
    %dma_start3A_547 = arith.constant 0 : i32
    %dma_start3A_548 = arith.constant 0 : i32
    %dma_start3A_549 = tpu.memref_slice %arg6[%dma_start3A_544, %dma_start3A_545, %dma_start3A_547, %dma_start3A_548] : memref<2x10x128x32xf32, #tpu.memory_space<vmem>> -> memref<1x1x128x32xf32, #tpu.memory_space<vmem>>
    %dma_start3A_550 = tpu.memref_squeeze %dma_start3A_549 : memref<1x1x128x32xf32, #tpu.memory_space<vmem>> -> memref<128x32xf32, #tpu.memory_space<vmem>>
    %dma_start3A_551 = arith.constant 0 : i32
    %dma_start3A_552 = tpu.memref_slice %arg4[%mul3A_2, %dma_start3A_546, %dma_start3A_551] : memref<4096x50x32xf32, #tpu.memory_space<hbm>> -> memref<128x1x32xf32, #tpu.memory_space<hbm>>
    %dma_start3A_553 = tpu.memref_squeeze %dma_start3A_552 : memref<128x1x32xf32, #tpu.memory_space<hbm>> -> memref<128x32xf32, #tpu.memory_space<hbm>>
    %dma_start3A_554 = arith.constant 0 : i32
    %dma_start3A_555 = tpu.memref_slice %arg4[%mul3A_2, %dma_start3A_546, %dma_start3A_554] : memref<4096x50x32xf32, #tpu.memory_space<hbm>> -> memref<128x1x32xf32, #tpu.memory_space<hbm>>
    %dma_start3A_556 = tpu.memref_squeeze %dma_start3A_555 : memref<128x1x32xf32, #tpu.memory_space<hbm>> -> memref<128x32xf32, #tpu.memory_space<hbm>>
    %dma_start3A_557 = arith.constant 0 : i32
    %dma_start3A_558 = arith.constant 0 : i32
    %dma_start3A_559 = tpu.memref_slice %arg6[%dma_start3A_544, %dma_start3A_545, %dma_start3A_557, %dma_start3A_558] : memref<2x10x128x32xf32, #tpu.memory_space<vmem>> -> memref<1x1x128x32xf32, #tpu.memory_space<vmem>>
    %dma_start3A_560 = tpu.memref_squeeze %dma_start3A_559 : memref<1x1x128x32xf32, #tpu.memory_space<vmem>> -> memref<128x32xf32, #tpu.memory_space<vmem>>
    tpu.enqueue_dma source(%dma_start3A_560 : memref<128x32xf32, #tpu.memory_space<vmem>>) target(%dma_start3A_556 : memref<128x32xf32, #tpu.memory_space<hbm>>) target_semaphore(%arg9 : memref<!tpu.dma_semaphore, #tpu.memory_space<semaphore_mem>>)
    %dma_wait3A_561 = arith.constant 0 : i32
    %dma_wait3A_562 = arith.constant 0 : i32
    %dma_wait3A_563 = arith.constant 0 : i32
    %dma_wait3A_564 = arith.constant 0 : i32
    %dma_wait3A_565 = arith.constant 0 : i32
    %dma_wait3A_566 = tpu.memref_slice %arg6[%dma_wait3A_561, %dma_wait3A_562, %dma_wait3A_564, %dma_wait3A_565] : memref<2x10x128x32xf32, #tpu.memory_space<vmem>> -> memref<1x1x128x32xf32, #tpu.memory_space<vmem>>
    %dma_wait3A_567 = tpu.memref_squeeze %dma_wait3A_566 : memref<1x1x128x32xf32, #tpu.memory_space<vmem>> -> memref<128x32xf32, #tpu.memory_space<vmem>>
    %dma_wait3A_568 = arith.constant 0 : i32
    %dma_wait3A_569 = tpu.memref_slice %arg4[%mul3A_2, %dma_wait3A_563, %dma_wait3A_568] : memref<4096x50x32xf32, #tpu.memory_space<hbm>> -> memref<128x1x32xf32, #tpu.memory_space<hbm>>
    %dma_wait3A_570 = tpu.memref_squeeze %dma_wait3A_569 : memref<128x1x32xf32, #tpu.memory_space<hbm>> -> memref<128x32xf32, #tpu.memory_space<hbm>>
    %dma_wait3A_571 = arith.constant 0 : i32
    %dma_wait3A_572 = tpu.memref_slice %arg4[%mul3A_2, %dma_wait3A_563, %dma_wait3A_571] : memref<4096x50x32xf32, #tpu.memory_space<hbm>> -> memref<128x1x32xf32, #tpu.memory_space<hbm>>
    %dma_wait3A_573 = tpu.memref_squeeze %dma_wait3A_572 : memref<128x1x32xf32, #tpu.memory_space<hbm>> -> memref<128x32xf32, #tpu.memory_space<hbm>>
    %dma_wait3A_574 = arith.constant 0 : i32
    %dma_wait3A_575 = arith.constant 0 : i32
    %dma_wait3A_576 = tpu.memref_slice %arg6[%dma_wait3A_561, %dma_wait3A_562, %dma_wait3A_574, %dma_wait3A_575] : memref<2x10x128x32xf32, #tpu.memory_space<vmem>> -> memref<1x1x128x32xf32, #tpu.memory_space<vmem>>
    %dma_wait3A_577 = tpu.memref_squeeze %dma_wait3A_576 : memref<1x1x128x32xf32, #tpu.memory_space<vmem>> -> memref<128x32xf32, #tpu.memory_space<vmem>>
    tpu.wait_dma2 semaphore(%arg9 : memref<!tpu.dma_semaphore, #tpu.memory_space<semaphore_mem>>) src(%dma_wait3A_577 : memref<128x32xf32, #tpu.memory_space<vmem>>) dst(%dma_wait3A_573 : memref<128x32xf32, #tpu.memory_space<hbm>>)
    %dma_wait3A_578 = arith.constant 0 : i32
    %dma_wait3A_579 = arith.constant 1 : i32
    %dma_wait3A_580 = arith.constant 1 : i32
    %dma_wait3A_581 = arith.constant 0 : i32
    %dma_wait3A_582 = arith.constant 0 : i32
    %dma_wait3A_583 = tpu.memref_slice %arg6[%dma_wait3A_578, %dma_wait3A_579, %dma_wait3A_581, %dma_wait3A_582] : memref<2x10x128x32xf32, #tpu.memory_space<vmem>> -> memref<1x1x128x32xf32, #tpu.memory_space<vmem>>
    %dma_wait3A_584 = tpu.memref_squeeze %dma_wait3A_583 : memref<1x1x128x32xf32, #tpu.memory_space<vmem>> -> memref<128x32xf32, #tpu.memory_space<vmem>>
    %dma_wait3A_585 = arith.constant 0 : i32
    %dma_wait3A_586 = tpu.memref_slice %arg4[%mul3A_2, %dma_wait3A_580, %dma_wait3A_585] : memref<4096x50x32xf32, #tpu.memory_space<hbm>> -> memref<128x1x32xf32, #tpu.memory_space<hbm>>
    %dma_wait3A_587 = tpu.memref_squeeze %dma_wait3A_586 : memref<128x1x32xf32, #tpu.memory_space<hbm>> -> memref<128x32xf32, #tpu.memory_space<hbm>>
    %dma_wait3A_588 = arith.constant 0 : i32
    %dma_wait3A_589 = tpu.memref_slice %arg4[%mul3A_2, %dma_wait3A_580, %dma_wait3A_588] : memref<4096x50x32xf32, #tpu.memory_space<hbm>> -> memref<128x1x32xf32, #tpu.memory_space<hbm>>
    %dma_wait3A_590 = tpu.memref_squeeze %dma_wait3A_589 : memref<128x1x32xf32, #tpu.memory_space<hbm>> -> memref<128x32xf32, #tpu.memory_space<hbm>>
    %dma_wait3A_591 = arith.constant 0 : i32
    %dma_wait3A_592 = arith.constant 0 : i32
    %dma_wait3A_593 = tpu.memref_slice %arg6[%dma_wait3A_578, %dma_wait3A_579, %dma_wait3A_591, %dma_wait3A_592] : memref<2x10x128x32xf32, #tpu.memory_space<vmem>> -> memref<1x1x128x32xf32, #tpu.memory_space<vmem>>
    %dma_wait3A_594 = tpu.memref_squeeze %dma_wait3A_593 : memref<1x1x128x32xf32, #tpu.memory_space<vmem>> -> memref<128x32xf32, #tpu.memory_space<vmem>>
    tpu.wait_dma2 semaphore(%arg9 : memref<!tpu.dma_semaphore, #tpu.memory_space<semaphore_mem>>) src(%dma_wait3A_594 : memref<128x32xf32, #tpu.memory_space<vmem>>) dst(%dma_wait3A_590 : memref<128x32xf32, #tpu.memory_space<hbm>>)
    %dma_wait3A_595 = arith.constant 0 : i32
    %dma_wait3A_596 = arith.constant 2 : i32
    %dma_wait3A_597 = arith.constant 2 : i32
    %dma_wait3A_598 = arith.constant 0 : i32
    %dma_wait3A_599 = arith.constant 0 : i32
    %dma_wait3A_600 = tpu.memref_slice %arg6[%dma_wait3A_595, %dma_wait3A_596, %dma_wait3A_598, %dma_wait3A_599] : memref<2x10x128x32xf32, #tpu.memory_space<vmem>> -> memref<1x1x128x32xf32, #tpu.memory_space<vmem>>
    %dma_wait3A_601 = tpu.memref_squeeze %dma_wait3A_600 : memref<1x1x128x32xf32, #tpu.memory_space<vmem>> -> memref<128x32xf32, #tpu.memory_space<vmem>>
    %dma_wait3A_602 = arith.constant 0 : i32
    %dma_wait3A_603 = tpu.memref_slice %arg4[%mul3A_2, %dma_wait3A_597, %dma_wait3A_602] : memref<4096x50x32xf32, #tpu.memory_space<hbm>> -> memref<128x1x32xf32, #tpu.memory_space<hbm>>
    %dma_wait3A_604 = tpu.memref_squeeze %dma_wait3A_603 : memref<128x1x32xf32, #tpu.memory_space<hbm>> -> memref<128x32xf32, #tpu.memory_space<hbm>>
    %dma_wait3A_605 = arith.constant 0 : i32
    %dma_wait3A_606 = tpu.memref_slice %arg4[%mul3A_2, %dma_wait3A_597, %dma_wait3A_605] : memref<4096x50x32xf32, #tpu.memory_space<hbm>> -> memref<128x1x32xf32, #tpu.memory_space<hbm>>
    %dma_wait3A_607 = tpu.memref_squeeze %dma_wait3A_606 : memref<128x1x32xf32, #tpu.memory_space<hbm>> -> memref<128x32xf32, #tpu.memory_space<hbm>>
    %dma_wait3A_608 = arith.constant 0 : i32
    %dma_wait3A_609 = arith.constant 0 : i32
    %dma_wait3A_610 = tpu.memref_slice %arg6[%dma_wait3A_595, %dma_wait3A_596, %dma_wait3A_608, %dma_wait3A_609] : memref<2x10x128x32xf32, #tpu.memory_space<vmem>> -> memref<1x1x128x32xf32, #tpu.memory_space<vmem>>
    %dma_wait3A_611 = tpu.memref_squeeze %dma_wait3A_610 : memref<1x1x128x32xf32, #tpu.memory_space<vmem>> -> memref<128x32xf32, #tpu.memory_space<vmem>>
    tpu.wait_dma2 semaphore(%arg9 : memref<!tpu.dma_semaphore, #tpu.memory_space<semaphore_mem>>) src(%dma_wait3A_611 : memref<128x32xf32, #tpu.memory_space<vmem>>) dst(%dma_wait3A_607 : memref<128x32xf32, #tpu.memory_space<hbm>>)
    %dma_wait3A_612 = arith.constant 0 : i32
    %dma_wait3A_613 = arith.constant 3 : i32
    %dma_wait3A_614 = arith.constant 3 : i32
    %dma_wait3A_615 = arith.constant 0 : i32
    %dma_wait3A_616 = arith.constant 0 : i32
    %dma_wait3A_617 = tpu.memref_slice %arg6[%dma_wait3A_612, %dma_wait3A_613, %dma_wait3A_615, %dma_wait3A_616] : memref<2x10x128x32xf32, #tpu.memory_space<vmem>> -> memref<1x1x128x32xf32, #tpu.memory_space<vmem>>
    %dma_wait3A_618 = tpu.memref_squeeze %dma_wait3A_617 : memref<1x1x128x32xf32, #tpu.memory_space<vmem>> -> memref<128x32xf32, #tpu.memory_space<vmem>>
    %dma_wait3A_619 = arith.constant 0 : i32
    %dma_wait3A_620 = tpu.memref_slice %arg4[%mul3A_2, %dma_wait3A_614, %dma_wait3A_619] : memref<4096x50x32xf32, #tpu.memory_space<hbm>> -> memref<128x1x32xf32, #tpu.memory_space<hbm>>
    %dma_wait3A_621 = tpu.memref_squeeze %dma_wait3A_620 : memref<128x1x32xf32, #tpu.memory_space<hbm>> -> memref<128x32xf32, #tpu.memory_space<hbm>>
    %dma_wait3A_622 = arith.constant 0 : i32
    %dma_wait3A_623 = tpu.memref_slice %arg4[%mul3A_2, %dma_wait3A_614, %dma_wait3A_622] : memref<4096x50x32xf32, #tpu.memory_space<hbm>> -> memref<128x1x32xf32, #tpu.memory_space<hbm>>
    %dma_wait3A_624 = tpu.memref_squeeze %dma_wait3A_623 : memref<128x1x32xf32, #tpu.memory_space<hbm>> -> memref<128x32xf32, #tpu.memory_space<hbm>>
    %dma_wait3A_625 = arith.constant 0 : i32
    %dma_wait3A_626 = arith.constant 0 : i32
    %dma_wait3A_627 = tpu.memref_slice %arg6[%dma_wait3A_612, %dma_wait3A_613, %dma_wait3A_625, %dma_wait3A_626] : memref<2x10x128x32xf32, #tpu.memory_space<vmem>> -> memref<1x1x128x32xf32, #tpu.memory_space<vmem>>
    %dma_wait3A_628 = tpu.memref_squeeze %dma_wait3A_627 : memref<1x1x128x32xf32, #tpu.memory_space<vmem>> -> memref<128x32xf32, #tpu.memory_space<vmem>>
    tpu.wait_dma2 semaphore(%arg9 : memref<!tpu.dma_semaphore, #tpu.memory_space<semaphore_mem>>) src(%dma_wait3A_628 : memref<128x32xf32, #tpu.memory_space<vmem>>) dst(%dma_wait3A_624 : memref<128x32xf32, #tpu.memory_space<hbm>>)
    %dma_wait3A_629 = arith.constant 0 : i32
    %dma_wait3A_630 = arith.constant 4 : i32
    %dma_wait3A_631 = arith.constant 4 : i32
    %dma_wait3A_632 = arith.constant 0 : i32
    %dma_wait3A_633 = arith.constant 0 : i32
    %dma_wait3A_634 = tpu.memref_slice %arg6[%dma_wait3A_629, %dma_wait3A_630, %dma_wait3A_632, %dma_wait3A_633] : memref<2x10x128x32xf32, #tpu.memory_space<vmem>> -> memref<1x1x128x32xf32, #tpu.memory_space<vmem>>
    %dma_wait3A_635 = tpu.memref_squeeze %dma_wait3A_634 : memref<1x1x128x32xf32, #tpu.memory_space<vmem>> -> memref<128x32xf32, #tpu.memory_space<vmem>>
    %dma_wait3A_636 = arith.constant 0 : i32
    %dma_wait3A_637 = tpu.memref_slice %arg4[%mul3A_2, %dma_wait3A_631, %dma_wait3A_636] : memref<4096x50x32xf32, #tpu.memory_space<hbm>> -> memref<128x1x32xf32, #tpu.memory_space<hbm>>
    %dma_wait3A_638 = tpu.memref_squeeze %dma_wait3A_637 : memref<128x1x32xf32, #tpu.memory_space<hbm>> -> memref<128x32xf32, #tpu.memory_space<hbm>>
    %dma_wait3A_639 = arith.constant 0 : i32
    %dma_wait3A_640 = tpu.memref_slice %arg4[%mul3A_2, %dma_wait3A_631, %dma_wait3A_639] : memref<4096x50x32xf32, #tpu.memory_space<hbm>> -> memref<128x1x32xf32, #tpu.memory_space<hbm>>
    %dma_wait3A_641 = tpu.memref_squeeze %dma_wait3A_640 : memref<128x1x32xf32, #tpu.memory_space<hbm>> -> memref<128x32xf32, #tpu.memory_space<hbm>>
    %dma_wait3A_642 = arith.constant 0 : i32
    %dma_wait3A_643 = arith.constant 0 : i32
    %dma_wait3A_644 = tpu.memref_slice %arg6[%dma_wait3A_629, %dma_wait3A_630, %dma_wait3A_642, %dma_wait3A_643] : memref<2x10x128x32xf32, #tpu.memory_space<vmem>> -> memref<1x1x128x32xf32, #tpu.memory_space<vmem>>
    %dma_wait3A_645 = tpu.memref_squeeze %dma_wait3A_644 : memref<1x1x128x32xf32, #tpu.memory_space<vmem>> -> memref<128x32xf32, #tpu.memory_space<vmem>>
    tpu.wait_dma2 semaphore(%arg9 : memref<!tpu.dma_semaphore, #tpu.memory_space<semaphore_mem>>) src(%dma_wait3A_645 : memref<128x32xf32, #tpu.memory_space<vmem>>) dst(%dma_wait3A_641 : memref<128x32xf32, #tpu.memory_space<hbm>>)
    %dma_wait3A_646 = arith.constant 0 : i32
    %dma_wait3A_647 = arith.constant 5 : i32
    %dma_wait3A_648 = arith.constant 5 : i32
    %dma_wait3A_649 = arith.constant 0 : i32
    %dma_wait3A_650 = arith.constant 0 : i32
    %dma_wait3A_651 = tpu.memref_slice %arg6[%dma_wait3A_646, %dma_wait3A_647, %dma_wait3A_649, %dma_wait3A_650] : memref<2x10x128x32xf32, #tpu.memory_space<vmem>> -> memref<1x1x128x32xf32, #tpu.memory_space<vmem>>
    %dma_wait3A_652 = tpu.memref_squeeze %dma_wait3A_651 : memref<1x1x128x32xf32, #tpu.memory_space<vmem>> -> memref<128x32xf32, #tpu.memory_space<vmem>>
    %dma_wait3A_653 = arith.constant 0 : i32
    %dma_wait3A_654 = tpu.memref_slice %arg4[%mul3A_2, %dma_wait3A_648, %dma_wait3A_653] : memref<4096x50x32xf32, #tpu.memory_space<hbm>> -> memref<128x1x32xf32, #tpu.memory_space<hbm>>
    %dma_wait3A_655 = tpu.memref_squeeze %dma_wait3A_654 : memref<128x1x32xf32, #tpu.memory_space<hbm>> -> memref<128x32xf32, #tpu.memory_space<hbm>>
    %dma_wait3A_656 = arith.constant 0 : i32
    %dma_wait3A_657 = tpu.memref_slice %arg4[%mul3A_2, %dma_wait3A_648, %dma_wait3A_656] : memref<4096x50x32xf32, #tpu.memory_space<hbm>> -> memref<128x1x32xf32, #tpu.memory_space<hbm>>
    %dma_wait3A_658 = tpu.memref_squeeze %dma_wait3A_657 : memref<128x1x32xf32, #tpu.memory_space<hbm>> -> memref<128x32xf32, #tpu.memory_space<hbm>>
    %dma_wait3A_659 = arith.constant 0 : i32
    %dma_wait3A_660 = arith.constant 0 : i32
    %dma_wait3A_661 = tpu.memref_slice %arg6[%dma_wait3A_646, %dma_wait3A_647, %dma_wait3A_659, %dma_wait3A_660] : memref<2x10x128x32xf32, #tpu.memory_space<vmem>> -> memref<1x1x128x32xf32, #tpu.memory_space<vmem>>
    %dma_wait3A_662 = tpu.memref_squeeze %dma_wait3A_661 : memref<1x1x128x32xf32, #tpu.memory_space<vmem>> -> memref<128x32xf32, #tpu.memory_space<vmem>>
    tpu.wait_dma2 semaphore(%arg9 : memref<!tpu.dma_semaphore, #tpu.memory_space<semaphore_mem>>) src(%dma_wait3A_662 : memref<128x32xf32, #tpu.memory_space<vmem>>) dst(%dma_wait3A_658 : memref<128x32xf32, #tpu.memory_space<hbm>>)
    %dma_wait3A_663 = arith.constant 0 : i32
    %dma_wait3A_664 = arith.constant 6 : i32
    %dma_wait3A_665 = arith.constant 6 : i32
    %dma_wait3A_666 = arith.constant 0 : i32
    %dma_wait3A_667 = arith.constant 0 : i32
    %dma_wait3A_668 = tpu.memref_slice %arg6[%dma_wait3A_663, %dma_wait3A_664, %dma_wait3A_666, %dma_wait3A_667] : memref<2x10x128x32xf32, #tpu.memory_space<vmem>> -> memref<1x1x128x32xf32, #tpu.memory_space<vmem>>
    %dma_wait3A_669 = tpu.memref_squeeze %dma_wait3A_668 : memref<1x1x128x32xf32, #tpu.memory_space<vmem>> -> memref<128x32xf32, #tpu.memory_space<vmem>>
    %dma_wait3A_670 = arith.constant 0 : i32
    %dma_wait3A_671 = tpu.memref_slice %arg4[%mul3A_2, %dma_wait3A_665, %dma_wait3A_670] : memref<4096x50x32xf32, #tpu.memory_space<hbm>> -> memref<128x1x32xf32, #tpu.memory_space<hbm>>
    %dma_wait3A_672 = tpu.memref_squeeze %dma_wait3A_671 : memref<128x1x32xf32, #tpu.memory_space<hbm>> -> memref<128x32xf32, #tpu.memory_space<hbm>>
    %dma_wait3A_673 = arith.constant 0 : i32
    %dma_wait3A_674 = tpu.memref_slice %arg4[%mul3A_2, %dma_wait3A_665, %dma_wait3A_673] : memref<4096x50x32xf32, #tpu.memory_space<hbm>> -> memref<128x1x32xf32, #tpu.memory_space<hbm>>
    %dma_wait3A_675 = tpu.memref_squeeze %dma_wait3A_674 : memref<128x1x32xf32, #tpu.memory_space<hbm>> -> memref<128x32xf32, #tpu.memory_space<hbm>>
    %dma_wait3A_676 = arith.constant 0 : i32
    %dma_wait3A_677 = arith.constant 0 : i32
    %dma_wait3A_678 = tpu.memref_slice %arg6[%dma_wait3A_663, %dma_wait3A_664, %dma_wait3A_676, %dma_wait3A_677] : memref<2x10x128x32xf32, #tpu.memory_space<vmem>> -> memref<1x1x128x32xf32, #tpu.memory_space<vmem>>
    %dma_wait3A_679 = tpu.memref_squeeze %dma_wait3A_678 : memref<1x1x128x32xf32, #tpu.memory_space<vmem>> -> memref<128x32xf32, #tpu.memory_space<vmem>>
    tpu.wait_dma2 semaphore(%arg9 : memref<!tpu.dma_semaphore, #tpu.memory_space<semaphore_mem>>) src(%dma_wait3A_679 : memref<128x32xf32, #tpu.memory_space<vmem>>) dst(%dma_wait3A_675 : memref<128x32xf32, #tpu.memory_space<hbm>>)
    %dma_wait3A_680 = arith.constant 0 : i32
    %dma_wait3A_681 = arith.constant 7 : i32
    %dma_wait3A_682 = arith.constant 7 : i32
    %dma_wait3A_683 = arith.constant 0 : i32
    %dma_wait3A_684 = arith.constant 0 : i32
    %dma_wait3A_685 = tpu.memref_slice %arg6[%dma_wait3A_680, %dma_wait3A_681, %dma_wait3A_683, %dma_wait3A_684] : memref<2x10x128x32xf32, #tpu.memory_space<vmem>> -> memref<1x1x128x32xf32, #tpu.memory_space<vmem>>
    %dma_wait3A_686 = tpu.memref_squeeze %dma_wait3A_685 : memref<1x1x128x32xf32, #tpu.memory_space<vmem>> -> memref<128x32xf32, #tpu.memory_space<vmem>>
    %dma_wait3A_687 = arith.constant 0 : i32
    %dma_wait3A_688 = tpu.memref_slice %arg4[%mul3A_2, %dma_wait3A_682, %dma_wait3A_687] : memref<4096x50x32xf32, #tpu.memory_space<hbm>> -> memref<128x1x32xf32, #tpu.memory_space<hbm>>
    %dma_wait3A_689 = tpu.memref_squeeze %dma_wait3A_688 : memref<128x1x32xf32, #tpu.memory_space<hbm>> -> memref<128x32xf32, #tpu.memory_space<hbm>>
    %dma_wait3A_690 = arith.constant 0 : i32
    %dma_wait3A_691 = tpu.memref_slice %arg4[%mul3A_2, %dma_wait3A_682, %dma_wait3A_690] : memref<4096x50x32xf32, #tpu.memory_space<hbm>> -> memref<128x1x32xf32, #tpu.memory_space<hbm>>
    %dma_wait3A_692 = tpu.memref_squeeze %dma_wait3A_691 : memref<128x1x32xf32, #tpu.memory_space<hbm>> -> memref<128x32xf32, #tpu.memory_space<hbm>>
    %dma_wait3A_693 = arith.constant 0 : i32
    %dma_wait3A_694 = arith.constant 0 : i32
    %dma_wait3A_695 = tpu.memref_slice %arg6[%dma_wait3A_680, %dma_wait3A_681, %dma_wait3A_693, %dma_wait3A_694] : memref<2x10x128x32xf32, #tpu.memory_space<vmem>> -> memref<1x1x128x32xf32, #tpu.memory_space<vmem>>
    %dma_wait3A_696 = tpu.memref_squeeze %dma_wait3A_695 : memref<1x1x128x32xf32, #tpu.memory_space<vmem>> -> memref<128x32xf32, #tpu.memory_space<vmem>>
    tpu.wait_dma2 semaphore(%arg9 : memref<!tpu.dma_semaphore, #tpu.memory_space<semaphore_mem>>) src(%dma_wait3A_696 : memref<128x32xf32, #tpu.memory_space<vmem>>) dst(%dma_wait3A_692 : memref<128x32xf32, #tpu.memory_space<hbm>>)
    %dma_wait3A_697 = arith.constant 0 : i32
    %dma_wait3A_698 = arith.constant 8 : i32
    %dma_wait3A_699 = arith.constant 8 : i32
    %dma_wait3A_700 = arith.constant 0 : i32
    %dma_wait3A_701 = arith.constant 0 : i32
    %dma_wait3A_702 = tpu.memref_slice %arg6[%dma_wait3A_697, %dma_wait3A_698, %dma_wait3A_700, %dma_wait3A_701] : memref<2x10x128x32xf32, #tpu.memory_space<vmem>> -> memref<1x1x128x32xf32, #tpu.memory_space<vmem>>
    %dma_wait3A_703 = tpu.memref_squeeze %dma_wait3A_702 : memref<1x1x128x32xf32, #tpu.memory_space<vmem>> -> memref<128x32xf32, #tpu.memory_space<vmem>>
    %dma_wait3A_704 = arith.constant 0 : i32
    %dma_wait3A_705 = tpu.memref_slice %arg4[%mul3A_2, %dma_wait3A_699, %dma_wait3A_704] : memref<4096x50x32xf32, #tpu.memory_space<hbm>> -> memref<128x1x32xf32, #tpu.memory_space<hbm>>
    %dma_wait3A_706 = tpu.memref_squeeze %dma_wait3A_705 : memref<128x1x32xf32, #tpu.memory_space<hbm>> -> memref<128x32xf32, #tpu.memory_space<hbm>>
    %dma_wait3A_707 = arith.constant 0 : i32
    %dma_wait3A_708 = tpu.memref_slice %arg4[%mul3A_2, %dma_wait3A_699, %dma_wait3A_707] : memref<4096x50x32xf32, #tpu.memory_space<hbm>> -> memref<128x1x32xf32, #tpu.memory_space<hbm>>
    %dma_wait3A_709 = tpu.memref_squeeze %dma_wait3A_708 : memref<128x1x32xf32, #tpu.memory_space<hbm>> -> memref<128x32xf32, #tpu.memory_space<hbm>>
    %dma_wait3A_710 = arith.constant 0 : i32
    %dma_wait3A_711 = arith.constant 0 : i32
    %dma_wait3A_712 = tpu.memref_slice %arg6[%dma_wait3A_697, %dma_wait3A_698, %dma_wait3A_710, %dma_wait3A_711] : memref<2x10x128x32xf32, #tpu.memory_space<vmem>> -> memref<1x1x128x32xf32, #tpu.memory_space<vmem>>
    %dma_wait3A_713 = tpu.memref_squeeze %dma_wait3A_712 : memref<1x1x128x32xf32, #tpu.memory_space<vmem>> -> memref<128x32xf32, #tpu.memory_space<vmem>>
    tpu.wait_dma2 semaphore(%arg9 : memref<!tpu.dma_semaphore, #tpu.memory_space<semaphore_mem>>) src(%dma_wait3A_713 : memref<128x32xf32, #tpu.memory_space<vmem>>) dst(%dma_wait3A_709 : memref<128x32xf32, #tpu.memory_space<hbm>>)
    %dma_wait3A_714 = arith.constant 0 : i32
    %dma_wait3A_715 = arith.constant 9 : i32
    %dma_wait3A_716 = arith.constant 9 : i32
    %dma_wait3A_717 = arith.constant 0 : i32
    %dma_wait3A_718 = arith.constant 0 : i32
    %dma_wait3A_719 = tpu.memref_slice %arg6[%dma_wait3A_714, %dma_wait3A_715, %dma_wait3A_717, %dma_wait3A_718] : memref<2x10x128x32xf32, #tpu.memory_space<vmem>> -> memref<1x1x128x32xf32, #tpu.memory_space<vmem>>
    %dma_wait3A_720 = tpu.memref_squeeze %dma_wait3A_719 : memref<1x1x128x32xf32, #tpu.memory_space<vmem>> -> memref<128x32xf32, #tpu.memory_space<vmem>>
    %dma_wait3A_721 = arith.constant 0 : i32
    %dma_wait3A_722 = tpu.memref_slice %arg4[%mul3A_2, %dma_wait3A_716, %dma_wait3A_721] : memref<4096x50x32xf32, #tpu.memory_space<hbm>> -> memref<128x1x32xf32, #tpu.memory_space<hbm>>
    %dma_wait3A_723 = tpu.memref_squeeze %dma_wait3A_722 : memref<128x1x32xf32, #tpu.memory_space<hbm>> -> memref<128x32xf32, #tpu.memory_space<hbm>>
    %dma_wait3A_724 = arith.constant 0 : i32
    %dma_wait3A_725 = tpu.memref_slice %arg4[%mul3A_2, %dma_wait3A_716, %dma_wait3A_724] : memref<4096x50x32xf32, #tpu.memory_space<hbm>> -> memref<128x1x32xf32, #tpu.memory_space<hbm>>
    %dma_wait3A_726 = tpu.memref_squeeze %dma_wait3A_725 : memref<128x1x32xf32, #tpu.memory_space<hbm>> -> memref<128x32xf32, #tpu.memory_space<hbm>>
    %dma_wait3A_727 = arith.constant 0 : i32
    %dma_wait3A_728 = arith.constant 0 : i32
    %dma_wait3A_729 = tpu.memref_slice %arg6[%dma_wait3A_714, %dma_wait3A_715, %dma_wait3A_727, %dma_wait3A_728] : memref<2x10x128x32xf32, #tpu.memory_space<vmem>> -> memref<1x1x128x32xf32, #tpu.memory_space<vmem>>
    %dma_wait3A_730 = tpu.memref_squeeze %dma_wait3A_729 : memref<1x1x128x32xf32, #tpu.memory_space<vmem>> -> memref<128x32xf32, #tpu.memory_space<vmem>>
    tpu.wait_dma2 semaphore(%arg9 : memref<!tpu.dma_semaphore, #tpu.memory_space<semaphore_mem>>) src(%dma_wait3A_730 : memref<128x32xf32, #tpu.memory_space<vmem>>) dst(%dma_wait3A_726 : memref<128x32xf32, #tpu.memory_space<hbm>>)
    %dma_start3A_731 = arith.constant 20 : i32
    %dma_start3A_732 = arith.constant 0 : i32
    %dma_start3A_733 = arith.constant 0 : i32
    %dma_start3A_734 = arith.constant 0 : i32
    %dma_start3A_735 = arith.constant 0 : i32
    %dma_start3A_736 = tpu.memref_slice %arg6[%dma_start3A_732, %dma_start3A_733, %dma_start3A_734, %dma_start3A_735] : memref<2x10x128x32xf32, #tpu.memory_space<vmem>> -> memref<1x1x128x32xf32, #tpu.memory_space<vmem>>
    %dma_start3A_737 = tpu.memref_squeeze %dma_start3A_736 : memref<1x1x128x32xf32, #tpu.memory_space<vmem>> -> memref<128x32xf32, #tpu.memory_space<vmem>>
    %dma_start3A_738 = arith.constant 0 : i32
    %dma_start3A_739 = tpu.memref_slice %arg5[%dma_start3A_731, %dma_start3A_738] : memref<50x128xi32, #tpu.memory_space<vmem>> -> memref<1x128xi32, #tpu.memory_space<vmem>>
    %dma_start3A_740 = tpu.memref_squeeze %dma_start3A_739 : memref<1x128xi32, #tpu.memory_space<vmem>> -> memref<128xi32, #tpu.memory_space<vmem>>
    %dma_start3A_741 = arith.constant 0 : i32
    %dma_start3A_742 = arith.constant 0 : i32
    %dma_start3A_743 = tpu.memref_slice %arg2[%dma_start3A_741, %dma_start3A_742] : memref<1048576x32xf32, #tpu.memory_space<hbm>> -> memref<1048576x32xf32, #tpu.memory_space<hbm>>
    tpu.enqueue_indirect_dma source(%dma_start3A_743 : memref<1048576x32xf32, #tpu.memory_space<hbm>>) target(%dma_start3A_737 : memref<128x32xf32, #tpu.memory_space<vmem>>) offsets(%dma_start3A_740 : memref<128xi32, #tpu.memory_space<vmem>>) semaphore(%arg7 : memref<!tpu.dma_semaphore, #tpu.memory_space<semaphore_mem>>)
    %dma_start3A_744 = arith.constant 21 : i32
    %dma_start3A_745 = arith.constant 0 : i32
    %dma_start3A_746 = arith.constant 1 : i32
    %dma_start3A_747 = arith.constant 0 : i32
    %dma_start3A_748 = arith.constant 0 : i32
    %dma_start3A_749 = tpu.memref_slice %arg6[%dma_start3A_745, %dma_start3A_746, %dma_start3A_747, %dma_start3A_748] : memref<2x10x128x32xf32, #tpu.memory_space<vmem>> -> memref<1x1x128x32xf32, #tpu.memory_space<vmem>>
    %dma_start3A_750 = tpu.memref_squeeze %dma_start3A_749 : memref<1x1x128x32xf32, #tpu.memory_space<vmem>> -> memref<128x32xf32, #tpu.memory_space<vmem>>
    %dma_start3A_751 = arith.constant 0 : i32
    %dma_start3A_752 = tpu.memref_slice %arg5[%dma_start3A_744, %dma_start3A_751] : memref<50x128xi32, #tpu.memory_space<vmem>> -> memref<1x128xi32, #tpu.memory_space<vmem>>
    %dma_start3A_753 = tpu.memref_squeeze %dma_start3A_752 : memref<1x128xi32, #tpu.memory_space<vmem>> -> memref<128xi32, #tpu.memory_space<vmem>>
    %dma_start3A_754 = arith.constant 0 : i32
    %dma_start3A_755 = arith.constant 0 : i32
    %dma_start3A_756 = tpu.memref_slice %arg2[%dma_start3A_754, %dma_start3A_755] : memref<1048576x32xf32, #tpu.memory_space<hbm>> -> memref<1048576x32xf32, #tpu.memory_space<hbm>>
    tpu.enqueue_indirect_dma source(%dma_start3A_756 : memref<1048576x32xf32, #tpu.memory_space<hbm>>) target(%dma_start3A_750 : memref<128x32xf32, #tpu.memory_space<vmem>>) offsets(%dma_start3A_753 : memref<128xi32, #tpu.memory_space<vmem>>) semaphore(%arg7 : memref<!tpu.dma_semaphore, #tpu.memory_space<semaphore_mem>>)
    %dma_start3A_757 = arith.constant 22 : i32
    %dma_start3A_758 = arith.constant 0 : i32
    %dma_start3A_759 = arith.constant 2 : i32
    %dma_start3A_760 = arith.constant 0 : i32
    %dma_start3A_761 = arith.constant 0 : i32
    %dma_start3A_762 = tpu.memref_slice %arg6[%dma_start3A_758, %dma_start3A_759, %dma_start3A_760, %dma_start3A_761] : memref<2x10x128x32xf32, #tpu.memory_space<vmem>> -> memref<1x1x128x32xf32, #tpu.memory_space<vmem>>
    %dma_start3A_763 = tpu.memref_squeeze %dma_start3A_762 : memref<1x1x128x32xf32, #tpu.memory_space<vmem>> -> memref<128x32xf32, #tpu.memory_space<vmem>>
    %dma_start3A_764 = arith.constant 0 : i32
    %dma_start3A_765 = tpu.memref_slice %arg5[%dma_start3A_757, %dma_start3A_764] : memref<50x128xi32, #tpu.memory_space<vmem>> -> memref<1x128xi32, #tpu.memory_space<vmem>>
    %dma_start3A_766 = tpu.memref_squeeze %dma_start3A_765 : memref<1x128xi32, #tpu.memory_space<vmem>> -> memref<128xi32, #tpu.memory_space<vmem>>
    %dma_start3A_767 = arith.constant 0 : i32
    %dma_start3A_768 = arith.constant 0 : i32
    %dma_start3A_769 = tpu.memref_slice %arg2[%dma_start3A_767, %dma_start3A_768] : memref<1048576x32xf32, #tpu.memory_space<hbm>> -> memref<1048576x32xf32, #tpu.memory_space<hbm>>
    tpu.enqueue_indirect_dma source(%dma_start3A_769 : memref<1048576x32xf32, #tpu.memory_space<hbm>>) target(%dma_start3A_763 : memref<128x32xf32, #tpu.memory_space<vmem>>) offsets(%dma_start3A_766 : memref<128xi32, #tpu.memory_space<vmem>>) semaphore(%arg7 : memref<!tpu.dma_semaphore, #tpu.memory_space<semaphore_mem>>)
    %dma_start3A_770 = arith.constant 23 : i32
    %dma_start3A_771 = arith.constant 0 : i32
    %dma_start3A_772 = arith.constant 3 : i32
    %dma_start3A_773 = arith.constant 0 : i32
    %dma_start3A_774 = arith.constant 0 : i32
    %dma_start3A_775 = tpu.memref_slice %arg6[%dma_start3A_771, %dma_start3A_772, %dma_start3A_773, %dma_start3A_774] : memref<2x10x128x32xf32, #tpu.memory_space<vmem>> -> memref<1x1x128x32xf32, #tpu.memory_space<vmem>>
    %dma_start3A_776 = tpu.memref_squeeze %dma_start3A_775 : memref<1x1x128x32xf32, #tpu.memory_space<vmem>> -> memref<128x32xf32, #tpu.memory_space<vmem>>
    %dma_start3A_777 = arith.constant 0 : i32
    %dma_start3A_778 = tpu.memref_slice %arg5[%dma_start3A_770, %dma_start3A_777] : memref<50x128xi32, #tpu.memory_space<vmem>> -> memref<1x128xi32, #tpu.memory_space<vmem>>
    %dma_start3A_779 = tpu.memref_squeeze %dma_start3A_778 : memref<1x128xi32, #tpu.memory_space<vmem>> -> memref<128xi32, #tpu.memory_space<vmem>>
    %dma_start3A_780 = arith.constant 0 : i32
    %dma_start3A_781 = arith.constant 0 : i32
    %dma_start3A_782 = tpu.memref_slice %arg2[%dma_start3A_780, %dma_start3A_781] : memref<1048576x32xf32, #tpu.memory_space<hbm>> -> memref<1048576x32xf32, #tpu.memory_space<hbm>>
    tpu.enqueue_indirect_dma source(%dma_start3A_782 : memref<1048576x32xf32, #tpu.memory_space<hbm>>) target(%dma_start3A_776 : memref<128x32xf32, #tpu.memory_space<vmem>>) offsets(%dma_start3A_779 : memref<128xi32, #tpu.memory_space<vmem>>) semaphore(%arg7 : memref<!tpu.dma_semaphore, #tpu.memory_space<semaphore_mem>>)
    %dma_start3A_783 = arith.constant 24 : i32
    %dma_start3A_784 = arith.constant 0 : i32
    %dma_start3A_785 = arith.constant 4 : i32
    %dma_start3A_786 = arith.constant 0 : i32
    %dma_start3A_787 = arith.constant 0 : i32
    %dma_start3A_788 = tpu.memref_slice %arg6[%dma_start3A_784, %dma_start3A_785, %dma_start3A_786, %dma_start3A_787] : memref<2x10x128x32xf32, #tpu.memory_space<vmem>> -> memref<1x1x128x32xf32, #tpu.memory_space<vmem>>
    %dma_start3A_789 = tpu.memref_squeeze %dma_start3A_788 : memref<1x1x128x32xf32, #tpu.memory_space<vmem>> -> memref<128x32xf32, #tpu.memory_space<vmem>>
    %dma_start3A_790 = arith.constant 0 : i32
    %dma_start3A_791 = tpu.memref_slice %arg5[%dma_start3A_783, %dma_start3A_790] : memref<50x128xi32, #tpu.memory_space<vmem>> -> memref<1x128xi32, #tpu.memory_space<vmem>>
    %dma_start3A_792 = tpu.memref_squeeze %dma_start3A_791 : memref<1x128xi32, #tpu.memory_space<vmem>> -> memref<128xi32, #tpu.memory_space<vmem>>
    %dma_start3A_793 = arith.constant 0 : i32
    %dma_start3A_794 = arith.constant 0 : i32
    %dma_start3A_795 = tpu.memref_slice %arg2[%dma_start3A_793, %dma_start3A_794] : memref<1048576x32xf32, #tpu.memory_space<hbm>> -> memref<1048576x32xf32, #tpu.memory_space<hbm>>
    tpu.enqueue_indirect_dma source(%dma_start3A_795 : memref<1048576x32xf32, #tpu.memory_space<hbm>>) target(%dma_start3A_789 : memref<128x32xf32, #tpu.memory_space<vmem>>) offsets(%dma_start3A_792 : memref<128xi32, #tpu.memory_space<vmem>>) semaphore(%arg7 : memref<!tpu.dma_semaphore, #tpu.memory_space<semaphore_mem>>)
    %dma_start3A_796 = arith.constant 25 : i32
    %dma_start3A_797 = arith.constant 0 : i32
    %dma_start3A_798 = arith.constant 5 : i32
    %dma_start3A_799 = arith.constant 0 : i32
    %dma_start3A_800 = arith.constant 0 : i32
    %dma_start3A_801 = tpu.memref_slice %arg6[%dma_start3A_797, %dma_start3A_798, %dma_start3A_799, %dma_start3A_800] : memref<2x10x128x32xf32, #tpu.memory_space<vmem>> -> memref<1x1x128x32xf32, #tpu.memory_space<vmem>>
    %dma_start3A_802 = tpu.memref_squeeze %dma_start3A_801 : memref<1x1x128x32xf32, #tpu.memory_space<vmem>> -> memref<128x32xf32, #tpu.memory_space<vmem>>
    %dma_start3A_803 = arith.constant 0 : i32
    %dma_start3A_804 = tpu.memref_slice %arg5[%dma_start3A_796, %dma_start3A_803] : memref<50x128xi32, #tpu.memory_space<vmem>> -> memref<1x128xi32, #tpu.memory_space<vmem>>
    %dma_start3A_805 = tpu.memref_squeeze %dma_start3A_804 : memref<1x128xi32, #tpu.memory_space<vmem>> -> memref<128xi32, #tpu.memory_space<vmem>>
    %dma_start3A_806 = arith.constant 0 : i32
    %dma_start3A_807 = arith.constant 0 : i32
    %dma_start3A_808 = tpu.memref_slice %arg2[%dma_start3A_806, %dma_start3A_807] : memref<1048576x32xf32, #tpu.memory_space<hbm>> -> memref<1048576x32xf32, #tpu.memory_space<hbm>>
    tpu.enqueue_indirect_dma source(%dma_start3A_808 : memref<1048576x32xf32, #tpu.memory_space<hbm>>) target(%dma_start3A_802 : memref<128x32xf32, #tpu.memory_space<vmem>>) offsets(%dma_start3A_805 : memref<128xi32, #tpu.memory_space<vmem>>) semaphore(%arg7 : memref<!tpu.dma_semaphore, #tpu.memory_space<semaphore_mem>>)
    %dma_start3A_809 = arith.constant 26 : i32
    %dma_start3A_810 = arith.constant 0 : i32
    %dma_start3A_811 = arith.constant 6 : i32
    %dma_start3A_812 = arith.constant 0 : i32
    %dma_start3A_813 = arith.constant 0 : i32
    %dma_start3A_814 = tpu.memref_slice %arg6[%dma_start3A_810, %dma_start3A_811, %dma_start3A_812, %dma_start3A_813] : memref<2x10x128x32xf32, #tpu.memory_space<vmem>> -> memref<1x1x128x32xf32, #tpu.memory_space<vmem>>
    %dma_start3A_815 = tpu.memref_squeeze %dma_start3A_814 : memref<1x1x128x32xf32, #tpu.memory_space<vmem>> -> memref<128x32xf32, #tpu.memory_space<vmem>>
    %dma_start3A_816 = arith.constant 0 : i32
    %dma_start3A_817 = tpu.memref_slice %arg5[%dma_start3A_809, %dma_start3A_816] : memref<50x128xi32, #tpu.memory_space<vmem>> -> memref<1x128xi32, #tpu.memory_space<vmem>>
    %dma_start3A_818 = tpu.memref_squeeze %dma_start3A_817 : memref<1x128xi32, #tpu.memory_space<vmem>> -> memref<128xi32, #tpu.memory_space<vmem>>
    %dma_start3A_819 = arith.constant 0 : i32
    %dma_start3A_820 = arith.constant 0 : i32
    %dma_start3A_821 = tpu.memref_slice %arg2[%dma_start3A_819, %dma_start3A_820] : memref<1048576x32xf32, #tpu.memory_space<hbm>> -> memref<1048576x32xf32, #tpu.memory_space<hbm>>
    tpu.enqueue_indirect_dma source(%dma_start3A_821 : memref<1048576x32xf32, #tpu.memory_space<hbm>>) target(%dma_start3A_815 : memref<128x32xf32, #tpu.memory_space<vmem>>) offsets(%dma_start3A_818 : memref<128xi32, #tpu.memory_space<vmem>>) semaphore(%arg7 : memref<!tpu.dma_semaphore, #tpu.memory_space<semaphore_mem>>)
    %dma_start3A_822 = arith.constant 27 : i32
    %dma_start3A_823 = arith.constant 0 : i32
    %dma_start3A_824 = arith.constant 7 : i32
    %dma_start3A_825 = arith.constant 0 : i32
    %dma_start3A_826 = arith.constant 0 : i32
    %dma_start3A_827 = tpu.memref_slice %arg6[%dma_start3A_823, %dma_start3A_824, %dma_start3A_825, %dma_start3A_826] : memref<2x10x128x32xf32, #tpu.memory_space<vmem>> -> memref<1x1x128x32xf32, #tpu.memory_space<vmem>>
    %dma_start3A_828 = tpu.memref_squeeze %dma_start3A_827 : memref<1x1x128x32xf32, #tpu.memory_space<vmem>> -> memref<128x32xf32, #tpu.memory_space<vmem>>
    %dma_start3A_829 = arith.constant 0 : i32
    %dma_start3A_830 = tpu.memref_slice %arg5[%dma_start3A_822, %dma_start3A_829] : memref<50x128xi32, #tpu.memory_space<vmem>> -> memref<1x128xi32, #tpu.memory_space<vmem>>
    %dma_start3A_831 = tpu.memref_squeeze %dma_start3A_830 : memref<1x128xi32, #tpu.memory_space<vmem>> -> memref<128xi32, #tpu.memory_space<vmem>>
    %dma_start3A_832 = arith.constant 0 : i32
    %dma_start3A_833 = arith.constant 0 : i32
    %dma_start3A_834 = tpu.memref_slice %arg2[%dma_start3A_832, %dma_start3A_833] : memref<1048576x32xf32, #tpu.memory_space<hbm>> -> memref<1048576x32xf32, #tpu.memory_space<hbm>>
    tpu.enqueue_indirect_dma source(%dma_start3A_834 : memref<1048576x32xf32, #tpu.memory_space<hbm>>) target(%dma_start3A_828 : memref<128x32xf32, #tpu.memory_space<vmem>>) offsets(%dma_start3A_831 : memref<128xi32, #tpu.memory_space<vmem>>) semaphore(%arg7 : memref<!tpu.dma_semaphore, #tpu.memory_space<semaphore_mem>>)
    %dma_start3A_835 = arith.constant 28 : i32
    %dma_start3A_836 = arith.constant 0 : i32
    %dma_start3A_837 = arith.constant 8 : i32
    %dma_start3A_838 = arith.constant 0 : i32
    %dma_start3A_839 = arith.constant 0 : i32
    %dma_start3A_840 = tpu.memref_slice %arg6[%dma_start3A_836, %dma_start3A_837, %dma_start3A_838, %dma_start3A_839] : memref<2x10x128x32xf32, #tpu.memory_space<vmem>> -> memref<1x1x128x32xf32, #tpu.memory_space<vmem>>
    %dma_start3A_841 = tpu.memref_squeeze %dma_start3A_840 : memref<1x1x128x32xf32, #tpu.memory_space<vmem>> -> memref<128x32xf32, #tpu.memory_space<vmem>>
    %dma_start3A_842 = arith.constant 0 : i32
    %dma_start3A_843 = tpu.memref_slice %arg5[%dma_start3A_835, %dma_start3A_842] : memref<50x128xi32, #tpu.memory_space<vmem>> -> memref<1x128xi32, #tpu.memory_space<vmem>>
    %dma_start3A_844 = tpu.memref_squeeze %dma_start3A_843 : memref<1x128xi32, #tpu.memory_space<vmem>> -> memref<128xi32, #tpu.memory_space<vmem>>
    %dma_start3A_845 = arith.constant 0 : i32
    %dma_start3A_846 = arith.constant 0 : i32
    %dma_start3A_847 = tpu.memref_slice %arg2[%dma_start3A_845, %dma_start3A_846] : memref<1048576x32xf32, #tpu.memory_space<hbm>> -> memref<1048576x32xf32, #tpu.memory_space<hbm>>
    tpu.enqueue_indirect_dma source(%dma_start3A_847 : memref<1048576x32xf32, #tpu.memory_space<hbm>>) target(%dma_start3A_841 : memref<128x32xf32, #tpu.memory_space<vmem>>) offsets(%dma_start3A_844 : memref<128xi32, #tpu.memory_space<vmem>>) semaphore(%arg7 : memref<!tpu.dma_semaphore, #tpu.memory_space<semaphore_mem>>)
    %dma_start3A_848 = arith.constant 29 : i32
    %dma_start3A_849 = arith.constant 0 : i32
    %dma_start3A_850 = arith.constant 9 : i32
    %dma_start3A_851 = arith.constant 0 : i32
    %dma_start3A_852 = arith.constant 0 : i32
    %dma_start3A_853 = tpu.memref_slice %arg6[%dma_start3A_849, %dma_start3A_850, %dma_start3A_851, %dma_start3A_852] : memref<2x10x128x32xf32, #tpu.memory_space<vmem>> -> memref<1x1x128x32xf32, #tpu.memory_space<vmem>>
    %dma_start3A_854 = tpu.memref_squeeze %dma_start3A_853 : memref<1x1x128x32xf32, #tpu.memory_space<vmem>> -> memref<128x32xf32, #tpu.memory_space<vmem>>
    %dma_start3A_855 = arith.constant 0 : i32
    %dma_start3A_856 = tpu.memref_slice %arg5[%dma_start3A_848, %dma_start3A_855] : memref<50x128xi32, #tpu.memory_space<vmem>> -> memref<1x128xi32, #tpu.memory_space<vmem>>
    %dma_start3A_857 = tpu.memref_squeeze %dma_start3A_856 : memref<1x128xi32, #tpu.memory_space<vmem>> -> memref<128xi32, #tpu.memory_space<vmem>>
    %dma_start3A_858 = arith.constant 0 : i32
    %dma_start3A_859 = arith.constant 0 : i32
    %dma_start3A_860 = tpu.memref_slice %arg2[%dma_start3A_858, %dma_start3A_859] : memref<1048576x32xf32, #tpu.memory_space<hbm>> -> memref<1048576x32xf32, #tpu.memory_space<hbm>>
    tpu.enqueue_indirect_dma source(%dma_start3A_860 : memref<1048576x32xf32, #tpu.memory_space<hbm>>) target(%dma_start3A_854 : memref<128x32xf32, #tpu.memory_space<vmem>>) offsets(%dma_start3A_857 : memref<128xi32, #tpu.memory_space<vmem>>) semaphore(%arg7 : memref<!tpu.dma_semaphore, #tpu.memory_space<semaphore_mem>>)
    %dma_wait3A_861 = arith.constant 10 : i32
    %dma_wait3A_862 = arith.constant 1 : i32
    %dma_wait3A_863 = arith.constant 0 : i32
    %dma_wait3A_864 = arith.constant 0 : i32
    %dma_wait3A_865 = arith.constant 0 : i32
    %dma_wait3A_866 = tpu.memref_slice %arg6[%dma_wait3A_862, %dma_wait3A_863, %dma_wait3A_864, %dma_wait3A_865] : memref<2x10x128x32xf32, #tpu.memory_space<vmem>> -> memref<1x1x128x32xf32, #tpu.memory_space<vmem>>
    %dma_wait3A_867 = tpu.memref_squeeze %dma_wait3A_866 : memref<1x1x128x32xf32, #tpu.memory_space<vmem>> -> memref<128x32xf32, #tpu.memory_space<vmem>>
    %dma_wait3A_868 = arith.constant 0 : i32
    %dma_wait3A_869 = tpu.memref_slice %arg5[%dma_wait3A_861, %dma_wait3A_868] : memref<50x128xi32, #tpu.memory_space<vmem>> -> memref<1x128xi32, #tpu.memory_space<vmem>>
    %dma_wait3A_870 = tpu.memref_squeeze %dma_wait3A_869 : memref<1x128xi32, #tpu.memory_space<vmem>> -> memref<128xi32, #tpu.memory_space<vmem>>
    %dma_wait3A_871 = arith.constant 0 : i32
    %dma_wait3A_872 = arith.constant 0 : i32
    %dma_wait3A_873 = tpu.memref_slice %arg2[%dma_wait3A_871, %dma_wait3A_872] : memref<1048576x32xf32, #tpu.memory_space<hbm>> -> memref<1048576x32xf32, #tpu.memory_space<hbm>>
    tpu.wait_indirect_dma semaphore(%arg8 : memref<!tpu.dma_semaphore, #tpu.memory_space<semaphore_mem>>) src(%dma_wait3A_873 : memref<1048576x32xf32, #tpu.memory_space<hbm>>) dst(%dma_wait3A_867 : memref<128x32xf32, #tpu.memory_space<vmem>>)
    %dma_wait3A_874 = arith.constant 11 : i32
    %dma_wait3A_875 = arith.constant 1 : i32
    %dma_wait3A_876 = arith.constant 1 : i32
    %dma_wait3A_877 = arith.constant 0 : i32
    %dma_wait3A_878 = arith.constant 0 : i32
    %dma_wait3A_879 = tpu.memref_slice %arg6[%dma_wait3A_875, %dma_wait3A_876, %dma_wait3A_877, %dma_wait3A_878] : memref<2x10x128x32xf32, #tpu.memory_space<vmem>> -> memref<1x1x128x32xf32, #tpu.memory_space<vmem>>
    %dma_wait3A_880 = tpu.memref_squeeze %dma_wait3A_879 : memref<1x1x128x32xf32, #tpu.memory_space<vmem>> -> memref<128x32xf32, #tpu.memory_space<vmem>>
    %dma_wait3A_881 = arith.constant 0 : i32
    %dma_wait3A_882 = tpu.memref_slice %arg5[%dma_wait3A_874, %dma_wait3A_881] : memref<50x128xi32, #tpu.memory_space<vmem>> -> memref<1x128xi32, #tpu.memory_space<vmem>>
    %dma_wait3A_883 = tpu.memref_squeeze %dma_wait3A_882 : memref<1x128xi32, #tpu.memory_space<vmem>> -> memref<128xi32, #tpu.memory_space<vmem>>
    %dma_wait3A_884 = arith.constant 0 : i32
    %dma_wait3A_885 = arith.constant 0 : i32
    %dma_wait3A_886 = tpu.memref_slice %arg2[%dma_wait3A_884, %dma_wait3A_885] : memref<1048576x32xf32, #tpu.memory_space<hbm>> -> memref<1048576x32xf32, #tpu.memory_space<hbm>>
    tpu.wait_indirect_dma semaphore(%arg8 : memref<!tpu.dma_semaphore, #tpu.memory_space<semaphore_mem>>) src(%dma_wait3A_886 : memref<1048576x32xf32, #tpu.memory_space<hbm>>) dst(%dma_wait3A_880 : memref<128x32xf32, #tpu.memory_space<vmem>>)
    %dma_wait3A_887 = arith.constant 12 : i32
    %dma_wait3A_888 = arith.constant 1 : i32
    %dma_wait3A_889 = arith.constant 2 : i32
    %dma_wait3A_890 = arith.constant 0 : i32
    %dma_wait3A_891 = arith.constant 0 : i32
    %dma_wait3A_892 = tpu.memref_slice %arg6[%dma_wait3A_888, %dma_wait3A_889, %dma_wait3A_890, %dma_wait3A_891] : memref<2x10x128x32xf32, #tpu.memory_space<vmem>> -> memref<1x1x128x32xf32, #tpu.memory_space<vmem>>
    %dma_wait3A_893 = tpu.memref_squeeze %dma_wait3A_892 : memref<1x1x128x32xf32, #tpu.memory_space<vmem>> -> memref<128x32xf32, #tpu.memory_space<vmem>>
    %dma_wait3A_894 = arith.constant 0 : i32
    %dma_wait3A_895 = tpu.memref_slice %arg5[%dma_wait3A_887, %dma_wait3A_894] : memref<50x128xi32, #tpu.memory_space<vmem>> -> memref<1x128xi32, #tpu.memory_space<vmem>>
    %dma_wait3A_896 = tpu.memref_squeeze %dma_wait3A_895 : memref<1x128xi32, #tpu.memory_space<vmem>> -> memref<128xi32, #tpu.memory_space<vmem>>
    %dma_wait3A_897 = arith.constant 0 : i32
    %dma_wait3A_898 = arith.constant 0 : i32
    %dma_wait3A_899 = tpu.memref_slice %arg2[%dma_wait3A_897, %dma_wait3A_898] : memref<1048576x32xf32, #tpu.memory_space<hbm>> -> memref<1048576x32xf32, #tpu.memory_space<hbm>>
    tpu.wait_indirect_dma semaphore(%arg8 : memref<!tpu.dma_semaphore, #tpu.memory_space<semaphore_mem>>) src(%dma_wait3A_899 : memref<1048576x32xf32, #tpu.memory_space<hbm>>) dst(%dma_wait3A_893 : memref<128x32xf32, #tpu.memory_space<vmem>>)
    %dma_wait3A_900 = arith.constant 13 : i32
    %dma_wait3A_901 = arith.constant 1 : i32
    %dma_wait3A_902 = arith.constant 3 : i32
    %dma_wait3A_903 = arith.constant 0 : i32
    %dma_wait3A_904 = arith.constant 0 : i32
    %dma_wait3A_905 = tpu.memref_slice %arg6[%dma_wait3A_901, %dma_wait3A_902, %dma_wait3A_903, %dma_wait3A_904] : memref<2x10x128x32xf32, #tpu.memory_space<vmem>> -> memref<1x1x128x32xf32, #tpu.memory_space<vmem>>
    %dma_wait3A_906 = tpu.memref_squeeze %dma_wait3A_905 : memref<1x1x128x32xf32, #tpu.memory_space<vmem>> -> memref<128x32xf32, #tpu.memory_space<vmem>>
    %dma_wait3A_907 = arith.constant 0 : i32
    %dma_wait3A_908 = tpu.memref_slice %arg5[%dma_wait3A_900, %dma_wait3A_907] : memref<50x128xi32, #tpu.memory_space<vmem>> -> memref<1x128xi32, #tpu.memory_space<vmem>>
    %dma_wait3A_909 = tpu.memref_squeeze %dma_wait3A_908 : memref<1x128xi32, #tpu.memory_space<vmem>> -> memref<128xi32, #tpu.memory_space<vmem>>
    %dma_wait3A_910 = arith.constant 0 : i32
    %dma_wait3A_911 = arith.constant 0 : i32
    %dma_wait3A_912 = tpu.memref_slice %arg2[%dma_wait3A_910, %dma_wait3A_911] : memref<1048576x32xf32, #tpu.memory_space<hbm>> -> memref<1048576x32xf32, #tpu.memory_space<hbm>>
    tpu.wait_indirect_dma semaphore(%arg8 : memref<!tpu.dma_semaphore, #tpu.memory_space<semaphore_mem>>) src(%dma_wait3A_912 : memref<1048576x32xf32, #tpu.memory_space<hbm>>) dst(%dma_wait3A_906 : memref<128x32xf32, #tpu.memory_space<vmem>>)
    %dma_wait3A_913 = arith.constant 14 : i32
    %dma_wait3A_914 = arith.constant 1 : i32
    %dma_wait3A_915 = arith.constant 4 : i32
    %dma_wait3A_916 = arith.constant 0 : i32
    %dma_wait3A_917 = arith.constant 0 : i32
    %dma_wait3A_918 = tpu.memref_slice %arg6[%dma_wait3A_914, %dma_wait3A_915, %dma_wait3A_916, %dma_wait3A_917] : memref<2x10x128x32xf32, #tpu.memory_space<vmem>> -> memref<1x1x128x32xf32, #tpu.memory_space<vmem>>
    %dma_wait3A_919 = tpu.memref_squeeze %dma_wait3A_918 : memref<1x1x128x32xf32, #tpu.memory_space<vmem>> -> memref<128x32xf32, #tpu.memory_space<vmem>>
    %dma_wait3A_920 = arith.constant 0 : i32
    %dma_wait3A_921 = tpu.memref_slice %arg5[%dma_wait3A_913, %dma_wait3A_920] : memref<50x128xi32, #tpu.memory_space<vmem>> -> memref<1x128xi32, #tpu.memory_space<vmem>>
    %dma_wait3A_922 = tpu.memref_squeeze %dma_wait3A_921 : memref<1x128xi32, #tpu.memory_space<vmem>> -> memref<128xi32, #tpu.memory_space<vmem>>
    %dma_wait3A_923 = arith.constant 0 : i32
    %dma_wait3A_924 = arith.constant 0 : i32
    %dma_wait3A_925 = tpu.memref_slice %arg2[%dma_wait3A_923, %dma_wait3A_924] : memref<1048576x32xf32, #tpu.memory_space<hbm>> -> memref<1048576x32xf32, #tpu.memory_space<hbm>>
    tpu.wait_indirect_dma semaphore(%arg8 : memref<!tpu.dma_semaphore, #tpu.memory_space<semaphore_mem>>) src(%dma_wait3A_925 : memref<1048576x32xf32, #tpu.memory_space<hbm>>) dst(%dma_wait3A_919 : memref<128x32xf32, #tpu.memory_space<vmem>>)
    %dma_wait3A_926 = arith.constant 15 : i32
    %dma_wait3A_927 = arith.constant 1 : i32
    %dma_wait3A_928 = arith.constant 5 : i32
    %dma_wait3A_929 = arith.constant 0 : i32
    %dma_wait3A_930 = arith.constant 0 : i32
    %dma_wait3A_931 = tpu.memref_slice %arg6[%dma_wait3A_927, %dma_wait3A_928, %dma_wait3A_929, %dma_wait3A_930] : memref<2x10x128x32xf32, #tpu.memory_space<vmem>> -> memref<1x1x128x32xf32, #tpu.memory_space<vmem>>
    %dma_wait3A_932 = tpu.memref_squeeze %dma_wait3A_931 : memref<1x1x128x32xf32, #tpu.memory_space<vmem>> -> memref<128x32xf32, #tpu.memory_space<vmem>>
    %dma_wait3A_933 = arith.constant 0 : i32
    %dma_wait3A_934 = tpu.memref_slice %arg5[%dma_wait3A_926, %dma_wait3A_933] : memref<50x128xi32, #tpu.memory_space<vmem>> -> memref<1x128xi32, #tpu.memory_space<vmem>>
    %dma_wait3A_935 = tpu.memref_squeeze %dma_wait3A_934 : memref<1x128xi32, #tpu.memory_space<vmem>> -> memref<128xi32, #tpu.memory_space<vmem>>
    %dma_wait3A_936 = arith.constant 0 : i32
    %dma_wait3A_937 = arith.constant 0 : i32
    %dma_wait3A_938 = tpu.memref_slice %arg2[%dma_wait3A_936, %dma_wait3A_937] : memref<1048576x32xf32, #tpu.memory_space<hbm>> -> memref<1048576x32xf32, #tpu.memory_space<hbm>>
    tpu.wait_indirect_dma semaphore(%arg8 : memref<!tpu.dma_semaphore, #tpu.memory_space<semaphore_mem>>) src(%dma_wait3A_938 : memref<1048576x32xf32, #tpu.memory_space<hbm>>) dst(%dma_wait3A_932 : memref<128x32xf32, #tpu.memory_space<vmem>>)
    %dma_wait3A_939 = arith.constant 16 : i32
    %dma_wait3A_940 = arith.constant 1 : i32
    %dma_wait3A_941 = arith.constant 6 : i32
    %dma_wait3A_942 = arith.constant 0 : i32
    %dma_wait3A_943 = arith.constant 0 : i32
    %dma_wait3A_944 = tpu.memref_slice %arg6[%dma_wait3A_940, %dma_wait3A_941, %dma_wait3A_942, %dma_wait3A_943] : memref<2x10x128x32xf32, #tpu.memory_space<vmem>> -> memref<1x1x128x32xf32, #tpu.memory_space<vmem>>
    %dma_wait3A_945 = tpu.memref_squeeze %dma_wait3A_944 : memref<1x1x128x32xf32, #tpu.memory_space<vmem>> -> memref<128x32xf32, #tpu.memory_space<vmem>>
    %dma_wait3A_946 = arith.constant 0 : i32
    %dma_wait3A_947 = tpu.memref_slice %arg5[%dma_wait3A_939, %dma_wait3A_946] : memref<50x128xi32, #tpu.memory_space<vmem>> -> memref<1x128xi32, #tpu.memory_space<vmem>>
    %dma_wait3A_948 = tpu.memref_squeeze %dma_wait3A_947 : memref<1x128xi32, #tpu.memory_space<vmem>> -> memref<128xi32, #tpu.memory_space<vmem>>
    %dma_wait3A_949 = arith.constant 0 : i32
    %dma_wait3A_950 = arith.constant 0 : i32
    %dma_wait3A_951 = tpu.memref_slice %arg2[%dma_wait3A_949, %dma_wait3A_950] : memref<1048576x32xf32, #tpu.memory_space<hbm>> -> memref<1048576x32xf32, #tpu.memory_space<hbm>>
    tpu.wait_indirect_dma semaphore(%arg8 : memref<!tpu.dma_semaphore, #tpu.memory_space<semaphore_mem>>) src(%dma_wait3A_951 : memref<1048576x32xf32, #tpu.memory_space<hbm>>) dst(%dma_wait3A_945 : memref<128x32xf32, #tpu.memory_space<vmem>>)
    %dma_wait3A_952 = arith.constant 17 : i32
    %dma_wait3A_953 = arith.constant 1 : i32
    %dma_wait3A_954 = arith.constant 7 : i32
    %dma_wait3A_955 = arith.constant 0 : i32
    %dma_wait3A_956 = arith.constant 0 : i32
    %dma_wait3A_957 = tpu.memref_slice %arg6[%dma_wait3A_953, %dma_wait3A_954, %dma_wait3A_955, %dma_wait3A_956] : memref<2x10x128x32xf32, #tpu.memory_space<vmem>> -> memref<1x1x128x32xf32, #tpu.memory_space<vmem>>
    %dma_wait3A_958 = tpu.memref_squeeze %dma_wait3A_957 : memref<1x1x128x32xf32, #tpu.memory_space<vmem>> -> memref<128x32xf32, #tpu.memory_space<vmem>>
    %dma_wait3A_959 = arith.constant 0 : i32
    %dma_wait3A_960 = tpu.memref_slice %arg5[%dma_wait3A_952, %dma_wait3A_959] : memref<50x128xi32, #tpu.memory_space<vmem>> -> memref<1x128xi32, #tpu.memory_space<vmem>>
    %dma_wait3A_961 = tpu.memref_squeeze %dma_wait3A_960 : memref<1x128xi32, #tpu.memory_space<vmem>> -> memref<128xi32, #tpu.memory_space<vmem>>
    %dma_wait3A_962 = arith.constant 0 : i32
    %dma_wait3A_963 = arith.constant 0 : i32
    %dma_wait3A_964 = tpu.memref_slice %arg2[%dma_wait3A_962, %dma_wait3A_963] : memref<1048576x32xf32, #tpu.memory_space<hbm>> -> memref<1048576x32xf32, #tpu.memory_space<hbm>>
    tpu.wait_indirect_dma semaphore(%arg8 : memref<!tpu.dma_semaphore, #tpu.memory_space<semaphore_mem>>) src(%dma_wait3A_964 : memref<1048576x32xf32, #tpu.memory_space<hbm>>) dst(%dma_wait3A_958 : memref<128x32xf32, #tpu.memory_space<vmem>>)
    %dma_wait3A_965 = arith.constant 18 : i32
    %dma_wait3A_966 = arith.constant 1 : i32
    %dma_wait3A_967 = arith.constant 8 : i32
    %dma_wait3A_968 = arith.constant 0 : i32
    %dma_wait3A_969 = arith.constant 0 : i32
    %dma_wait3A_970 = tpu.memref_slice %arg6[%dma_wait3A_966, %dma_wait3A_967, %dma_wait3A_968, %dma_wait3A_969] : memref<2x10x128x32xf32, #tpu.memory_space<vmem>> -> memref<1x1x128x32xf32, #tpu.memory_space<vmem>>
    %dma_wait3A_971 = tpu.memref_squeeze %dma_wait3A_970 : memref<1x1x128x32xf32, #tpu.memory_space<vmem>> -> memref<128x32xf32, #tpu.memory_space<vmem>>
    %dma_wait3A_972 = arith.constant 0 : i32
    %dma_wait3A_973 = tpu.memref_slice %arg5[%dma_wait3A_965, %dma_wait3A_972] : memref<50x128xi32, #tpu.memory_space<vmem>> -> memref<1x128xi32, #tpu.memory_space<vmem>>
    %dma_wait3A_974 = tpu.memref_squeeze %dma_wait3A_973 : memref<1x128xi32, #tpu.memory_space<vmem>> -> memref<128xi32, #tpu.memory_space<vmem>>
    %dma_wait3A_975 = arith.constant 0 : i32
    %dma_wait3A_976 = arith.constant 0 : i32
    %dma_wait3A_977 = tpu.memref_slice %arg2[%dma_wait3A_975, %dma_wait3A_976] : memref<1048576x32xf32, #tpu.memory_space<hbm>> -> memref<1048576x32xf32, #tpu.memory_space<hbm>>
    tpu.wait_indirect_dma semaphore(%arg8 : memref<!tpu.dma_semaphore, #tpu.memory_space<semaphore_mem>>) src(%dma_wait3A_977 : memref<1048576x32xf32, #tpu.memory_space<hbm>>) dst(%dma_wait3A_971 : memref<128x32xf32, #tpu.memory_space<vmem>>)
    %dma_wait3A_978 = arith.constant 19 : i32
    %dma_wait3A_979 = arith.constant 1 : i32
    %dma_wait3A_980 = arith.constant 9 : i32
    %dma_wait3A_981 = arith.constant 0 : i32
    %dma_wait3A_982 = arith.constant 0 : i32
    %dma_wait3A_983 = tpu.memref_slice %arg6[%dma_wait3A_979, %dma_wait3A_980, %dma_wait3A_981, %dma_wait3A_982] : memref<2x10x128x32xf32, #tpu.memory_space<vmem>> -> memref<1x1x128x32xf32, #tpu.memory_space<vmem>>
    %dma_wait3A_984 = tpu.memref_squeeze %dma_wait3A_983 : memref<1x1x128x32xf32, #tpu.memory_space<vmem>> -> memref<128x32xf32, #tpu.memory_space<vmem>>
    %dma_wait3A_985 = arith.constant 0 : i32
    %dma_wait3A_986 = tpu.memref_slice %arg5[%dma_wait3A_978, %dma_wait3A_985] : memref<50x128xi32, #tpu.memory_space<vmem>> -> memref<1x128xi32, #tpu.memory_space<vmem>>
    %dma_wait3A_987 = tpu.memref_squeeze %dma_wait3A_986 : memref<1x128xi32, #tpu.memory_space<vmem>> -> memref<128xi32, #tpu.memory_space<vmem>>
    %dma_wait3A_988 = arith.constant 0 : i32
    %dma_wait3A_989 = arith.constant 0 : i32
    %dma_wait3A_990 = tpu.memref_slice %arg2[%dma_wait3A_988, %dma_wait3A_989] : memref<1048576x32xf32, #tpu.memory_space<hbm>> -> memref<1048576x32xf32, #tpu.memory_space<hbm>>
    tpu.wait_indirect_dma semaphore(%arg8 : memref<!tpu.dma_semaphore, #tpu.memory_space<semaphore_mem>>) src(%dma_wait3A_990 : memref<1048576x32xf32, #tpu.memory_space<hbm>>) dst(%dma_wait3A_984 : memref<128x32xf32, #tpu.memory_space<vmem>>)
    %dma_start3A_991 = arith.constant 1 : i32
    %dma_start3A_992 = arith.constant 0 : i32
    %dma_start3A_993 = arith.constant 10 : i32
    %dma_start3A_994 = arith.constant 0 : i32
    %dma_start3A_995 = arith.constant 0 : i32
    %dma_start3A_996 = tpu.memref_slice %arg6[%dma_start3A_991, %dma_start3A_992, %dma_start3A_994, %dma_start3A_995] : memref<2x10x128x32xf32, #tpu.memory_space<vmem>> -> memref<1x1x128x32xf32, #tpu.memory_space<vmem>>
    %dma_start3A_997 = tpu.memref_squeeze %dma_start3A_996 : memref<1x1x128x32xf32, #tpu.memory_space<vmem>> -> memref<128x32xf32, #tpu.memory_space<vmem>>
    %dma_start3A_998 = arith.constant 0 : i32
    %dma_start3A_999 = tpu.memref_slice %arg4[%mul3A_2, %dma_start3A_993, %dma_start3A_998] : memref<4096x50x32xf32, #tpu.memory_space<hbm>> -> memref<128x1x32xf32, #tpu.memory_space<hbm>>
    %dma_start3A_1000 = tpu.memref_squeeze %dma_start3A_999 : memref<128x1x32xf32, #tpu.memory_space<hbm>> -> memref<128x32xf32, #tpu.memory_space<hbm>>
    %dma_start3A_1001 = arith.constant 0 : i32
    %dma_start3A_1002 = tpu.memref_slice %arg4[%mul3A_2, %dma_start3A_993, %dma_start3A_1001] : memref<4096x50x32xf32, #tpu.memory_space<hbm>> -> memref<128x1x32xf32, #tpu.memory_space<hbm>>
    %dma_start3A_1003 = tpu.memref_squeeze %dma_start3A_1002 : memref<128x1x32xf32, #tpu.memory_space<hbm>> -> memref<128x32xf32, #tpu.memory_space<hbm>>
    %dma_start3A_1004 = arith.constant 0 : i32
    %dma_start3A_1005 = arith.constant 0 : i32
    %dma_start3A_1006 = tpu.memref_slice %arg6[%dma_start3A_991, %dma_start3A_992, %dma_start3A_1004, %dma_start3A_1005] : memref<2x10x128x32xf32, #tpu.memory_space<vmem>> -> memref<1x1x128x32xf32, #tpu.memory_space<vmem>>
    %dma_start3A_1007 = tpu.memref_squeeze %dma_start3A_1006 : memref<1x1x128x32xf32, #tpu.memory_space<vmem>> -> memref<128x32xf32, #tpu.memory_space<vmem>>
    tpu.enqueue_dma source(%dma_start3A_1007 : memref<128x32xf32, #tpu.memory_space<vmem>>) target(%dma_start3A_1003 : memref<128x32xf32, #tpu.memory_space<hbm>>) target_semaphore(%arg10 : memref<!tpu.dma_semaphore, #tpu.memory_space<semaphore_mem>>)
    %dma_start3A_1008 = arith.constant 1 : i32
    %dma_start3A_1009 = arith.constant 1 : i32
    %dma_start3A_1010 = arith.constant 11 : i32
    %dma_start3A_1011 = arith.constant 0 : i32
    %dma_start3A_1012 = arith.constant 0 : i32
    %dma_start3A_1013 = tpu.memref_slice %arg6[%dma_start3A_1008, %dma_start3A_1009, %dma_start3A_1011, %dma_start3A_1012] : memref<2x10x128x32xf32, #tpu.memory_space<vmem>> -> memref<1x1x128x32xf32, #tpu.memory_space<vmem>>
    %dma_start3A_1014 = tpu.memref_squeeze %dma_start3A_1013 : memref<1x1x128x32xf32, #tpu.memory_space<vmem>> -> memref<128x32xf32, #tpu.memory_space<vmem>>
    %dma_start3A_1015 = arith.constant 0 : i32
    %dma_start3A_1016 = tpu.memref_slice %arg4[%mul3A_2, %dma_start3A_1010, %dma_start3A_1015] : memref<4096x50x32xf32, #tpu.memory_space<hbm>> -> memref<128x1x32xf32, #tpu.memory_space<hbm>>
    %dma_start3A_1017 = tpu.memref_squeeze %dma_start3A_1016 : memref<128x1x32xf32, #tpu.memory_space<hbm>> -> memref<128x32xf32, #tpu.memory_space<hbm>>
    %dma_start3A_1018 = arith.constant 0 : i32
    %dma_start3A_1019 = tpu.memref_slice %arg4[%mul3A_2, %dma_start3A_1010, %dma_start3A_1018] : memref<4096x50x32xf32, #tpu.memory_space<hbm>> -> memref<128x1x32xf32, #tpu.memory_space<hbm>>
    %dma_start3A_1020 = tpu.memref_squeeze %dma_start3A_1019 : memref<128x1x32xf32, #tpu.memory_space<hbm>> -> memref<128x32xf32, #tpu.memory_space<hbm>>
    %dma_start3A_1021 = arith.constant 0 : i32
    %dma_start3A_1022 = arith.constant 0 : i32
    %dma_start3A_1023 = tpu.memref_slice %arg6[%dma_start3A_1008, %dma_start3A_1009, %dma_start3A_1021, %dma_start3A_1022] : memref<2x10x128x32xf32, #tpu.memory_space<vmem>> -> memref<1x1x128x32xf32, #tpu.memory_space<vmem>>
    %dma_start3A_1024 = tpu.memref_squeeze %dma_start3A_1023 : memref<1x1x128x32xf32, #tpu.memory_space<vmem>> -> memref<128x32xf32, #tpu.memory_space<vmem>>
    tpu.enqueue_dma source(%dma_start3A_1024 : memref<128x32xf32, #tpu.memory_space<vmem>>) target(%dma_start3A_1020 : memref<128x32xf32, #tpu.memory_space<hbm>>) target_semaphore(%arg10 : memref<!tpu.dma_semaphore, #tpu.memory_space<semaphore_mem>>)
    %dma_start3A_1025 = arith.constant 1 : i32
    %dma_start3A_1026 = arith.constant 2 : i32
    %dma_start3A_1027 = arith.constant 12 : i32
    %dma_start3A_1028 = arith.constant 0 : i32
    %dma_start3A_1029 = arith.constant 0 : i32
    %dma_start3A_1030 = tpu.memref_slice %arg6[%dma_start3A_1025, %dma_start3A_1026, %dma_start3A_1028, %dma_start3A_1029] : memref<2x10x128x32xf32, #tpu.memory_space<vmem>> -> memref<1x1x128x32xf32, #tpu.memory_space<vmem>>
    %dma_start3A_1031 = tpu.memref_squeeze %dma_start3A_1030 : memref<1x1x128x32xf32, #tpu.memory_space<vmem>> -> memref<128x32xf32, #tpu.memory_space<vmem>>
    %dma_start3A_1032 = arith.constant 0 : i32
    %dma_start3A_1033 = tpu.memref_slice %arg4[%mul3A_2, %dma_start3A_1027, %dma_start3A_1032] : memref<4096x50x32xf32, #tpu.memory_space<hbm>> -> memref<128x1x32xf32, #tpu.memory_space<hbm>>
    %dma_start3A_1034 = tpu.memref_squeeze %dma_start3A_1033 : memref<128x1x32xf32, #tpu.memory_space<hbm>> -> memref<128x32xf32, #tpu.memory_space<hbm>>
    %dma_start3A_1035 = arith.constant 0 : i32
    %dma_start3A_1036 = tpu.memref_slice %arg4[%mul3A_2, %dma_start3A_1027, %dma_start3A_1035] : memref<4096x50x32xf32, #tpu.memory_space<hbm>> -> memref<128x1x32xf32, #tpu.memory_space<hbm>>
    %dma_start3A_1037 = tpu.memref_squeeze %dma_start3A_1036 : memref<128x1x32xf32, #tpu.memory_space<hbm>> -> memref<128x32xf32, #tpu.memory_space<hbm>>
    %dma_start3A_1038 = arith.constant 0 : i32
    %dma_start3A_1039 = arith.constant 0 : i32
    %dma_start3A_1040 = tpu.memref_slice %arg6[%dma_start3A_1025, %dma_start3A_1026, %dma_start3A_1038, %dma_start3A_1039] : memref<2x10x128x32xf32, #tpu.memory_space<vmem>> -> memref<1x1x128x32xf32, #tpu.memory_space<vmem>>
    %dma_start3A_1041 = tpu.memref_squeeze %dma_start3A_1040 : memref<1x1x128x32xf32, #tpu.memory_space<vmem>> -> memref<128x32xf32, #tpu.memory_space<vmem>>
    tpu.enqueue_dma source(%dma_start3A_1041 : memref<128x32xf32, #tpu.memory_space<vmem>>) target(%dma_start3A_1037 : memref<128x32xf32, #tpu.memory_space<hbm>>) target_semaphore(%arg10 : memref<!tpu.dma_semaphore, #tpu.memory_space<semaphore_mem>>)
    %dma_start3A_1042 = arith.constant 1 : i32
    %dma_start3A_1043 = arith.constant 3 : i32
    %dma_start3A_1044 = arith.constant 13 : i32
    %dma_start3A_1045 = arith.constant 0 : i32
    %dma_start3A_1046 = arith.constant 0 : i32
    %dma_start3A_1047 = tpu.memref_slice %arg6[%dma_start3A_1042, %dma_start3A_1043, %dma_start3A_1045, %dma_start3A_1046] : memref<2x10x128x32xf32, #tpu.memory_space<vmem>> -> memref<1x1x128x32xf32, #tpu.memory_space<vmem>>
    %dma_start3A_1048 = tpu.memref_squeeze %dma_start3A_1047 : memref<1x1x128x32xf32, #tpu.memory_space<vmem>> -> memref<128x32xf32, #tpu.memory_space<vmem>>
    %dma_start3A_1049 = arith.constant 0 : i32
    %dma_start3A_1050 = tpu.memref_slice %arg4[%mul3A_2, %dma_start3A_1044, %dma_start3A_1049] : memref<4096x50x32xf32, #tpu.memory_space<hbm>> -> memref<128x1x32xf32, #tpu.memory_space<hbm>>
    %dma_start3A_1051 = tpu.memref_squeeze %dma_start3A_1050 : memref<128x1x32xf32, #tpu.memory_space<hbm>> -> memref<128x32xf32, #tpu.memory_space<hbm>>
    %dma_start3A_1052 = arith.constant 0 : i32
    %dma_start3A_1053 = tpu.memref_slice %arg4[%mul3A_2, %dma_start3A_1044, %dma_start3A_1052] : memref<4096x50x32xf32, #tpu.memory_space<hbm>> -> memref<128x1x32xf32, #tpu.memory_space<hbm>>
    %dma_start3A_1054 = tpu.memref_squeeze %dma_start3A_1053 : memref<128x1x32xf32, #tpu.memory_space<hbm>> -> memref<128x32xf32, #tpu.memory_space<hbm>>
    %dma_start3A_1055 = arith.constant 0 : i32
    %dma_start3A_1056 = arith.constant 0 : i32
    %dma_start3A_1057 = tpu.memref_slice %arg6[%dma_start3A_1042, %dma_start3A_1043, %dma_start3A_1055, %dma_start3A_1056] : memref<2x10x128x32xf32, #tpu.memory_space<vmem>> -> memref<1x1x128x32xf32, #tpu.memory_space<vmem>>
    %dma_start3A_1058 = tpu.memref_squeeze %dma_start3A_1057 : memref<1x1x128x32xf32, #tpu.memory_space<vmem>> -> memref<128x32xf32, #tpu.memory_space<vmem>>
    tpu.enqueue_dma source(%dma_start3A_1058 : memref<128x32xf32, #tpu.memory_space<vmem>>) target(%dma_start3A_1054 : memref<128x32xf32, #tpu.memory_space<hbm>>) target_semaphore(%arg10 : memref<!tpu.dma_semaphore, #tpu.memory_space<semaphore_mem>>)
    %dma_start3A_1059 = arith.constant 1 : i32
    %dma_start3A_1060 = arith.constant 4 : i32
    %dma_start3A_1061 = arith.constant 14 : i32
    %dma_start3A_1062 = arith.constant 0 : i32
    %dma_start3A_1063 = arith.constant 0 : i32
    %dma_start3A_1064 = tpu.memref_slice %arg6[%dma_start3A_1059, %dma_start3A_1060, %dma_start3A_1062, %dma_start3A_1063] : memref<2x10x128x32xf32, #tpu.memory_space<vmem>> -> memref<1x1x128x32xf32, #tpu.memory_space<vmem>>
    %dma_start3A_1065 = tpu.memref_squeeze %dma_start3A_1064 : memref<1x1x128x32xf32, #tpu.memory_space<vmem>> -> memref<128x32xf32, #tpu.memory_space<vmem>>
    %dma_start3A_1066 = arith.constant 0 : i32
    %dma_start3A_1067 = tpu.memref_slice %arg4[%mul3A_2, %dma_start3A_1061, %dma_start3A_1066] : memref<4096x50x32xf32, #tpu.memory_space<hbm>> -> memref<128x1x32xf32, #tpu.memory_space<hbm>>
    %dma_start3A_1068 = tpu.memref_squeeze %dma_start3A_1067 : memref<128x1x32xf32, #tpu.memory_space<hbm>> -> memref<128x32xf32, #tpu.memory_space<hbm>>
    %dma_start3A_1069 = arith.constant 0 : i32
    %dma_start3A_1070 = tpu.memref_slice %arg4[%mul3A_2, %dma_start3A_1061, %dma_start3A_1069] : memref<4096x50x32xf32, #tpu.memory_space<hbm>> -> memref<128x1x32xf32, #tpu.memory_space<hbm>>
    %dma_start3A_1071 = tpu.memref_squeeze %dma_start3A_1070 : memref<128x1x32xf32, #tpu.memory_space<hbm>> -> memref<128x32xf32, #tpu.memory_space<hbm>>
    %dma_start3A_1072 = arith.constant 0 : i32
    %dma_start3A_1073 = arith.constant 0 : i32
    %dma_start3A_1074 = tpu.memref_slice %arg6[%dma_start3A_1059, %dma_start3A_1060, %dma_start3A_1072, %dma_start3A_1073] : memref<2x10x128x32xf32, #tpu.memory_space<vmem>> -> memref<1x1x128x32xf32, #tpu.memory_space<vmem>>
    %dma_start3A_1075 = tpu.memref_squeeze %dma_start3A_1074 : memref<1x1x128x32xf32, #tpu.memory_space<vmem>> -> memref<128x32xf32, #tpu.memory_space<vmem>>
    tpu.enqueue_dma source(%dma_start3A_1075 : memref<128x32xf32, #tpu.memory_space<vmem>>) target(%dma_start3A_1071 : memref<128x32xf32, #tpu.memory_space<hbm>>) target_semaphore(%arg10 : memref<!tpu.dma_semaphore, #tpu.memory_space<semaphore_mem>>)
    %dma_start3A_1076 = arith.constant 1 : i32
    %dma_start3A_1077 = arith.constant 5 : i32
    %dma_start3A_1078 = arith.constant 15 : i32
    %dma_start3A_1079 = arith.constant 0 : i32
    %dma_start3A_1080 = arith.constant 0 : i32
    %dma_start3A_1081 = tpu.memref_slice %arg6[%dma_start3A_1076, %dma_start3A_1077, %dma_start3A_1079, %dma_start3A_1080] : memref<2x10x128x32xf32, #tpu.memory_space<vmem>> -> memref<1x1x128x32xf32, #tpu.memory_space<vmem>>
    %dma_start3A_1082 = tpu.memref_squeeze %dma_start3A_1081 : memref<1x1x128x32xf32, #tpu.memory_space<vmem>> -> memref<128x32xf32, #tpu.memory_space<vmem>>
    %dma_start3A_1083 = arith.constant 0 : i32
    %dma_start3A_1084 = tpu.memref_slice %arg4[%mul3A_2, %dma_start3A_1078, %dma_start3A_1083] : memref<4096x50x32xf32, #tpu.memory_space<hbm>> -> memref<128x1x32xf32, #tpu.memory_space<hbm>>
    %dma_start3A_1085 = tpu.memref_squeeze %dma_start3A_1084 : memref<128x1x32xf32, #tpu.memory_space<hbm>> -> memref<128x32xf32, #tpu.memory_space<hbm>>
    %dma_start3A_1086 = arith.constant 0 : i32
    %dma_start3A_1087 = tpu.memref_slice %arg4[%mul3A_2, %dma_start3A_1078, %dma_start3A_1086] : memref<4096x50x32xf32, #tpu.memory_space<hbm>> -> memref<128x1x32xf32, #tpu.memory_space<hbm>>
    %dma_start3A_1088 = tpu.memref_squeeze %dma_start3A_1087 : memref<128x1x32xf32, #tpu.memory_space<hbm>> -> memref<128x32xf32, #tpu.memory_space<hbm>>
    %dma_start3A_1089 = arith.constant 0 : i32
    %dma_start3A_1090 = arith.constant 0 : i32
    %dma_start3A_1091 = tpu.memref_slice %arg6[%dma_start3A_1076, %dma_start3A_1077, %dma_start3A_1089, %dma_start3A_1090] : memref<2x10x128x32xf32, #tpu.memory_space<vmem>> -> memref<1x1x128x32xf32, #tpu.memory_space<vmem>>
    %dma_start3A_1092 = tpu.memref_squeeze %dma_start3A_1091 : memref<1x1x128x32xf32, #tpu.memory_space<vmem>> -> memref<128x32xf32, #tpu.memory_space<vmem>>
    tpu.enqueue_dma source(%dma_start3A_1092 : memref<128x32xf32, #tpu.memory_space<vmem>>) target(%dma_start3A_1088 : memref<128x32xf32, #tpu.memory_space<hbm>>) target_semaphore(%arg10 : memref<!tpu.dma_semaphore, #tpu.memory_space<semaphore_mem>>)
    %dma_start3A_1093 = arith.constant 1 : i32
    %dma_start3A_1094 = arith.constant 6 : i32
    %dma_start3A_1095 = arith.constant 16 : i32
    %dma_start3A_1096 = arith.constant 0 : i32
    %dma_start3A_1097 = arith.constant 0 : i32
    %dma_start3A_1098 = tpu.memref_slice %arg6[%dma_start3A_1093, %dma_start3A_1094, %dma_start3A_1096, %dma_start3A_1097] : memref<2x10x128x32xf32, #tpu.memory_space<vmem>> -> memref<1x1x128x32xf32, #tpu.memory_space<vmem>>
    %dma_start3A_1099 = tpu.memref_squeeze %dma_start3A_1098 : memref<1x1x128x32xf32, #tpu.memory_space<vmem>> -> memref<128x32xf32, #tpu.memory_space<vmem>>
    %dma_start3A_1100 = arith.constant 0 : i32
    %dma_start3A_1101 = tpu.memref_slice %arg4[%mul3A_2, %dma_start3A_1095, %dma_start3A_1100] : memref<4096x50x32xf32, #tpu.memory_space<hbm>> -> memref<128x1x32xf32, #tpu.memory_space<hbm>>
    %dma_start3A_1102 = tpu.memref_squeeze %dma_start3A_1101 : memref<128x1x32xf32, #tpu.memory_space<hbm>> -> memref<128x32xf32, #tpu.memory_space<hbm>>
    %dma_start3A_1103 = arith.constant 0 : i32
    %dma_start3A_1104 = tpu.memref_slice %arg4[%mul3A_2, %dma_start3A_1095, %dma_start3A_1103] : memref<4096x50x32xf32, #tpu.memory_space<hbm>> -> memref<128x1x32xf32, #tpu.memory_space<hbm>>
    %dma_start3A_1105 = tpu.memref_squeeze %dma_start3A_1104 : memref<128x1x32xf32, #tpu.memory_space<hbm>> -> memref<128x32xf32, #tpu.memory_space<hbm>>
    %dma_start3A_1106 = arith.constant 0 : i32
    %dma_start3A_1107 = arith.constant 0 : i32
    %dma_start3A_1108 = tpu.memref_slice %arg6[%dma_start3A_1093, %dma_start3A_1094, %dma_start3A_1106, %dma_start3A_1107] : memref<2x10x128x32xf32, #tpu.memory_space<vmem>> -> memref<1x1x128x32xf32, #tpu.memory_space<vmem>>
    %dma_start3A_1109 = tpu.memref_squeeze %dma_start3A_1108 : memref<1x1x128x32xf32, #tpu.memory_space<vmem>> -> memref<128x32xf32, #tpu.memory_space<vmem>>
    tpu.enqueue_dma source(%dma_start3A_1109 : memref<128x32xf32, #tpu.memory_space<vmem>>) target(%dma_start3A_1105 : memref<128x32xf32, #tpu.memory_space<hbm>>) target_semaphore(%arg10 : memref<!tpu.dma_semaphore, #tpu.memory_space<semaphore_mem>>)
    %dma_start3A_1110 = arith.constant 1 : i32
    %dma_start3A_1111 = arith.constant 7 : i32
    %dma_start3A_1112 = arith.constant 17 : i32
    %dma_start3A_1113 = arith.constant 0 : i32
    %dma_start3A_1114 = arith.constant 0 : i32
    %dma_start3A_1115 = tpu.memref_slice %arg6[%dma_start3A_1110, %dma_start3A_1111, %dma_start3A_1113, %dma_start3A_1114] : memref<2x10x128x32xf32, #tpu.memory_space<vmem>> -> memref<1x1x128x32xf32, #tpu.memory_space<vmem>>
    %dma_start3A_1116 = tpu.memref_squeeze %dma_start3A_1115 : memref<1x1x128x32xf32, #tpu.memory_space<vmem>> -> memref<128x32xf32, #tpu.memory_space<vmem>>
    %dma_start3A_1117 = arith.constant 0 : i32
    %dma_start3A_1118 = tpu.memref_slice %arg4[%mul3A_2, %dma_start3A_1112, %dma_start3A_1117] : memref<4096x50x32xf32, #tpu.memory_space<hbm>> -> memref<128x1x32xf32, #tpu.memory_space<hbm>>
    %dma_start3A_1119 = tpu.memref_squeeze %dma_start3A_1118 : memref<128x1x32xf32, #tpu.memory_space<hbm>> -> memref<128x32xf32, #tpu.memory_space<hbm>>
    %dma_start3A_1120 = arith.constant 0 : i32
    %dma_start3A_1121 = tpu.memref_slice %arg4[%mul3A_2, %dma_start3A_1112, %dma_start3A_1120] : memref<4096x50x32xf32, #tpu.memory_space<hbm>> -> memref<128x1x32xf32, #tpu.memory_space<hbm>>
    %dma_start3A_1122 = tpu.memref_squeeze %dma_start3A_1121 : memref<128x1x32xf32, #tpu.memory_space<hbm>> -> memref<128x32xf32, #tpu.memory_space<hbm>>
    %dma_start3A_1123 = arith.constant 0 : i32
    %dma_start3A_1124 = arith.constant 0 : i32
    %dma_start3A_1125 = tpu.memref_slice %arg6[%dma_start3A_1110, %dma_start3A_1111, %dma_start3A_1123, %dma_start3A_1124] : memref<2x10x128x32xf32, #tpu.memory_space<vmem>> -> memref<1x1x128x32xf32, #tpu.memory_space<vmem>>
    %dma_start3A_1126 = tpu.memref_squeeze %dma_start3A_1125 : memref<1x1x128x32xf32, #tpu.memory_space<vmem>> -> memref<128x32xf32, #tpu.memory_space<vmem>>
    tpu.enqueue_dma source(%dma_start3A_1126 : memref<128x32xf32, #tpu.memory_space<vmem>>) target(%dma_start3A_1122 : memref<128x32xf32, #tpu.memory_space<hbm>>) target_semaphore(%arg10 : memref<!tpu.dma_semaphore, #tpu.memory_space<semaphore_mem>>)
    %dma_start3A_1127 = arith.constant 1 : i32
    %dma_start3A_1128 = arith.constant 8 : i32
    %dma_start3A_1129 = arith.constant 18 : i32
    %dma_start3A_1130 = arith.constant 0 : i32
    %dma_start3A_1131 = arith.constant 0 : i32
    %dma_start3A_1132 = tpu.memref_slice %arg6[%dma_start3A_1127, %dma_start3A_1128, %dma_start3A_1130, %dma_start3A_1131] : memref<2x10x128x32xf32, #tpu.memory_space<vmem>> -> memref<1x1x128x32xf32, #tpu.memory_space<vmem>>
    %dma_start3A_1133 = tpu.memref_squeeze %dma_start3A_1132 : memref<1x1x128x32xf32, #tpu.memory_space<vmem>> -> memref<128x32xf32, #tpu.memory_space<vmem>>
    %dma_start3A_1134 = arith.constant 0 : i32
    %dma_start3A_1135 = tpu.memref_slice %arg4[%mul3A_2, %dma_start3A_1129, %dma_start3A_1134] : memref<4096x50x32xf32, #tpu.memory_space<hbm>> -> memref<128x1x32xf32, #tpu.memory_space<hbm>>
    %dma_start3A_1136 = tpu.memref_squeeze %dma_start3A_1135 : memref<128x1x32xf32, #tpu.memory_space<hbm>> -> memref<128x32xf32, #tpu.memory_space<hbm>>
    %dma_start3A_1137 = arith.constant 0 : i32
    %dma_start3A_1138 = tpu.memref_slice %arg4[%mul3A_2, %dma_start3A_1129, %dma_start3A_1137] : memref<4096x50x32xf32, #tpu.memory_space<hbm>> -> memref<128x1x32xf32, #tpu.memory_space<hbm>>
    %dma_start3A_1139 = tpu.memref_squeeze %dma_start3A_1138 : memref<128x1x32xf32, #tpu.memory_space<hbm>> -> memref<128x32xf32, #tpu.memory_space<hbm>>
    %dma_start3A_1140 = arith.constant 0 : i32
    %dma_start3A_1141 = arith.constant 0 : i32
    %dma_start3A_1142 = tpu.memref_slice %arg6[%dma_start3A_1127, %dma_start3A_1128, %dma_start3A_1140, %dma_start3A_1141] : memref<2x10x128x32xf32, #tpu.memory_space<vmem>> -> memref<1x1x128x32xf32, #tpu.memory_space<vmem>>
    %dma_start3A_1143 = tpu.memref_squeeze %dma_start3A_1142 : memref<1x1x128x32xf32, #tpu.memory_space<vmem>> -> memref<128x32xf32, #tpu.memory_space<vmem>>
    tpu.enqueue_dma source(%dma_start3A_1143 : memref<128x32xf32, #tpu.memory_space<vmem>>) target(%dma_start3A_1139 : memref<128x32xf32, #tpu.memory_space<hbm>>) target_semaphore(%arg10 : memref<!tpu.dma_semaphore, #tpu.memory_space<semaphore_mem>>)
    %dma_start3A_1144 = arith.constant 1 : i32
    %dma_start3A_1145 = arith.constant 9 : i32
    %dma_start3A_1146 = arith.constant 19 : i32
    %dma_start3A_1147 = arith.constant 0 : i32
    %dma_start3A_1148 = arith.constant 0 : i32
    %dma_start3A_1149 = tpu.memref_slice %arg6[%dma_start3A_1144, %dma_start3A_1145, %dma_start3A_1147, %dma_start3A_1148] : memref<2x10x128x32xf32, #tpu.memory_space<vmem>> -> memref<1x1x128x32xf32, #tpu.memory_space<vmem>>
    %dma_start3A_1150 = tpu.memref_squeeze %dma_start3A_1149 : memref<1x1x128x32xf32, #tpu.memory_space<vmem>> -> memref<128x32xf32, #tpu.memory_space<vmem>>
    %dma_start3A_1151 = arith.constant 0 : i32
    %dma_start3A_1152 = tpu.memref_slice %arg4[%mul3A_2, %dma_start3A_1146, %dma_start3A_1151] : memref<4096x50x32xf32, #tpu.memory_space<hbm>> -> memref<128x1x32xf32, #tpu.memory_space<hbm>>
    %dma_start3A_1153 = tpu.memref_squeeze %dma_start3A_1152 : memref<128x1x32xf32, #tpu.memory_space<hbm>> -> memref<128x32xf32, #tpu.memory_space<hbm>>
    %dma_start3A_1154 = arith.constant 0 : i32
    %dma_start3A_1155 = tpu.memref_slice %arg4[%mul3A_2, %dma_start3A_1146, %dma_start3A_1154] : memref<4096x50x32xf32, #tpu.memory_space<hbm>> -> memref<128x1x32xf32, #tpu.memory_space<hbm>>
    %dma_start3A_1156 = tpu.memref_squeeze %dma_start3A_1155 : memref<128x1x32xf32, #tpu.memory_space<hbm>> -> memref<128x32xf32, #tpu.memory_space<hbm>>
    %dma_start3A_1157 = arith.constant 0 : i32
    %dma_start3A_1158 = arith.constant 0 : i32
    %dma_start3A_1159 = tpu.memref_slice %arg6[%dma_start3A_1144, %dma_start3A_1145, %dma_start3A_1157, %dma_start3A_1158] : memref<2x10x128x32xf32, #tpu.memory_space<vmem>> -> memref<1x1x128x32xf32, #tpu.memory_space<vmem>>
    %dma_start3A_1160 = tpu.memref_squeeze %dma_start3A_1159 : memref<1x1x128x32xf32, #tpu.memory_space<vmem>> -> memref<128x32xf32, #tpu.memory_space<vmem>>
    tpu.enqueue_dma source(%dma_start3A_1160 : memref<128x32xf32, #tpu.memory_space<vmem>>) target(%dma_start3A_1156 : memref<128x32xf32, #tpu.memory_space<hbm>>) target_semaphore(%arg10 : memref<!tpu.dma_semaphore, #tpu.memory_space<semaphore_mem>>)
    %dma_wait3A_1161 = arith.constant 1 : i32
    %dma_wait3A_1162 = arith.constant 0 : i32
    %dma_wait3A_1163 = arith.constant 10 : i32
    %dma_wait3A_1164 = arith.constant 0 : i32
    %dma_wait3A_1165 = arith.constant 0 : i32
    %dma_wait3A_1166 = tpu.memref_slice %arg6[%dma_wait3A_1161, %dma_wait3A_1162, %dma_wait3A_1164, %dma_wait3A_1165] : memref<2x10x128x32xf32, #tpu.memory_space<vmem>> -> memref<1x1x128x32xf32, #tpu.memory_space<vmem>>
    %dma_wait3A_1167 = tpu.memref_squeeze %dma_wait3A_1166 : memref<1x1x128x32xf32, #tpu.memory_space<vmem>> -> memref<128x32xf32, #tpu.memory_space<vmem>>
    %dma_wait3A_1168 = arith.constant 0 : i32
    %dma_wait3A_1169 = tpu.memref_slice %arg4[%mul3A_2, %dma_wait3A_1163, %dma_wait3A_1168] : memref<4096x50x32xf32, #tpu.memory_space<hbm>> -> memref<128x1x32xf32, #tpu.memory_space<hbm>>
    %dma_wait3A_1170 = tpu.memref_squeeze %dma_wait3A_1169 : memref<128x1x32xf32, #tpu.memory_space<hbm>> -> memref<128x32xf32, #tpu.memory_space<hbm>>
    %dma_wait3A_1171 = arith.constant 0 : i32
    %dma_wait3A_1172 = tpu.memref_slice %arg4[%mul3A_2, %dma_wait3A_1163, %dma_wait3A_1171] : memref<4096x50x32xf32, #tpu.memory_space<hbm>> -> memref<128x1x32xf32, #tpu.memory_space<hbm>>
    %dma_wait3A_1173 = tpu.memref_squeeze %dma_wait3A_1172 : memref<128x1x32xf32, #tpu.memory_space<hbm>> -> memref<128x32xf32, #tpu.memory_space<hbm>>
    %dma_wait3A_1174 = arith.constant 0 : i32
    %dma_wait3A_1175 = arith.constant 0 : i32
    %dma_wait3A_1176 = tpu.memref_slice %arg6[%dma_wait3A_1161, %dma_wait3A_1162, %dma_wait3A_1174, %dma_wait3A_1175] : memref<2x10x128x32xf32, #tpu.memory_space<vmem>> -> memref<1x1x128x32xf32, #tpu.memory_space<vmem>>
    %dma_wait3A_1177 = tpu.memref_squeeze %dma_wait3A_1176 : memref<1x1x128x32xf32, #tpu.memory_space<vmem>> -> memref<128x32xf32, #tpu.memory_space<vmem>>
    tpu.wait_dma2 semaphore(%arg10 : memref<!tpu.dma_semaphore, #tpu.memory_space<semaphore_mem>>) src(%dma_wait3A_1177 : memref<128x32xf32, #tpu.memory_space<vmem>>) dst(%dma_wait3A_1173 : memref<128x32xf32, #tpu.memory_space<hbm>>)
    %dma_wait3A_1178 = arith.constant 1 : i32
    %dma_wait3A_1179 = arith.constant 1 : i32
    %dma_wait3A_1180 = arith.constant 11 : i32
    %dma_wait3A_1181 = arith.constant 0 : i32
    %dma_wait3A_1182 = arith.constant 0 : i32
    %dma_wait3A_1183 = tpu.memref_slice %arg6[%dma_wait3A_1178, %dma_wait3A_1179, %dma_wait3A_1181, %dma_wait3A_1182] : memref<2x10x128x32xf32, #tpu.memory_space<vmem>> -> memref<1x1x128x32xf32, #tpu.memory_space<vmem>>
    %dma_wait3A_1184 = tpu.memref_squeeze %dma_wait3A_1183 : memref<1x1x128x32xf32, #tpu.memory_space<vmem>> -> memref<128x32xf32, #tpu.memory_space<vmem>>
    %dma_wait3A_1185 = arith.constant 0 : i32
    %dma_wait3A_1186 = tpu.memref_slice %arg4[%mul3A_2, %dma_wait3A_1180, %dma_wait3A_1185] : memref<4096x50x32xf32, #tpu.memory_space<hbm>> -> memref<128x1x32xf32, #tpu.memory_space<hbm>>
    %dma_wait3A_1187 = tpu.memref_squeeze %dma_wait3A_1186 : memref<128x1x32xf32, #tpu.memory_space<hbm>> -> memref<128x32xf32, #tpu.memory_space<hbm>>
    %dma_wait3A_1188 = arith.constant 0 : i32
    %dma_wait3A_1189 = tpu.memref_slice %arg4[%mul3A_2, %dma_wait3A_1180, %dma_wait3A_1188] : memref<4096x50x32xf32, #tpu.memory_space<hbm>> -> memref<128x1x32xf32, #tpu.memory_space<hbm>>
    %dma_wait3A_1190 = tpu.memref_squeeze %dma_wait3A_1189 : memref<128x1x32xf32, #tpu.memory_space<hbm>> -> memref<128x32xf32, #tpu.memory_space<hbm>>
    %dma_wait3A_1191 = arith.constant 0 : i32
    %dma_wait3A_1192 = arith.constant 0 : i32
    %dma_wait3A_1193 = tpu.memref_slice %arg6[%dma_wait3A_1178, %dma_wait3A_1179, %dma_wait3A_1191, %dma_wait3A_1192] : memref<2x10x128x32xf32, #tpu.memory_space<vmem>> -> memref<1x1x128x32xf32, #tpu.memory_space<vmem>>
    %dma_wait3A_1194 = tpu.memref_squeeze %dma_wait3A_1193 : memref<1x1x128x32xf32, #tpu.memory_space<vmem>> -> memref<128x32xf32, #tpu.memory_space<vmem>>
    tpu.wait_dma2 semaphore(%arg10 : memref<!tpu.dma_semaphore, #tpu.memory_space<semaphore_mem>>) src(%dma_wait3A_1194 : memref<128x32xf32, #tpu.memory_space<vmem>>) dst(%dma_wait3A_1190 : memref<128x32xf32, #tpu.memory_space<hbm>>)
    %dma_wait3A_1195 = arith.constant 1 : i32
    %dma_wait3A_1196 = arith.constant 2 : i32
    %dma_wait3A_1197 = arith.constant 12 : i32
    %dma_wait3A_1198 = arith.constant 0 : i32
    %dma_wait3A_1199 = arith.constant 0 : i32
    %dma_wait3A_1200 = tpu.memref_slice %arg6[%dma_wait3A_1195, %dma_wait3A_1196, %dma_wait3A_1198, %dma_wait3A_1199] : memref<2x10x128x32xf32, #tpu.memory_space<vmem>> -> memref<1x1x128x32xf32, #tpu.memory_space<vmem>>
    %dma_wait3A_1201 = tpu.memref_squeeze %dma_wait3A_1200 : memref<1x1x128x32xf32, #tpu.memory_space<vmem>> -> memref<128x32xf32, #tpu.memory_space<vmem>>
    %dma_wait3A_1202 = arith.constant 0 : i32
    %dma_wait3A_1203 = tpu.memref_slice %arg4[%mul3A_2, %dma_wait3A_1197, %dma_wait3A_1202] : memref<4096x50x32xf32, #tpu.memory_space<hbm>> -> memref<128x1x32xf32, #tpu.memory_space<hbm>>
    %dma_wait3A_1204 = tpu.memref_squeeze %dma_wait3A_1203 : memref<128x1x32xf32, #tpu.memory_space<hbm>> -> memref<128x32xf32, #tpu.memory_space<hbm>>
    %dma_wait3A_1205 = arith.constant 0 : i32
    %dma_wait3A_1206 = tpu.memref_slice %arg4[%mul3A_2, %dma_wait3A_1197, %dma_wait3A_1205] : memref<4096x50x32xf32, #tpu.memory_space<hbm>> -> memref<128x1x32xf32, #tpu.memory_space<hbm>>
    %dma_wait3A_1207 = tpu.memref_squeeze %dma_wait3A_1206 : memref<128x1x32xf32, #tpu.memory_space<hbm>> -> memref<128x32xf32, #tpu.memory_space<hbm>>
    %dma_wait3A_1208 = arith.constant 0 : i32
    %dma_wait3A_1209 = arith.constant 0 : i32
    %dma_wait3A_1210 = tpu.memref_slice %arg6[%dma_wait3A_1195, %dma_wait3A_1196, %dma_wait3A_1208, %dma_wait3A_1209] : memref<2x10x128x32xf32, #tpu.memory_space<vmem>> -> memref<1x1x128x32xf32, #tpu.memory_space<vmem>>
    %dma_wait3A_1211 = tpu.memref_squeeze %dma_wait3A_1210 : memref<1x1x128x32xf32, #tpu.memory_space<vmem>> -> memref<128x32xf32, #tpu.memory_space<vmem>>
    tpu.wait_dma2 semaphore(%arg10 : memref<!tpu.dma_semaphore, #tpu.memory_space<semaphore_mem>>) src(%dma_wait3A_1211 : memref<128x32xf32, #tpu.memory_space<vmem>>) dst(%dma_wait3A_1207 : memref<128x32xf32, #tpu.memory_space<hbm>>)
    %dma_wait3A_1212 = arith.constant 1 : i32
    %dma_wait3A_1213 = arith.constant 3 : i32
    %dma_wait3A_1214 = arith.constant 13 : i32
    %dma_wait3A_1215 = arith.constant 0 : i32
    %dma_wait3A_1216 = arith.constant 0 : i32
    %dma_wait3A_1217 = tpu.memref_slice %arg6[%dma_wait3A_1212, %dma_wait3A_1213, %dma_wait3A_1215, %dma_wait3A_1216] : memref<2x10x128x32xf32, #tpu.memory_space<vmem>> -> memref<1x1x128x32xf32, #tpu.memory_space<vmem>>
    %dma_wait3A_1218 = tpu.memref_squeeze %dma_wait3A_1217 : memref<1x1x128x32xf32, #tpu.memory_space<vmem>> -> memref<128x32xf32, #tpu.memory_space<vmem>>
    %dma_wait3A_1219 = arith.constant 0 : i32
    %dma_wait3A_1220 = tpu.memref_slice %arg4[%mul3A_2, %dma_wait3A_1214, %dma_wait3A_1219] : memref<4096x50x32xf32, #tpu.memory_space<hbm>> -> memref<128x1x32xf32, #tpu.memory_space<hbm>>
    %dma_wait3A_1221 = tpu.memref_squeeze %dma_wait3A_1220 : memref<128x1x32xf32, #tpu.memory_space<hbm>> -> memref<128x32xf32, #tpu.memory_space<hbm>>
    %dma_wait3A_1222 = arith.constant 0 : i32
    %dma_wait3A_1223 = tpu.memref_slice %arg4[%mul3A_2, %dma_wait3A_1214, %dma_wait3A_1222] : memref<4096x50x32xf32, #tpu.memory_space<hbm>> -> memref<128x1x32xf32, #tpu.memory_space<hbm>>
    %dma_wait3A_1224 = tpu.memref_squeeze %dma_wait3A_1223 : memref<128x1x32xf32, #tpu.memory_space<hbm>> -> memref<128x32xf32, #tpu.memory_space<hbm>>
    %dma_wait3A_1225 = arith.constant 0 : i32
    %dma_wait3A_1226 = arith.constant 0 : i32
    %dma_wait3A_1227 = tpu.memref_slice %arg6[%dma_wait3A_1212, %dma_wait3A_1213, %dma_wait3A_1225, %dma_wait3A_1226] : memref<2x10x128x32xf32, #tpu.memory_space<vmem>> -> memref<1x1x128x32xf32, #tpu.memory_space<vmem>>
    %dma_wait3A_1228 = tpu.memref_squeeze %dma_wait3A_1227 : memref<1x1x128x32xf32, #tpu.memory_space<vmem>> -> memref<128x32xf32, #tpu.memory_space<vmem>>
    tpu.wait_dma2 semaphore(%arg10 : memref<!tpu.dma_semaphore, #tpu.memory_space<semaphore_mem>>) src(%dma_wait3A_1228 : memref<128x32xf32, #tpu.memory_space<vmem>>) dst(%dma_wait3A_1224 : memref<128x32xf32, #tpu.memory_space<hbm>>)
    %dma_wait3A_1229 = arith.constant 1 : i32
    %dma_wait3A_1230 = arith.constant 4 : i32
    %dma_wait3A_1231 = arith.constant 14 : i32
    %dma_wait3A_1232 = arith.constant 0 : i32
    %dma_wait3A_1233 = arith.constant 0 : i32
    %dma_wait3A_1234 = tpu.memref_slice %arg6[%dma_wait3A_1229, %dma_wait3A_1230, %dma_wait3A_1232, %dma_wait3A_1233] : memref<2x10x128x32xf32, #tpu.memory_space<vmem>> -> memref<1x1x128x32xf32, #tpu.memory_space<vmem>>
    %dma_wait3A_1235 = tpu.memref_squeeze %dma_wait3A_1234 : memref<1x1x128x32xf32, #tpu.memory_space<vmem>> -> memref<128x32xf32, #tpu.memory_space<vmem>>
    %dma_wait3A_1236 = arith.constant 0 : i32
    %dma_wait3A_1237 = tpu.memref_slice %arg4[%mul3A_2, %dma_wait3A_1231, %dma_wait3A_1236] : memref<4096x50x32xf32, #tpu.memory_space<hbm>> -> memref<128x1x32xf32, #tpu.memory_space<hbm>>
    %dma_wait3A_1238 = tpu.memref_squeeze %dma_wait3A_1237 : memref<128x1x32xf32, #tpu.memory_space<hbm>> -> memref<128x32xf32, #tpu.memory_space<hbm>>
    %dma_wait3A_1239 = arith.constant 0 : i32
    %dma_wait3A_1240 = tpu.memref_slice %arg4[%mul3A_2, %dma_wait3A_1231, %dma_wait3A_1239] : memref<4096x50x32xf32, #tpu.memory_space<hbm>> -> memref<128x1x32xf32, #tpu.memory_space<hbm>>
    %dma_wait3A_1241 = tpu.memref_squeeze %dma_wait3A_1240 : memref<128x1x32xf32, #tpu.memory_space<hbm>> -> memref<128x32xf32, #tpu.memory_space<hbm>>
    %dma_wait3A_1242 = arith.constant 0 : i32
    %dma_wait3A_1243 = arith.constant 0 : i32
    %dma_wait3A_1244 = tpu.memref_slice %arg6[%dma_wait3A_1229, %dma_wait3A_1230, %dma_wait3A_1242, %dma_wait3A_1243] : memref<2x10x128x32xf32, #tpu.memory_space<vmem>> -> memref<1x1x128x32xf32, #tpu.memory_space<vmem>>
    %dma_wait3A_1245 = tpu.memref_squeeze %dma_wait3A_1244 : memref<1x1x128x32xf32, #tpu.memory_space<vmem>> -> memref<128x32xf32, #tpu.memory_space<vmem>>
    tpu.wait_dma2 semaphore(%arg10 : memref<!tpu.dma_semaphore, #tpu.memory_space<semaphore_mem>>) src(%dma_wait3A_1245 : memref<128x32xf32, #tpu.memory_space<vmem>>) dst(%dma_wait3A_1241 : memref<128x32xf32, #tpu.memory_space<hbm>>)
    %dma_wait3A_1246 = arith.constant 1 : i32
    %dma_wait3A_1247 = arith.constant 5 : i32
    %dma_wait3A_1248 = arith.constant 15 : i32
    %dma_wait3A_1249 = arith.constant 0 : i32
    %dma_wait3A_1250 = arith.constant 0 : i32
    %dma_wait3A_1251 = tpu.memref_slice %arg6[%dma_wait3A_1246, %dma_wait3A_1247, %dma_wait3A_1249, %dma_wait3A_1250] : memref<2x10x128x32xf32, #tpu.memory_space<vmem>> -> memref<1x1x128x32xf32, #tpu.memory_space<vmem>>
    %dma_wait3A_1252 = tpu.memref_squeeze %dma_wait3A_1251 : memref<1x1x128x32xf32, #tpu.memory_space<vmem>> -> memref<128x32xf32, #tpu.memory_space<vmem>>
    %dma_wait3A_1253 = arith.constant 0 : i32
    %dma_wait3A_1254 = tpu.memref_slice %arg4[%mul3A_2, %dma_wait3A_1248, %dma_wait3A_1253] : memref<4096x50x32xf32, #tpu.memory_space<hbm>> -> memref<128x1x32xf32, #tpu.memory_space<hbm>>
    %dma_wait3A_1255 = tpu.memref_squeeze %dma_wait3A_1254 : memref<128x1x32xf32, #tpu.memory_space<hbm>> -> memref<128x32xf32, #tpu.memory_space<hbm>>
    %dma_wait3A_1256 = arith.constant 0 : i32
    %dma_wait3A_1257 = tpu.memref_slice %arg4[%mul3A_2, %dma_wait3A_1248, %dma_wait3A_1256] : memref<4096x50x32xf32, #tpu.memory_space<hbm>> -> memref<128x1x32xf32, #tpu.memory_space<hbm>>
    %dma_wait3A_1258 = tpu.memref_squeeze %dma_wait3A_1257 : memref<128x1x32xf32, #tpu.memory_space<hbm>> -> memref<128x32xf32, #tpu.memory_space<hbm>>
    %dma_wait3A_1259 = arith.constant 0 : i32
    %dma_wait3A_1260 = arith.constant 0 : i32
    %dma_wait3A_1261 = tpu.memref_slice %arg6[%dma_wait3A_1246, %dma_wait3A_1247, %dma_wait3A_1259, %dma_wait3A_1260] : memref<2x10x128x32xf32, #tpu.memory_space<vmem>> -> memref<1x1x128x32xf32, #tpu.memory_space<vmem>>
    %dma_wait3A_1262 = tpu.memref_squeeze %dma_wait3A_1261 : memref<1x1x128x32xf32, #tpu.memory_space<vmem>> -> memref<128x32xf32, #tpu.memory_space<vmem>>
    tpu.wait_dma2 semaphore(%arg10 : memref<!tpu.dma_semaphore, #tpu.memory_space<semaphore_mem>>) src(%dma_wait3A_1262 : memref<128x32xf32, #tpu.memory_space<vmem>>) dst(%dma_wait3A_1258 : memref<128x32xf32, #tpu.memory_space<hbm>>)
    %dma_wait3A_1263 = arith.constant 1 : i32
    %dma_wait3A_1264 = arith.constant 6 : i32
    %dma_wait3A_1265 = arith.constant 16 : i32
    %dma_wait3A_1266 = arith.constant 0 : i32
    %dma_wait3A_1267 = arith.constant 0 : i32
    %dma_wait3A_1268 = tpu.memref_slice %arg6[%dma_wait3A_1263, %dma_wait3A_1264, %dma_wait3A_1266, %dma_wait3A_1267] : memref<2x10x128x32xf32, #tpu.memory_space<vmem>> -> memref<1x1x128x32xf32, #tpu.memory_space<vmem>>
    %dma_wait3A_1269 = tpu.memref_squeeze %dma_wait3A_1268 : memref<1x1x128x32xf32, #tpu.memory_space<vmem>> -> memref<128x32xf32, #tpu.memory_space<vmem>>
    %dma_wait3A_1270 = arith.constant 0 : i32
    %dma_wait3A_1271 = tpu.memref_slice %arg4[%mul3A_2, %dma_wait3A_1265, %dma_wait3A_1270] : memref<4096x50x32xf32, #tpu.memory_space<hbm>> -> memref<128x1x32xf32, #tpu.memory_space<hbm>>
    %dma_wait3A_1272 = tpu.memref_squeeze %dma_wait3A_1271 : memref<128x1x32xf32, #tpu.memory_space<hbm>> -> memref<128x32xf32, #tpu.memory_space<hbm>>
    %dma_wait3A_1273 = arith.constant 0 : i32
    %dma_wait3A_1274 = tpu.memref_slice %arg4[%mul3A_2, %dma_wait3A_1265, %dma_wait3A_1273] : memref<4096x50x32xf32, #tpu.memory_space<hbm>> -> memref<128x1x32xf32, #tpu.memory_space<hbm>>
    %dma_wait3A_1275 = tpu.memref_squeeze %dma_wait3A_1274 : memref<128x1x32xf32, #tpu.memory_space<hbm>> -> memref<128x32xf32, #tpu.memory_space<hbm>>
    %dma_wait3A_1276 = arith.constant 0 : i32
    %dma_wait3A_1277 = arith.constant 0 : i32
    %dma_wait3A_1278 = tpu.memref_slice %arg6[%dma_wait3A_1263, %dma_wait3A_1264, %dma_wait3A_1276, %dma_wait3A_1277] : memref<2x10x128x32xf32, #tpu.memory_space<vmem>> -> memref<1x1x128x32xf32, #tpu.memory_space<vmem>>
    %dma_wait3A_1279 = tpu.memref_squeeze %dma_wait3A_1278 : memref<1x1x128x32xf32, #tpu.memory_space<vmem>> -> memref<128x32xf32, #tpu.memory_space<vmem>>
    tpu.wait_dma2 semaphore(%arg10 : memref<!tpu.dma_semaphore, #tpu.memory_space<semaphore_mem>>) src(%dma_wait3A_1279 : memref<128x32xf32, #tpu.memory_space<vmem>>) dst(%dma_wait3A_1275 : memref<128x32xf32, #tpu.memory_space<hbm>>)
    %dma_wait3A_1280 = arith.constant 1 : i32
    %dma_wait3A_1281 = arith.constant 7 : i32
    %dma_wait3A_1282 = arith.constant 17 : i32
    %dma_wait3A_1283 = arith.constant 0 : i32
    %dma_wait3A_1284 = arith.constant 0 : i32
    %dma_wait3A_1285 = tpu.memref_slice %arg6[%dma_wait3A_1280, %dma_wait3A_1281, %dma_wait3A_1283, %dma_wait3A_1284] : memref<2x10x128x32xf32, #tpu.memory_space<vmem>> -> memref<1x1x128x32xf32, #tpu.memory_space<vmem>>
    %dma_wait3A_1286 = tpu.memref_squeeze %dma_wait3A_1285 : memref<1x1x128x32xf32, #tpu.memory_space<vmem>> -> memref<128x32xf32, #tpu.memory_space<vmem>>
    %dma_wait3A_1287 = arith.constant 0 : i32
    %dma_wait3A_1288 = tpu.memref_slice %arg4[%mul3A_2, %dma_wait3A_1282, %dma_wait3A_1287] : memref<4096x50x32xf32, #tpu.memory_space<hbm>> -> memref<128x1x32xf32, #tpu.memory_space<hbm>>
    %dma_wait3A_1289 = tpu.memref_squeeze %dma_wait3A_1288 : memref<128x1x32xf32, #tpu.memory_space<hbm>> -> memref<128x32xf32, #tpu.memory_space<hbm>>
    %dma_wait3A_1290 = arith.constant 0 : i32
    %dma_wait3A_1291 = tpu.memref_slice %arg4[%mul3A_2, %dma_wait3A_1282, %dma_wait3A_1290] : memref<4096x50x32xf32, #tpu.memory_space<hbm>> -> memref<128x1x32xf32, #tpu.memory_space<hbm>>
    %dma_wait3A_1292 = tpu.memref_squeeze %dma_wait3A_1291 : memref<128x1x32xf32, #tpu.memory_space<hbm>> -> memref<128x32xf32, #tpu.memory_space<hbm>>
    %dma_wait3A_1293 = arith.constant 0 : i32
    %dma_wait3A_1294 = arith.constant 0 : i32
    %dma_wait3A_1295 = tpu.memref_slice %arg6[%dma_wait3A_1280, %dma_wait3A_1281, %dma_wait3A_1293, %dma_wait3A_1294] : memref<2x10x128x32xf32, #tpu.memory_space<vmem>> -> memref<1x1x128x32xf32, #tpu.memory_space<vmem>>
    %dma_wait3A_1296 = tpu.memref_squeeze %dma_wait3A_1295 : memref<1x1x128x32xf32, #tpu.memory_space<vmem>> -> memref<128x32xf32, #tpu.memory_space<vmem>>
    tpu.wait_dma2 semaphore(%arg10 : memref<!tpu.dma_semaphore, #tpu.memory_space<semaphore_mem>>) src(%dma_wait3A_1296 : memref<128x32xf32, #tpu.memory_space<vmem>>) dst(%dma_wait3A_1292 : memref<128x32xf32, #tpu.memory_space<hbm>>)
    %dma_wait3A_1297 = arith.constant 1 : i32
    %dma_wait3A_1298 = arith.constant 8 : i32
    %dma_wait3A_1299 = arith.constant 18 : i32
    %dma_wait3A_1300 = arith.constant 0 : i32
    %dma_wait3A_1301 = arith.constant 0 : i32
    %dma_wait3A_1302 = tpu.memref_slice %arg6[%dma_wait3A_1297, %dma_wait3A_1298, %dma_wait3A_1300, %dma_wait3A_1301] : memref<2x10x128x32xf32, #tpu.memory_space<vmem>> -> memref<1x1x128x32xf32, #tpu.memory_space<vmem>>
    %dma_wait3A_1303 = tpu.memref_squeeze %dma_wait3A_1302 : memref<1x1x128x32xf32, #tpu.memory_space<vmem>> -> memref<128x32xf32, #tpu.memory_space<vmem>>
    %dma_wait3A_1304 = arith.constant 0 : i32
    %dma_wait3A_1305 = tpu.memref_slice %arg4[%mul3A_2, %dma_wait3A_1299, %dma_wait3A_1304] : memref<4096x50x32xf32, #tpu.memory_space<hbm>> -> memref<128x1x32xf32, #tpu.memory_space<hbm>>
    %dma_wait3A_1306 = tpu.memref_squeeze %dma_wait3A_1305 : memref<128x1x32xf32, #tpu.memory_space<hbm>> -> memref<128x32xf32, #tpu.memory_space<hbm>>
    %dma_wait3A_1307 = arith.constant 0 : i32
    %dma_wait3A_1308 = tpu.memref_slice %arg4[%mul3A_2, %dma_wait3A_1299, %dma_wait3A_1307] : memref<4096x50x32xf32, #tpu.memory_space<hbm>> -> memref<128x1x32xf32, #tpu.memory_space<hbm>>
    %dma_wait3A_1309 = tpu.memref_squeeze %dma_wait3A_1308 : memref<128x1x32xf32, #tpu.memory_space<hbm>> -> memref<128x32xf32, #tpu.memory_space<hbm>>
    %dma_wait3A_1310 = arith.constant 0 : i32
    %dma_wait3A_1311 = arith.constant 0 : i32
    %dma_wait3A_1312 = tpu.memref_slice %arg6[%dma_wait3A_1297, %dma_wait3A_1298, %dma_wait3A_1310, %dma_wait3A_1311] : memref<2x10x128x32xf32, #tpu.memory_space<vmem>> -> memref<1x1x128x32xf32, #tpu.memory_space<vmem>>
    %dma_wait3A_1313 = tpu.memref_squeeze %dma_wait3A_1312 : memref<1x1x128x32xf32, #tpu.memory_space<vmem>> -> memref<128x32xf32, #tpu.memory_space<vmem>>
    tpu.wait_dma2 semaphore(%arg10 : memref<!tpu.dma_semaphore, #tpu.memory_space<semaphore_mem>>) src(%dma_wait3A_1313 : memref<128x32xf32, #tpu.memory_space<vmem>>) dst(%dma_wait3A_1309 : memref<128x32xf32, #tpu.memory_space<hbm>>)
    %dma_wait3A_1314 = arith.constant 1 : i32
    %dma_wait3A_1315 = arith.constant 9 : i32
    %dma_wait3A_1316 = arith.constant 19 : i32
    %dma_wait3A_1317 = arith.constant 0 : i32
    %dma_wait3A_1318 = arith.constant 0 : i32
    %dma_wait3A_1319 = tpu.memref_slice %arg6[%dma_wait3A_1314, %dma_wait3A_1315, %dma_wait3A_1317, %dma_wait3A_1318] : memref<2x10x128x32xf32, #tpu.memory_space<vmem>> -> memref<1x1x128x32xf32, #tpu.memory_space<vmem>>
    %dma_wait3A_1320 = tpu.memref_squeeze %dma_wait3A_1319 : memref<1x1x128x32xf32, #tpu.memory_space<vmem>> -> memref<128x32xf32, #tpu.memory_space<vmem>>
    %dma_wait3A_1321 = arith.constant 0 : i32
    %dma_wait3A_1322 = tpu.memref_slice %arg4[%mul3A_2, %dma_wait3A_1316, %dma_wait3A_1321] : memref<4096x50x32xf32, #tpu.memory_space<hbm>> -> memref<128x1x32xf32, #tpu.memory_space<hbm>>
    %dma_wait3A_1323 = tpu.memref_squeeze %dma_wait3A_1322 : memref<128x1x32xf32, #tpu.memory_space<hbm>> -> memref<128x32xf32, #tpu.memory_space<hbm>>
    %dma_wait3A_1324 = arith.constant 0 : i32
    %dma_wait3A_1325 = tpu.memref_slice %arg4[%mul3A_2, %dma_wait3A_1316, %dma_wait3A_1324] : memref<4096x50x32xf32, #tpu.memory_space<hbm>> -> memref<128x1x32xf32, #tpu.memory_space<hbm>>
    %dma_wait3A_1326 = tpu.memref_squeeze %dma_wait3A_1325 : memref<128x1x32xf32, #tpu.memory_space<hbm>> -> memref<128x32xf32, #tpu.memory_space<hbm>>
    %dma_wait3A_1327 = arith.constant 0 : i32
    %dma_wait3A_1328 = arith.constant 0 : i32
    %dma_wait3A_1329 = tpu.memref_slice %arg6[%dma_wait3A_1314, %dma_wait3A_1315, %dma_wait3A_1327, %dma_wait3A_1328] : memref<2x10x128x32xf32, #tpu.memory_space<vmem>> -> memref<1x1x128x32xf32, #tpu.memory_space<vmem>>
    %dma_wait3A_1330 = tpu.memref_squeeze %dma_wait3A_1329 : memref<1x1x128x32xf32, #tpu.memory_space<vmem>> -> memref<128x32xf32, #tpu.memory_space<vmem>>
    tpu.wait_dma2 semaphore(%arg10 : memref<!tpu.dma_semaphore, #tpu.memory_space<semaphore_mem>>) src(%dma_wait3A_1330 : memref<128x32xf32, #tpu.memory_space<vmem>>) dst(%dma_wait3A_1326 : memref<128x32xf32, #tpu.memory_space<hbm>>)
    %dma_start3A_1331 = arith.constant 30 : i32
    %dma_start3A_1332 = arith.constant 1 : i32
    %dma_start3A_1333 = arith.constant 0 : i32
    %dma_start3A_1334 = arith.constant 0 : i32
    %dma_start3A_1335 = arith.constant 0 : i32
    %dma_start3A_1336 = tpu.memref_slice %arg6[%dma_start3A_1332, %dma_start3A_1333, %dma_start3A_1334, %dma_start3A_1335] : memref<2x10x128x32xf32, #tpu.memory_space<vmem>> -> memref<1x1x128x32xf32, #tpu.memory_space<vmem>>
    %dma_start3A_1337 = tpu.memref_squeeze %dma_start3A_1336 : memref<1x1x128x32xf32, #tpu.memory_space<vmem>> -> memref<128x32xf32, #tpu.memory_space<vmem>>
    %dma_start3A_1338 = arith.constant 0 : i32
    %dma_start3A_1339 = tpu.memref_slice %arg5[%dma_start3A_1331, %dma_start3A_1338] : memref<50x128xi32, #tpu.memory_space<vmem>> -> memref<1x128xi32, #tpu.memory_space<vmem>>
    %dma_start3A_1340 = tpu.memref_squeeze %dma_start3A_1339 : memref<1x128xi32, #tpu.memory_space<vmem>> -> memref<128xi32, #tpu.memory_space<vmem>>
    %dma_start3A_1341 = arith.constant 0 : i32
    %dma_start3A_1342 = arith.constant 0 : i32
    %dma_start3A_1343 = tpu.memref_slice %arg2[%dma_start3A_1341, %dma_start3A_1342] : memref<1048576x32xf32, #tpu.memory_space<hbm>> -> memref<1048576x32xf32, #tpu.memory_space<hbm>>
    tpu.enqueue_indirect_dma source(%dma_start3A_1343 : memref<1048576x32xf32, #tpu.memory_space<hbm>>) target(%dma_start3A_1337 : memref<128x32xf32, #tpu.memory_space<vmem>>) offsets(%dma_start3A_1340 : memref<128xi32, #tpu.memory_space<vmem>>) semaphore(%arg8 : memref<!tpu.dma_semaphore, #tpu.memory_space<semaphore_mem>>)
    %dma_start3A_1344 = arith.constant 31 : i32
    %dma_start3A_1345 = arith.constant 1 : i32
    %dma_start3A_1346 = arith.constant 1 : i32
    %dma_start3A_1347 = arith.constant 0 : i32
    %dma_start3A_1348 = arith.constant 0 : i32
    %dma_start3A_1349 = tpu.memref_slice %arg6[%dma_start3A_1345, %dma_start3A_1346, %dma_start3A_1347, %dma_start3A_1348] : memref<2x10x128x32xf32, #tpu.memory_space<vmem>> -> memref<1x1x128x32xf32, #tpu.memory_space<vmem>>
    %dma_start3A_1350 = tpu.memref_squeeze %dma_start3A_1349 : memref<1x1x128x32xf32, #tpu.memory_space<vmem>> -> memref<128x32xf32, #tpu.memory_space<vmem>>
    %dma_start3A_1351 = arith.constant 0 : i32
    %dma_start3A_1352 = tpu.memref_slice %arg5[%dma_start3A_1344, %dma_start3A_1351] : memref<50x128xi32, #tpu.memory_space<vmem>> -> memref<1x128xi32, #tpu.memory_space<vmem>>
    %dma_start3A_1353 = tpu.memref_squeeze %dma_start3A_1352 : memref<1x128xi32, #tpu.memory_space<vmem>> -> memref<128xi32, #tpu.memory_space<vmem>>
    %dma_start3A_1354 = arith.constant 0 : i32
    %dma_start3A_1355 = arith.constant 0 : i32
    %dma_start3A_1356 = tpu.memref_slice %arg2[%dma_start3A_1354, %dma_start3A_1355] : memref<1048576x32xf32, #tpu.memory_space<hbm>> -> memref<1048576x32xf32, #tpu.memory_space<hbm>>
    tpu.enqueue_indirect_dma source(%dma_start3A_1356 : memref<1048576x32xf32, #tpu.memory_space<hbm>>) target(%dma_start3A_1350 : memref<128x32xf32, #tpu.memory_space<vmem>>) offsets(%dma_start3A_1353 : memref<128xi32, #tpu.memory_space<vmem>>) semaphore(%arg8 : memref<!tpu.dma_semaphore, #tpu.memory_space<semaphore_mem>>)
    %dma_start3A_1357 = arith.constant 32 : i32
    %dma_start3A_1358 = arith.constant 1 : i32
    %dma_start3A_1359 = arith.constant 2 : i32
    %dma_start3A_1360 = arith.constant 0 : i32
    %dma_start3A_1361 = arith.constant 0 : i32
    %dma_start3A_1362 = tpu.memref_slice %arg6[%dma_start3A_1358, %dma_start3A_1359, %dma_start3A_1360, %dma_start3A_1361] : memref<2x10x128x32xf32, #tpu.memory_space<vmem>> -> memref<1x1x128x32xf32, #tpu.memory_space<vmem>>
    %dma_start3A_1363 = tpu.memref_squeeze %dma_start3A_1362 : memref<1x1x128x32xf32, #tpu.memory_space<vmem>> -> memref<128x32xf32, #tpu.memory_space<vmem>>
    %dma_start3A_1364 = arith.constant 0 : i32
    %dma_start3A_1365 = tpu.memref_slice %arg5[%dma_start3A_1357, %dma_start3A_1364] : memref<50x128xi32, #tpu.memory_space<vmem>> -> memref<1x128xi32, #tpu.memory_space<vmem>>
    %dma_start3A_1366 = tpu.memref_squeeze %dma_start3A_1365 : memref<1x128xi32, #tpu.memory_space<vmem>> -> memref<128xi32, #tpu.memory_space<vmem>>
    %dma_start3A_1367 = arith.constant 0 : i32
    %dma_start3A_1368 = arith.constant 0 : i32
    %dma_start3A_1369 = tpu.memref_slice %arg2[%dma_start3A_1367, %dma_start3A_1368] : memref<1048576x32xf32, #tpu.memory_space<hbm>> -> memref<1048576x32xf32, #tpu.memory_space<hbm>>
    tpu.enqueue_indirect_dma source(%dma_start3A_1369 : memref<1048576x32xf32, #tpu.memory_space<hbm>>) target(%dma_start3A_1363 : memref<128x32xf32, #tpu.memory_space<vmem>>) offsets(%dma_start3A_1366 : memref<128xi32, #tpu.memory_space<vmem>>) semaphore(%arg8 : memref<!tpu.dma_semaphore, #tpu.memory_space<semaphore_mem>>)
    %dma_start3A_1370 = arith.constant 33 : i32
    %dma_start3A_1371 = arith.constant 1 : i32
    %dma_start3A_1372 = arith.constant 3 : i32
    %dma_start3A_1373 = arith.constant 0 : i32
    %dma_start3A_1374 = arith.constant 0 : i32
    %dma_start3A_1375 = tpu.memref_slice %arg6[%dma_start3A_1371, %dma_start3A_1372, %dma_start3A_1373, %dma_start3A_1374] : memref<2x10x128x32xf32, #tpu.memory_space<vmem>> -> memref<1x1x128x32xf32, #tpu.memory_space<vmem>>
    %dma_start3A_1376 = tpu.memref_squeeze %dma_start3A_1375 : memref<1x1x128x32xf32, #tpu.memory_space<vmem>> -> memref<128x32xf32, #tpu.memory_space<vmem>>
    %dma_start3A_1377 = arith.constant 0 : i32
    %dma_start3A_1378 = tpu.memref_slice %arg5[%dma_start3A_1370, %dma_start3A_1377] : memref<50x128xi32, #tpu.memory_space<vmem>> -> memref<1x128xi32, #tpu.memory_space<vmem>>
    %dma_start3A_1379 = tpu.memref_squeeze %dma_start3A_1378 : memref<1x128xi32, #tpu.memory_space<vmem>> -> memref<128xi32, #tpu.memory_space<vmem>>
    %dma_start3A_1380 = arith.constant 0 : i32
    %dma_start3A_1381 = arith.constant 0 : i32
    %dma_start3A_1382 = tpu.memref_slice %arg2[%dma_start3A_1380, %dma_start3A_1381] : memref<1048576x32xf32, #tpu.memory_space<hbm>> -> memref<1048576x32xf32, #tpu.memory_space<hbm>>
    tpu.enqueue_indirect_dma source(%dma_start3A_1382 : memref<1048576x32xf32, #tpu.memory_space<hbm>>) target(%dma_start3A_1376 : memref<128x32xf32, #tpu.memory_space<vmem>>) offsets(%dma_start3A_1379 : memref<128xi32, #tpu.memory_space<vmem>>) semaphore(%arg8 : memref<!tpu.dma_semaphore, #tpu.memory_space<semaphore_mem>>)
    %dma_start3A_1383 = arith.constant 34 : i32
    %dma_start3A_1384 = arith.constant 1 : i32
    %dma_start3A_1385 = arith.constant 4 : i32
    %dma_start3A_1386 = arith.constant 0 : i32
    %dma_start3A_1387 = arith.constant 0 : i32
    %dma_start3A_1388 = tpu.memref_slice %arg6[%dma_start3A_1384, %dma_start3A_1385, %dma_start3A_1386, %dma_start3A_1387] : memref<2x10x128x32xf32, #tpu.memory_space<vmem>> -> memref<1x1x128x32xf32, #tpu.memory_space<vmem>>
    %dma_start3A_1389 = tpu.memref_squeeze %dma_start3A_1388 : memref<1x1x128x32xf32, #tpu.memory_space<vmem>> -> memref<128x32xf32, #tpu.memory_space<vmem>>
    %dma_start3A_1390 = arith.constant 0 : i32
    %dma_start3A_1391 = tpu.memref_slice %arg5[%dma_start3A_1383, %dma_start3A_1390] : memref<50x128xi32, #tpu.memory_space<vmem>> -> memref<1x128xi32, #tpu.memory_space<vmem>>
    %dma_start3A_1392 = tpu.memref_squeeze %dma_start3A_1391 : memref<1x128xi32, #tpu.memory_space<vmem>> -> memref<128xi32, #tpu.memory_space<vmem>>
    %dma_start3A_1393 = arith.constant 0 : i32
    %dma_start3A_1394 = arith.constant 0 : i32
    %dma_start3A_1395 = tpu.memref_slice %arg2[%dma_start3A_1393, %dma_start3A_1394] : memref<1048576x32xf32, #tpu.memory_space<hbm>> -> memref<1048576x32xf32, #tpu.memory_space<hbm>>
    tpu.enqueue_indirect_dma source(%dma_start3A_1395 : memref<1048576x32xf32, #tpu.memory_space<hbm>>) target(%dma_start3A_1389 : memref<128x32xf32, #tpu.memory_space<vmem>>) offsets(%dma_start3A_1392 : memref<128xi32, #tpu.memory_space<vmem>>) semaphore(%arg8 : memref<!tpu.dma_semaphore, #tpu.memory_space<semaphore_mem>>)
    %dma_start3A_1396 = arith.constant 35 : i32
    %dma_start3A_1397 = arith.constant 1 : i32
    %dma_start3A_1398 = arith.constant 5 : i32
    %dma_start3A_1399 = arith.constant 0 : i32
    %dma_start3A_1400 = arith.constant 0 : i32
    %dma_start3A_1401 = tpu.memref_slice %arg6[%dma_start3A_1397, %dma_start3A_1398, %dma_start3A_1399, %dma_start3A_1400] : memref<2x10x128x32xf32, #tpu.memory_space<vmem>> -> memref<1x1x128x32xf32, #tpu.memory_space<vmem>>
    %dma_start3A_1402 = tpu.memref_squeeze %dma_start3A_1401 : memref<1x1x128x32xf32, #tpu.memory_space<vmem>> -> memref<128x32xf32, #tpu.memory_space<vmem>>
    %dma_start3A_1403 = arith.constant 0 : i32
    %dma_start3A_1404 = tpu.memref_slice %arg5[%dma_start3A_1396, %dma_start3A_1403] : memref<50x128xi32, #tpu.memory_space<vmem>> -> memref<1x128xi32, #tpu.memory_space<vmem>>
    %dma_start3A_1405 = tpu.memref_squeeze %dma_start3A_1404 : memref<1x128xi32, #tpu.memory_space<vmem>> -> memref<128xi32, #tpu.memory_space<vmem>>
    %dma_start3A_1406 = arith.constant 0 : i32
    %dma_start3A_1407 = arith.constant 0 : i32
    %dma_start3A_1408 = tpu.memref_slice %arg2[%dma_start3A_1406, %dma_start3A_1407] : memref<1048576x32xf32, #tpu.memory_space<hbm>> -> memref<1048576x32xf32, #tpu.memory_space<hbm>>
    tpu.enqueue_indirect_dma source(%dma_start3A_1408 : memref<1048576x32xf32, #tpu.memory_space<hbm>>) target(%dma_start3A_1402 : memref<128x32xf32, #tpu.memory_space<vmem>>) offsets(%dma_start3A_1405 : memref<128xi32, #tpu.memory_space<vmem>>) semaphore(%arg8 : memref<!tpu.dma_semaphore, #tpu.memory_space<semaphore_mem>>)
    %dma_start3A_1409 = arith.constant 36 : i32
    %dma_start3A_1410 = arith.constant 1 : i32
    %dma_start3A_1411 = arith.constant 6 : i32
    %dma_start3A_1412 = arith.constant 0 : i32
    %dma_start3A_1413 = arith.constant 0 : i32
    %dma_start3A_1414 = tpu.memref_slice %arg6[%dma_start3A_1410, %dma_start3A_1411, %dma_start3A_1412, %dma_start3A_1413] : memref<2x10x128x32xf32, #tpu.memory_space<vmem>> -> memref<1x1x128x32xf32, #tpu.memory_space<vmem>>
    %dma_start3A_1415 = tpu.memref_squeeze %dma_start3A_1414 : memref<1x1x128x32xf32, #tpu.memory_space<vmem>> -> memref<128x32xf32, #tpu.memory_space<vmem>>
    %dma_start3A_1416 = arith.constant 0 : i32
    %dma_start3A_1417 = tpu.memref_slice %arg5[%dma_start3A_1409, %dma_start3A_1416] : memref<50x128xi32, #tpu.memory_space<vmem>> -> memref<1x128xi32, #tpu.memory_space<vmem>>
    %dma_start3A_1418 = tpu.memref_squeeze %dma_start3A_1417 : memref<1x128xi32, #tpu.memory_space<vmem>> -> memref<128xi32, #tpu.memory_space<vmem>>
    %dma_start3A_1419 = arith.constant 0 : i32
    %dma_start3A_1420 = arith.constant 0 : i32
    %dma_start3A_1421 = tpu.memref_slice %arg2[%dma_start3A_1419, %dma_start3A_1420] : memref<1048576x32xf32, #tpu.memory_space<hbm>> -> memref<1048576x32xf32, #tpu.memory_space<hbm>>
    tpu.enqueue_indirect_dma source(%dma_start3A_1421 : memref<1048576x32xf32, #tpu.memory_space<hbm>>) target(%dma_start3A_1415 : memref<128x32xf32, #tpu.memory_space<vmem>>) offsets(%dma_start3A_1418 : memref<128xi32, #tpu.memory_space<vmem>>) semaphore(%arg8 : memref<!tpu.dma_semaphore, #tpu.memory_space<semaphore_mem>>)
    %dma_start3A_1422 = arith.constant 37 : i32
    %dma_start3A_1423 = arith.constant 1 : i32
    %dma_start3A_1424 = arith.constant 7 : i32
    %dma_start3A_1425 = arith.constant 0 : i32
    %dma_start3A_1426 = arith.constant 0 : i32
    %dma_start3A_1427 = tpu.memref_slice %arg6[%dma_start3A_1423, %dma_start3A_1424, %dma_start3A_1425, %dma_start3A_1426] : memref<2x10x128x32xf32, #tpu.memory_space<vmem>> -> memref<1x1x128x32xf32, #tpu.memory_space<vmem>>
    %dma_start3A_1428 = tpu.memref_squeeze %dma_start3A_1427 : memref<1x1x128x32xf32, #tpu.memory_space<vmem>> -> memref<128x32xf32, #tpu.memory_space<vmem>>
    %dma_start3A_1429 = arith.constant 0 : i32
    %dma_start3A_1430 = tpu.memref_slice %arg5[%dma_start3A_1422, %dma_start3A_1429] : memref<50x128xi32, #tpu.memory_space<vmem>> -> memref<1x128xi32, #tpu.memory_space<vmem>>
    %dma_start3A_1431 = tpu.memref_squeeze %dma_start3A_1430 : memref<1x128xi32, #tpu.memory_space<vmem>> -> memref<128xi32, #tpu.memory_space<vmem>>
    %dma_start3A_1432 = arith.constant 0 : i32
    %dma_start3A_1433 = arith.constant 0 : i32
    %dma_start3A_1434 = tpu.memref_slice %arg2[%dma_start3A_1432, %dma_start3A_1433] : memref<1048576x32xf32, #tpu.memory_space<hbm>> -> memref<1048576x32xf32, #tpu.memory_space<hbm>>
    tpu.enqueue_indirect_dma source(%dma_start3A_1434 : memref<1048576x32xf32, #tpu.memory_space<hbm>>) target(%dma_start3A_1428 : memref<128x32xf32, #tpu.memory_space<vmem>>) offsets(%dma_start3A_1431 : memref<128xi32, #tpu.memory_space<vmem>>) semaphore(%arg8 : memref<!tpu.dma_semaphore, #tpu.memory_space<semaphore_mem>>)
    %dma_start3A_1435 = arith.constant 38 : i32
    %dma_start3A_1436 = arith.constant 1 : i32
    %dma_start3A_1437 = arith.constant 8 : i32
    %dma_start3A_1438 = arith.constant 0 : i32
    %dma_start3A_1439 = arith.constant 0 : i32
    %dma_start3A_1440 = tpu.memref_slice %arg6[%dma_start3A_1436, %dma_start3A_1437, %dma_start3A_1438, %dma_start3A_1439] : memref<2x10x128x32xf32, #tpu.memory_space<vmem>> -> memref<1x1x128x32xf32, #tpu.memory_space<vmem>>
    %dma_start3A_1441 = tpu.memref_squeeze %dma_start3A_1440 : memref<1x1x128x32xf32, #tpu.memory_space<vmem>> -> memref<128x32xf32, #tpu.memory_space<vmem>>
    %dma_start3A_1442 = arith.constant 0 : i32
    %dma_start3A_1443 = tpu.memref_slice %arg5[%dma_start3A_1435, %dma_start3A_1442] : memref<50x128xi32, #tpu.memory_space<vmem>> -> memref<1x128xi32, #tpu.memory_space<vmem>>
    %dma_start3A_1444 = tpu.memref_squeeze %dma_start3A_1443 : memref<1x128xi32, #tpu.memory_space<vmem>> -> memref<128xi32, #tpu.memory_space<vmem>>
    %dma_start3A_1445 = arith.constant 0 : i32
    %dma_start3A_1446 = arith.constant 0 : i32
    %dma_start3A_1447 = tpu.memref_slice %arg2[%dma_start3A_1445, %dma_start3A_1446] : memref<1048576x32xf32, #tpu.memory_space<hbm>> -> memref<1048576x32xf32, #tpu.memory_space<hbm>>
    tpu.enqueue_indirect_dma source(%dma_start3A_1447 : memref<1048576x32xf32, #tpu.memory_space<hbm>>) target(%dma_start3A_1441 : memref<128x32xf32, #tpu.memory_space<vmem>>) offsets(%dma_start3A_1444 : memref<128xi32, #tpu.memory_space<vmem>>) semaphore(%arg8 : memref<!tpu.dma_semaphore, #tpu.memory_space<semaphore_mem>>)
    %dma_start3A_1448 = arith.constant 39 : i32
    %dma_start3A_1449 = arith.constant 1 : i32
    %dma_start3A_1450 = arith.constant 9 : i32
    %dma_start3A_1451 = arith.constant 0 : i32
    %dma_start3A_1452 = arith.constant 0 : i32
    %dma_start3A_1453 = tpu.memref_slice %arg6[%dma_start3A_1449, %dma_start3A_1450, %dma_start3A_1451, %dma_start3A_1452] : memref<2x10x128x32xf32, #tpu.memory_space<vmem>> -> memref<1x1x128x32xf32, #tpu.memory_space<vmem>>
    %dma_start3A_1454 = tpu.memref_squeeze %dma_start3A_1453 : memref<1x1x128x32xf32, #tpu.memory_space<vmem>> -> memref<128x32xf32, #tpu.memory_space<vmem>>
    %dma_start3A_1455 = arith.constant 0 : i32
    %dma_start3A_1456 = tpu.memref_slice %arg5[%dma_start3A_1448, %dma_start3A_1455] : memref<50x128xi32, #tpu.memory_space<vmem>> -> memref<1x128xi32, #tpu.memory_space<vmem>>
    %dma_start3A_1457 = tpu.memref_squeeze %dma_start3A_1456 : memref<1x128xi32, #tpu.memory_space<vmem>> -> memref<128xi32, #tpu.memory_space<vmem>>
    %dma_start3A_1458 = arith.constant 0 : i32
    %dma_start3A_1459 = arith.constant 0 : i32
    %dma_start3A_1460 = tpu.memref_slice %arg2[%dma_start3A_1458, %dma_start3A_1459] : memref<1048576x32xf32, #tpu.memory_space<hbm>> -> memref<1048576x32xf32, #tpu.memory_space<hbm>>
    tpu.enqueue_indirect_dma source(%dma_start3A_1460 : memref<1048576x32xf32, #tpu.memory_space<hbm>>) target(%dma_start3A_1454 : memref<128x32xf32, #tpu.memory_space<vmem>>) offsets(%dma_start3A_1457 : memref<128xi32, #tpu.memory_space<vmem>>) semaphore(%arg8 : memref<!tpu.dma_semaphore, #tpu.memory_space<semaphore_mem>>)
    %dma_wait3A_1461 = arith.constant 20 : i32
    %dma_wait3A_1462 = arith.constant 0 : i32
    %dma_wait3A_1463 = arith.constant 0 : i32
    %dma_wait3A_1464 = arith.constant 0 : i32
    %dma_wait3A_1465 = arith.constant 0 : i32
    %dma_wait3A_1466 = tpu.memref_slice %arg6[%dma_wait3A_1462, %dma_wait3A_1463, %dma_wait3A_1464, %dma_wait3A_1465] : memref<2x10x128x32xf32, #tpu.memory_space<vmem>> -> memref<1x1x128x32xf32, #tpu.memory_space<vmem>>
    %dma_wait3A_1467 = tpu.memref_squeeze %dma_wait3A_1466 : memref<1x1x128x32xf32, #tpu.memory_space<vmem>> -> memref<128x32xf32, #tpu.memory_space<vmem>>
    %dma_wait3A_1468 = arith.constant 0 : i32
    %dma_wait3A_1469 = tpu.memref_slice %arg5[%dma_wait3A_1461, %dma_wait3A_1468] : memref<50x128xi32, #tpu.memory_space<vmem>> -> memref<1x128xi32, #tpu.memory_space<vmem>>
    %dma_wait3A_1470 = tpu.memref_squeeze %dma_wait3A_1469 : memref<1x128xi32, #tpu.memory_space<vmem>> -> memref<128xi32, #tpu.memory_space<vmem>>
    %dma_wait3A_1471 = arith.constant 0 : i32
    %dma_wait3A_1472 = arith.constant 0 : i32
    %dma_wait3A_1473 = tpu.memref_slice %arg2[%dma_wait3A_1471, %dma_wait3A_1472] : memref<1048576x32xf32, #tpu.memory_space<hbm>> -> memref<1048576x32xf32, #tpu.memory_space<hbm>>
    tpu.wait_indirect_dma semaphore(%arg7 : memref<!tpu.dma_semaphore, #tpu.memory_space<semaphore_mem>>) src(%dma_wait3A_1473 : memref<1048576x32xf32, #tpu.memory_space<hbm>>) dst(%dma_wait3A_1467 : memref<128x32xf32, #tpu.memory_space<vmem>>)
    %dma_wait3A_1474 = arith.constant 21 : i32
    %dma_wait3A_1475 = arith.constant 0 : i32
    %dma_wait3A_1476 = arith.constant 1 : i32
    %dma_wait3A_1477 = arith.constant 0 : i32
    %dma_wait3A_1478 = arith.constant 0 : i32
    %dma_wait3A_1479 = tpu.memref_slice %arg6[%dma_wait3A_1475, %dma_wait3A_1476, %dma_wait3A_1477, %dma_wait3A_1478] : memref<2x10x128x32xf32, #tpu.memory_space<vmem>> -> memref<1x1x128x32xf32, #tpu.memory_space<vmem>>
    %dma_wait3A_1480 = tpu.memref_squeeze %dma_wait3A_1479 : memref<1x1x128x32xf32, #tpu.memory_space<vmem>> -> memref<128x32xf32, #tpu.memory_space<vmem>>
    %dma_wait3A_1481 = arith.constant 0 : i32
    %dma_wait3A_1482 = tpu.memref_slice %arg5[%dma_wait3A_1474, %dma_wait3A_1481] : memref<50x128xi32, #tpu.memory_space<vmem>> -> memref<1x128xi32, #tpu.memory_space<vmem>>
    %dma_wait3A_1483 = tpu.memref_squeeze %dma_wait3A_1482 : memref<1x128xi32, #tpu.memory_space<vmem>> -> memref<128xi32, #tpu.memory_space<vmem>>
    %dma_wait3A_1484 = arith.constant 0 : i32
    %dma_wait3A_1485 = arith.constant 0 : i32
    %dma_wait3A_1486 = tpu.memref_slice %arg2[%dma_wait3A_1484, %dma_wait3A_1485] : memref<1048576x32xf32, #tpu.memory_space<hbm>> -> memref<1048576x32xf32, #tpu.memory_space<hbm>>
    tpu.wait_indirect_dma semaphore(%arg7 : memref<!tpu.dma_semaphore, #tpu.memory_space<semaphore_mem>>) src(%dma_wait3A_1486 : memref<1048576x32xf32, #tpu.memory_space<hbm>>) dst(%dma_wait3A_1480 : memref<128x32xf32, #tpu.memory_space<vmem>>)
    %dma_wait3A_1487 = arith.constant 22 : i32
    %dma_wait3A_1488 = arith.constant 0 : i32
    %dma_wait3A_1489 = arith.constant 2 : i32
    %dma_wait3A_1490 = arith.constant 0 : i32
    %dma_wait3A_1491 = arith.constant 0 : i32
    %dma_wait3A_1492 = tpu.memref_slice %arg6[%dma_wait3A_1488, %dma_wait3A_1489, %dma_wait3A_1490, %dma_wait3A_1491] : memref<2x10x128x32xf32, #tpu.memory_space<vmem>> -> memref<1x1x128x32xf32, #tpu.memory_space<vmem>>
    %dma_wait3A_1493 = tpu.memref_squeeze %dma_wait3A_1492 : memref<1x1x128x32xf32, #tpu.memory_space<vmem>> -> memref<128x32xf32, #tpu.memory_space<vmem>>
    %dma_wait3A_1494 = arith.constant 0 : i32
    %dma_wait3A_1495 = tpu.memref_slice %arg5[%dma_wait3A_1487, %dma_wait3A_1494] : memref<50x128xi32, #tpu.memory_space<vmem>> -> memref<1x128xi32, #tpu.memory_space<vmem>>
    %dma_wait3A_1496 = tpu.memref_squeeze %dma_wait3A_1495 : memref<1x128xi32, #tpu.memory_space<vmem>> -> memref<128xi32, #tpu.memory_space<vmem>>
    %dma_wait3A_1497 = arith.constant 0 : i32
    %dma_wait3A_1498 = arith.constant 0 : i32
    %dma_wait3A_1499 = tpu.memref_slice %arg2[%dma_wait3A_1497, %dma_wait3A_1498] : memref<1048576x32xf32, #tpu.memory_space<hbm>> -> memref<1048576x32xf32, #tpu.memory_space<hbm>>
    tpu.wait_indirect_dma semaphore(%arg7 : memref<!tpu.dma_semaphore, #tpu.memory_space<semaphore_mem>>) src(%dma_wait3A_1499 : memref<1048576x32xf32, #tpu.memory_space<hbm>>) dst(%dma_wait3A_1493 : memref<128x32xf32, #tpu.memory_space<vmem>>)
    %dma_wait3A_1500 = arith.constant 23 : i32
    %dma_wait3A_1501 = arith.constant 0 : i32
    %dma_wait3A_1502 = arith.constant 3 : i32
    %dma_wait3A_1503 = arith.constant 0 : i32
    %dma_wait3A_1504 = arith.constant 0 : i32
    %dma_wait3A_1505 = tpu.memref_slice %arg6[%dma_wait3A_1501, %dma_wait3A_1502, %dma_wait3A_1503, %dma_wait3A_1504] : memref<2x10x128x32xf32, #tpu.memory_space<vmem>> -> memref<1x1x128x32xf32, #tpu.memory_space<vmem>>
    %dma_wait3A_1506 = tpu.memref_squeeze %dma_wait3A_1505 : memref<1x1x128x32xf32, #tpu.memory_space<vmem>> -> memref<128x32xf32, #tpu.memory_space<vmem>>
    %dma_wait3A_1507 = arith.constant 0 : i32
    %dma_wait3A_1508 = tpu.memref_slice %arg5[%dma_wait3A_1500, %dma_wait3A_1507] : memref<50x128xi32, #tpu.memory_space<vmem>> -> memref<1x128xi32, #tpu.memory_space<vmem>>
    %dma_wait3A_1509 = tpu.memref_squeeze %dma_wait3A_1508 : memref<1x128xi32, #tpu.memory_space<vmem>> -> memref<128xi32, #tpu.memory_space<vmem>>
    %dma_wait3A_1510 = arith.constant 0 : i32
    %dma_wait3A_1511 = arith.constant 0 : i32
    %dma_wait3A_1512 = tpu.memref_slice %arg2[%dma_wait3A_1510, %dma_wait3A_1511] : memref<1048576x32xf32, #tpu.memory_space<hbm>> -> memref<1048576x32xf32, #tpu.memory_space<hbm>>
    tpu.wait_indirect_dma semaphore(%arg7 : memref<!tpu.dma_semaphore, #tpu.memory_space<semaphore_mem>>) src(%dma_wait3A_1512 : memref<1048576x32xf32, #tpu.memory_space<hbm>>) dst(%dma_wait3A_1506 : memref<128x32xf32, #tpu.memory_space<vmem>>)
    %dma_wait3A_1513 = arith.constant 24 : i32
    %dma_wait3A_1514 = arith.constant 0 : i32
    %dma_wait3A_1515 = arith.constant 4 : i32
    %dma_wait3A_1516 = arith.constant 0 : i32
    %dma_wait3A_1517 = arith.constant 0 : i32
    %dma_wait3A_1518 = tpu.memref_slice %arg6[%dma_wait3A_1514, %dma_wait3A_1515, %dma_wait3A_1516, %dma_wait3A_1517] : memref<2x10x128x32xf32, #tpu.memory_space<vmem>> -> memref<1x1x128x32xf32, #tpu.memory_space<vmem>>
    %dma_wait3A_1519 = tpu.memref_squeeze %dma_wait3A_1518 : memref<1x1x128x32xf32, #tpu.memory_space<vmem>> -> memref<128x32xf32, #tpu.memory_space<vmem>>
    %dma_wait3A_1520 = arith.constant 0 : i32
    %dma_wait3A_1521 = tpu.memref_slice %arg5[%dma_wait3A_1513, %dma_wait3A_1520] : memref<50x128xi32, #tpu.memory_space<vmem>> -> memref<1x128xi32, #tpu.memory_space<vmem>>
    %dma_wait3A_1522 = tpu.memref_squeeze %dma_wait3A_1521 : memref<1x128xi32, #tpu.memory_space<vmem>> -> memref<128xi32, #tpu.memory_space<vmem>>
    %dma_wait3A_1523 = arith.constant 0 : i32
    %dma_wait3A_1524 = arith.constant 0 : i32
    %dma_wait3A_1525 = tpu.memref_slice %arg2[%dma_wait3A_1523, %dma_wait3A_1524] : memref<1048576x32xf32, #tpu.memory_space<hbm>> -> memref<1048576x32xf32, #tpu.memory_space<hbm>>
    tpu.wait_indirect_dma semaphore(%arg7 : memref<!tpu.dma_semaphore, #tpu.memory_space<semaphore_mem>>) src(%dma_wait3A_1525 : memref<1048576x32xf32, #tpu.memory_space<hbm>>) dst(%dma_wait3A_1519 : memref<128x32xf32, #tpu.memory_space<vmem>>)
    %dma_wait3A_1526 = arith.constant 25 : i32
    %dma_wait3A_1527 = arith.constant 0 : i32
    %dma_wait3A_1528 = arith.constant 5 : i32
    %dma_wait3A_1529 = arith.constant 0 : i32
    %dma_wait3A_1530 = arith.constant 0 : i32
    %dma_wait3A_1531 = tpu.memref_slice %arg6[%dma_wait3A_1527, %dma_wait3A_1528, %dma_wait3A_1529, %dma_wait3A_1530] : memref<2x10x128x32xf32, #tpu.memory_space<vmem>> -> memref<1x1x128x32xf32, #tpu.memory_space<vmem>>
    %dma_wait3A_1532 = tpu.memref_squeeze %dma_wait3A_1531 : memref<1x1x128x32xf32, #tpu.memory_space<vmem>> -> memref<128x32xf32, #tpu.memory_space<vmem>>
    %dma_wait3A_1533 = arith.constant 0 : i32
    %dma_wait3A_1534 = tpu.memref_slice %arg5[%dma_wait3A_1526, %dma_wait3A_1533] : memref<50x128xi32, #tpu.memory_space<vmem>> -> memref<1x128xi32, #tpu.memory_space<vmem>>
    %dma_wait3A_1535 = tpu.memref_squeeze %dma_wait3A_1534 : memref<1x128xi32, #tpu.memory_space<vmem>> -> memref<128xi32, #tpu.memory_space<vmem>>
    %dma_wait3A_1536 = arith.constant 0 : i32
    %dma_wait3A_1537 = arith.constant 0 : i32
    %dma_wait3A_1538 = tpu.memref_slice %arg2[%dma_wait3A_1536, %dma_wait3A_1537] : memref<1048576x32xf32, #tpu.memory_space<hbm>> -> memref<1048576x32xf32, #tpu.memory_space<hbm>>
    tpu.wait_indirect_dma semaphore(%arg7 : memref<!tpu.dma_semaphore, #tpu.memory_space<semaphore_mem>>) src(%dma_wait3A_1538 : memref<1048576x32xf32, #tpu.memory_space<hbm>>) dst(%dma_wait3A_1532 : memref<128x32xf32, #tpu.memory_space<vmem>>)
    %dma_wait3A_1539 = arith.constant 26 : i32
    %dma_wait3A_1540 = arith.constant 0 : i32
    %dma_wait3A_1541 = arith.constant 6 : i32
    %dma_wait3A_1542 = arith.constant 0 : i32
    %dma_wait3A_1543 = arith.constant 0 : i32
    %dma_wait3A_1544 = tpu.memref_slice %arg6[%dma_wait3A_1540, %dma_wait3A_1541, %dma_wait3A_1542, %dma_wait3A_1543] : memref<2x10x128x32xf32, #tpu.memory_space<vmem>> -> memref<1x1x128x32xf32, #tpu.memory_space<vmem>>
    %dma_wait3A_1545 = tpu.memref_squeeze %dma_wait3A_1544 : memref<1x1x128x32xf32, #tpu.memory_space<vmem>> -> memref<128x32xf32, #tpu.memory_space<vmem>>
    %dma_wait3A_1546 = arith.constant 0 : i32
    %dma_wait3A_1547 = tpu.memref_slice %arg5[%dma_wait3A_1539, %dma_wait3A_1546] : memref<50x128xi32, #tpu.memory_space<vmem>> -> memref<1x128xi32, #tpu.memory_space<vmem>>
    %dma_wait3A_1548 = tpu.memref_squeeze %dma_wait3A_1547 : memref<1x128xi32, #tpu.memory_space<vmem>> -> memref<128xi32, #tpu.memory_space<vmem>>
    %dma_wait3A_1549 = arith.constant 0 : i32
    %dma_wait3A_1550 = arith.constant 0 : i32
    %dma_wait3A_1551 = tpu.memref_slice %arg2[%dma_wait3A_1549, %dma_wait3A_1550] : memref<1048576x32xf32, #tpu.memory_space<hbm>> -> memref<1048576x32xf32, #tpu.memory_space<hbm>>
    tpu.wait_indirect_dma semaphore(%arg7 : memref<!tpu.dma_semaphore, #tpu.memory_space<semaphore_mem>>) src(%dma_wait3A_1551 : memref<1048576x32xf32, #tpu.memory_space<hbm>>) dst(%dma_wait3A_1545 : memref<128x32xf32, #tpu.memory_space<vmem>>)
    %dma_wait3A_1552 = arith.constant 27 : i32
    %dma_wait3A_1553 = arith.constant 0 : i32
    %dma_wait3A_1554 = arith.constant 7 : i32
    %dma_wait3A_1555 = arith.constant 0 : i32
    %dma_wait3A_1556 = arith.constant 0 : i32
    %dma_wait3A_1557 = tpu.memref_slice %arg6[%dma_wait3A_1553, %dma_wait3A_1554, %dma_wait3A_1555, %dma_wait3A_1556] : memref<2x10x128x32xf32, #tpu.memory_space<vmem>> -> memref<1x1x128x32xf32, #tpu.memory_space<vmem>>
    %dma_wait3A_1558 = tpu.memref_squeeze %dma_wait3A_1557 : memref<1x1x128x32xf32, #tpu.memory_space<vmem>> -> memref<128x32xf32, #tpu.memory_space<vmem>>
    %dma_wait3A_1559 = arith.constant 0 : i32
    %dma_wait3A_1560 = tpu.memref_slice %arg5[%dma_wait3A_1552, %dma_wait3A_1559] : memref<50x128xi32, #tpu.memory_space<vmem>> -> memref<1x128xi32, #tpu.memory_space<vmem>>
    %dma_wait3A_1561 = tpu.memref_squeeze %dma_wait3A_1560 : memref<1x128xi32, #tpu.memory_space<vmem>> -> memref<128xi32, #tpu.memory_space<vmem>>
    %dma_wait3A_1562 = arith.constant 0 : i32
    %dma_wait3A_1563 = arith.constant 0 : i32
    %dma_wait3A_1564 = tpu.memref_slice %arg2[%dma_wait3A_1562, %dma_wait3A_1563] : memref<1048576x32xf32, #tpu.memory_space<hbm>> -> memref<1048576x32xf32, #tpu.memory_space<hbm>>
    tpu.wait_indirect_dma semaphore(%arg7 : memref<!tpu.dma_semaphore, #tpu.memory_space<semaphore_mem>>) src(%dma_wait3A_1564 : memref<1048576x32xf32, #tpu.memory_space<hbm>>) dst(%dma_wait3A_1558 : memref<128x32xf32, #tpu.memory_space<vmem>>)
    %dma_wait3A_1565 = arith.constant 28 : i32
    %dma_wait3A_1566 = arith.constant 0 : i32
    %dma_wait3A_1567 = arith.constant 8 : i32
    %dma_wait3A_1568 = arith.constant 0 : i32
    %dma_wait3A_1569 = arith.constant 0 : i32
    %dma_wait3A_1570 = tpu.memref_slice %arg6[%dma_wait3A_1566, %dma_wait3A_1567, %dma_wait3A_1568, %dma_wait3A_1569] : memref<2x10x128x32xf32, #tpu.memory_space<vmem>> -> memref<1x1x128x32xf32, #tpu.memory_space<vmem>>
    %dma_wait3A_1571 = tpu.memref_squeeze %dma_wait3A_1570 : memref<1x1x128x32xf32, #tpu.memory_space<vmem>> -> memref<128x32xf32, #tpu.memory_space<vmem>>
    %dma_wait3A_1572 = arith.constant 0 : i32
    %dma_wait3A_1573 = tpu.memref_slice %arg5[%dma_wait3A_1565, %dma_wait3A_1572] : memref<50x128xi32, #tpu.memory_space<vmem>> -> memref<1x128xi32, #tpu.memory_space<vmem>>
    %dma_wait3A_1574 = tpu.memref_squeeze %dma_wait3A_1573 : memref<1x128xi32, #tpu.memory_space<vmem>> -> memref<128xi32, #tpu.memory_space<vmem>>
    %dma_wait3A_1575 = arith.constant 0 : i32
    %dma_wait3A_1576 = arith.constant 0 : i32
    %dma_wait3A_1577 = tpu.memref_slice %arg2[%dma_wait3A_1575, %dma_wait3A_1576] : memref<1048576x32xf32, #tpu.memory_space<hbm>> -> memref<1048576x32xf32, #tpu.memory_space<hbm>>
    tpu.wait_indirect_dma semaphore(%arg7 : memref<!tpu.dma_semaphore, #tpu.memory_space<semaphore_mem>>) src(%dma_wait3A_1577 : memref<1048576x32xf32, #tpu.memory_space<hbm>>) dst(%dma_wait3A_1571 : memref<128x32xf32, #tpu.memory_space<vmem>>)
    %dma_wait3A_1578 = arith.constant 29 : i32
    %dma_wait3A_1579 = arith.constant 0 : i32
    %dma_wait3A_1580 = arith.constant 9 : i32
    %dma_wait3A_1581 = arith.constant 0 : i32
    %dma_wait3A_1582 = arith.constant 0 : i32
    %dma_wait3A_1583 = tpu.memref_slice %arg6[%dma_wait3A_1579, %dma_wait3A_1580, %dma_wait3A_1581, %dma_wait3A_1582] : memref<2x10x128x32xf32, #tpu.memory_space<vmem>> -> memref<1x1x128x32xf32, #tpu.memory_space<vmem>>
    %dma_wait3A_1584 = tpu.memref_squeeze %dma_wait3A_1583 : memref<1x1x128x32xf32, #tpu.memory_space<vmem>> -> memref<128x32xf32, #tpu.memory_space<vmem>>
    %dma_wait3A_1585 = arith.constant 0 : i32
    %dma_wait3A_1586 = tpu.memref_slice %arg5[%dma_wait3A_1578, %dma_wait3A_1585] : memref<50x128xi32, #tpu.memory_space<vmem>> -> memref<1x128xi32, #tpu.memory_space<vmem>>
    %dma_wait3A_1587 = tpu.memref_squeeze %dma_wait3A_1586 : memref<1x128xi32, #tpu.memory_space<vmem>> -> memref<128xi32, #tpu.memory_space<vmem>>
    %dma_wait3A_1588 = arith.constant 0 : i32
    %dma_wait3A_1589 = arith.constant 0 : i32
    %dma_wait3A_1590 = tpu.memref_slice %arg2[%dma_wait3A_1588, %dma_wait3A_1589] : memref<1048576x32xf32, #tpu.memory_space<hbm>> -> memref<1048576x32xf32, #tpu.memory_space<hbm>>
    tpu.wait_indirect_dma semaphore(%arg7 : memref<!tpu.dma_semaphore, #tpu.memory_space<semaphore_mem>>) src(%dma_wait3A_1590 : memref<1048576x32xf32, #tpu.memory_space<hbm>>) dst(%dma_wait3A_1584 : memref<128x32xf32, #tpu.memory_space<vmem>>)
    %dma_start3A_1591 = arith.constant 0 : i32
    %dma_start3A_1592 = arith.constant 0 : i32
    %dma_start3A_1593 = arith.constant 20 : i32
    %dma_start3A_1594 = arith.constant 0 : i32
    %dma_start3A_1595 = arith.constant 0 : i32
    %dma_start3A_1596 = tpu.memref_slice %arg6[%dma_start3A_1591, %dma_start3A_1592, %dma_start3A_1594, %dma_start3A_1595] : memref<2x10x128x32xf32, #tpu.memory_space<vmem>> -> memref<1x1x128x32xf32, #tpu.memory_space<vmem>>
    %dma_start3A_1597 = tpu.memref_squeeze %dma_start3A_1596 : memref<1x1x128x32xf32, #tpu.memory_space<vmem>> -> memref<128x32xf32, #tpu.memory_space<vmem>>
    %dma_start3A_1598 = arith.constant 0 : i32
    %dma_start3A_1599 = tpu.memref_slice %arg4[%mul3A_2, %dma_start3A_1593, %dma_start3A_1598] : memref<4096x50x32xf32, #tpu.memory_space<hbm>> -> memref<128x1x32xf32, #tpu.memory_space<hbm>>
    %dma_start3A_1600 = tpu.memref_squeeze %dma_start3A_1599 : memref<128x1x32xf32, #tpu.memory_space<hbm>> -> memref<128x32xf32, #tpu.memory_space<hbm>>
    %dma_start3A_1601 = arith.constant 0 : i32
    %dma_start3A_1602 = tpu.memref_slice %arg4[%mul3A_2, %dma_start3A_1593, %dma_start3A_1601] : memref<4096x50x32xf32, #tpu.memory_space<hbm>> -> memref<128x1x32xf32, #tpu.memory_space<hbm>>
    %dma_start3A_1603 = tpu.memref_squeeze %dma_start3A_1602 : memref<128x1x32xf32, #tpu.memory_space<hbm>> -> memref<128x32xf32, #tpu.memory_space<hbm>>
    %dma_start3A_1604 = arith.constant 0 : i32
    %dma_start3A_1605 = arith.constant 0 : i32
    %dma_start3A_1606 = tpu.memref_slice %arg6[%dma_start3A_1591, %dma_start3A_1592, %dma_start3A_1604, %dma_start3A_1605] : memref<2x10x128x32xf32, #tpu.memory_space<vmem>> -> memref<1x1x128x32xf32, #tpu.memory_space<vmem>>
    %dma_start3A_1607 = tpu.memref_squeeze %dma_start3A_1606 : memref<1x1x128x32xf32, #tpu.memory_space<vmem>> -> memref<128x32xf32, #tpu.memory_space<vmem>>
    tpu.enqueue_dma source(%dma_start3A_1607 : memref<128x32xf32, #tpu.memory_space<vmem>>) target(%dma_start3A_1603 : memref<128x32xf32, #tpu.memory_space<hbm>>) target_semaphore(%arg9 : memref<!tpu.dma_semaphore, #tpu.memory_space<semaphore_mem>>)
    %dma_start3A_1608 = arith.constant 0 : i32
    %dma_start3A_1609 = arith.constant 1 : i32
    %dma_start3A_1610 = arith.constant 21 : i32
    %dma_start3A_1611 = arith.constant 0 : i32
    %dma_start3A_1612 = arith.constant 0 : i32
    %dma_start3A_1613 = tpu.memref_slice %arg6[%dma_start3A_1608, %dma_start3A_1609, %dma_start3A_1611, %dma_start3A_1612] : memref<2x10x128x32xf32, #tpu.memory_space<vmem>> -> memref<1x1x128x32xf32, #tpu.memory_space<vmem>>
    %dma_start3A_1614 = tpu.memref_squeeze %dma_start3A_1613 : memref<1x1x128x32xf32, #tpu.memory_space<vmem>> -> memref<128x32xf32, #tpu.memory_space<vmem>>
    %dma_start3A_1615 = arith.constant 0 : i32
    %dma_start3A_1616 = tpu.memref_slice %arg4[%mul3A_2, %dma_start3A_1610, %dma_start3A_1615] : memref<4096x50x32xf32, #tpu.memory_space<hbm>> -> memref<128x1x32xf32, #tpu.memory_space<hbm>>
    %dma_start3A_1617 = tpu.memref_squeeze %dma_start3A_1616 : memref<128x1x32xf32, #tpu.memory_space<hbm>> -> memref<128x32xf32, #tpu.memory_space<hbm>>
    %dma_start3A_1618 = arith.constant 0 : i32
    %dma_start3A_1619 = tpu.memref_slice %arg4[%mul3A_2, %dma_start3A_1610, %dma_start3A_1618] : memref<4096x50x32xf32, #tpu.memory_space<hbm>> -> memref<128x1x32xf32, #tpu.memory_space<hbm>>
    %dma_start3A_1620 = tpu.memref_squeeze %dma_start3A_1619 : memref<128x1x32xf32, #tpu.memory_space<hbm>> -> memref<128x32xf32, #tpu.memory_space<hbm>>
    %dma_start3A_1621 = arith.constant 0 : i32
    %dma_start3A_1622 = arith.constant 0 : i32
    %dma_start3A_1623 = tpu.memref_slice %arg6[%dma_start3A_1608, %dma_start3A_1609, %dma_start3A_1621, %dma_start3A_1622] : memref<2x10x128x32xf32, #tpu.memory_space<vmem>> -> memref<1x1x128x32xf32, #tpu.memory_space<vmem>>
    %dma_start3A_1624 = tpu.memref_squeeze %dma_start3A_1623 : memref<1x1x128x32xf32, #tpu.memory_space<vmem>> -> memref<128x32xf32, #tpu.memory_space<vmem>>
    tpu.enqueue_dma source(%dma_start3A_1624 : memref<128x32xf32, #tpu.memory_space<vmem>>) target(%dma_start3A_1620 : memref<128x32xf32, #tpu.memory_space<hbm>>) target_semaphore(%arg9 : memref<!tpu.dma_semaphore, #tpu.memory_space<semaphore_mem>>)
    %dma_start3A_1625 = arith.constant 0 : i32
    %dma_start3A_1626 = arith.constant 2 : i32
    %dma_start3A_1627 = arith.constant 22 : i32
    %dma_start3A_1628 = arith.constant 0 : i32
    %dma_start3A_1629 = arith.constant 0 : i32
    %dma_start3A_1630 = tpu.memref_slice %arg6[%dma_start3A_1625, %dma_start3A_1626, %dma_start3A_1628, %dma_start3A_1629] : memref<2x10x128x32xf32, #tpu.memory_space<vmem>> -> memref<1x1x128x32xf32, #tpu.memory_space<vmem>>
    %dma_start3A_1631 = tpu.memref_squeeze %dma_start3A_1630 : memref<1x1x128x32xf32, #tpu.memory_space<vmem>> -> memref<128x32xf32, #tpu.memory_space<vmem>>
    %dma_start3A_1632 = arith.constant 0 : i32
    %dma_start3A_1633 = tpu.memref_slice %arg4[%mul3A_2, %dma_start3A_1627, %dma_start3A_1632] : memref<4096x50x32xf32, #tpu.memory_space<hbm>> -> memref<128x1x32xf32, #tpu.memory_space<hbm>>
    %dma_start3A_1634 = tpu.memref_squeeze %dma_start3A_1633 : memref<128x1x32xf32, #tpu.memory_space<hbm>> -> memref<128x32xf32, #tpu.memory_space<hbm>>
    %dma_start3A_1635 = arith.constant 0 : i32
    %dma_start3A_1636 = tpu.memref_slice %arg4[%mul3A_2, %dma_start3A_1627, %dma_start3A_1635] : memref<4096x50x32xf32, #tpu.memory_space<hbm>> -> memref<128x1x32xf32, #tpu.memory_space<hbm>>
    %dma_start3A_1637 = tpu.memref_squeeze %dma_start3A_1636 : memref<128x1x32xf32, #tpu.memory_space<hbm>> -> memref<128x32xf32, #tpu.memory_space<hbm>>
    %dma_start3A_1638 = arith.constant 0 : i32
    %dma_start3A_1639 = arith.constant 0 : i32
    %dma_start3A_1640 = tpu.memref_slice %arg6[%dma_start3A_1625, %dma_start3A_1626, %dma_start3A_1638, %dma_start3A_1639] : memref<2x10x128x32xf32, #tpu.memory_space<vmem>> -> memref<1x1x128x32xf32, #tpu.memory_space<vmem>>
    %dma_start3A_1641 = tpu.memref_squeeze %dma_start3A_1640 : memref<1x1x128x32xf32, #tpu.memory_space<vmem>> -> memref<128x32xf32, #tpu.memory_space<vmem>>
    tpu.enqueue_dma source(%dma_start3A_1641 : memref<128x32xf32, #tpu.memory_space<vmem>>) target(%dma_start3A_1637 : memref<128x32xf32, #tpu.memory_space<hbm>>) target_semaphore(%arg9 : memref<!tpu.dma_semaphore, #tpu.memory_space<semaphore_mem>>)
    %dma_start3A_1642 = arith.constant 0 : i32
    %dma_start3A_1643 = arith.constant 3 : i32
    %dma_start3A_1644 = arith.constant 23 : i32
    %dma_start3A_1645 = arith.constant 0 : i32
    %dma_start3A_1646 = arith.constant 0 : i32
    %dma_start3A_1647 = tpu.memref_slice %arg6[%dma_start3A_1642, %dma_start3A_1643, %dma_start3A_1645, %dma_start3A_1646] : memref<2x10x128x32xf32, #tpu.memory_space<vmem>> -> memref<1x1x128x32xf32, #tpu.memory_space<vmem>>
    %dma_start3A_1648 = tpu.memref_squeeze %dma_start3A_1647 : memref<1x1x128x32xf32, #tpu.memory_space<vmem>> -> memref<128x32xf32, #tpu.memory_space<vmem>>
    %dma_start3A_1649 = arith.constant 0 : i32
    %dma_start3A_1650 = tpu.memref_slice %arg4[%mul3A_2, %dma_start3A_1644, %dma_start3A_1649] : memref<4096x50x32xf32, #tpu.memory_space<hbm>> -> memref<128x1x32xf32, #tpu.memory_space<hbm>>
    %dma_start3A_1651 = tpu.memref_squeeze %dma_start3A_1650 : memref<128x1x32xf32, #tpu.memory_space<hbm>> -> memref<128x32xf32, #tpu.memory_space<hbm>>
    %dma_start3A_1652 = arith.constant 0 : i32
    %dma_start3A_1653 = tpu.memref_slice %arg4[%mul3A_2, %dma_start3A_1644, %dma_start3A_1652] : memref<4096x50x32xf32, #tpu.memory_space<hbm>> -> memref<128x1x32xf32, #tpu.memory_space<hbm>>
    %dma_start3A_1654 = tpu.memref_squeeze %dma_start3A_1653 : memref<128x1x32xf32, #tpu.memory_space<hbm>> -> memref<128x32xf32, #tpu.memory_space<hbm>>
    %dma_start3A_1655 = arith.constant 0 : i32
    %dma_start3A_1656 = arith.constant 0 : i32
    %dma_start3A_1657 = tpu.memref_slice %arg6[%dma_start3A_1642, %dma_start3A_1643, %dma_start3A_1655, %dma_start3A_1656] : memref<2x10x128x32xf32, #tpu.memory_space<vmem>> -> memref<1x1x128x32xf32, #tpu.memory_space<vmem>>
    %dma_start3A_1658 = tpu.memref_squeeze %dma_start3A_1657 : memref<1x1x128x32xf32, #tpu.memory_space<vmem>> -> memref<128x32xf32, #tpu.memory_space<vmem>>
    tpu.enqueue_dma source(%dma_start3A_1658 : memref<128x32xf32, #tpu.memory_space<vmem>>) target(%dma_start3A_1654 : memref<128x32xf32, #tpu.memory_space<hbm>>) target_semaphore(%arg9 : memref<!tpu.dma_semaphore, #tpu.memory_space<semaphore_mem>>)
    %dma_start3A_1659 = arith.constant 0 : i32
    %dma_start3A_1660 = arith.constant 4 : i32
    %dma_start3A_1661 = arith.constant 24 : i32
    %dma_start3A_1662 = arith.constant 0 : i32
    %dma_start3A_1663 = arith.constant 0 : i32
    %dma_start3A_1664 = tpu.memref_slice %arg6[%dma_start3A_1659, %dma_start3A_1660, %dma_start3A_1662, %dma_start3A_1663] : memref<2x10x128x32xf32, #tpu.memory_space<vmem>> -> memref<1x1x128x32xf32, #tpu.memory_space<vmem>>
    %dma_start3A_1665 = tpu.memref_squeeze %dma_start3A_1664 : memref<1x1x128x32xf32, #tpu.memory_space<vmem>> -> memref<128x32xf32, #tpu.memory_space<vmem>>
    %dma_start3A_1666 = arith.constant 0 : i32
    %dma_start3A_1667 = tpu.memref_slice %arg4[%mul3A_2, %dma_start3A_1661, %dma_start3A_1666] : memref<4096x50x32xf32, #tpu.memory_space<hbm>> -> memref<128x1x32xf32, #tpu.memory_space<hbm>>
    %dma_start3A_1668 = tpu.memref_squeeze %dma_start3A_1667 : memref<128x1x32xf32, #tpu.memory_space<hbm>> -> memref<128x32xf32, #tpu.memory_space<hbm>>
    %dma_start3A_1669 = arith.constant 0 : i32
    %dma_start3A_1670 = tpu.memref_slice %arg4[%mul3A_2, %dma_start3A_1661, %dma_start3A_1669] : memref<4096x50x32xf32, #tpu.memory_space<hbm>> -> memref<128x1x32xf32, #tpu.memory_space<hbm>>
    %dma_start3A_1671 = tpu.memref_squeeze %dma_start3A_1670 : memref<128x1x32xf32, #tpu.memory_space<hbm>> -> memref<128x32xf32, #tpu.memory_space<hbm>>
    %dma_start3A_1672 = arith.constant 0 : i32
    %dma_start3A_1673 = arith.constant 0 : i32
    %dma_start3A_1674 = tpu.memref_slice %arg6[%dma_start3A_1659, %dma_start3A_1660, %dma_start3A_1672, %dma_start3A_1673] : memref<2x10x128x32xf32, #tpu.memory_space<vmem>> -> memref<1x1x128x32xf32, #tpu.memory_space<vmem>>
    %dma_start3A_1675 = tpu.memref_squeeze %dma_start3A_1674 : memref<1x1x128x32xf32, #tpu.memory_space<vmem>> -> memref<128x32xf32, #tpu.memory_space<vmem>>
    tpu.enqueue_dma source(%dma_start3A_1675 : memref<128x32xf32, #tpu.memory_space<vmem>>) target(%dma_start3A_1671 : memref<128x32xf32, #tpu.memory_space<hbm>>) target_semaphore(%arg9 : memref<!tpu.dma_semaphore, #tpu.memory_space<semaphore_mem>>)
    %dma_start3A_1676 = arith.constant 0 : i32
    %dma_start3A_1677 = arith.constant 5 : i32
    %dma_start3A_1678 = arith.constant 25 : i32
    %dma_start3A_1679 = arith.constant 0 : i32
    %dma_start3A_1680 = arith.constant 0 : i32
    %dma_start3A_1681 = tpu.memref_slice %arg6[%dma_start3A_1676, %dma_start3A_1677, %dma_start3A_1679, %dma_start3A_1680] : memref<2x10x128x32xf32, #tpu.memory_space<vmem>> -> memref<1x1x128x32xf32, #tpu.memory_space<vmem>>
    %dma_start3A_1682 = tpu.memref_squeeze %dma_start3A_1681 : memref<1x1x128x32xf32, #tpu.memory_space<vmem>> -> memref<128x32xf32, #tpu.memory_space<vmem>>
    %dma_start3A_1683 = arith.constant 0 : i32
    %dma_start3A_1684 = tpu.memref_slice %arg4[%mul3A_2, %dma_start3A_1678, %dma_start3A_1683] : memref<4096x50x32xf32, #tpu.memory_space<hbm>> -> memref<128x1x32xf32, #tpu.memory_space<hbm>>
    %dma_start3A_1685 = tpu.memref_squeeze %dma_start3A_1684 : memref<128x1x32xf32, #tpu.memory_space<hbm>> -> memref<128x32xf32, #tpu.memory_space<hbm>>
    %dma_start3A_1686 = arith.constant 0 : i32
    %dma_start3A_1687 = tpu.memref_slice %arg4[%mul3A_2, %dma_start3A_1678, %dma_start3A_1686] : memref<4096x50x32xf32, #tpu.memory_space<hbm>> -> memref<128x1x32xf32, #tpu.memory_space<hbm>>
    %dma_start3A_1688 = tpu.memref_squeeze %dma_start3A_1687 : memref<128x1x32xf32, #tpu.memory_space<hbm>> -> memref<128x32xf32, #tpu.memory_space<hbm>>
    %dma_start3A_1689 = arith.constant 0 : i32
    %dma_start3A_1690 = arith.constant 0 : i32
    %dma_start3A_1691 = tpu.memref_slice %arg6[%dma_start3A_1676, %dma_start3A_1677, %dma_start3A_1689, %dma_start3A_1690] : memref<2x10x128x32xf32, #tpu.memory_space<vmem>> -> memref<1x1x128x32xf32, #tpu.memory_space<vmem>>
    %dma_start3A_1692 = tpu.memref_squeeze %dma_start3A_1691 : memref<1x1x128x32xf32, #tpu.memory_space<vmem>> -> memref<128x32xf32, #tpu.memory_space<vmem>>
    tpu.enqueue_dma source(%dma_start3A_1692 : memref<128x32xf32, #tpu.memory_space<vmem>>) target(%dma_start3A_1688 : memref<128x32xf32, #tpu.memory_space<hbm>>) target_semaphore(%arg9 : memref<!tpu.dma_semaphore, #tpu.memory_space<semaphore_mem>>)
    %dma_start3A_1693 = arith.constant 0 : i32
    %dma_start3A_1694 = arith.constant 6 : i32
    %dma_start3A_1695 = arith.constant 26 : i32
    %dma_start3A_1696 = arith.constant 0 : i32
    %dma_start3A_1697 = arith.constant 0 : i32
    %dma_start3A_1698 = tpu.memref_slice %arg6[%dma_start3A_1693, %dma_start3A_1694, %dma_start3A_1696, %dma_start3A_1697] : memref<2x10x128x32xf32, #tpu.memory_space<vmem>> -> memref<1x1x128x32xf32, #tpu.memory_space<vmem>>
    %dma_start3A_1699 = tpu.memref_squeeze %dma_start3A_1698 : memref<1x1x128x32xf32, #tpu.memory_space<vmem>> -> memref<128x32xf32, #tpu.memory_space<vmem>>
    %dma_start3A_1700 = arith.constant 0 : i32
    %dma_start3A_1701 = tpu.memref_slice %arg4[%mul3A_2, %dma_start3A_1695, %dma_start3A_1700] : memref<4096x50x32xf32, #tpu.memory_space<hbm>> -> memref<128x1x32xf32, #tpu.memory_space<hbm>>
    %dma_start3A_1702 = tpu.memref_squeeze %dma_start3A_1701 : memref<128x1x32xf32, #tpu.memory_space<hbm>> -> memref<128x32xf32, #tpu.memory_space<hbm>>
    %dma_start3A_1703 = arith.constant 0 : i32
    %dma_start3A_1704 = tpu.memref_slice %arg4[%mul3A_2, %dma_start3A_1695, %dma_start3A_1703] : memref<4096x50x32xf32, #tpu.memory_space<hbm>> -> memref<128x1x32xf32, #tpu.memory_space<hbm>>
    %dma_start3A_1705 = tpu.memref_squeeze %dma_start3A_1704 : memref<128x1x32xf32, #tpu.memory_space<hbm>> -> memref<128x32xf32, #tpu.memory_space<hbm>>
    %dma_start3A_1706 = arith.constant 0 : i32
    %dma_start3A_1707 = arith.constant 0 : i32
    %dma_start3A_1708 = tpu.memref_slice %arg6[%dma_start3A_1693, %dma_start3A_1694, %dma_start3A_1706, %dma_start3A_1707] : memref<2x10x128x32xf32, #tpu.memory_space<vmem>> -> memref<1x1x128x32xf32, #tpu.memory_space<vmem>>
    %dma_start3A_1709 = tpu.memref_squeeze %dma_start3A_1708 : memref<1x1x128x32xf32, #tpu.memory_space<vmem>> -> memref<128x32xf32, #tpu.memory_space<vmem>>
    tpu.enqueue_dma source(%dma_start3A_1709 : memref<128x32xf32, #tpu.memory_space<vmem>>) target(%dma_start3A_1705 : memref<128x32xf32, #tpu.memory_space<hbm>>) target_semaphore(%arg9 : memref<!tpu.dma_semaphore, #tpu.memory_space<semaphore_mem>>)
    %dma_start3A_1710 = arith.constant 0 : i32
    %dma_start3A_1711 = arith.constant 7 : i32
    %dma_start3A_1712 = arith.constant 27 : i32
    %dma_start3A_1713 = arith.constant 0 : i32
    %dma_start3A_1714 = arith.constant 0 : i32
    %dma_start3A_1715 = tpu.memref_slice %arg6[%dma_start3A_1710, %dma_start3A_1711, %dma_start3A_1713, %dma_start3A_1714] : memref<2x10x128x32xf32, #tpu.memory_space<vmem>> -> memref<1x1x128x32xf32, #tpu.memory_space<vmem>>
    %dma_start3A_1716 = tpu.memref_squeeze %dma_start3A_1715 : memref<1x1x128x32xf32, #tpu.memory_space<vmem>> -> memref<128x32xf32, #tpu.memory_space<vmem>>
    %dma_start3A_1717 = arith.constant 0 : i32
    %dma_start3A_1718 = tpu.memref_slice %arg4[%mul3A_2, %dma_start3A_1712, %dma_start3A_1717] : memref<4096x50x32xf32, #tpu.memory_space<hbm>> -> memref<128x1x32xf32, #tpu.memory_space<hbm>>
    %dma_start3A_1719 = tpu.memref_squeeze %dma_start3A_1718 : memref<128x1x32xf32, #tpu.memory_space<hbm>> -> memref<128x32xf32, #tpu.memory_space<hbm>>
    %dma_start3A_1720 = arith.constant 0 : i32
    %dma_start3A_1721 = tpu.memref_slice %arg4[%mul3A_2, %dma_start3A_1712, %dma_start3A_1720] : memref<4096x50x32xf32, #tpu.memory_space<hbm>> -> memref<128x1x32xf32, #tpu.memory_space<hbm>>
    %dma_start3A_1722 = tpu.memref_squeeze %dma_start3A_1721 : memref<128x1x32xf32, #tpu.memory_space<hbm>> -> memref<128x32xf32, #tpu.memory_space<hbm>>
    %dma_start3A_1723 = arith.constant 0 : i32
    %dma_start3A_1724 = arith.constant 0 : i32
    %dma_start3A_1725 = tpu.memref_slice %arg6[%dma_start3A_1710, %dma_start3A_1711, %dma_start3A_1723, %dma_start3A_1724] : memref<2x10x128x32xf32, #tpu.memory_space<vmem>> -> memref<1x1x128x32xf32, #tpu.memory_space<vmem>>
    %dma_start3A_1726 = tpu.memref_squeeze %dma_start3A_1725 : memref<1x1x128x32xf32, #tpu.memory_space<vmem>> -> memref<128x32xf32, #tpu.memory_space<vmem>>
    tpu.enqueue_dma source(%dma_start3A_1726 : memref<128x32xf32, #tpu.memory_space<vmem>>) target(%dma_start3A_1722 : memref<128x32xf32, #tpu.memory_space<hbm>>) target_semaphore(%arg9 : memref<!tpu.dma_semaphore, #tpu.memory_space<semaphore_mem>>)
    %dma_start3A_1727 = arith.constant 0 : i32
    %dma_start3A_1728 = arith.constant 8 : i32
    %dma_start3A_1729 = arith.constant 28 : i32
    %dma_start3A_1730 = arith.constant 0 : i32
    %dma_start3A_1731 = arith.constant 0 : i32
    %dma_start3A_1732 = tpu.memref_slice %arg6[%dma_start3A_1727, %dma_start3A_1728, %dma_start3A_1730, %dma_start3A_1731] : memref<2x10x128x32xf32, #tpu.memory_space<vmem>> -> memref<1x1x128x32xf32, #tpu.memory_space<vmem>>
    %dma_start3A_1733 = tpu.memref_squeeze %dma_start3A_1732 : memref<1x1x128x32xf32, #tpu.memory_space<vmem>> -> memref<128x32xf32, #tpu.memory_space<vmem>>
    %dma_start3A_1734 = arith.constant 0 : i32
    %dma_start3A_1735 = tpu.memref_slice %arg4[%mul3A_2, %dma_start3A_1729, %dma_start3A_1734] : memref<4096x50x32xf32, #tpu.memory_space<hbm>> -> memref<128x1x32xf32, #tpu.memory_space<hbm>>
    %dma_start3A_1736 = tpu.memref_squeeze %dma_start3A_1735 : memref<128x1x32xf32, #tpu.memory_space<hbm>> -> memref<128x32xf32, #tpu.memory_space<hbm>>
    %dma_start3A_1737 = arith.constant 0 : i32
    %dma_start3A_1738 = tpu.memref_slice %arg4[%mul3A_2, %dma_start3A_1729, %dma_start3A_1737] : memref<4096x50x32xf32, #tpu.memory_space<hbm>> -> memref<128x1x32xf32, #tpu.memory_space<hbm>>
    %dma_start3A_1739 = tpu.memref_squeeze %dma_start3A_1738 : memref<128x1x32xf32, #tpu.memory_space<hbm>> -> memref<128x32xf32, #tpu.memory_space<hbm>>
    %dma_start3A_1740 = arith.constant 0 : i32
    %dma_start3A_1741 = arith.constant 0 : i32
    %dma_start3A_1742 = tpu.memref_slice %arg6[%dma_start3A_1727, %dma_start3A_1728, %dma_start3A_1740, %dma_start3A_1741] : memref<2x10x128x32xf32, #tpu.memory_space<vmem>> -> memref<1x1x128x32xf32, #tpu.memory_space<vmem>>
    %dma_start3A_1743 = tpu.memref_squeeze %dma_start3A_1742 : memref<1x1x128x32xf32, #tpu.memory_space<vmem>> -> memref<128x32xf32, #tpu.memory_space<vmem>>
    tpu.enqueue_dma source(%dma_start3A_1743 : memref<128x32xf32, #tpu.memory_space<vmem>>) target(%dma_start3A_1739 : memref<128x32xf32, #tpu.memory_space<hbm>>) target_semaphore(%arg9 : memref<!tpu.dma_semaphore, #tpu.memory_space<semaphore_mem>>)
    %dma_start3A_1744 = arith.constant 0 : i32
    %dma_start3A_1745 = arith.constant 9 : i32
    %dma_start3A_1746 = arith.constant 29 : i32
    %dma_start3A_1747 = arith.constant 0 : i32
    %dma_start3A_1748 = arith.constant 0 : i32
    %dma_start3A_1749 = tpu.memref_slice %arg6[%dma_start3A_1744, %dma_start3A_1745, %dma_start3A_1747, %dma_start3A_1748] : memref<2x10x128x32xf32, #tpu.memory_space<vmem>> -> memref<1x1x128x32xf32, #tpu.memory_space<vmem>>
    %dma_start3A_1750 = tpu.memref_squeeze %dma_start3A_1749 : memref<1x1x128x32xf32, #tpu.memory_space<vmem>> -> memref<128x32xf32, #tpu.memory_space<vmem>>
    %dma_start3A_1751 = arith.constant 0 : i32
    %dma_start3A_1752 = tpu.memref_slice %arg4[%mul3A_2, %dma_start3A_1746, %dma_start3A_1751] : memref<4096x50x32xf32, #tpu.memory_space<hbm>> -> memref<128x1x32xf32, #tpu.memory_space<hbm>>
    %dma_start3A_1753 = tpu.memref_squeeze %dma_start3A_1752 : memref<128x1x32xf32, #tpu.memory_space<hbm>> -> memref<128x32xf32, #tpu.memory_space<hbm>>
    %dma_start3A_1754 = arith.constant 0 : i32
    %dma_start3A_1755 = tpu.memref_slice %arg4[%mul3A_2, %dma_start3A_1746, %dma_start3A_1754] : memref<4096x50x32xf32, #tpu.memory_space<hbm>> -> memref<128x1x32xf32, #tpu.memory_space<hbm>>
    %dma_start3A_1756 = tpu.memref_squeeze %dma_start3A_1755 : memref<128x1x32xf32, #tpu.memory_space<hbm>> -> memref<128x32xf32, #tpu.memory_space<hbm>>
    %dma_start3A_1757 = arith.constant 0 : i32
    %dma_start3A_1758 = arith.constant 0 : i32
    %dma_start3A_1759 = tpu.memref_slice %arg6[%dma_start3A_1744, %dma_start3A_1745, %dma_start3A_1757, %dma_start3A_1758] : memref<2x10x128x32xf32, #tpu.memory_space<vmem>> -> memref<1x1x128x32xf32, #tpu.memory_space<vmem>>
    %dma_start3A_1760 = tpu.memref_squeeze %dma_start3A_1759 : memref<1x1x128x32xf32, #tpu.memory_space<vmem>> -> memref<128x32xf32, #tpu.memory_space<vmem>>
    tpu.enqueue_dma source(%dma_start3A_1760 : memref<128x32xf32, #tpu.memory_space<vmem>>) target(%dma_start3A_1756 : memref<128x32xf32, #tpu.memory_space<hbm>>) target_semaphore(%arg9 : memref<!tpu.dma_semaphore, #tpu.memory_space<semaphore_mem>>)
    %dma_wait3A_1761 = arith.constant 0 : i32
    %dma_wait3A_1762 = arith.constant 0 : i32
    %dma_wait3A_1763 = arith.constant 20 : i32
    %dma_wait3A_1764 = arith.constant 0 : i32
    %dma_wait3A_1765 = arith.constant 0 : i32
    %dma_wait3A_1766 = tpu.memref_slice %arg6[%dma_wait3A_1761, %dma_wait3A_1762, %dma_wait3A_1764, %dma_wait3A_1765] : memref<2x10x128x32xf32, #tpu.memory_space<vmem>> -> memref<1x1x128x32xf32, #tpu.memory_space<vmem>>
    %dma_wait3A_1767 = tpu.memref_squeeze %dma_wait3A_1766 : memref<1x1x128x32xf32, #tpu.memory_space<vmem>> -> memref<128x32xf32, #tpu.memory_space<vmem>>
    %dma_wait3A_1768 = arith.constant 0 : i32
    %dma_wait3A_1769 = tpu.memref_slice %arg4[%mul3A_2, %dma_wait3A_1763, %dma_wait3A_1768] : memref<4096x50x32xf32, #tpu.memory_space<hbm>> -> memref<128x1x32xf32, #tpu.memory_space<hbm>>
    %dma_wait3A_1770 = tpu.memref_squeeze %dma_wait3A_1769 : memref<128x1x32xf32, #tpu.memory_space<hbm>> -> memref<128x32xf32, #tpu.memory_space<hbm>>
    %dma_wait3A_1771 = arith.constant 0 : i32
    %dma_wait3A_1772 = tpu.memref_slice %arg4[%mul3A_2, %dma_wait3A_1763, %dma_wait3A_1771] : memref<4096x50x32xf32, #tpu.memory_space<hbm>> -> memref<128x1x32xf32, #tpu.memory_space<hbm>>
    %dma_wait3A_1773 = tpu.memref_squeeze %dma_wait3A_1772 : memref<128x1x32xf32, #tpu.memory_space<hbm>> -> memref<128x32xf32, #tpu.memory_space<hbm>>
    %dma_wait3A_1774 = arith.constant 0 : i32
    %dma_wait3A_1775 = arith.constant 0 : i32
    %dma_wait3A_1776 = tpu.memref_slice %arg6[%dma_wait3A_1761, %dma_wait3A_1762, %dma_wait3A_1774, %dma_wait3A_1775] : memref<2x10x128x32xf32, #tpu.memory_space<vmem>> -> memref<1x1x128x32xf32, #tpu.memory_space<vmem>>
    %dma_wait3A_1777 = tpu.memref_squeeze %dma_wait3A_1776 : memref<1x1x128x32xf32, #tpu.memory_space<vmem>> -> memref<128x32xf32, #tpu.memory_space<vmem>>
    tpu.wait_dma2 semaphore(%arg9 : memref<!tpu.dma_semaphore, #tpu.memory_space<semaphore_mem>>) src(%dma_wait3A_1777 : memref<128x32xf32, #tpu.memory_space<vmem>>) dst(%dma_wait3A_1773 : memref<128x32xf32, #tpu.memory_space<hbm>>)
    %dma_wait3A_1778 = arith.constant 0 : i32
    %dma_wait3A_1779 = arith.constant 1 : i32
    %dma_wait3A_1780 = arith.constant 21 : i32
    %dma_wait3A_1781 = arith.constant 0 : i32
    %dma_wait3A_1782 = arith.constant 0 : i32
    %dma_wait3A_1783 = tpu.memref_slice %arg6[%dma_wait3A_1778, %dma_wait3A_1779, %dma_wait3A_1781, %dma_wait3A_1782] : memref<2x10x128x32xf32, #tpu.memory_space<vmem>> -> memref<1x1x128x32xf32, #tpu.memory_space<vmem>>
    %dma_wait3A_1784 = tpu.memref_squeeze %dma_wait3A_1783 : memref<1x1x128x32xf32, #tpu.memory_space<vmem>> -> memref<128x32xf32, #tpu.memory_space<vmem>>
    %dma_wait3A_1785 = arith.constant 0 : i32
    %dma_wait3A_1786 = tpu.memref_slice %arg4[%mul3A_2, %dma_wait3A_1780, %dma_wait3A_1785] : memref<4096x50x32xf32, #tpu.memory_space<hbm>> -> memref<128x1x32xf32, #tpu.memory_space<hbm>>
    %dma_wait3A_1787 = tpu.memref_squeeze %dma_wait3A_1786 : memref<128x1x32xf32, #tpu.memory_space<hbm>> -> memref<128x32xf32, #tpu.memory_space<hbm>>
    %dma_wait3A_1788 = arith.constant 0 : i32
    %dma_wait3A_1789 = tpu.memref_slice %arg4[%mul3A_2, %dma_wait3A_1780, %dma_wait3A_1788] : memref<4096x50x32xf32, #tpu.memory_space<hbm>> -> memref<128x1x32xf32, #tpu.memory_space<hbm>>
    %dma_wait3A_1790 = tpu.memref_squeeze %dma_wait3A_1789 : memref<128x1x32xf32, #tpu.memory_space<hbm>> -> memref<128x32xf32, #tpu.memory_space<hbm>>
    %dma_wait3A_1791 = arith.constant 0 : i32
    %dma_wait3A_1792 = arith.constant 0 : i32
    %dma_wait3A_1793 = tpu.memref_slice %arg6[%dma_wait3A_1778, %dma_wait3A_1779, %dma_wait3A_1791, %dma_wait3A_1792] : memref<2x10x128x32xf32, #tpu.memory_space<vmem>> -> memref<1x1x128x32xf32, #tpu.memory_space<vmem>>
    %dma_wait3A_1794 = tpu.memref_squeeze %dma_wait3A_1793 : memref<1x1x128x32xf32, #tpu.memory_space<vmem>> -> memref<128x32xf32, #tpu.memory_space<vmem>>
    tpu.wait_dma2 semaphore(%arg9 : memref<!tpu.dma_semaphore, #tpu.memory_space<semaphore_mem>>) src(%dma_wait3A_1794 : memref<128x32xf32, #tpu.memory_space<vmem>>) dst(%dma_wait3A_1790 : memref<128x32xf32, #tpu.memory_space<hbm>>)
    %dma_wait3A_1795 = arith.constant 0 : i32
    %dma_wait3A_1796 = arith.constant 2 : i32
    %dma_wait3A_1797 = arith.constant 22 : i32
    %dma_wait3A_1798 = arith.constant 0 : i32
    %dma_wait3A_1799 = arith.constant 0 : i32
    %dma_wait3A_1800 = tpu.memref_slice %arg6[%dma_wait3A_1795, %dma_wait3A_1796, %dma_wait3A_1798, %dma_wait3A_1799] : memref<2x10x128x32xf32, #tpu.memory_space<vmem>> -> memref<1x1x128x32xf32, #tpu.memory_space<vmem>>
    %dma_wait3A_1801 = tpu.memref_squeeze %dma_wait3A_1800 : memref<1x1x128x32xf32, #tpu.memory_space<vmem>> -> memref<128x32xf32, #tpu.memory_space<vmem>>
    %dma_wait3A_1802 = arith.constant 0 : i32
    %dma_wait3A_1803 = tpu.memref_slice %arg4[%mul3A_2, %dma_wait3A_1797, %dma_wait3A_1802] : memref<4096x50x32xf32, #tpu.memory_space<hbm>> -> memref<128x1x32xf32, #tpu.memory_space<hbm>>
    %dma_wait3A_1804 = tpu.memref_squeeze %dma_wait3A_1803 : memref<128x1x32xf32, #tpu.memory_space<hbm>> -> memref<128x32xf32, #tpu.memory_space<hbm>>
    %dma_wait3A_1805 = arith.constant 0 : i32
    %dma_wait3A_1806 = tpu.memref_slice %arg4[%mul3A_2, %dma_wait3A_1797, %dma_wait3A_1805] : memref<4096x50x32xf32, #tpu.memory_space<hbm>> -> memref<128x1x32xf32, #tpu.memory_space<hbm>>
    %dma_wait3A_1807 = tpu.memref_squeeze %dma_wait3A_1806 : memref<128x1x32xf32, #tpu.memory_space<hbm>> -> memref<128x32xf32, #tpu.memory_space<hbm>>
    %dma_wait3A_1808 = arith.constant 0 : i32
    %dma_wait3A_1809 = arith.constant 0 : i32
    %dma_wait3A_1810 = tpu.memref_slice %arg6[%dma_wait3A_1795, %dma_wait3A_1796, %dma_wait3A_1808, %dma_wait3A_1809] : memref<2x10x128x32xf32, #tpu.memory_space<vmem>> -> memref<1x1x128x32xf32, #tpu.memory_space<vmem>>
    %dma_wait3A_1811 = tpu.memref_squeeze %dma_wait3A_1810 : memref<1x1x128x32xf32, #tpu.memory_space<vmem>> -> memref<128x32xf32, #tpu.memory_space<vmem>>
    tpu.wait_dma2 semaphore(%arg9 : memref<!tpu.dma_semaphore, #tpu.memory_space<semaphore_mem>>) src(%dma_wait3A_1811 : memref<128x32xf32, #tpu.memory_space<vmem>>) dst(%dma_wait3A_1807 : memref<128x32xf32, #tpu.memory_space<hbm>>)
    %dma_wait3A_1812 = arith.constant 0 : i32
    %dma_wait3A_1813 = arith.constant 3 : i32
    %dma_wait3A_1814 = arith.constant 23 : i32
    %dma_wait3A_1815 = arith.constant 0 : i32
    %dma_wait3A_1816 = arith.constant 0 : i32
    %dma_wait3A_1817 = tpu.memref_slice %arg6[%dma_wait3A_1812, %dma_wait3A_1813, %dma_wait3A_1815, %dma_wait3A_1816] : memref<2x10x128x32xf32, #tpu.memory_space<vmem>> -> memref<1x1x128x32xf32, #tpu.memory_space<vmem>>
    %dma_wait3A_1818 = tpu.memref_squeeze %dma_wait3A_1817 : memref<1x1x128x32xf32, #tpu.memory_space<vmem>> -> memref<128x32xf32, #tpu.memory_space<vmem>>
    %dma_wait3A_1819 = arith.constant 0 : i32
    %dma_wait3A_1820 = tpu.memref_slice %arg4[%mul3A_2, %dma_wait3A_1814, %dma_wait3A_1819] : memref<4096x50x32xf32, #tpu.memory_space<hbm>> -> memref<128x1x32xf32, #tpu.memory_space<hbm>>
    %dma_wait3A_1821 = tpu.memref_squeeze %dma_wait3A_1820 : memref<128x1x32xf32, #tpu.memory_space<hbm>> -> memref<128x32xf32, #tpu.memory_space<hbm>>
    %dma_wait3A_1822 = arith.constant 0 : i32
    %dma_wait3A_1823 = tpu.memref_slice %arg4[%mul3A_2, %dma_wait3A_1814, %dma_wait3A_1822] : memref<4096x50x32xf32, #tpu.memory_space<hbm>> -> memref<128x1x32xf32, #tpu.memory_space<hbm>>
    %dma_wait3A_1824 = tpu.memref_squeeze %dma_wait3A_1823 : memref<128x1x32xf32, #tpu.memory_space<hbm>> -> memref<128x32xf32, #tpu.memory_space<hbm>>
    %dma_wait3A_1825 = arith.constant 0 : i32
    %dma_wait3A_1826 = arith.constant 0 : i32
    %dma_wait3A_1827 = tpu.memref_slice %arg6[%dma_wait3A_1812, %dma_wait3A_1813, %dma_wait3A_1825, %dma_wait3A_1826] : memref<2x10x128x32xf32, #tpu.memory_space<vmem>> -> memref<1x1x128x32xf32, #tpu.memory_space<vmem>>
    %dma_wait3A_1828 = tpu.memref_squeeze %dma_wait3A_1827 : memref<1x1x128x32xf32, #tpu.memory_space<vmem>> -> memref<128x32xf32, #tpu.memory_space<vmem>>
    tpu.wait_dma2 semaphore(%arg9 : memref<!tpu.dma_semaphore, #tpu.memory_space<semaphore_mem>>) src(%dma_wait3A_1828 : memref<128x32xf32, #tpu.memory_space<vmem>>) dst(%dma_wait3A_1824 : memref<128x32xf32, #tpu.memory_space<hbm>>)
    %dma_wait3A_1829 = arith.constant 0 : i32
    %dma_wait3A_1830 = arith.constant 4 : i32
    %dma_wait3A_1831 = arith.constant 24 : i32
    %dma_wait3A_1832 = arith.constant 0 : i32
    %dma_wait3A_1833 = arith.constant 0 : i32
    %dma_wait3A_1834 = tpu.memref_slice %arg6[%dma_wait3A_1829, %dma_wait3A_1830, %dma_wait3A_1832, %dma_wait3A_1833] : memref<2x10x128x32xf32, #tpu.memory_space<vmem>> -> memref<1x1x128x32xf32, #tpu.memory_space<vmem>>
    %dma_wait3A_1835 = tpu.memref_squeeze %dma_wait3A_1834 : memref<1x1x128x32xf32, #tpu.memory_space<vmem>> -> memref<128x32xf32, #tpu.memory_space<vmem>>
    %dma_wait3A_1836 = arith.constant 0 : i32
    %dma_wait3A_1837 = tpu.memref_slice %arg4[%mul3A_2, %dma_wait3A_1831, %dma_wait3A_1836] : memref<4096x50x32xf32, #tpu.memory_space<hbm>> -> memref<128x1x32xf32, #tpu.memory_space<hbm>>
    %dma_wait3A_1838 = tpu.memref_squeeze %dma_wait3A_1837 : memref<128x1x32xf32, #tpu.memory_space<hbm>> -> memref<128x32xf32, #tpu.memory_space<hbm>>
    %dma_wait3A_1839 = arith.constant 0 : i32
    %dma_wait3A_1840 = tpu.memref_slice %arg4[%mul3A_2, %dma_wait3A_1831, %dma_wait3A_1839] : memref<4096x50x32xf32, #tpu.memory_space<hbm>> -> memref<128x1x32xf32, #tpu.memory_space<hbm>>
    %dma_wait3A_1841 = tpu.memref_squeeze %dma_wait3A_1840 : memref<128x1x32xf32, #tpu.memory_space<hbm>> -> memref<128x32xf32, #tpu.memory_space<hbm>>
    %dma_wait3A_1842 = arith.constant 0 : i32
    %dma_wait3A_1843 = arith.constant 0 : i32
    %dma_wait3A_1844 = tpu.memref_slice %arg6[%dma_wait3A_1829, %dma_wait3A_1830, %dma_wait3A_1842, %dma_wait3A_1843] : memref<2x10x128x32xf32, #tpu.memory_space<vmem>> -> memref<1x1x128x32xf32, #tpu.memory_space<vmem>>
    %dma_wait3A_1845 = tpu.memref_squeeze %dma_wait3A_1844 : memref<1x1x128x32xf32, #tpu.memory_space<vmem>> -> memref<128x32xf32, #tpu.memory_space<vmem>>
    tpu.wait_dma2 semaphore(%arg9 : memref<!tpu.dma_semaphore, #tpu.memory_space<semaphore_mem>>) src(%dma_wait3A_1845 : memref<128x32xf32, #tpu.memory_space<vmem>>) dst(%dma_wait3A_1841 : memref<128x32xf32, #tpu.memory_space<hbm>>)
    %dma_wait3A_1846 = arith.constant 0 : i32
    %dma_wait3A_1847 = arith.constant 5 : i32
    %dma_wait3A_1848 = arith.constant 25 : i32
    %dma_wait3A_1849 = arith.constant 0 : i32
    %dma_wait3A_1850 = arith.constant 0 : i32
    %dma_wait3A_1851 = tpu.memref_slice %arg6[%dma_wait3A_1846, %dma_wait3A_1847, %dma_wait3A_1849, %dma_wait3A_1850] : memref<2x10x128x32xf32, #tpu.memory_space<vmem>> -> memref<1x1x128x32xf32, #tpu.memory_space<vmem>>
    %dma_wait3A_1852 = tpu.memref_squeeze %dma_wait3A_1851 : memref<1x1x128x32xf32, #tpu.memory_space<vmem>> -> memref<128x32xf32, #tpu.memory_space<vmem>>
    %dma_wait3A_1853 = arith.constant 0 : i32
    %dma_wait3A_1854 = tpu.memref_slice %arg4[%mul3A_2, %dma_wait3A_1848, %dma_wait3A_1853] : memref<4096x50x32xf32, #tpu.memory_space<hbm>> -> memref<128x1x32xf32, #tpu.memory_space<hbm>>
    %dma_wait3A_1855 = tpu.memref_squeeze %dma_wait3A_1854 : memref<128x1x32xf32, #tpu.memory_space<hbm>> -> memref<128x32xf32, #tpu.memory_space<hbm>>
    %dma_wait3A_1856 = arith.constant 0 : i32
    %dma_wait3A_1857 = tpu.memref_slice %arg4[%mul3A_2, %dma_wait3A_1848, %dma_wait3A_1856] : memref<4096x50x32xf32, #tpu.memory_space<hbm>> -> memref<128x1x32xf32, #tpu.memory_space<hbm>>
    %dma_wait3A_1858 = tpu.memref_squeeze %dma_wait3A_1857 : memref<128x1x32xf32, #tpu.memory_space<hbm>> -> memref<128x32xf32, #tpu.memory_space<hbm>>
    %dma_wait3A_1859 = arith.constant 0 : i32
    %dma_wait3A_1860 = arith.constant 0 : i32
    %dma_wait3A_1861 = tpu.memref_slice %arg6[%dma_wait3A_1846, %dma_wait3A_1847, %dma_wait3A_1859, %dma_wait3A_1860] : memref<2x10x128x32xf32, #tpu.memory_space<vmem>> -> memref<1x1x128x32xf32, #tpu.memory_space<vmem>>
    %dma_wait3A_1862 = tpu.memref_squeeze %dma_wait3A_1861 : memref<1x1x128x32xf32, #tpu.memory_space<vmem>> -> memref<128x32xf32, #tpu.memory_space<vmem>>
    tpu.wait_dma2 semaphore(%arg9 : memref<!tpu.dma_semaphore, #tpu.memory_space<semaphore_mem>>) src(%dma_wait3A_1862 : memref<128x32xf32, #tpu.memory_space<vmem>>) dst(%dma_wait3A_1858 : memref<128x32xf32, #tpu.memory_space<hbm>>)
    %dma_wait3A_1863 = arith.constant 0 : i32
    %dma_wait3A_1864 = arith.constant 6 : i32
    %dma_wait3A_1865 = arith.constant 26 : i32
    %dma_wait3A_1866 = arith.constant 0 : i32
    %dma_wait3A_1867 = arith.constant 0 : i32
    %dma_wait3A_1868 = tpu.memref_slice %arg6[%dma_wait3A_1863, %dma_wait3A_1864, %dma_wait3A_1866, %dma_wait3A_1867] : memref<2x10x128x32xf32, #tpu.memory_space<vmem>> -> memref<1x1x128x32xf32, #tpu.memory_space<vmem>>
    %dma_wait3A_1869 = tpu.memref_squeeze %dma_wait3A_1868 : memref<1x1x128x32xf32, #tpu.memory_space<vmem>> -> memref<128x32xf32, #tpu.memory_space<vmem>>
    %dma_wait3A_1870 = arith.constant 0 : i32
    %dma_wait3A_1871 = tpu.memref_slice %arg4[%mul3A_2, %dma_wait3A_1865, %dma_wait3A_1870] : memref<4096x50x32xf32, #tpu.memory_space<hbm>> -> memref<128x1x32xf32, #tpu.memory_space<hbm>>
    %dma_wait3A_1872 = tpu.memref_squeeze %dma_wait3A_1871 : memref<128x1x32xf32, #tpu.memory_space<hbm>> -> memref<128x32xf32, #tpu.memory_space<hbm>>
    %dma_wait3A_1873 = arith.constant 0 : i32
    %dma_wait3A_1874 = tpu.memref_slice %arg4[%mul3A_2, %dma_wait3A_1865, %dma_wait3A_1873] : memref<4096x50x32xf32, #tpu.memory_space<hbm>> -> memref<128x1x32xf32, #tpu.memory_space<hbm>>
    %dma_wait3A_1875 = tpu.memref_squeeze %dma_wait3A_1874 : memref<128x1x32xf32, #tpu.memory_space<hbm>> -> memref<128x32xf32, #tpu.memory_space<hbm>>
    %dma_wait3A_1876 = arith.constant 0 : i32
    %dma_wait3A_1877 = arith.constant 0 : i32
    %dma_wait3A_1878 = tpu.memref_slice %arg6[%dma_wait3A_1863, %dma_wait3A_1864, %dma_wait3A_1876, %dma_wait3A_1877] : memref<2x10x128x32xf32, #tpu.memory_space<vmem>> -> memref<1x1x128x32xf32, #tpu.memory_space<vmem>>
    %dma_wait3A_1879 = tpu.memref_squeeze %dma_wait3A_1878 : memref<1x1x128x32xf32, #tpu.memory_space<vmem>> -> memref<128x32xf32, #tpu.memory_space<vmem>>
    tpu.wait_dma2 semaphore(%arg9 : memref<!tpu.dma_semaphore, #tpu.memory_space<semaphore_mem>>) src(%dma_wait3A_1879 : memref<128x32xf32, #tpu.memory_space<vmem>>) dst(%dma_wait3A_1875 : memref<128x32xf32, #tpu.memory_space<hbm>>)
    %dma_wait3A_1880 = arith.constant 0 : i32
    %dma_wait3A_1881 = arith.constant 7 : i32
    %dma_wait3A_1882 = arith.constant 27 : i32
    %dma_wait3A_1883 = arith.constant 0 : i32
    %dma_wait3A_1884 = arith.constant 0 : i32
    %dma_wait3A_1885 = tpu.memref_slice %arg6[%dma_wait3A_1880, %dma_wait3A_1881, %dma_wait3A_1883, %dma_wait3A_1884] : memref<2x10x128x32xf32, #tpu.memory_space<vmem>> -> memref<1x1x128x32xf32, #tpu.memory_space<vmem>>
    %dma_wait3A_1886 = tpu.memref_squeeze %dma_wait3A_1885 : memref<1x1x128x32xf32, #tpu.memory_space<vmem>> -> memref<128x32xf32, #tpu.memory_space<vmem>>
    %dma_wait3A_1887 = arith.constant 0 : i32
    %dma_wait3A_1888 = tpu.memref_slice %arg4[%mul3A_2, %dma_wait3A_1882, %dma_wait3A_1887] : memref<4096x50x32xf32, #tpu.memory_space<hbm>> -> memref<128x1x32xf32, #tpu.memory_space<hbm>>
    %dma_wait3A_1889 = tpu.memref_squeeze %dma_wait3A_1888 : memref<128x1x32xf32, #tpu.memory_space<hbm>> -> memref<128x32xf32, #tpu.memory_space<hbm>>
    %dma_wait3A_1890 = arith.constant 0 : i32
    %dma_wait3A_1891 = tpu.memref_slice %arg4[%mul3A_2, %dma_wait3A_1882, %dma_wait3A_1890] : memref<4096x50x32xf32, #tpu.memory_space<hbm>> -> memref<128x1x32xf32, #tpu.memory_space<hbm>>
    %dma_wait3A_1892 = tpu.memref_squeeze %dma_wait3A_1891 : memref<128x1x32xf32, #tpu.memory_space<hbm>> -> memref<128x32xf32, #tpu.memory_space<hbm>>
    %dma_wait3A_1893 = arith.constant 0 : i32
    %dma_wait3A_1894 = arith.constant 0 : i32
    %dma_wait3A_1895 = tpu.memref_slice %arg6[%dma_wait3A_1880, %dma_wait3A_1881, %dma_wait3A_1893, %dma_wait3A_1894] : memref<2x10x128x32xf32, #tpu.memory_space<vmem>> -> memref<1x1x128x32xf32, #tpu.memory_space<vmem>>
    %dma_wait3A_1896 = tpu.memref_squeeze %dma_wait3A_1895 : memref<1x1x128x32xf32, #tpu.memory_space<vmem>> -> memref<128x32xf32, #tpu.memory_space<vmem>>
    tpu.wait_dma2 semaphore(%arg9 : memref<!tpu.dma_semaphore, #tpu.memory_space<semaphore_mem>>) src(%dma_wait3A_1896 : memref<128x32xf32, #tpu.memory_space<vmem>>) dst(%dma_wait3A_1892 : memref<128x32xf32, #tpu.memory_space<hbm>>)
    %dma_wait3A_1897 = arith.constant 0 : i32
    %dma_wait3A_1898 = arith.constant 8 : i32
    %dma_wait3A_1899 = arith.constant 28 : i32
    %dma_wait3A_1900 = arith.constant 0 : i32
    %dma_wait3A_1901 = arith.constant 0 : i32
    %dma_wait3A_1902 = tpu.memref_slice %arg6[%dma_wait3A_1897, %dma_wait3A_1898, %dma_wait3A_1900, %dma_wait3A_1901] : memref<2x10x128x32xf32, #tpu.memory_space<vmem>> -> memref<1x1x128x32xf32, #tpu.memory_space<vmem>>
    %dma_wait3A_1903 = tpu.memref_squeeze %dma_wait3A_1902 : memref<1x1x128x32xf32, #tpu.memory_space<vmem>> -> memref<128x32xf32, #tpu.memory_space<vmem>>
    %dma_wait3A_1904 = arith.constant 0 : i32
    %dma_wait3A_1905 = tpu.memref_slice %arg4[%mul3A_2, %dma_wait3A_1899, %dma_wait3A_1904] : memref<4096x50x32xf32, #tpu.memory_space<hbm>> -> memref<128x1x32xf32, #tpu.memory_space<hbm>>
    %dma_wait3A_1906 = tpu.memref_squeeze %dma_wait3A_1905 : memref<128x1x32xf32, #tpu.memory_space<hbm>> -> memref<128x32xf32, #tpu.memory_space<hbm>>
    %dma_wait3A_1907 = arith.constant 0 : i32
    %dma_wait3A_1908 = tpu.memref_slice %arg4[%mul3A_2, %dma_wait3A_1899, %dma_wait3A_1907] : memref<4096x50x32xf32, #tpu.memory_space<hbm>> -> memref<128x1x32xf32, #tpu.memory_space<hbm>>
    %dma_wait3A_1909 = tpu.memref_squeeze %dma_wait3A_1908 : memref<128x1x32xf32, #tpu.memory_space<hbm>> -> memref<128x32xf32, #tpu.memory_space<hbm>>
    %dma_wait3A_1910 = arith.constant 0 : i32
    %dma_wait3A_1911 = arith.constant 0 : i32
    %dma_wait3A_1912 = tpu.memref_slice %arg6[%dma_wait3A_1897, %dma_wait3A_1898, %dma_wait3A_1910, %dma_wait3A_1911] : memref<2x10x128x32xf32, #tpu.memory_space<vmem>> -> memref<1x1x128x32xf32, #tpu.memory_space<vmem>>
    %dma_wait3A_1913 = tpu.memref_squeeze %dma_wait3A_1912 : memref<1x1x128x32xf32, #tpu.memory_space<vmem>> -> memref<128x32xf32, #tpu.memory_space<vmem>>
    tpu.wait_dma2 semaphore(%arg9 : memref<!tpu.dma_semaphore, #tpu.memory_space<semaphore_mem>>) src(%dma_wait3A_1913 : memref<128x32xf32, #tpu.memory_space<vmem>>) dst(%dma_wait3A_1909 : memref<128x32xf32, #tpu.memory_space<hbm>>)
    %dma_wait3A_1914 = arith.constant 0 : i32
    %dma_wait3A_1915 = arith.constant 9 : i32
    %dma_wait3A_1916 = arith.constant 29 : i32
    %dma_wait3A_1917 = arith.constant 0 : i32
    %dma_wait3A_1918 = arith.constant 0 : i32
    %dma_wait3A_1919 = tpu.memref_slice %arg6[%dma_wait3A_1914, %dma_wait3A_1915, %dma_wait3A_1917, %dma_wait3A_1918] : memref<2x10x128x32xf32, #tpu.memory_space<vmem>> -> memref<1x1x128x32xf32, #tpu.memory_space<vmem>>
    %dma_wait3A_1920 = tpu.memref_squeeze %dma_wait3A_1919 : memref<1x1x128x32xf32, #tpu.memory_space<vmem>> -> memref<128x32xf32, #tpu.memory_space<vmem>>
    %dma_wait3A_1921 = arith.constant 0 : i32
    %dma_wait3A_1922 = tpu.memref_slice %arg4[%mul3A_2, %dma_wait3A_1916, %dma_wait3A_1921] : memref<4096x50x32xf32, #tpu.memory_space<hbm>> -> memref<128x1x32xf32, #tpu.memory_space<hbm>>
    %dma_wait3A_1923 = tpu.memref_squeeze %dma_wait3A_1922 : memref<128x1x32xf32, #tpu.memory_space<hbm>> -> memref<128x32xf32, #tpu.memory_space<hbm>>
    %dma_wait3A_1924 = arith.constant 0 : i32
    %dma_wait3A_1925 = tpu.memref_slice %arg4[%mul3A_2, %dma_wait3A_1916, %dma_wait3A_1924] : memref<4096x50x32xf32, #tpu.memory_space<hbm>> -> memref<128x1x32xf32, #tpu.memory_space<hbm>>
    %dma_wait3A_1926 = tpu.memref_squeeze %dma_wait3A_1925 : memref<128x1x32xf32, #tpu.memory_space<hbm>> -> memref<128x32xf32, #tpu.memory_space<hbm>>
    %dma_wait3A_1927 = arith.constant 0 : i32
    %dma_wait3A_1928 = arith.constant 0 : i32
    %dma_wait3A_1929 = tpu.memref_slice %arg6[%dma_wait3A_1914, %dma_wait3A_1915, %dma_wait3A_1927, %dma_wait3A_1928] : memref<2x10x128x32xf32, #tpu.memory_space<vmem>> -> memref<1x1x128x32xf32, #tpu.memory_space<vmem>>
    %dma_wait3A_1930 = tpu.memref_squeeze %dma_wait3A_1929 : memref<1x1x128x32xf32, #tpu.memory_space<vmem>> -> memref<128x32xf32, #tpu.memory_space<vmem>>
    tpu.wait_dma2 semaphore(%arg9 : memref<!tpu.dma_semaphore, #tpu.memory_space<semaphore_mem>>) src(%dma_wait3A_1930 : memref<128x32xf32, #tpu.memory_space<vmem>>) dst(%dma_wait3A_1926 : memref<128x32xf32, #tpu.memory_space<hbm>>)
    %dma_start3A_1931 = arith.constant 40 : i32
    %dma_start3A_1932 = arith.constant 0 : i32
    %dma_start3A_1933 = arith.constant 0 : i32
    %dma_start3A_1934 = arith.constant 0 : i32
    %dma_start3A_1935 = arith.constant 0 : i32
    %dma_start3A_1936 = tpu.memref_slice %arg6[%dma_start3A_1932, %dma_start3A_1933, %dma_start3A_1934, %dma_start3A_1935] : memref<2x10x128x32xf32, #tpu.memory_space<vmem>> -> memref<1x1x128x32xf32, #tpu.memory_space<vmem>>
    %dma_start3A_1937 = tpu.memref_squeeze %dma_start3A_1936 : memref<1x1x128x32xf32, #tpu.memory_space<vmem>> -> memref<128x32xf32, #tpu.memory_space<vmem>>
    %dma_start3A_1938 = arith.constant 0 : i32
    %dma_start3A_1939 = tpu.memref_slice %arg5[%dma_start3A_1931, %dma_start3A_1938] : memref<50x128xi32, #tpu.memory_space<vmem>> -> memref<1x128xi32, #tpu.memory_space<vmem>>
    %dma_start3A_1940 = tpu.memref_squeeze %dma_start3A_1939 : memref<1x128xi32, #tpu.memory_space<vmem>> -> memref<128xi32, #tpu.memory_space<vmem>>
    %dma_start3A_1941 = arith.constant 0 : i32
    %dma_start3A_1942 = arith.constant 0 : i32
    %dma_start3A_1943 = tpu.memref_slice %arg2[%dma_start3A_1941, %dma_start3A_1942] : memref<1048576x32xf32, #tpu.memory_space<hbm>> -> memref<1048576x32xf32, #tpu.memory_space<hbm>>
    tpu.enqueue_indirect_dma source(%dma_start3A_1943 : memref<1048576x32xf32, #tpu.memory_space<hbm>>) target(%dma_start3A_1937 : memref<128x32xf32, #tpu.memory_space<vmem>>) offsets(%dma_start3A_1940 : memref<128xi32, #tpu.memory_space<vmem>>) semaphore(%arg7 : memref<!tpu.dma_semaphore, #tpu.memory_space<semaphore_mem>>)
    %dma_start3A_1944 = arith.constant 41 : i32
    %dma_start3A_1945 = arith.constant 0 : i32
    %dma_start3A_1946 = arith.constant 1 : i32
    %dma_start3A_1947 = arith.constant 0 : i32
    %dma_start3A_1948 = arith.constant 0 : i32
    %dma_start3A_1949 = tpu.memref_slice %arg6[%dma_start3A_1945, %dma_start3A_1946, %dma_start3A_1947, %dma_start3A_1948] : memref<2x10x128x32xf32, #tpu.memory_space<vmem>> -> memref<1x1x128x32xf32, #tpu.memory_space<vmem>>
    %dma_start3A_1950 = tpu.memref_squeeze %dma_start3A_1949 : memref<1x1x128x32xf32, #tpu.memory_space<vmem>> -> memref<128x32xf32, #tpu.memory_space<vmem>>
    %dma_start3A_1951 = arith.constant 0 : i32
    %dma_start3A_1952 = tpu.memref_slice %arg5[%dma_start3A_1944, %dma_start3A_1951] : memref<50x128xi32, #tpu.memory_space<vmem>> -> memref<1x128xi32, #tpu.memory_space<vmem>>
    %dma_start3A_1953 = tpu.memref_squeeze %dma_start3A_1952 : memref<1x128xi32, #tpu.memory_space<vmem>> -> memref<128xi32, #tpu.memory_space<vmem>>
    %dma_start3A_1954 = arith.constant 0 : i32
    %dma_start3A_1955 = arith.constant 0 : i32
    %dma_start3A_1956 = tpu.memref_slice %arg2[%dma_start3A_1954, %dma_start3A_1955] : memref<1048576x32xf32, #tpu.memory_space<hbm>> -> memref<1048576x32xf32, #tpu.memory_space<hbm>>
    tpu.enqueue_indirect_dma source(%dma_start3A_1956 : memref<1048576x32xf32, #tpu.memory_space<hbm>>) target(%dma_start3A_1950 : memref<128x32xf32, #tpu.memory_space<vmem>>) offsets(%dma_start3A_1953 : memref<128xi32, #tpu.memory_space<vmem>>) semaphore(%arg7 : memref<!tpu.dma_semaphore, #tpu.memory_space<semaphore_mem>>)
    %dma_start3A_1957 = arith.constant 42 : i32
    %dma_start3A_1958 = arith.constant 0 : i32
    %dma_start3A_1959 = arith.constant 2 : i32
    %dma_start3A_1960 = arith.constant 0 : i32
    %dma_start3A_1961 = arith.constant 0 : i32
    %dma_start3A_1962 = tpu.memref_slice %arg6[%dma_start3A_1958, %dma_start3A_1959, %dma_start3A_1960, %dma_start3A_1961] : memref<2x10x128x32xf32, #tpu.memory_space<vmem>> -> memref<1x1x128x32xf32, #tpu.memory_space<vmem>>
    %dma_start3A_1963 = tpu.memref_squeeze %dma_start3A_1962 : memref<1x1x128x32xf32, #tpu.memory_space<vmem>> -> memref<128x32xf32, #tpu.memory_space<vmem>>
    %dma_start3A_1964 = arith.constant 0 : i32
    %dma_start3A_1965 = tpu.memref_slice %arg5[%dma_start3A_1957, %dma_start3A_1964] : memref<50x128xi32, #tpu.memory_space<vmem>> -> memref<1x128xi32, #tpu.memory_space<vmem>>
    %dma_start3A_1966 = tpu.memref_squeeze %dma_start3A_1965 : memref<1x128xi32, #tpu.memory_space<vmem>> -> memref<128xi32, #tpu.memory_space<vmem>>
    %dma_start3A_1967 = arith.constant 0 : i32
    %dma_start3A_1968 = arith.constant 0 : i32
    %dma_start3A_1969 = tpu.memref_slice %arg2[%dma_start3A_1967, %dma_start3A_1968] : memref<1048576x32xf32, #tpu.memory_space<hbm>> -> memref<1048576x32xf32, #tpu.memory_space<hbm>>
    tpu.enqueue_indirect_dma source(%dma_start3A_1969 : memref<1048576x32xf32, #tpu.memory_space<hbm>>) target(%dma_start3A_1963 : memref<128x32xf32, #tpu.memory_space<vmem>>) offsets(%dma_start3A_1966 : memref<128xi32, #tpu.memory_space<vmem>>) semaphore(%arg7 : memref<!tpu.dma_semaphore, #tpu.memory_space<semaphore_mem>>)
    %dma_start3A_1970 = arith.constant 43 : i32
    %dma_start3A_1971 = arith.constant 0 : i32
    %dma_start3A_1972 = arith.constant 3 : i32
    %dma_start3A_1973 = arith.constant 0 : i32
    %dma_start3A_1974 = arith.constant 0 : i32
    %dma_start3A_1975 = tpu.memref_slice %arg6[%dma_start3A_1971, %dma_start3A_1972, %dma_start3A_1973, %dma_start3A_1974] : memref<2x10x128x32xf32, #tpu.memory_space<vmem>> -> memref<1x1x128x32xf32, #tpu.memory_space<vmem>>
    %dma_start3A_1976 = tpu.memref_squeeze %dma_start3A_1975 : memref<1x1x128x32xf32, #tpu.memory_space<vmem>> -> memref<128x32xf32, #tpu.memory_space<vmem>>
    %dma_start3A_1977 = arith.constant 0 : i32
    %dma_start3A_1978 = tpu.memref_slice %arg5[%dma_start3A_1970, %dma_start3A_1977] : memref<50x128xi32, #tpu.memory_space<vmem>> -> memref<1x128xi32, #tpu.memory_space<vmem>>
    %dma_start3A_1979 = tpu.memref_squeeze %dma_start3A_1978 : memref<1x128xi32, #tpu.memory_space<vmem>> -> memref<128xi32, #tpu.memory_space<vmem>>
    %dma_start3A_1980 = arith.constant 0 : i32
    %dma_start3A_1981 = arith.constant 0 : i32
    %dma_start3A_1982 = tpu.memref_slice %arg2[%dma_start3A_1980, %dma_start3A_1981] : memref<1048576x32xf32, #tpu.memory_space<hbm>> -> memref<1048576x32xf32, #tpu.memory_space<hbm>>
    tpu.enqueue_indirect_dma source(%dma_start3A_1982 : memref<1048576x32xf32, #tpu.memory_space<hbm>>) target(%dma_start3A_1976 : memref<128x32xf32, #tpu.memory_space<vmem>>) offsets(%dma_start3A_1979 : memref<128xi32, #tpu.memory_space<vmem>>) semaphore(%arg7 : memref<!tpu.dma_semaphore, #tpu.memory_space<semaphore_mem>>)
    %dma_start3A_1983 = arith.constant 44 : i32
    %dma_start3A_1984 = arith.constant 0 : i32
    %dma_start3A_1985 = arith.constant 4 : i32
    %dma_start3A_1986 = arith.constant 0 : i32
    %dma_start3A_1987 = arith.constant 0 : i32
    %dma_start3A_1988 = tpu.memref_slice %arg6[%dma_start3A_1984, %dma_start3A_1985, %dma_start3A_1986, %dma_start3A_1987] : memref<2x10x128x32xf32, #tpu.memory_space<vmem>> -> memref<1x1x128x32xf32, #tpu.memory_space<vmem>>
    %dma_start3A_1989 = tpu.memref_squeeze %dma_start3A_1988 : memref<1x1x128x32xf32, #tpu.memory_space<vmem>> -> memref<128x32xf32, #tpu.memory_space<vmem>>
    %dma_start3A_1990 = arith.constant 0 : i32
    %dma_start3A_1991 = tpu.memref_slice %arg5[%dma_start3A_1983, %dma_start3A_1990] : memref<50x128xi32, #tpu.memory_space<vmem>> -> memref<1x128xi32, #tpu.memory_space<vmem>>
    %dma_start3A_1992 = tpu.memref_squeeze %dma_start3A_1991 : memref<1x128xi32, #tpu.memory_space<vmem>> -> memref<128xi32, #tpu.memory_space<vmem>>
    %dma_start3A_1993 = arith.constant 0 : i32
    %dma_start3A_1994 = arith.constant 0 : i32
    %dma_start3A_1995 = tpu.memref_slice %arg2[%dma_start3A_1993, %dma_start3A_1994] : memref<1048576x32xf32, #tpu.memory_space<hbm>> -> memref<1048576x32xf32, #tpu.memory_space<hbm>>
    tpu.enqueue_indirect_dma source(%dma_start3A_1995 : memref<1048576x32xf32, #tpu.memory_space<hbm>>) target(%dma_start3A_1989 : memref<128x32xf32, #tpu.memory_space<vmem>>) offsets(%dma_start3A_1992 : memref<128xi32, #tpu.memory_space<vmem>>) semaphore(%arg7 : memref<!tpu.dma_semaphore, #tpu.memory_space<semaphore_mem>>)
    %dma_start3A_1996 = arith.constant 45 : i32
    %dma_start3A_1997 = arith.constant 0 : i32
    %dma_start3A_1998 = arith.constant 5 : i32
    %dma_start3A_1999 = arith.constant 0 : i32
    %dma_start3A_2000 = arith.constant 0 : i32
    %dma_start3A_2001 = tpu.memref_slice %arg6[%dma_start3A_1997, %dma_start3A_1998, %dma_start3A_1999, %dma_start3A_2000] : memref<2x10x128x32xf32, #tpu.memory_space<vmem>> -> memref<1x1x128x32xf32, #tpu.memory_space<vmem>>
    %dma_start3A_2002 = tpu.memref_squeeze %dma_start3A_2001 : memref<1x1x128x32xf32, #tpu.memory_space<vmem>> -> memref<128x32xf32, #tpu.memory_space<vmem>>
    %dma_start3A_2003 = arith.constant 0 : i32
    %dma_start3A_2004 = tpu.memref_slice %arg5[%dma_start3A_1996, %dma_start3A_2003] : memref<50x128xi32, #tpu.memory_space<vmem>> -> memref<1x128xi32, #tpu.memory_space<vmem>>
    %dma_start3A_2005 = tpu.memref_squeeze %dma_start3A_2004 : memref<1x128xi32, #tpu.memory_space<vmem>> -> memref<128xi32, #tpu.memory_space<vmem>>
    %dma_start3A_2006 = arith.constant 0 : i32
    %dma_start3A_2007 = arith.constant 0 : i32
    %dma_start3A_2008 = tpu.memref_slice %arg2[%dma_start3A_2006, %dma_start3A_2007] : memref<1048576x32xf32, #tpu.memory_space<hbm>> -> memref<1048576x32xf32, #tpu.memory_space<hbm>>
    tpu.enqueue_indirect_dma source(%dma_start3A_2008 : memref<1048576x32xf32, #tpu.memory_space<hbm>>) target(%dma_start3A_2002 : memref<128x32xf32, #tpu.memory_space<vmem>>) offsets(%dma_start3A_2005 : memref<128xi32, #tpu.memory_space<vmem>>) semaphore(%arg7 : memref<!tpu.dma_semaphore, #tpu.memory_space<semaphore_mem>>)
    %dma_start3A_2009 = arith.constant 46 : i32
    %dma_start3A_2010 = arith.constant 0 : i32
    %dma_start3A_2011 = arith.constant 6 : i32
    %dma_start3A_2012 = arith.constant 0 : i32
    %dma_start3A_2013 = arith.constant 0 : i32
    %dma_start3A_2014 = tpu.memref_slice %arg6[%dma_start3A_2010, %dma_start3A_2011, %dma_start3A_2012, %dma_start3A_2013] : memref<2x10x128x32xf32, #tpu.memory_space<vmem>> -> memref<1x1x128x32xf32, #tpu.memory_space<vmem>>
    %dma_start3A_2015 = tpu.memref_squeeze %dma_start3A_2014 : memref<1x1x128x32xf32, #tpu.memory_space<vmem>> -> memref<128x32xf32, #tpu.memory_space<vmem>>
    %dma_start3A_2016 = arith.constant 0 : i32
    %dma_start3A_2017 = tpu.memref_slice %arg5[%dma_start3A_2009, %dma_start3A_2016] : memref<50x128xi32, #tpu.memory_space<vmem>> -> memref<1x128xi32, #tpu.memory_space<vmem>>
    %dma_start3A_2018 = tpu.memref_squeeze %dma_start3A_2017 : memref<1x128xi32, #tpu.memory_space<vmem>> -> memref<128xi32, #tpu.memory_space<vmem>>
    %dma_start3A_2019 = arith.constant 0 : i32
    %dma_start3A_2020 = arith.constant 0 : i32
    %dma_start3A_2021 = tpu.memref_slice %arg2[%dma_start3A_2019, %dma_start3A_2020] : memref<1048576x32xf32, #tpu.memory_space<hbm>> -> memref<1048576x32xf32, #tpu.memory_space<hbm>>
    tpu.enqueue_indirect_dma source(%dma_start3A_2021 : memref<1048576x32xf32, #tpu.memory_space<hbm>>) target(%dma_start3A_2015 : memref<128x32xf32, #tpu.memory_space<vmem>>) offsets(%dma_start3A_2018 : memref<128xi32, #tpu.memory_space<vmem>>) semaphore(%arg7 : memref<!tpu.dma_semaphore, #tpu.memory_space<semaphore_mem>>)
    %dma_start3A_2022 = arith.constant 47 : i32
    %dma_start3A_2023 = arith.constant 0 : i32
    %dma_start3A_2024 = arith.constant 7 : i32
    %dma_start3A_2025 = arith.constant 0 : i32
    %dma_start3A_2026 = arith.constant 0 : i32
    %dma_start3A_2027 = tpu.memref_slice %arg6[%dma_start3A_2023, %dma_start3A_2024, %dma_start3A_2025, %dma_start3A_2026] : memref<2x10x128x32xf32, #tpu.memory_space<vmem>> -> memref<1x1x128x32xf32, #tpu.memory_space<vmem>>
    %dma_start3A_2028 = tpu.memref_squeeze %dma_start3A_2027 : memref<1x1x128x32xf32, #tpu.memory_space<vmem>> -> memref<128x32xf32, #tpu.memory_space<vmem>>
    %dma_start3A_2029 = arith.constant 0 : i32
    %dma_start3A_2030 = tpu.memref_slice %arg5[%dma_start3A_2022, %dma_start3A_2029] : memref<50x128xi32, #tpu.memory_space<vmem>> -> memref<1x128xi32, #tpu.memory_space<vmem>>
    %dma_start3A_2031 = tpu.memref_squeeze %dma_start3A_2030 : memref<1x128xi32, #tpu.memory_space<vmem>> -> memref<128xi32, #tpu.memory_space<vmem>>
    %dma_start3A_2032 = arith.constant 0 : i32
    %dma_start3A_2033 = arith.constant 0 : i32
    %dma_start3A_2034 = tpu.memref_slice %arg2[%dma_start3A_2032, %dma_start3A_2033] : memref<1048576x32xf32, #tpu.memory_space<hbm>> -> memref<1048576x32xf32, #tpu.memory_space<hbm>>
    tpu.enqueue_indirect_dma source(%dma_start3A_2034 : memref<1048576x32xf32, #tpu.memory_space<hbm>>) target(%dma_start3A_2028 : memref<128x32xf32, #tpu.memory_space<vmem>>) offsets(%dma_start3A_2031 : memref<128xi32, #tpu.memory_space<vmem>>) semaphore(%arg7 : memref<!tpu.dma_semaphore, #tpu.memory_space<semaphore_mem>>)
    %dma_start3A_2035 = arith.constant 48 : i32
    %dma_start3A_2036 = arith.constant 0 : i32
    %dma_start3A_2037 = arith.constant 8 : i32
    %dma_start3A_2038 = arith.constant 0 : i32
    %dma_start3A_2039 = arith.constant 0 : i32
    %dma_start3A_2040 = tpu.memref_slice %arg6[%dma_start3A_2036, %dma_start3A_2037, %dma_start3A_2038, %dma_start3A_2039] : memref<2x10x128x32xf32, #tpu.memory_space<vmem>> -> memref<1x1x128x32xf32, #tpu.memory_space<vmem>>
    %dma_start3A_2041 = tpu.memref_squeeze %dma_start3A_2040 : memref<1x1x128x32xf32, #tpu.memory_space<vmem>> -> memref<128x32xf32, #tpu.memory_space<vmem>>
    %dma_start3A_2042 = arith.constant 0 : i32
    %dma_start3A_2043 = tpu.memref_slice %arg5[%dma_start3A_2035, %dma_start3A_2042] : memref<50x128xi32, #tpu.memory_space<vmem>> -> memref<1x128xi32, #tpu.memory_space<vmem>>
    %dma_start3A_2044 = tpu.memref_squeeze %dma_start3A_2043 : memref<1x128xi32, #tpu.memory_space<vmem>> -> memref<128xi32, #tpu.memory_space<vmem>>
    %dma_start3A_2045 = arith.constant 0 : i32
    %dma_start3A_2046 = arith.constant 0 : i32
    %dma_start3A_2047 = tpu.memref_slice %arg2[%dma_start3A_2045, %dma_start3A_2046] : memref<1048576x32xf32, #tpu.memory_space<hbm>> -> memref<1048576x32xf32, #tpu.memory_space<hbm>>
    tpu.enqueue_indirect_dma source(%dma_start3A_2047 : memref<1048576x32xf32, #tpu.memory_space<hbm>>) target(%dma_start3A_2041 : memref<128x32xf32, #tpu.memory_space<vmem>>) offsets(%dma_start3A_2044 : memref<128xi32, #tpu.memory_space<vmem>>) semaphore(%arg7 : memref<!tpu.dma_semaphore, #tpu.memory_space<semaphore_mem>>)
    %dma_start3A_2048 = arith.constant 49 : i32
    %dma_start3A_2049 = arith.constant 0 : i32
    %dma_start3A_2050 = arith.constant 9 : i32
    %dma_start3A_2051 = arith.constant 0 : i32
    %dma_start3A_2052 = arith.constant 0 : i32
    %dma_start3A_2053 = tpu.memref_slice %arg6[%dma_start3A_2049, %dma_start3A_2050, %dma_start3A_2051, %dma_start3A_2052] : memref<2x10x128x32xf32, #tpu.memory_space<vmem>> -> memref<1x1x128x32xf32, #tpu.memory_space<vmem>>
    %dma_start3A_2054 = tpu.memref_squeeze %dma_start3A_2053 : memref<1x1x128x32xf32, #tpu.memory_space<vmem>> -> memref<128x32xf32, #tpu.memory_space<vmem>>
    %dma_start3A_2055 = arith.constant 0 : i32
    %dma_start3A_2056 = tpu.memref_slice %arg5[%dma_start3A_2048, %dma_start3A_2055] : memref<50x128xi32, #tpu.memory_space<vmem>> -> memref<1x128xi32, #tpu.memory_space<vmem>>
    %dma_start3A_2057 = tpu.memref_squeeze %dma_start3A_2056 : memref<1x128xi32, #tpu.memory_space<vmem>> -> memref<128xi32, #tpu.memory_space<vmem>>
    %dma_start3A_2058 = arith.constant 0 : i32
    %dma_start3A_2059 = arith.constant 0 : i32
    %dma_start3A_2060 = tpu.memref_slice %arg2[%dma_start3A_2058, %dma_start3A_2059] : memref<1048576x32xf32, #tpu.memory_space<hbm>> -> memref<1048576x32xf32, #tpu.memory_space<hbm>>
    tpu.enqueue_indirect_dma source(%dma_start3A_2060 : memref<1048576x32xf32, #tpu.memory_space<hbm>>) target(%dma_start3A_2054 : memref<128x32xf32, #tpu.memory_space<vmem>>) offsets(%dma_start3A_2057 : memref<128xi32, #tpu.memory_space<vmem>>) semaphore(%arg7 : memref<!tpu.dma_semaphore, #tpu.memory_space<semaphore_mem>>)
    %dma_wait3A_2061 = arith.constant 30 : i32
    %dma_wait3A_2062 = arith.constant 1 : i32
    %dma_wait3A_2063 = arith.constant 0 : i32
    %dma_wait3A_2064 = arith.constant 0 : i32
    %dma_wait3A_2065 = arith.constant 0 : i32
    %dma_wait3A_2066 = tpu.memref_slice %arg6[%dma_wait3A_2062, %dma_wait3A_2063, %dma_wait3A_2064, %dma_wait3A_2065] : memref<2x10x128x32xf32, #tpu.memory_space<vmem>> -> memref<1x1x128x32xf32, #tpu.memory_space<vmem>>
    %dma_wait3A_2067 = tpu.memref_squeeze %dma_wait3A_2066 : memref<1x1x128x32xf32, #tpu.memory_space<vmem>> -> memref<128x32xf32, #tpu.memory_space<vmem>>
    %dma_wait3A_2068 = arith.constant 0 : i32
    %dma_wait3A_2069 = tpu.memref_slice %arg5[%dma_wait3A_2061, %dma_wait3A_2068] : memref<50x128xi32, #tpu.memory_space<vmem>> -> memref<1x128xi32, #tpu.memory_space<vmem>>
    %dma_wait3A_2070 = tpu.memref_squeeze %dma_wait3A_2069 : memref<1x128xi32, #tpu.memory_space<vmem>> -> memref<128xi32, #tpu.memory_space<vmem>>
    %dma_wait3A_2071 = arith.constant 0 : i32
    %dma_wait3A_2072 = arith.constant 0 : i32
    %dma_wait3A_2073 = tpu.memref_slice %arg2[%dma_wait3A_2071, %dma_wait3A_2072] : memref<1048576x32xf32, #tpu.memory_space<hbm>> -> memref<1048576x32xf32, #tpu.memory_space<hbm>>
    tpu.wait_indirect_dma semaphore(%arg8 : memref<!tpu.dma_semaphore, #tpu.memory_space<semaphore_mem>>) src(%dma_wait3A_2073 : memref<1048576x32xf32, #tpu.memory_space<hbm>>) dst(%dma_wait3A_2067 : memref<128x32xf32, #tpu.memory_space<vmem>>)
    %dma_wait3A_2074 = arith.constant 31 : i32
    %dma_wait3A_2075 = arith.constant 1 : i32
    %dma_wait3A_2076 = arith.constant 1 : i32
    %dma_wait3A_2077 = arith.constant 0 : i32
    %dma_wait3A_2078 = arith.constant 0 : i32
    %dma_wait3A_2079 = tpu.memref_slice %arg6[%dma_wait3A_2075, %dma_wait3A_2076, %dma_wait3A_2077, %dma_wait3A_2078] : memref<2x10x128x32xf32, #tpu.memory_space<vmem>> -> memref<1x1x128x32xf32, #tpu.memory_space<vmem>>
    %dma_wait3A_2080 = tpu.memref_squeeze %dma_wait3A_2079 : memref<1x1x128x32xf32, #tpu.memory_space<vmem>> -> memref<128x32xf32, #tpu.memory_space<vmem>>
    %dma_wait3A_2081 = arith.constant 0 : i32
    %dma_wait3A_2082 = tpu.memref_slice %arg5[%dma_wait3A_2074, %dma_wait3A_2081] : memref<50x128xi32, #tpu.memory_space<vmem>> -> memref<1x128xi32, #tpu.memory_space<vmem>>
    %dma_wait3A_2083 = tpu.memref_squeeze %dma_wait3A_2082 : memref<1x128xi32, #tpu.memory_space<vmem>> -> memref<128xi32, #tpu.memory_space<vmem>>
    %dma_wait3A_2084 = arith.constant 0 : i32
    %dma_wait3A_2085 = arith.constant 0 : i32
    %dma_wait3A_2086 = tpu.memref_slice %arg2[%dma_wait3A_2084, %dma_wait3A_2085] : memref<1048576x32xf32, #tpu.memory_space<hbm>> -> memref<1048576x32xf32, #tpu.memory_space<hbm>>
    tpu.wait_indirect_dma semaphore(%arg8 : memref<!tpu.dma_semaphore, #tpu.memory_space<semaphore_mem>>) src(%dma_wait3A_2086 : memref<1048576x32xf32, #tpu.memory_space<hbm>>) dst(%dma_wait3A_2080 : memref<128x32xf32, #tpu.memory_space<vmem>>)
    %dma_wait3A_2087 = arith.constant 32 : i32
    %dma_wait3A_2088 = arith.constant 1 : i32
    %dma_wait3A_2089 = arith.constant 2 : i32
    %dma_wait3A_2090 = arith.constant 0 : i32
    %dma_wait3A_2091 = arith.constant 0 : i32
    %dma_wait3A_2092 = tpu.memref_slice %arg6[%dma_wait3A_2088, %dma_wait3A_2089, %dma_wait3A_2090, %dma_wait3A_2091] : memref<2x10x128x32xf32, #tpu.memory_space<vmem>> -> memref<1x1x128x32xf32, #tpu.memory_space<vmem>>
    %dma_wait3A_2093 = tpu.memref_squeeze %dma_wait3A_2092 : memref<1x1x128x32xf32, #tpu.memory_space<vmem>> -> memref<128x32xf32, #tpu.memory_space<vmem>>
    %dma_wait3A_2094 = arith.constant 0 : i32
    %dma_wait3A_2095 = tpu.memref_slice %arg5[%dma_wait3A_2087, %dma_wait3A_2094] : memref<50x128xi32, #tpu.memory_space<vmem>> -> memref<1x128xi32, #tpu.memory_space<vmem>>
    %dma_wait3A_2096 = tpu.memref_squeeze %dma_wait3A_2095 : memref<1x128xi32, #tpu.memory_space<vmem>> -> memref<128xi32, #tpu.memory_space<vmem>>
    %dma_wait3A_2097 = arith.constant 0 : i32
    %dma_wait3A_2098 = arith.constant 0 : i32
    %dma_wait3A_2099 = tpu.memref_slice %arg2[%dma_wait3A_2097, %dma_wait3A_2098] : memref<1048576x32xf32, #tpu.memory_space<hbm>> -> memref<1048576x32xf32, #tpu.memory_space<hbm>>
    tpu.wait_indirect_dma semaphore(%arg8 : memref<!tpu.dma_semaphore, #tpu.memory_space<semaphore_mem>>) src(%dma_wait3A_2099 : memref<1048576x32xf32, #tpu.memory_space<hbm>>) dst(%dma_wait3A_2093 : memref<128x32xf32, #tpu.memory_space<vmem>>)
    %dma_wait3A_2100 = arith.constant 33 : i32
    %dma_wait3A_2101 = arith.constant 1 : i32
    %dma_wait3A_2102 = arith.constant 3 : i32
    %dma_wait3A_2103 = arith.constant 0 : i32
    %dma_wait3A_2104 = arith.constant 0 : i32
    %dma_wait3A_2105 = tpu.memref_slice %arg6[%dma_wait3A_2101, %dma_wait3A_2102, %dma_wait3A_2103, %dma_wait3A_2104] : memref<2x10x128x32xf32, #tpu.memory_space<vmem>> -> memref<1x1x128x32xf32, #tpu.memory_space<vmem>>
    %dma_wait3A_2106 = tpu.memref_squeeze %dma_wait3A_2105 : memref<1x1x128x32xf32, #tpu.memory_space<vmem>> -> memref<128x32xf32, #tpu.memory_space<vmem>>
    %dma_wait3A_2107 = arith.constant 0 : i32
    %dma_wait3A_2108 = tpu.memref_slice %arg5[%dma_wait3A_2100, %dma_wait3A_2107] : memref<50x128xi32, #tpu.memory_space<vmem>> -> memref<1x128xi32, #tpu.memory_space<vmem>>
    %dma_wait3A_2109 = tpu.memref_squeeze %dma_wait3A_2108 : memref<1x128xi32, #tpu.memory_space<vmem>> -> memref<128xi32, #tpu.memory_space<vmem>>
    %dma_wait3A_2110 = arith.constant 0 : i32
    %dma_wait3A_2111 = arith.constant 0 : i32
    %dma_wait3A_2112 = tpu.memref_slice %arg2[%dma_wait3A_2110, %dma_wait3A_2111] : memref<1048576x32xf32, #tpu.memory_space<hbm>> -> memref<1048576x32xf32, #tpu.memory_space<hbm>>
    tpu.wait_indirect_dma semaphore(%arg8 : memref<!tpu.dma_semaphore, #tpu.memory_space<semaphore_mem>>) src(%dma_wait3A_2112 : memref<1048576x32xf32, #tpu.memory_space<hbm>>) dst(%dma_wait3A_2106 : memref<128x32xf32, #tpu.memory_space<vmem>>)
    %dma_wait3A_2113 = arith.constant 34 : i32
    %dma_wait3A_2114 = arith.constant 1 : i32
    %dma_wait3A_2115 = arith.constant 4 : i32
    %dma_wait3A_2116 = arith.constant 0 : i32
    %dma_wait3A_2117 = arith.constant 0 : i32
    %dma_wait3A_2118 = tpu.memref_slice %arg6[%dma_wait3A_2114, %dma_wait3A_2115, %dma_wait3A_2116, %dma_wait3A_2117] : memref<2x10x128x32xf32, #tpu.memory_space<vmem>> -> memref<1x1x128x32xf32, #tpu.memory_space<vmem>>
    %dma_wait3A_2119 = tpu.memref_squeeze %dma_wait3A_2118 : memref<1x1x128x32xf32, #tpu.memory_space<vmem>> -> memref<128x32xf32, #tpu.memory_space<vmem>>
    %dma_wait3A_2120 = arith.constant 0 : i32
    %dma_wait3A_2121 = tpu.memref_slice %arg5[%dma_wait3A_2113, %dma_wait3A_2120] : memref<50x128xi32, #tpu.memory_space<vmem>> -> memref<1x128xi32, #tpu.memory_space<vmem>>
    %dma_wait3A_2122 = tpu.memref_squeeze %dma_wait3A_2121 : memref<1x128xi32, #tpu.memory_space<vmem>> -> memref<128xi32, #tpu.memory_space<vmem>>
    %dma_wait3A_2123 = arith.constant 0 : i32
    %dma_wait3A_2124 = arith.constant 0 : i32
    %dma_wait3A_2125 = tpu.memref_slice %arg2[%dma_wait3A_2123, %dma_wait3A_2124] : memref<1048576x32xf32, #tpu.memory_space<hbm>> -> memref<1048576x32xf32, #tpu.memory_space<hbm>>
    tpu.wait_indirect_dma semaphore(%arg8 : memref<!tpu.dma_semaphore, #tpu.memory_space<semaphore_mem>>) src(%dma_wait3A_2125 : memref<1048576x32xf32, #tpu.memory_space<hbm>>) dst(%dma_wait3A_2119 : memref<128x32xf32, #tpu.memory_space<vmem>>)
    %dma_wait3A_2126 = arith.constant 35 : i32
    %dma_wait3A_2127 = arith.constant 1 : i32
    %dma_wait3A_2128 = arith.constant 5 : i32
    %dma_wait3A_2129 = arith.constant 0 : i32
    %dma_wait3A_2130 = arith.constant 0 : i32
    %dma_wait3A_2131 = tpu.memref_slice %arg6[%dma_wait3A_2127, %dma_wait3A_2128, %dma_wait3A_2129, %dma_wait3A_2130] : memref<2x10x128x32xf32, #tpu.memory_space<vmem>> -> memref<1x1x128x32xf32, #tpu.memory_space<vmem>>
    %dma_wait3A_2132 = tpu.memref_squeeze %dma_wait3A_2131 : memref<1x1x128x32xf32, #tpu.memory_space<vmem>> -> memref<128x32xf32, #tpu.memory_space<vmem>>
    %dma_wait3A_2133 = arith.constant 0 : i32
    %dma_wait3A_2134 = tpu.memref_slice %arg5[%dma_wait3A_2126, %dma_wait3A_2133] : memref<50x128xi32, #tpu.memory_space<vmem>> -> memref<1x128xi32, #tpu.memory_space<vmem>>
    %dma_wait3A_2135 = tpu.memref_squeeze %dma_wait3A_2134 : memref<1x128xi32, #tpu.memory_space<vmem>> -> memref<128xi32, #tpu.memory_space<vmem>>
    %dma_wait3A_2136 = arith.constant 0 : i32
    %dma_wait3A_2137 = arith.constant 0 : i32
    %dma_wait3A_2138 = tpu.memref_slice %arg2[%dma_wait3A_2136, %dma_wait3A_2137] : memref<1048576x32xf32, #tpu.memory_space<hbm>> -> memref<1048576x32xf32, #tpu.memory_space<hbm>>
    tpu.wait_indirect_dma semaphore(%arg8 : memref<!tpu.dma_semaphore, #tpu.memory_space<semaphore_mem>>) src(%dma_wait3A_2138 : memref<1048576x32xf32, #tpu.memory_space<hbm>>) dst(%dma_wait3A_2132 : memref<128x32xf32, #tpu.memory_space<vmem>>)
    %dma_wait3A_2139 = arith.constant 36 : i32
    %dma_wait3A_2140 = arith.constant 1 : i32
    %dma_wait3A_2141 = arith.constant 6 : i32
    %dma_wait3A_2142 = arith.constant 0 : i32
    %dma_wait3A_2143 = arith.constant 0 : i32
    %dma_wait3A_2144 = tpu.memref_slice %arg6[%dma_wait3A_2140, %dma_wait3A_2141, %dma_wait3A_2142, %dma_wait3A_2143] : memref<2x10x128x32xf32, #tpu.memory_space<vmem>> -> memref<1x1x128x32xf32, #tpu.memory_space<vmem>>
    %dma_wait3A_2145 = tpu.memref_squeeze %dma_wait3A_2144 : memref<1x1x128x32xf32, #tpu.memory_space<vmem>> -> memref<128x32xf32, #tpu.memory_space<vmem>>
    %dma_wait3A_2146 = arith.constant 0 : i32
    %dma_wait3A_2147 = tpu.memref_slice %arg5[%dma_wait3A_2139, %dma_wait3A_2146] : memref<50x128xi32, #tpu.memory_space<vmem>> -> memref<1x128xi32, #tpu.memory_space<vmem>>
    %dma_wait3A_2148 = tpu.memref_squeeze %dma_wait3A_2147 : memref<1x128xi32, #tpu.memory_space<vmem>> -> memref<128xi32, #tpu.memory_space<vmem>>
    %dma_wait3A_2149 = arith.constant 0 : i32
    %dma_wait3A_2150 = arith.constant 0 : i32
    %dma_wait3A_2151 = tpu.memref_slice %arg2[%dma_wait3A_2149, %dma_wait3A_2150] : memref<1048576x32xf32, #tpu.memory_space<hbm>> -> memref<1048576x32xf32, #tpu.memory_space<hbm>>
    tpu.wait_indirect_dma semaphore(%arg8 : memref<!tpu.dma_semaphore, #tpu.memory_space<semaphore_mem>>) src(%dma_wait3A_2151 : memref<1048576x32xf32, #tpu.memory_space<hbm>>) dst(%dma_wait3A_2145 : memref<128x32xf32, #tpu.memory_space<vmem>>)
    %dma_wait3A_2152 = arith.constant 37 : i32
    %dma_wait3A_2153 = arith.constant 1 : i32
    %dma_wait3A_2154 = arith.constant 7 : i32
    %dma_wait3A_2155 = arith.constant 0 : i32
    %dma_wait3A_2156 = arith.constant 0 : i32
    %dma_wait3A_2157 = tpu.memref_slice %arg6[%dma_wait3A_2153, %dma_wait3A_2154, %dma_wait3A_2155, %dma_wait3A_2156] : memref<2x10x128x32xf32, #tpu.memory_space<vmem>> -> memref<1x1x128x32xf32, #tpu.memory_space<vmem>>
    %dma_wait3A_2158 = tpu.memref_squeeze %dma_wait3A_2157 : memref<1x1x128x32xf32, #tpu.memory_space<vmem>> -> memref<128x32xf32, #tpu.memory_space<vmem>>
    %dma_wait3A_2159 = arith.constant 0 : i32
    %dma_wait3A_2160 = tpu.memref_slice %arg5[%dma_wait3A_2152, %dma_wait3A_2159] : memref<50x128xi32, #tpu.memory_space<vmem>> -> memref<1x128xi32, #tpu.memory_space<vmem>>
    %dma_wait3A_2161 = tpu.memref_squeeze %dma_wait3A_2160 : memref<1x128xi32, #tpu.memory_space<vmem>> -> memref<128xi32, #tpu.memory_space<vmem>>
    %dma_wait3A_2162 = arith.constant 0 : i32
    %dma_wait3A_2163 = arith.constant 0 : i32
    %dma_wait3A_2164 = tpu.memref_slice %arg2[%dma_wait3A_2162, %dma_wait3A_2163] : memref<1048576x32xf32, #tpu.memory_space<hbm>> -> memref<1048576x32xf32, #tpu.memory_space<hbm>>
    tpu.wait_indirect_dma semaphore(%arg8 : memref<!tpu.dma_semaphore, #tpu.memory_space<semaphore_mem>>) src(%dma_wait3A_2164 : memref<1048576x32xf32, #tpu.memory_space<hbm>>) dst(%dma_wait3A_2158 : memref<128x32xf32, #tpu.memory_space<vmem>>)
    %dma_wait3A_2165 = arith.constant 38 : i32
    %dma_wait3A_2166 = arith.constant 1 : i32
    %dma_wait3A_2167 = arith.constant 8 : i32
    %dma_wait3A_2168 = arith.constant 0 : i32
    %dma_wait3A_2169 = arith.constant 0 : i32
    %dma_wait3A_2170 = tpu.memref_slice %arg6[%dma_wait3A_2166, %dma_wait3A_2167, %dma_wait3A_2168, %dma_wait3A_2169] : memref<2x10x128x32xf32, #tpu.memory_space<vmem>> -> memref<1x1x128x32xf32, #tpu.memory_space<vmem>>
    %dma_wait3A_2171 = tpu.memref_squeeze %dma_wait3A_2170 : memref<1x1x128x32xf32, #tpu.memory_space<vmem>> -> memref<128x32xf32, #tpu.memory_space<vmem>>
    %dma_wait3A_2172 = arith.constant 0 : i32
    %dma_wait3A_2173 = tpu.memref_slice %arg5[%dma_wait3A_2165, %dma_wait3A_2172] : memref<50x128xi32, #tpu.memory_space<vmem>> -> memref<1x128xi32, #tpu.memory_space<vmem>>
    %dma_wait3A_2174 = tpu.memref_squeeze %dma_wait3A_2173 : memref<1x128xi32, #tpu.memory_space<vmem>> -> memref<128xi32, #tpu.memory_space<vmem>>
    %dma_wait3A_2175 = arith.constant 0 : i32
    %dma_wait3A_2176 = arith.constant 0 : i32
    %dma_wait3A_2177 = tpu.memref_slice %arg2[%dma_wait3A_2175, %dma_wait3A_2176] : memref<1048576x32xf32, #tpu.memory_space<hbm>> -> memref<1048576x32xf32, #tpu.memory_space<hbm>>
    tpu.wait_indirect_dma semaphore(%arg8 : memref<!tpu.dma_semaphore, #tpu.memory_space<semaphore_mem>>) src(%dma_wait3A_2177 : memref<1048576x32xf32, #tpu.memory_space<hbm>>) dst(%dma_wait3A_2171 : memref<128x32xf32, #tpu.memory_space<vmem>>)
    %dma_wait3A_2178 = arith.constant 39 : i32
    %dma_wait3A_2179 = arith.constant 1 : i32
    %dma_wait3A_2180 = arith.constant 9 : i32
    %dma_wait3A_2181 = arith.constant 0 : i32
    %dma_wait3A_2182 = arith.constant 0 : i32
    %dma_wait3A_2183 = tpu.memref_slice %arg6[%dma_wait3A_2179, %dma_wait3A_2180, %dma_wait3A_2181, %dma_wait3A_2182] : memref<2x10x128x32xf32, #tpu.memory_space<vmem>> -> memref<1x1x128x32xf32, #tpu.memory_space<vmem>>
    %dma_wait3A_2184 = tpu.memref_squeeze %dma_wait3A_2183 : memref<1x1x128x32xf32, #tpu.memory_space<vmem>> -> memref<128x32xf32, #tpu.memory_space<vmem>>
    %dma_wait3A_2185 = arith.constant 0 : i32
    %dma_wait3A_2186 = tpu.memref_slice %arg5[%dma_wait3A_2178, %dma_wait3A_2185] : memref<50x128xi32, #tpu.memory_space<vmem>> -> memref<1x128xi32, #tpu.memory_space<vmem>>
    %dma_wait3A_2187 = tpu.memref_squeeze %dma_wait3A_2186 : memref<1x128xi32, #tpu.memory_space<vmem>> -> memref<128xi32, #tpu.memory_space<vmem>>
    %dma_wait3A_2188 = arith.constant 0 : i32
    %dma_wait3A_2189 = arith.constant 0 : i32
    %dma_wait3A_2190 = tpu.memref_slice %arg2[%dma_wait3A_2188, %dma_wait3A_2189] : memref<1048576x32xf32, #tpu.memory_space<hbm>> -> memref<1048576x32xf32, #tpu.memory_space<hbm>>
    tpu.wait_indirect_dma semaphore(%arg8 : memref<!tpu.dma_semaphore, #tpu.memory_space<semaphore_mem>>) src(%dma_wait3A_2190 : memref<1048576x32xf32, #tpu.memory_space<hbm>>) dst(%dma_wait3A_2184 : memref<128x32xf32, #tpu.memory_space<vmem>>)
    %dma_start3A_2191 = arith.constant 1 : i32
    %dma_start3A_2192 = arith.constant 0 : i32
    %dma_start3A_2193 = arith.constant 30 : i32
    %dma_start3A_2194 = arith.constant 0 : i32
    %dma_start3A_2195 = arith.constant 0 : i32
    %dma_start3A_2196 = tpu.memref_slice %arg6[%dma_start3A_2191, %dma_start3A_2192, %dma_start3A_2194, %dma_start3A_2195] : memref<2x10x128x32xf32, #tpu.memory_space<vmem>> -> memref<1x1x128x32xf32, #tpu.memory_space<vmem>>
    %dma_start3A_2197 = tpu.memref_squeeze %dma_start3A_2196 : memref<1x1x128x32xf32, #tpu.memory_space<vmem>> -> memref<128x32xf32, #tpu.memory_space<vmem>>
    %dma_start3A_2198 = arith.constant 0 : i32
    %dma_start3A_2199 = tpu.memref_slice %arg4[%mul3A_2, %dma_start3A_2193, %dma_start3A_2198] : memref<4096x50x32xf32, #tpu.memory_space<hbm>> -> memref<128x1x32xf32, #tpu.memory_space<hbm>>
    %dma_start3A_2200 = tpu.memref_squeeze %dma_start3A_2199 : memref<128x1x32xf32, #tpu.memory_space<hbm>> -> memref<128x32xf32, #tpu.memory_space<hbm>>
    %dma_start3A_2201 = arith.constant 0 : i32
    %dma_start3A_2202 = tpu.memref_slice %arg4[%mul3A_2, %dma_start3A_2193, %dma_start3A_2201] : memref<4096x50x32xf32, #tpu.memory_space<hbm>> -> memref<128x1x32xf32, #tpu.memory_space<hbm>>
    %dma_start3A_2203 = tpu.memref_squeeze %dma_start3A_2202 : memref<128x1x32xf32, #tpu.memory_space<hbm>> -> memref<128x32xf32, #tpu.memory_space<hbm>>
    %dma_start3A_2204 = arith.constant 0 : i32
    %dma_start3A_2205 = arith.constant 0 : i32
    %dma_start3A_2206 = tpu.memref_slice %arg6[%dma_start3A_2191, %dma_start3A_2192, %dma_start3A_2204, %dma_start3A_2205] : memref<2x10x128x32xf32, #tpu.memory_space<vmem>> -> memref<1x1x128x32xf32, #tpu.memory_space<vmem>>
    %dma_start3A_2207 = tpu.memref_squeeze %dma_start3A_2206 : memref<1x1x128x32xf32, #tpu.memory_space<vmem>> -> memref<128x32xf32, #tpu.memory_space<vmem>>
    tpu.enqueue_dma source(%dma_start3A_2207 : memref<128x32xf32, #tpu.memory_space<vmem>>) target(%dma_start3A_2203 : memref<128x32xf32, #tpu.memory_space<hbm>>) target_semaphore(%arg10 : memref<!tpu.dma_semaphore, #tpu.memory_space<semaphore_mem>>)
    %dma_start3A_2208 = arith.constant 1 : i32
    %dma_start3A_2209 = arith.constant 1 : i32
    %dma_start3A_2210 = arith.constant 31 : i32
    %dma_start3A_2211 = arith.constant 0 : i32
    %dma_start3A_2212 = arith.constant 0 : i32
    %dma_start3A_2213 = tpu.memref_slice %arg6[%dma_start3A_2208, %dma_start3A_2209, %dma_start3A_2211, %dma_start3A_2212] : memref<2x10x128x32xf32, #tpu.memory_space<vmem>> -> memref<1x1x128x32xf32, #tpu.memory_space<vmem>>
    %dma_start3A_2214 = tpu.memref_squeeze %dma_start3A_2213 : memref<1x1x128x32xf32, #tpu.memory_space<vmem>> -> memref<128x32xf32, #tpu.memory_space<vmem>>
    %dma_start3A_2215 = arith.constant 0 : i32
    %dma_start3A_2216 = tpu.memref_slice %arg4[%mul3A_2, %dma_start3A_2210, %dma_start3A_2215] : memref<4096x50x32xf32, #tpu.memory_space<hbm>> -> memref<128x1x32xf32, #tpu.memory_space<hbm>>
    %dma_start3A_2217 = tpu.memref_squeeze %dma_start3A_2216 : memref<128x1x32xf32, #tpu.memory_space<hbm>> -> memref<128x32xf32, #tpu.memory_space<hbm>>
    %dma_start3A_2218 = arith.constant 0 : i32
    %dma_start3A_2219 = tpu.memref_slice %arg4[%mul3A_2, %dma_start3A_2210, %dma_start3A_2218] : memref<4096x50x32xf32, #tpu.memory_space<hbm>> -> memref<128x1x32xf32, #tpu.memory_space<hbm>>
    %dma_start3A_2220 = tpu.memref_squeeze %dma_start3A_2219 : memref<128x1x32xf32, #tpu.memory_space<hbm>> -> memref<128x32xf32, #tpu.memory_space<hbm>>
    %dma_start3A_2221 = arith.constant 0 : i32
    %dma_start3A_2222 = arith.constant 0 : i32
    %dma_start3A_2223 = tpu.memref_slice %arg6[%dma_start3A_2208, %dma_start3A_2209, %dma_start3A_2221, %dma_start3A_2222] : memref<2x10x128x32xf32, #tpu.memory_space<vmem>> -> memref<1x1x128x32xf32, #tpu.memory_space<vmem>>
    %dma_start3A_2224 = tpu.memref_squeeze %dma_start3A_2223 : memref<1x1x128x32xf32, #tpu.memory_space<vmem>> -> memref<128x32xf32, #tpu.memory_space<vmem>>
    tpu.enqueue_dma source(%dma_start3A_2224 : memref<128x32xf32, #tpu.memory_space<vmem>>) target(%dma_start3A_2220 : memref<128x32xf32, #tpu.memory_space<hbm>>) target_semaphore(%arg10 : memref<!tpu.dma_semaphore, #tpu.memory_space<semaphore_mem>>)
    %dma_start3A_2225 = arith.constant 1 : i32
    %dma_start3A_2226 = arith.constant 2 : i32
    %dma_start3A_2227 = arith.constant 32 : i32
    %dma_start3A_2228 = arith.constant 0 : i32
    %dma_start3A_2229 = arith.constant 0 : i32
    %dma_start3A_2230 = tpu.memref_slice %arg6[%dma_start3A_2225, %dma_start3A_2226, %dma_start3A_2228, %dma_start3A_2229] : memref<2x10x128x32xf32, #tpu.memory_space<vmem>> -> memref<1x1x128x32xf32, #tpu.memory_space<vmem>>
    %dma_start3A_2231 = tpu.memref_squeeze %dma_start3A_2230 : memref<1x1x128x32xf32, #tpu.memory_space<vmem>> -> memref<128x32xf32, #tpu.memory_space<vmem>>
    %dma_start3A_2232 = arith.constant 0 : i32
    %dma_start3A_2233 = tpu.memref_slice %arg4[%mul3A_2, %dma_start3A_2227, %dma_start3A_2232] : memref<4096x50x32xf32, #tpu.memory_space<hbm>> -> memref<128x1x32xf32, #tpu.memory_space<hbm>>
    %dma_start3A_2234 = tpu.memref_squeeze %dma_start3A_2233 : memref<128x1x32xf32, #tpu.memory_space<hbm>> -> memref<128x32xf32, #tpu.memory_space<hbm>>
    %dma_start3A_2235 = arith.constant 0 : i32
    %dma_start3A_2236 = tpu.memref_slice %arg4[%mul3A_2, %dma_start3A_2227, %dma_start3A_2235] : memref<4096x50x32xf32, #tpu.memory_space<hbm>> -> memref<128x1x32xf32, #tpu.memory_space<hbm>>
    %dma_start3A_2237 = tpu.memref_squeeze %dma_start3A_2236 : memref<128x1x32xf32, #tpu.memory_space<hbm>> -> memref<128x32xf32, #tpu.memory_space<hbm>>
    %dma_start3A_2238 = arith.constant 0 : i32
    %dma_start3A_2239 = arith.constant 0 : i32
    %dma_start3A_2240 = tpu.memref_slice %arg6[%dma_start3A_2225, %dma_start3A_2226, %dma_start3A_2238, %dma_start3A_2239] : memref<2x10x128x32xf32, #tpu.memory_space<vmem>> -> memref<1x1x128x32xf32, #tpu.memory_space<vmem>>
    %dma_start3A_2241 = tpu.memref_squeeze %dma_start3A_2240 : memref<1x1x128x32xf32, #tpu.memory_space<vmem>> -> memref<128x32xf32, #tpu.memory_space<vmem>>
    tpu.enqueue_dma source(%dma_start3A_2241 : memref<128x32xf32, #tpu.memory_space<vmem>>) target(%dma_start3A_2237 : memref<128x32xf32, #tpu.memory_space<hbm>>) target_semaphore(%arg10 : memref<!tpu.dma_semaphore, #tpu.memory_space<semaphore_mem>>)
    %dma_start3A_2242 = arith.constant 1 : i32
    %dma_start3A_2243 = arith.constant 3 : i32
    %dma_start3A_2244 = arith.constant 33 : i32
    %dma_start3A_2245 = arith.constant 0 : i32
    %dma_start3A_2246 = arith.constant 0 : i32
    %dma_start3A_2247 = tpu.memref_slice %arg6[%dma_start3A_2242, %dma_start3A_2243, %dma_start3A_2245, %dma_start3A_2246] : memref<2x10x128x32xf32, #tpu.memory_space<vmem>> -> memref<1x1x128x32xf32, #tpu.memory_space<vmem>>
    %dma_start3A_2248 = tpu.memref_squeeze %dma_start3A_2247 : memref<1x1x128x32xf32, #tpu.memory_space<vmem>> -> memref<128x32xf32, #tpu.memory_space<vmem>>
    %dma_start3A_2249 = arith.constant 0 : i32
    %dma_start3A_2250 = tpu.memref_slice %arg4[%mul3A_2, %dma_start3A_2244, %dma_start3A_2249] : memref<4096x50x32xf32, #tpu.memory_space<hbm>> -> memref<128x1x32xf32, #tpu.memory_space<hbm>>
    %dma_start3A_2251 = tpu.memref_squeeze %dma_start3A_2250 : memref<128x1x32xf32, #tpu.memory_space<hbm>> -> memref<128x32xf32, #tpu.memory_space<hbm>>
    %dma_start3A_2252 = arith.constant 0 : i32
    %dma_start3A_2253 = tpu.memref_slice %arg4[%mul3A_2, %dma_start3A_2244, %dma_start3A_2252] : memref<4096x50x32xf32, #tpu.memory_space<hbm>> -> memref<128x1x32xf32, #tpu.memory_space<hbm>>
    %dma_start3A_2254 = tpu.memref_squeeze %dma_start3A_2253 : memref<128x1x32xf32, #tpu.memory_space<hbm>> -> memref<128x32xf32, #tpu.memory_space<hbm>>
    %dma_start3A_2255 = arith.constant 0 : i32
    %dma_start3A_2256 = arith.constant 0 : i32
    %dma_start3A_2257 = tpu.memref_slice %arg6[%dma_start3A_2242, %dma_start3A_2243, %dma_start3A_2255, %dma_start3A_2256] : memref<2x10x128x32xf32, #tpu.memory_space<vmem>> -> memref<1x1x128x32xf32, #tpu.memory_space<vmem>>
    %dma_start3A_2258 = tpu.memref_squeeze %dma_start3A_2257 : memref<1x1x128x32xf32, #tpu.memory_space<vmem>> -> memref<128x32xf32, #tpu.memory_space<vmem>>
    tpu.enqueue_dma source(%dma_start3A_2258 : memref<128x32xf32, #tpu.memory_space<vmem>>) target(%dma_start3A_2254 : memref<128x32xf32, #tpu.memory_space<hbm>>) target_semaphore(%arg10 : memref<!tpu.dma_semaphore, #tpu.memory_space<semaphore_mem>>)
    %dma_start3A_2259 = arith.constant 1 : i32
    %dma_start3A_2260 = arith.constant 4 : i32
    %dma_start3A_2261 = arith.constant 34 : i32
    %dma_start3A_2262 = arith.constant 0 : i32
    %dma_start3A_2263 = arith.constant 0 : i32
    %dma_start3A_2264 = tpu.memref_slice %arg6[%dma_start3A_2259, %dma_start3A_2260, %dma_start3A_2262, %dma_start3A_2263] : memref<2x10x128x32xf32, #tpu.memory_space<vmem>> -> memref<1x1x128x32xf32, #tpu.memory_space<vmem>>
    %dma_start3A_2265 = tpu.memref_squeeze %dma_start3A_2264 : memref<1x1x128x32xf32, #tpu.memory_space<vmem>> -> memref<128x32xf32, #tpu.memory_space<vmem>>
    %dma_start3A_2266 = arith.constant 0 : i32
    %dma_start3A_2267 = tpu.memref_slice %arg4[%mul3A_2, %dma_start3A_2261, %dma_start3A_2266] : memref<4096x50x32xf32, #tpu.memory_space<hbm>> -> memref<128x1x32xf32, #tpu.memory_space<hbm>>
    %dma_start3A_2268 = tpu.memref_squeeze %dma_start3A_2267 : memref<128x1x32xf32, #tpu.memory_space<hbm>> -> memref<128x32xf32, #tpu.memory_space<hbm>>
    %dma_start3A_2269 = arith.constant 0 : i32
    %dma_start3A_2270 = tpu.memref_slice %arg4[%mul3A_2, %dma_start3A_2261, %dma_start3A_2269] : memref<4096x50x32xf32, #tpu.memory_space<hbm>> -> memref<128x1x32xf32, #tpu.memory_space<hbm>>
    %dma_start3A_2271 = tpu.memref_squeeze %dma_start3A_2270 : memref<128x1x32xf32, #tpu.memory_space<hbm>> -> memref<128x32xf32, #tpu.memory_space<hbm>>
    %dma_start3A_2272 = arith.constant 0 : i32
    %dma_start3A_2273 = arith.constant 0 : i32
    %dma_start3A_2274 = tpu.memref_slice %arg6[%dma_start3A_2259, %dma_start3A_2260, %dma_start3A_2272, %dma_start3A_2273] : memref<2x10x128x32xf32, #tpu.memory_space<vmem>> -> memref<1x1x128x32xf32, #tpu.memory_space<vmem>>
    %dma_start3A_2275 = tpu.memref_squeeze %dma_start3A_2274 : memref<1x1x128x32xf32, #tpu.memory_space<vmem>> -> memref<128x32xf32, #tpu.memory_space<vmem>>
    tpu.enqueue_dma source(%dma_start3A_2275 : memref<128x32xf32, #tpu.memory_space<vmem>>) target(%dma_start3A_2271 : memref<128x32xf32, #tpu.memory_space<hbm>>) target_semaphore(%arg10 : memref<!tpu.dma_semaphore, #tpu.memory_space<semaphore_mem>>)
    %dma_start3A_2276 = arith.constant 1 : i32
    %dma_start3A_2277 = arith.constant 5 : i32
    %dma_start3A_2278 = arith.constant 35 : i32
    %dma_start3A_2279 = arith.constant 0 : i32
    %dma_start3A_2280 = arith.constant 0 : i32
    %dma_start3A_2281 = tpu.memref_slice %arg6[%dma_start3A_2276, %dma_start3A_2277, %dma_start3A_2279, %dma_start3A_2280] : memref<2x10x128x32xf32, #tpu.memory_space<vmem>> -> memref<1x1x128x32xf32, #tpu.memory_space<vmem>>
    %dma_start3A_2282 = tpu.memref_squeeze %dma_start3A_2281 : memref<1x1x128x32xf32, #tpu.memory_space<vmem>> -> memref<128x32xf32, #tpu.memory_space<vmem>>
    %dma_start3A_2283 = arith.constant 0 : i32
    %dma_start3A_2284 = tpu.memref_slice %arg4[%mul3A_2, %dma_start3A_2278, %dma_start3A_2283] : memref<4096x50x32xf32, #tpu.memory_space<hbm>> -> memref<128x1x32xf32, #tpu.memory_space<hbm>>
    %dma_start3A_2285 = tpu.memref_squeeze %dma_start3A_2284 : memref<128x1x32xf32, #tpu.memory_space<hbm>> -> memref<128x32xf32, #tpu.memory_space<hbm>>
    %dma_start3A_2286 = arith.constant 0 : i32
    %dma_start3A_2287 = tpu.memref_slice %arg4[%mul3A_2, %dma_start3A_2278, %dma_start3A_2286] : memref<4096x50x32xf32, #tpu.memory_space<hbm>> -> memref<128x1x32xf32, #tpu.memory_space<hbm>>
    %dma_start3A_2288 = tpu.memref_squeeze %dma_start3A_2287 : memref<128x1x32xf32, #tpu.memory_space<hbm>> -> memref<128x32xf32, #tpu.memory_space<hbm>>
    %dma_start3A_2289 = arith.constant 0 : i32
    %dma_start3A_2290 = arith.constant 0 : i32
    %dma_start3A_2291 = tpu.memref_slice %arg6[%dma_start3A_2276, %dma_start3A_2277, %dma_start3A_2289, %dma_start3A_2290] : memref<2x10x128x32xf32, #tpu.memory_space<vmem>> -> memref<1x1x128x32xf32, #tpu.memory_space<vmem>>
    %dma_start3A_2292 = tpu.memref_squeeze %dma_start3A_2291 : memref<1x1x128x32xf32, #tpu.memory_space<vmem>> -> memref<128x32xf32, #tpu.memory_space<vmem>>
    tpu.enqueue_dma source(%dma_start3A_2292 : memref<128x32xf32, #tpu.memory_space<vmem>>) target(%dma_start3A_2288 : memref<128x32xf32, #tpu.memory_space<hbm>>) target_semaphore(%arg10 : memref<!tpu.dma_semaphore, #tpu.memory_space<semaphore_mem>>)
    %dma_start3A_2293 = arith.constant 1 : i32
    %dma_start3A_2294 = arith.constant 6 : i32
    %dma_start3A_2295 = arith.constant 36 : i32
    %dma_start3A_2296 = arith.constant 0 : i32
    %dma_start3A_2297 = arith.constant 0 : i32
    %dma_start3A_2298 = tpu.memref_slice %arg6[%dma_start3A_2293, %dma_start3A_2294, %dma_start3A_2296, %dma_start3A_2297] : memref<2x10x128x32xf32, #tpu.memory_space<vmem>> -> memref<1x1x128x32xf32, #tpu.memory_space<vmem>>
    %dma_start3A_2299 = tpu.memref_squeeze %dma_start3A_2298 : memref<1x1x128x32xf32, #tpu.memory_space<vmem>> -> memref<128x32xf32, #tpu.memory_space<vmem>>
    %dma_start3A_2300 = arith.constant 0 : i32
    %dma_start3A_2301 = tpu.memref_slice %arg4[%mul3A_2, %dma_start3A_2295, %dma_start3A_2300] : memref<4096x50x32xf32, #tpu.memory_space<hbm>> -> memref<128x1x32xf32, #tpu.memory_space<hbm>>
    %dma_start3A_2302 = tpu.memref_squeeze %dma_start3A_2301 : memref<128x1x32xf32, #tpu.memory_space<hbm>> -> memref<128x32xf32, #tpu.memory_space<hbm>>
    %dma_start3A_2303 = arith.constant 0 : i32
    %dma_start3A_2304 = tpu.memref_slice %arg4[%mul3A_2, %dma_start3A_2295, %dma_start3A_2303] : memref<4096x50x32xf32, #tpu.memory_space<hbm>> -> memref<128x1x32xf32, #tpu.memory_space<hbm>>
    %dma_start3A_2305 = tpu.memref_squeeze %dma_start3A_2304 : memref<128x1x32xf32, #tpu.memory_space<hbm>> -> memref<128x32xf32, #tpu.memory_space<hbm>>
    %dma_start3A_2306 = arith.constant 0 : i32
    %dma_start3A_2307 = arith.constant 0 : i32
    %dma_start3A_2308 = tpu.memref_slice %arg6[%dma_start3A_2293, %dma_start3A_2294, %dma_start3A_2306, %dma_start3A_2307] : memref<2x10x128x32xf32, #tpu.memory_space<vmem>> -> memref<1x1x128x32xf32, #tpu.memory_space<vmem>>
    %dma_start3A_2309 = tpu.memref_squeeze %dma_start3A_2308 : memref<1x1x128x32xf32, #tpu.memory_space<vmem>> -> memref<128x32xf32, #tpu.memory_space<vmem>>
    tpu.enqueue_dma source(%dma_start3A_2309 : memref<128x32xf32, #tpu.memory_space<vmem>>) target(%dma_start3A_2305 : memref<128x32xf32, #tpu.memory_space<hbm>>) target_semaphore(%arg10 : memref<!tpu.dma_semaphore, #tpu.memory_space<semaphore_mem>>)
    %dma_start3A_2310 = arith.constant 1 : i32
    %dma_start3A_2311 = arith.constant 7 : i32
    %dma_start3A_2312 = arith.constant 37 : i32
    %dma_start3A_2313 = arith.constant 0 : i32
    %dma_start3A_2314 = arith.constant 0 : i32
    %dma_start3A_2315 = tpu.memref_slice %arg6[%dma_start3A_2310, %dma_start3A_2311, %dma_start3A_2313, %dma_start3A_2314] : memref<2x10x128x32xf32, #tpu.memory_space<vmem>> -> memref<1x1x128x32xf32, #tpu.memory_space<vmem>>
    %dma_start3A_2316 = tpu.memref_squeeze %dma_start3A_2315 : memref<1x1x128x32xf32, #tpu.memory_space<vmem>> -> memref<128x32xf32, #tpu.memory_space<vmem>>
    %dma_start3A_2317 = arith.constant 0 : i32
    %dma_start3A_2318 = tpu.memref_slice %arg4[%mul3A_2, %dma_start3A_2312, %dma_start3A_2317] : memref<4096x50x32xf32, #tpu.memory_space<hbm>> -> memref<128x1x32xf32, #tpu.memory_space<hbm>>
    %dma_start3A_2319 = tpu.memref_squeeze %dma_start3A_2318 : memref<128x1x32xf32, #tpu.memory_space<hbm>> -> memref<128x32xf32, #tpu.memory_space<hbm>>
    %dma_start3A_2320 = arith.constant 0 : i32
    %dma_start3A_2321 = tpu.memref_slice %arg4[%mul3A_2, %dma_start3A_2312, %dma_start3A_2320] : memref<4096x50x32xf32, #tpu.memory_space<hbm>> -> memref<128x1x32xf32, #tpu.memory_space<hbm>>
    %dma_start3A_2322 = tpu.memref_squeeze %dma_start3A_2321 : memref<128x1x32xf32, #tpu.memory_space<hbm>> -> memref<128x32xf32, #tpu.memory_space<hbm>>
    %dma_start3A_2323 = arith.constant 0 : i32
    %dma_start3A_2324 = arith.constant 0 : i32
    %dma_start3A_2325 = tpu.memref_slice %arg6[%dma_start3A_2310, %dma_start3A_2311, %dma_start3A_2323, %dma_start3A_2324] : memref<2x10x128x32xf32, #tpu.memory_space<vmem>> -> memref<1x1x128x32xf32, #tpu.memory_space<vmem>>
    %dma_start3A_2326 = tpu.memref_squeeze %dma_start3A_2325 : memref<1x1x128x32xf32, #tpu.memory_space<vmem>> -> memref<128x32xf32, #tpu.memory_space<vmem>>
    tpu.enqueue_dma source(%dma_start3A_2326 : memref<128x32xf32, #tpu.memory_space<vmem>>) target(%dma_start3A_2322 : memref<128x32xf32, #tpu.memory_space<hbm>>) target_semaphore(%arg10 : memref<!tpu.dma_semaphore, #tpu.memory_space<semaphore_mem>>)
    %dma_start3A_2327 = arith.constant 1 : i32
    %dma_start3A_2328 = arith.constant 8 : i32
    %dma_start3A_2329 = arith.constant 38 : i32
    %dma_start3A_2330 = arith.constant 0 : i32
    %dma_start3A_2331 = arith.constant 0 : i32
    %dma_start3A_2332 = tpu.memref_slice %arg6[%dma_start3A_2327, %dma_start3A_2328, %dma_start3A_2330, %dma_start3A_2331] : memref<2x10x128x32xf32, #tpu.memory_space<vmem>> -> memref<1x1x128x32xf32, #tpu.memory_space<vmem>>
    %dma_start3A_2333 = tpu.memref_squeeze %dma_start3A_2332 : memref<1x1x128x32xf32, #tpu.memory_space<vmem>> -> memref<128x32xf32, #tpu.memory_space<vmem>>
    %dma_start3A_2334 = arith.constant 0 : i32
    %dma_start3A_2335 = tpu.memref_slice %arg4[%mul3A_2, %dma_start3A_2329, %dma_start3A_2334] : memref<4096x50x32xf32, #tpu.memory_space<hbm>> -> memref<128x1x32xf32, #tpu.memory_space<hbm>>
    %dma_start3A_2336 = tpu.memref_squeeze %dma_start3A_2335 : memref<128x1x32xf32, #tpu.memory_space<hbm>> -> memref<128x32xf32, #tpu.memory_space<hbm>>
    %dma_start3A_2337 = arith.constant 0 : i32
    %dma_start3A_2338 = tpu.memref_slice %arg4[%mul3A_2, %dma_start3A_2329, %dma_start3A_2337] : memref<4096x50x32xf32, #tpu.memory_space<hbm>> -> memref<128x1x32xf32, #tpu.memory_space<hbm>>
    %dma_start3A_2339 = tpu.memref_squeeze %dma_start3A_2338 : memref<128x1x32xf32, #tpu.memory_space<hbm>> -> memref<128x32xf32, #tpu.memory_space<hbm>>
    %dma_start3A_2340 = arith.constant 0 : i32
    %dma_start3A_2341 = arith.constant 0 : i32
    %dma_start3A_2342 = tpu.memref_slice %arg6[%dma_start3A_2327, %dma_start3A_2328, %dma_start3A_2340, %dma_start3A_2341] : memref<2x10x128x32xf32, #tpu.memory_space<vmem>> -> memref<1x1x128x32xf32, #tpu.memory_space<vmem>>
    %dma_start3A_2343 = tpu.memref_squeeze %dma_start3A_2342 : memref<1x1x128x32xf32, #tpu.memory_space<vmem>> -> memref<128x32xf32, #tpu.memory_space<vmem>>
    tpu.enqueue_dma source(%dma_start3A_2343 : memref<128x32xf32, #tpu.memory_space<vmem>>) target(%dma_start3A_2339 : memref<128x32xf32, #tpu.memory_space<hbm>>) target_semaphore(%arg10 : memref<!tpu.dma_semaphore, #tpu.memory_space<semaphore_mem>>)
    %dma_start3A_2344 = arith.constant 1 : i32
    %dma_start3A_2345 = arith.constant 9 : i32
    %dma_start3A_2346 = arith.constant 39 : i32
    %dma_start3A_2347 = arith.constant 0 : i32
    %dma_start3A_2348 = arith.constant 0 : i32
    %dma_start3A_2349 = tpu.memref_slice %arg6[%dma_start3A_2344, %dma_start3A_2345, %dma_start3A_2347, %dma_start3A_2348] : memref<2x10x128x32xf32, #tpu.memory_space<vmem>> -> memref<1x1x128x32xf32, #tpu.memory_space<vmem>>
    %dma_start3A_2350 = tpu.memref_squeeze %dma_start3A_2349 : memref<1x1x128x32xf32, #tpu.memory_space<vmem>> -> memref<128x32xf32, #tpu.memory_space<vmem>>
    %dma_start3A_2351 = arith.constant 0 : i32
    %dma_start3A_2352 = tpu.memref_slice %arg4[%mul3A_2, %dma_start3A_2346, %dma_start3A_2351] : memref<4096x50x32xf32, #tpu.memory_space<hbm>> -> memref<128x1x32xf32, #tpu.memory_space<hbm>>
    %dma_start3A_2353 = tpu.memref_squeeze %dma_start3A_2352 : memref<128x1x32xf32, #tpu.memory_space<hbm>> -> memref<128x32xf32, #tpu.memory_space<hbm>>
    %dma_start3A_2354 = arith.constant 0 : i32
    %dma_start3A_2355 = tpu.memref_slice %arg4[%mul3A_2, %dma_start3A_2346, %dma_start3A_2354] : memref<4096x50x32xf32, #tpu.memory_space<hbm>> -> memref<128x1x32xf32, #tpu.memory_space<hbm>>
    %dma_start3A_2356 = tpu.memref_squeeze %dma_start3A_2355 : memref<128x1x32xf32, #tpu.memory_space<hbm>> -> memref<128x32xf32, #tpu.memory_space<hbm>>
    %dma_start3A_2357 = arith.constant 0 : i32
    %dma_start3A_2358 = arith.constant 0 : i32
    %dma_start3A_2359 = tpu.memref_slice %arg6[%dma_start3A_2344, %dma_start3A_2345, %dma_start3A_2357, %dma_start3A_2358] : memref<2x10x128x32xf32, #tpu.memory_space<vmem>> -> memref<1x1x128x32xf32, #tpu.memory_space<vmem>>
    %dma_start3A_2360 = tpu.memref_squeeze %dma_start3A_2359 : memref<1x1x128x32xf32, #tpu.memory_space<vmem>> -> memref<128x32xf32, #tpu.memory_space<vmem>>
    tpu.enqueue_dma source(%dma_start3A_2360 : memref<128x32xf32, #tpu.memory_space<vmem>>) target(%dma_start3A_2356 : memref<128x32xf32, #tpu.memory_space<hbm>>) target_semaphore(%arg10 : memref<!tpu.dma_semaphore, #tpu.memory_space<semaphore_mem>>)
    %dma_wait3A_2361 = arith.constant 40 : i32
    %dma_wait3A_2362 = arith.constant 0 : i32
    %dma_wait3A_2363 = arith.constant 0 : i32
    %dma_wait3A_2364 = arith.constant 0 : i32
    %dma_wait3A_2365 = arith.constant 0 : i32
    %dma_wait3A_2366 = tpu.memref_slice %arg6[%dma_wait3A_2362, %dma_wait3A_2363, %dma_wait3A_2364, %dma_wait3A_2365] : memref<2x10x128x32xf32, #tpu.memory_space<vmem>> -> memref<1x1x128x32xf32, #tpu.memory_space<vmem>>
    %dma_wait3A_2367 = tpu.memref_squeeze %dma_wait3A_2366 : memref<1x1x128x32xf32, #tpu.memory_space<vmem>> -> memref<128x32xf32, #tpu.memory_space<vmem>>
    %dma_wait3A_2368 = arith.constant 0 : i32
    %dma_wait3A_2369 = tpu.memref_slice %arg5[%dma_wait3A_2361, %dma_wait3A_2368] : memref<50x128xi32, #tpu.memory_space<vmem>> -> memref<1x128xi32, #tpu.memory_space<vmem>>
    %dma_wait3A_2370 = tpu.memref_squeeze %dma_wait3A_2369 : memref<1x128xi32, #tpu.memory_space<vmem>> -> memref<128xi32, #tpu.memory_space<vmem>>
    %dma_wait3A_2371 = arith.constant 0 : i32
    %dma_wait3A_2372 = arith.constant 0 : i32
    %dma_wait3A_2373 = tpu.memref_slice %arg2[%dma_wait3A_2371, %dma_wait3A_2372] : memref<1048576x32xf32, #tpu.memory_space<hbm>> -> memref<1048576x32xf32, #tpu.memory_space<hbm>>
    tpu.wait_indirect_dma semaphore(%arg7 : memref<!tpu.dma_semaphore, #tpu.memory_space<semaphore_mem>>) src(%dma_wait3A_2373 : memref<1048576x32xf32, #tpu.memory_space<hbm>>) dst(%dma_wait3A_2367 : memref<128x32xf32, #tpu.memory_space<vmem>>)
    %dma_wait3A_2374 = arith.constant 41 : i32
    %dma_wait3A_2375 = arith.constant 0 : i32
    %dma_wait3A_2376 = arith.constant 1 : i32
    %dma_wait3A_2377 = arith.constant 0 : i32
    %dma_wait3A_2378 = arith.constant 0 : i32
    %dma_wait3A_2379 = tpu.memref_slice %arg6[%dma_wait3A_2375, %dma_wait3A_2376, %dma_wait3A_2377, %dma_wait3A_2378] : memref<2x10x128x32xf32, #tpu.memory_space<vmem>> -> memref<1x1x128x32xf32, #tpu.memory_space<vmem>>
    %dma_wait3A_2380 = tpu.memref_squeeze %dma_wait3A_2379 : memref<1x1x128x32xf32, #tpu.memory_space<vmem>> -> memref<128x32xf32, #tpu.memory_space<vmem>>
    %dma_wait3A_2381 = arith.constant 0 : i32
    %dma_wait3A_2382 = tpu.memref_slice %arg5[%dma_wait3A_2374, %dma_wait3A_2381] : memref<50x128xi32, #tpu.memory_space<vmem>> -> memref<1x128xi32, #tpu.memory_space<vmem>>
    %dma_wait3A_2383 = tpu.memref_squeeze %dma_wait3A_2382 : memref<1x128xi32, #tpu.memory_space<vmem>> -> memref<128xi32, #tpu.memory_space<vmem>>
    %dma_wait3A_2384 = arith.constant 0 : i32
    %dma_wait3A_2385 = arith.constant 0 : i32
    %dma_wait3A_2386 = tpu.memref_slice %arg2[%dma_wait3A_2384, %dma_wait3A_2385] : memref<1048576x32xf32, #tpu.memory_space<hbm>> -> memref<1048576x32xf32, #tpu.memory_space<hbm>>
    tpu.wait_indirect_dma semaphore(%arg7 : memref<!tpu.dma_semaphore, #tpu.memory_space<semaphore_mem>>) src(%dma_wait3A_2386 : memref<1048576x32xf32, #tpu.memory_space<hbm>>) dst(%dma_wait3A_2380 : memref<128x32xf32, #tpu.memory_space<vmem>>)
    %dma_wait3A_2387 = arith.constant 42 : i32
    %dma_wait3A_2388 = arith.constant 0 : i32
    %dma_wait3A_2389 = arith.constant 2 : i32
    %dma_wait3A_2390 = arith.constant 0 : i32
    %dma_wait3A_2391 = arith.constant 0 : i32
    %dma_wait3A_2392 = tpu.memref_slice %arg6[%dma_wait3A_2388, %dma_wait3A_2389, %dma_wait3A_2390, %dma_wait3A_2391] : memref<2x10x128x32xf32, #tpu.memory_space<vmem>> -> memref<1x1x128x32xf32, #tpu.memory_space<vmem>>
    %dma_wait3A_2393 = tpu.memref_squeeze %dma_wait3A_2392 : memref<1x1x128x32xf32, #tpu.memory_space<vmem>> -> memref<128x32xf32, #tpu.memory_space<vmem>>
    %dma_wait3A_2394 = arith.constant 0 : i32
    %dma_wait3A_2395 = tpu.memref_slice %arg5[%dma_wait3A_2387, %dma_wait3A_2394] : memref<50x128xi32, #tpu.memory_space<vmem>> -> memref<1x128xi32, #tpu.memory_space<vmem>>
    %dma_wait3A_2396 = tpu.memref_squeeze %dma_wait3A_2395 : memref<1x128xi32, #tpu.memory_space<vmem>> -> memref<128xi32, #tpu.memory_space<vmem>>
    %dma_wait3A_2397 = arith.constant 0 : i32
    %dma_wait3A_2398 = arith.constant 0 : i32
    %dma_wait3A_2399 = tpu.memref_slice %arg2[%dma_wait3A_2397, %dma_wait3A_2398] : memref<1048576x32xf32, #tpu.memory_space<hbm>> -> memref<1048576x32xf32, #tpu.memory_space<hbm>>
    tpu.wait_indirect_dma semaphore(%arg7 : memref<!tpu.dma_semaphore, #tpu.memory_space<semaphore_mem>>) src(%dma_wait3A_2399 : memref<1048576x32xf32, #tpu.memory_space<hbm>>) dst(%dma_wait3A_2393 : memref<128x32xf32, #tpu.memory_space<vmem>>)
    %dma_wait3A_2400 = arith.constant 43 : i32
    %dma_wait3A_2401 = arith.constant 0 : i32
    %dma_wait3A_2402 = arith.constant 3 : i32
    %dma_wait3A_2403 = arith.constant 0 : i32
    %dma_wait3A_2404 = arith.constant 0 : i32
    %dma_wait3A_2405 = tpu.memref_slice %arg6[%dma_wait3A_2401, %dma_wait3A_2402, %dma_wait3A_2403, %dma_wait3A_2404] : memref<2x10x128x32xf32, #tpu.memory_space<vmem>> -> memref<1x1x128x32xf32, #tpu.memory_space<vmem>>
    %dma_wait3A_2406 = tpu.memref_squeeze %dma_wait3A_2405 : memref<1x1x128x32xf32, #tpu.memory_space<vmem>> -> memref<128x32xf32, #tpu.memory_space<vmem>>
    %dma_wait3A_2407 = arith.constant 0 : i32
    %dma_wait3A_2408 = tpu.memref_slice %arg5[%dma_wait3A_2400, %dma_wait3A_2407] : memref<50x128xi32, #tpu.memory_space<vmem>> -> memref<1x128xi32, #tpu.memory_space<vmem>>
    %dma_wait3A_2409 = tpu.memref_squeeze %dma_wait3A_2408 : memref<1x128xi32, #tpu.memory_space<vmem>> -> memref<128xi32, #tpu.memory_space<vmem>>
    %dma_wait3A_2410 = arith.constant 0 : i32
    %dma_wait3A_2411 = arith.constant 0 : i32
    %dma_wait3A_2412 = tpu.memref_slice %arg2[%dma_wait3A_2410, %dma_wait3A_2411] : memref<1048576x32xf32, #tpu.memory_space<hbm>> -> memref<1048576x32xf32, #tpu.memory_space<hbm>>
    tpu.wait_indirect_dma semaphore(%arg7 : memref<!tpu.dma_semaphore, #tpu.memory_space<semaphore_mem>>) src(%dma_wait3A_2412 : memref<1048576x32xf32, #tpu.memory_space<hbm>>) dst(%dma_wait3A_2406 : memref<128x32xf32, #tpu.memory_space<vmem>>)
    %dma_wait3A_2413 = arith.constant 44 : i32
    %dma_wait3A_2414 = arith.constant 0 : i32
    %dma_wait3A_2415 = arith.constant 4 : i32
    %dma_wait3A_2416 = arith.constant 0 : i32
    %dma_wait3A_2417 = arith.constant 0 : i32
    %dma_wait3A_2418 = tpu.memref_slice %arg6[%dma_wait3A_2414, %dma_wait3A_2415, %dma_wait3A_2416, %dma_wait3A_2417] : memref<2x10x128x32xf32, #tpu.memory_space<vmem>> -> memref<1x1x128x32xf32, #tpu.memory_space<vmem>>
    %dma_wait3A_2419 = tpu.memref_squeeze %dma_wait3A_2418 : memref<1x1x128x32xf32, #tpu.memory_space<vmem>> -> memref<128x32xf32, #tpu.memory_space<vmem>>
    %dma_wait3A_2420 = arith.constant 0 : i32
    %dma_wait3A_2421 = tpu.memref_slice %arg5[%dma_wait3A_2413, %dma_wait3A_2420] : memref<50x128xi32, #tpu.memory_space<vmem>> -> memref<1x128xi32, #tpu.memory_space<vmem>>
    %dma_wait3A_2422 = tpu.memref_squeeze %dma_wait3A_2421 : memref<1x128xi32, #tpu.memory_space<vmem>> -> memref<128xi32, #tpu.memory_space<vmem>>
    %dma_wait3A_2423 = arith.constant 0 : i32
    %dma_wait3A_2424 = arith.constant 0 : i32
    %dma_wait3A_2425 = tpu.memref_slice %arg2[%dma_wait3A_2423, %dma_wait3A_2424] : memref<1048576x32xf32, #tpu.memory_space<hbm>> -> memref<1048576x32xf32, #tpu.memory_space<hbm>>
    tpu.wait_indirect_dma semaphore(%arg7 : memref<!tpu.dma_semaphore, #tpu.memory_space<semaphore_mem>>) src(%dma_wait3A_2425 : memref<1048576x32xf32, #tpu.memory_space<hbm>>) dst(%dma_wait3A_2419 : memref<128x32xf32, #tpu.memory_space<vmem>>)
    %dma_wait3A_2426 = arith.constant 45 : i32
    %dma_wait3A_2427 = arith.constant 0 : i32
    %dma_wait3A_2428 = arith.constant 5 : i32
    %dma_wait3A_2429 = arith.constant 0 : i32
    %dma_wait3A_2430 = arith.constant 0 : i32
    %dma_wait3A_2431 = tpu.memref_slice %arg6[%dma_wait3A_2427, %dma_wait3A_2428, %dma_wait3A_2429, %dma_wait3A_2430] : memref<2x10x128x32xf32, #tpu.memory_space<vmem>> -> memref<1x1x128x32xf32, #tpu.memory_space<vmem>>
    %dma_wait3A_2432 = tpu.memref_squeeze %dma_wait3A_2431 : memref<1x1x128x32xf32, #tpu.memory_space<vmem>> -> memref<128x32xf32, #tpu.memory_space<vmem>>
    %dma_wait3A_2433 = arith.constant 0 : i32
    %dma_wait3A_2434 = tpu.memref_slice %arg5[%dma_wait3A_2426, %dma_wait3A_2433] : memref<50x128xi32, #tpu.memory_space<vmem>> -> memref<1x128xi32, #tpu.memory_space<vmem>>
    %dma_wait3A_2435 = tpu.memref_squeeze %dma_wait3A_2434 : memref<1x128xi32, #tpu.memory_space<vmem>> -> memref<128xi32, #tpu.memory_space<vmem>>
    %dma_wait3A_2436 = arith.constant 0 : i32
    %dma_wait3A_2437 = arith.constant 0 : i32
    %dma_wait3A_2438 = tpu.memref_slice %arg2[%dma_wait3A_2436, %dma_wait3A_2437] : memref<1048576x32xf32, #tpu.memory_space<hbm>> -> memref<1048576x32xf32, #tpu.memory_space<hbm>>
    tpu.wait_indirect_dma semaphore(%arg7 : memref<!tpu.dma_semaphore, #tpu.memory_space<semaphore_mem>>) src(%dma_wait3A_2438 : memref<1048576x32xf32, #tpu.memory_space<hbm>>) dst(%dma_wait3A_2432 : memref<128x32xf32, #tpu.memory_space<vmem>>)
    %dma_wait3A_2439 = arith.constant 46 : i32
    %dma_wait3A_2440 = arith.constant 0 : i32
    %dma_wait3A_2441 = arith.constant 6 : i32
    %dma_wait3A_2442 = arith.constant 0 : i32
    %dma_wait3A_2443 = arith.constant 0 : i32
    %dma_wait3A_2444 = tpu.memref_slice %arg6[%dma_wait3A_2440, %dma_wait3A_2441, %dma_wait3A_2442, %dma_wait3A_2443] : memref<2x10x128x32xf32, #tpu.memory_space<vmem>> -> memref<1x1x128x32xf32, #tpu.memory_space<vmem>>
    %dma_wait3A_2445 = tpu.memref_squeeze %dma_wait3A_2444 : memref<1x1x128x32xf32, #tpu.memory_space<vmem>> -> memref<128x32xf32, #tpu.memory_space<vmem>>
    %dma_wait3A_2446 = arith.constant 0 : i32
    %dma_wait3A_2447 = tpu.memref_slice %arg5[%dma_wait3A_2439, %dma_wait3A_2446] : memref<50x128xi32, #tpu.memory_space<vmem>> -> memref<1x128xi32, #tpu.memory_space<vmem>>
    %dma_wait3A_2448 = tpu.memref_squeeze %dma_wait3A_2447 : memref<1x128xi32, #tpu.memory_space<vmem>> -> memref<128xi32, #tpu.memory_space<vmem>>
    %dma_wait3A_2449 = arith.constant 0 : i32
    %dma_wait3A_2450 = arith.constant 0 : i32
    %dma_wait3A_2451 = tpu.memref_slice %arg2[%dma_wait3A_2449, %dma_wait3A_2450] : memref<1048576x32xf32, #tpu.memory_space<hbm>> -> memref<1048576x32xf32, #tpu.memory_space<hbm>>
    tpu.wait_indirect_dma semaphore(%arg7 : memref<!tpu.dma_semaphore, #tpu.memory_space<semaphore_mem>>) src(%dma_wait3A_2451 : memref<1048576x32xf32, #tpu.memory_space<hbm>>) dst(%dma_wait3A_2445 : memref<128x32xf32, #tpu.memory_space<vmem>>)
    %dma_wait3A_2452 = arith.constant 47 : i32
    %dma_wait3A_2453 = arith.constant 0 : i32
    %dma_wait3A_2454 = arith.constant 7 : i32
    %dma_wait3A_2455 = arith.constant 0 : i32
    %dma_wait3A_2456 = arith.constant 0 : i32
    %dma_wait3A_2457 = tpu.memref_slice %arg6[%dma_wait3A_2453, %dma_wait3A_2454, %dma_wait3A_2455, %dma_wait3A_2456] : memref<2x10x128x32xf32, #tpu.memory_space<vmem>> -> memref<1x1x128x32xf32, #tpu.memory_space<vmem>>
    %dma_wait3A_2458 = tpu.memref_squeeze %dma_wait3A_2457 : memref<1x1x128x32xf32, #tpu.memory_space<vmem>> -> memref<128x32xf32, #tpu.memory_space<vmem>>
    %dma_wait3A_2459 = arith.constant 0 : i32
    %dma_wait3A_2460 = tpu.memref_slice %arg5[%dma_wait3A_2452, %dma_wait3A_2459] : memref<50x128xi32, #tpu.memory_space<vmem>> -> memref<1x128xi32, #tpu.memory_space<vmem>>
    %dma_wait3A_2461 = tpu.memref_squeeze %dma_wait3A_2460 : memref<1x128xi32, #tpu.memory_space<vmem>> -> memref<128xi32, #tpu.memory_space<vmem>>
    %dma_wait3A_2462 = arith.constant 0 : i32
    %dma_wait3A_2463 = arith.constant 0 : i32
    %dma_wait3A_2464 = tpu.memref_slice %arg2[%dma_wait3A_2462, %dma_wait3A_2463] : memref<1048576x32xf32, #tpu.memory_space<hbm>> -> memref<1048576x32xf32, #tpu.memory_space<hbm>>
    tpu.wait_indirect_dma semaphore(%arg7 : memref<!tpu.dma_semaphore, #tpu.memory_space<semaphore_mem>>) src(%dma_wait3A_2464 : memref<1048576x32xf32, #tpu.memory_space<hbm>>) dst(%dma_wait3A_2458 : memref<128x32xf32, #tpu.memory_space<vmem>>)
    %dma_wait3A_2465 = arith.constant 48 : i32
    %dma_wait3A_2466 = arith.constant 0 : i32
    %dma_wait3A_2467 = arith.constant 8 : i32
    %dma_wait3A_2468 = arith.constant 0 : i32
    %dma_wait3A_2469 = arith.constant 0 : i32
    %dma_wait3A_2470 = tpu.memref_slice %arg6[%dma_wait3A_2466, %dma_wait3A_2467, %dma_wait3A_2468, %dma_wait3A_2469] : memref<2x10x128x32xf32, #tpu.memory_space<vmem>> -> memref<1x1x128x32xf32, #tpu.memory_space<vmem>>
    %dma_wait3A_2471 = tpu.memref_squeeze %dma_wait3A_2470 : memref<1x1x128x32xf32, #tpu.memory_space<vmem>> -> memref<128x32xf32, #tpu.memory_space<vmem>>
    %dma_wait3A_2472 = arith.constant 0 : i32
    %dma_wait3A_2473 = tpu.memref_slice %arg5[%dma_wait3A_2465, %dma_wait3A_2472] : memref<50x128xi32, #tpu.memory_space<vmem>> -> memref<1x128xi32, #tpu.memory_space<vmem>>
    %dma_wait3A_2474 = tpu.memref_squeeze %dma_wait3A_2473 : memref<1x128xi32, #tpu.memory_space<vmem>> -> memref<128xi32, #tpu.memory_space<vmem>>
    %dma_wait3A_2475 = arith.constant 0 : i32
    %dma_wait3A_2476 = arith.constant 0 : i32
    %dma_wait3A_2477 = tpu.memref_slice %arg2[%dma_wait3A_2475, %dma_wait3A_2476] : memref<1048576x32xf32, #tpu.memory_space<hbm>> -> memref<1048576x32xf32, #tpu.memory_space<hbm>>
    tpu.wait_indirect_dma semaphore(%arg7 : memref<!tpu.dma_semaphore, #tpu.memory_space<semaphore_mem>>) src(%dma_wait3A_2477 : memref<1048576x32xf32, #tpu.memory_space<hbm>>) dst(%dma_wait3A_2471 : memref<128x32xf32, #tpu.memory_space<vmem>>)
    %dma_wait3A_2478 = arith.constant 49 : i32
    %dma_wait3A_2479 = arith.constant 0 : i32
    %dma_wait3A_2480 = arith.constant 9 : i32
    %dma_wait3A_2481 = arith.constant 0 : i32
    %dma_wait3A_2482 = arith.constant 0 : i32
    %dma_wait3A_2483 = tpu.memref_slice %arg6[%dma_wait3A_2479, %dma_wait3A_2480, %dma_wait3A_2481, %dma_wait3A_2482] : memref<2x10x128x32xf32, #tpu.memory_space<vmem>> -> memref<1x1x128x32xf32, #tpu.memory_space<vmem>>
    %dma_wait3A_2484 = tpu.memref_squeeze %dma_wait3A_2483 : memref<1x1x128x32xf32, #tpu.memory_space<vmem>> -> memref<128x32xf32, #tpu.memory_space<vmem>>
    %dma_wait3A_2485 = arith.constant 0 : i32
    %dma_wait3A_2486 = tpu.memref_slice %arg5[%dma_wait3A_2478, %dma_wait3A_2485] : memref<50x128xi32, #tpu.memory_space<vmem>> -> memref<1x128xi32, #tpu.memory_space<vmem>>
    %dma_wait3A_2487 = tpu.memref_squeeze %dma_wait3A_2486 : memref<1x128xi32, #tpu.memory_space<vmem>> -> memref<128xi32, #tpu.memory_space<vmem>>
    %dma_wait3A_2488 = arith.constant 0 : i32
    %dma_wait3A_2489 = arith.constant 0 : i32
    %dma_wait3A_2490 = tpu.memref_slice %arg2[%dma_wait3A_2488, %dma_wait3A_2489] : memref<1048576x32xf32, #tpu.memory_space<hbm>> -> memref<1048576x32xf32, #tpu.memory_space<hbm>>
    tpu.wait_indirect_dma semaphore(%arg7 : memref<!tpu.dma_semaphore, #tpu.memory_space<semaphore_mem>>) src(%dma_wait3A_2490 : memref<1048576x32xf32, #tpu.memory_space<hbm>>) dst(%dma_wait3A_2484 : memref<128x32xf32, #tpu.memory_space<vmem>>)
    %dma_start3A_2491 = arith.constant 0 : i32
    %dma_start3A_2492 = arith.constant 0 : i32
    %dma_start3A_2493 = arith.constant 40 : i32
    %dma_start3A_2494 = arith.constant 0 : i32
    %dma_start3A_2495 = arith.constant 0 : i32
    %dma_start3A_2496 = tpu.memref_slice %arg6[%dma_start3A_2491, %dma_start3A_2492, %dma_start3A_2494, %dma_start3A_2495] : memref<2x10x128x32xf32, #tpu.memory_space<vmem>> -> memref<1x1x128x32xf32, #tpu.memory_space<vmem>>
    %dma_start3A_2497 = tpu.memref_squeeze %dma_start3A_2496 : memref<1x1x128x32xf32, #tpu.memory_space<vmem>> -> memref<128x32xf32, #tpu.memory_space<vmem>>
    %dma_start3A_2498 = arith.constant 0 : i32
    %dma_start3A_2499 = tpu.memref_slice %arg4[%mul3A_2, %dma_start3A_2493, %dma_start3A_2498] : memref<4096x50x32xf32, #tpu.memory_space<hbm>> -> memref<128x1x32xf32, #tpu.memory_space<hbm>>
    %dma_start3A_2500 = tpu.memref_squeeze %dma_start3A_2499 : memref<128x1x32xf32, #tpu.memory_space<hbm>> -> memref<128x32xf32, #tpu.memory_space<hbm>>
    %dma_start3A_2501 = arith.constant 0 : i32
    %dma_start3A_2502 = tpu.memref_slice %arg4[%mul3A_2, %dma_start3A_2493, %dma_start3A_2501] : memref<4096x50x32xf32, #tpu.memory_space<hbm>> -> memref<128x1x32xf32, #tpu.memory_space<hbm>>
    %dma_start3A_2503 = tpu.memref_squeeze %dma_start3A_2502 : memref<128x1x32xf32, #tpu.memory_space<hbm>> -> memref<128x32xf32, #tpu.memory_space<hbm>>
    %dma_start3A_2504 = arith.constant 0 : i32
    %dma_start3A_2505 = arith.constant 0 : i32
    %dma_start3A_2506 = tpu.memref_slice %arg6[%dma_start3A_2491, %dma_start3A_2492, %dma_start3A_2504, %dma_start3A_2505] : memref<2x10x128x32xf32, #tpu.memory_space<vmem>> -> memref<1x1x128x32xf32, #tpu.memory_space<vmem>>
    %dma_start3A_2507 = tpu.memref_squeeze %dma_start3A_2506 : memref<1x1x128x32xf32, #tpu.memory_space<vmem>> -> memref<128x32xf32, #tpu.memory_space<vmem>>
    tpu.enqueue_dma source(%dma_start3A_2507 : memref<128x32xf32, #tpu.memory_space<vmem>>) target(%dma_start3A_2503 : memref<128x32xf32, #tpu.memory_space<hbm>>) target_semaphore(%arg9 : memref<!tpu.dma_semaphore, #tpu.memory_space<semaphore_mem>>)
    %dma_start3A_2508 = arith.constant 0 : i32
    %dma_start3A_2509 = arith.constant 1 : i32
    %dma_start3A_2510 = arith.constant 41 : i32
    %dma_start3A_2511 = arith.constant 0 : i32
    %dma_start3A_2512 = arith.constant 0 : i32
    %dma_start3A_2513 = tpu.memref_slice %arg6[%dma_start3A_2508, %dma_start3A_2509, %dma_start3A_2511, %dma_start3A_2512] : memref<2x10x128x32xf32, #tpu.memory_space<vmem>> -> memref<1x1x128x32xf32, #tpu.memory_space<vmem>>
    %dma_start3A_2514 = tpu.memref_squeeze %dma_start3A_2513 : memref<1x1x128x32xf32, #tpu.memory_space<vmem>> -> memref<128x32xf32, #tpu.memory_space<vmem>>
    %dma_start3A_2515 = arith.constant 0 : i32
    %dma_start3A_2516 = tpu.memref_slice %arg4[%mul3A_2, %dma_start3A_2510, %dma_start3A_2515] : memref<4096x50x32xf32, #tpu.memory_space<hbm>> -> memref<128x1x32xf32, #tpu.memory_space<hbm>>
    %dma_start3A_2517 = tpu.memref_squeeze %dma_start3A_2516 : memref<128x1x32xf32, #tpu.memory_space<hbm>> -> memref<128x32xf32, #tpu.memory_space<hbm>>
    %dma_start3A_2518 = arith.constant 0 : i32
    %dma_start3A_2519 = tpu.memref_slice %arg4[%mul3A_2, %dma_start3A_2510, %dma_start3A_2518] : memref<4096x50x32xf32, #tpu.memory_space<hbm>> -> memref<128x1x32xf32, #tpu.memory_space<hbm>>
    %dma_start3A_2520 = tpu.memref_squeeze %dma_start3A_2519 : memref<128x1x32xf32, #tpu.memory_space<hbm>> -> memref<128x32xf32, #tpu.memory_space<hbm>>
    %dma_start3A_2521 = arith.constant 0 : i32
    %dma_start3A_2522 = arith.constant 0 : i32
    %dma_start3A_2523 = tpu.memref_slice %arg6[%dma_start3A_2508, %dma_start3A_2509, %dma_start3A_2521, %dma_start3A_2522] : memref<2x10x128x32xf32, #tpu.memory_space<vmem>> -> memref<1x1x128x32xf32, #tpu.memory_space<vmem>>
    %dma_start3A_2524 = tpu.memref_squeeze %dma_start3A_2523 : memref<1x1x128x32xf32, #tpu.memory_space<vmem>> -> memref<128x32xf32, #tpu.memory_space<vmem>>
    tpu.enqueue_dma source(%dma_start3A_2524 : memref<128x32xf32, #tpu.memory_space<vmem>>) target(%dma_start3A_2520 : memref<128x32xf32, #tpu.memory_space<hbm>>) target_semaphore(%arg9 : memref<!tpu.dma_semaphore, #tpu.memory_space<semaphore_mem>>)
    %dma_start3A_2525 = arith.constant 0 : i32
    %dma_start3A_2526 = arith.constant 2 : i32
    %dma_start3A_2527 = arith.constant 42 : i32
    %dma_start3A_2528 = arith.constant 0 : i32
    %dma_start3A_2529 = arith.constant 0 : i32
    %dma_start3A_2530 = tpu.memref_slice %arg6[%dma_start3A_2525, %dma_start3A_2526, %dma_start3A_2528, %dma_start3A_2529] : memref<2x10x128x32xf32, #tpu.memory_space<vmem>> -> memref<1x1x128x32xf32, #tpu.memory_space<vmem>>
    %dma_start3A_2531 = tpu.memref_squeeze %dma_start3A_2530 : memref<1x1x128x32xf32, #tpu.memory_space<vmem>> -> memref<128x32xf32, #tpu.memory_space<vmem>>
    %dma_start3A_2532 = arith.constant 0 : i32
    %dma_start3A_2533 = tpu.memref_slice %arg4[%mul3A_2, %dma_start3A_2527, %dma_start3A_2532] : memref<4096x50x32xf32, #tpu.memory_space<hbm>> -> memref<128x1x32xf32, #tpu.memory_space<hbm>>
    %dma_start3A_2534 = tpu.memref_squeeze %dma_start3A_2533 : memref<128x1x32xf32, #tpu.memory_space<hbm>> -> memref<128x32xf32, #tpu.memory_space<hbm>>
    %dma_start3A_2535 = arith.constant 0 : i32
    %dma_start3A_2536 = tpu.memref_slice %arg4[%mul3A_2, %dma_start3A_2527, %dma_start3A_2535] : memref<4096x50x32xf32, #tpu.memory_space<hbm>> -> memref<128x1x32xf32, #tpu.memory_space<hbm>>
    %dma_start3A_2537 = tpu.memref_squeeze %dma_start3A_2536 : memref<128x1x32xf32, #tpu.memory_space<hbm>> -> memref<128x32xf32, #tpu.memory_space<hbm>>
    %dma_start3A_2538 = arith.constant 0 : i32
    %dma_start3A_2539 = arith.constant 0 : i32
    %dma_start3A_2540 = tpu.memref_slice %arg6[%dma_start3A_2525, %dma_start3A_2526, %dma_start3A_2538, %dma_start3A_2539] : memref<2x10x128x32xf32, #tpu.memory_space<vmem>> -> memref<1x1x128x32xf32, #tpu.memory_space<vmem>>
    %dma_start3A_2541 = tpu.memref_squeeze %dma_start3A_2540 : memref<1x1x128x32xf32, #tpu.memory_space<vmem>> -> memref<128x32xf32, #tpu.memory_space<vmem>>
    tpu.enqueue_dma source(%dma_start3A_2541 : memref<128x32xf32, #tpu.memory_space<vmem>>) target(%dma_start3A_2537 : memref<128x32xf32, #tpu.memory_space<hbm>>) target_semaphore(%arg9 : memref<!tpu.dma_semaphore, #tpu.memory_space<semaphore_mem>>)
    %dma_start3A_2542 = arith.constant 0 : i32
    %dma_start3A_2543 = arith.constant 3 : i32
    %dma_start3A_2544 = arith.constant 43 : i32
    %dma_start3A_2545 = arith.constant 0 : i32
    %dma_start3A_2546 = arith.constant 0 : i32
    %dma_start3A_2547 = tpu.memref_slice %arg6[%dma_start3A_2542, %dma_start3A_2543, %dma_start3A_2545, %dma_start3A_2546] : memref<2x10x128x32xf32, #tpu.memory_space<vmem>> -> memref<1x1x128x32xf32, #tpu.memory_space<vmem>>
    %dma_start3A_2548 = tpu.memref_squeeze %dma_start3A_2547 : memref<1x1x128x32xf32, #tpu.memory_space<vmem>> -> memref<128x32xf32, #tpu.memory_space<vmem>>
    %dma_start3A_2549 = arith.constant 0 : i32
    %dma_start3A_2550 = tpu.memref_slice %arg4[%mul3A_2, %dma_start3A_2544, %dma_start3A_2549] : memref<4096x50x32xf32, #tpu.memory_space<hbm>> -> memref<128x1x32xf32, #tpu.memory_space<hbm>>
    %dma_start3A_2551 = tpu.memref_squeeze %dma_start3A_2550 : memref<128x1x32xf32, #tpu.memory_space<hbm>> -> memref<128x32xf32, #tpu.memory_space<hbm>>
    %dma_start3A_2552 = arith.constant 0 : i32
    %dma_start3A_2553 = tpu.memref_slice %arg4[%mul3A_2, %dma_start3A_2544, %dma_start3A_2552] : memref<4096x50x32xf32, #tpu.memory_space<hbm>> -> memref<128x1x32xf32, #tpu.memory_space<hbm>>
    %dma_start3A_2554 = tpu.memref_squeeze %dma_start3A_2553 : memref<128x1x32xf32, #tpu.memory_space<hbm>> -> memref<128x32xf32, #tpu.memory_space<hbm>>
    %dma_start3A_2555 = arith.constant 0 : i32
    %dma_start3A_2556 = arith.constant 0 : i32
    %dma_start3A_2557 = tpu.memref_slice %arg6[%dma_start3A_2542, %dma_start3A_2543, %dma_start3A_2555, %dma_start3A_2556] : memref<2x10x128x32xf32, #tpu.memory_space<vmem>> -> memref<1x1x128x32xf32, #tpu.memory_space<vmem>>
    %dma_start3A_2558 = tpu.memref_squeeze %dma_start3A_2557 : memref<1x1x128x32xf32, #tpu.memory_space<vmem>> -> memref<128x32xf32, #tpu.memory_space<vmem>>
    tpu.enqueue_dma source(%dma_start3A_2558 : memref<128x32xf32, #tpu.memory_space<vmem>>) target(%dma_start3A_2554 : memref<128x32xf32, #tpu.memory_space<hbm>>) target_semaphore(%arg9 : memref<!tpu.dma_semaphore, #tpu.memory_space<semaphore_mem>>)
    %dma_start3A_2559 = arith.constant 0 : i32
    %dma_start3A_2560 = arith.constant 4 : i32
    %dma_start3A_2561 = arith.constant 44 : i32
    %dma_start3A_2562 = arith.constant 0 : i32
    %dma_start3A_2563 = arith.constant 0 : i32
    %dma_start3A_2564 = tpu.memref_slice %arg6[%dma_start3A_2559, %dma_start3A_2560, %dma_start3A_2562, %dma_start3A_2563] : memref<2x10x128x32xf32, #tpu.memory_space<vmem>> -> memref<1x1x128x32xf32, #tpu.memory_space<vmem>>
    %dma_start3A_2565 = tpu.memref_squeeze %dma_start3A_2564 : memref<1x1x128x32xf32, #tpu.memory_space<vmem>> -> memref<128x32xf32, #tpu.memory_space<vmem>>
    %dma_start3A_2566 = arith.constant 0 : i32
    %dma_start3A_2567 = tpu.memref_slice %arg4[%mul3A_2, %dma_start3A_2561, %dma_start3A_2566] : memref<4096x50x32xf32, #tpu.memory_space<hbm>> -> memref<128x1x32xf32, #tpu.memory_space<hbm>>
    %dma_start3A_2568 = tpu.memref_squeeze %dma_start3A_2567 : memref<128x1x32xf32, #tpu.memory_space<hbm>> -> memref<128x32xf32, #tpu.memory_space<hbm>>
    %dma_start3A_2569 = arith.constant 0 : i32
    %dma_start3A_2570 = tpu.memref_slice %arg4[%mul3A_2, %dma_start3A_2561, %dma_start3A_2569] : memref<4096x50x32xf32, #tpu.memory_space<hbm>> -> memref<128x1x32xf32, #tpu.memory_space<hbm>>
    %dma_start3A_2571 = tpu.memref_squeeze %dma_start3A_2570 : memref<128x1x32xf32, #tpu.memory_space<hbm>> -> memref<128x32xf32, #tpu.memory_space<hbm>>
    %dma_start3A_2572 = arith.constant 0 : i32
    %dma_start3A_2573 = arith.constant 0 : i32
    %dma_start3A_2574 = tpu.memref_slice %arg6[%dma_start3A_2559, %dma_start3A_2560, %dma_start3A_2572, %dma_start3A_2573] : memref<2x10x128x32xf32, #tpu.memory_space<vmem>> -> memref<1x1x128x32xf32, #tpu.memory_space<vmem>>
    %dma_start3A_2575 = tpu.memref_squeeze %dma_start3A_2574 : memref<1x1x128x32xf32, #tpu.memory_space<vmem>> -> memref<128x32xf32, #tpu.memory_space<vmem>>
    tpu.enqueue_dma source(%dma_start3A_2575 : memref<128x32xf32, #tpu.memory_space<vmem>>) target(%dma_start3A_2571 : memref<128x32xf32, #tpu.memory_space<hbm>>) target_semaphore(%arg9 : memref<!tpu.dma_semaphore, #tpu.memory_space<semaphore_mem>>)
    %dma_start3A_2576 = arith.constant 0 : i32
    %dma_start3A_2577 = arith.constant 5 : i32
    %dma_start3A_2578 = arith.constant 45 : i32
    %dma_start3A_2579 = arith.constant 0 : i32
    %dma_start3A_2580 = arith.constant 0 : i32
    %dma_start3A_2581 = tpu.memref_slice %arg6[%dma_start3A_2576, %dma_start3A_2577, %dma_start3A_2579, %dma_start3A_2580] : memref<2x10x128x32xf32, #tpu.memory_space<vmem>> -> memref<1x1x128x32xf32, #tpu.memory_space<vmem>>
    %dma_start3A_2582 = tpu.memref_squeeze %dma_start3A_2581 : memref<1x1x128x32xf32, #tpu.memory_space<vmem>> -> memref<128x32xf32, #tpu.memory_space<vmem>>
    %dma_start3A_2583 = arith.constant 0 : i32
    %dma_start3A_2584 = tpu.memref_slice %arg4[%mul3A_2, %dma_start3A_2578, %dma_start3A_2583] : memref<4096x50x32xf32, #tpu.memory_space<hbm>> -> memref<128x1x32xf32, #tpu.memory_space<hbm>>
    %dma_start3A_2585 = tpu.memref_squeeze %dma_start3A_2584 : memref<128x1x32xf32, #tpu.memory_space<hbm>> -> memref<128x32xf32, #tpu.memory_space<hbm>>
    %dma_start3A_2586 = arith.constant 0 : i32
    %dma_start3A_2587 = tpu.memref_slice %arg4[%mul3A_2, %dma_start3A_2578, %dma_start3A_2586] : memref<4096x50x32xf32, #tpu.memory_space<hbm>> -> memref<128x1x32xf32, #tpu.memory_space<hbm>>
    %dma_start3A_2588 = tpu.memref_squeeze %dma_start3A_2587 : memref<128x1x32xf32, #tpu.memory_space<hbm>> -> memref<128x32xf32, #tpu.memory_space<hbm>>
    %dma_start3A_2589 = arith.constant 0 : i32
    %dma_start3A_2590 = arith.constant 0 : i32
    %dma_start3A_2591 = tpu.memref_slice %arg6[%dma_start3A_2576, %dma_start3A_2577, %dma_start3A_2589, %dma_start3A_2590] : memref<2x10x128x32xf32, #tpu.memory_space<vmem>> -> memref<1x1x128x32xf32, #tpu.memory_space<vmem>>
    %dma_start3A_2592 = tpu.memref_squeeze %dma_start3A_2591 : memref<1x1x128x32xf32, #tpu.memory_space<vmem>> -> memref<128x32xf32, #tpu.memory_space<vmem>>
    tpu.enqueue_dma source(%dma_start3A_2592 : memref<128x32xf32, #tpu.memory_space<vmem>>) target(%dma_start3A_2588 : memref<128x32xf32, #tpu.memory_space<hbm>>) target_semaphore(%arg9 : memref<!tpu.dma_semaphore, #tpu.memory_space<semaphore_mem>>)
    %dma_start3A_2593 = arith.constant 0 : i32
    %dma_start3A_2594 = arith.constant 6 : i32
    %dma_start3A_2595 = arith.constant 46 : i32
    %dma_start3A_2596 = arith.constant 0 : i32
    %dma_start3A_2597 = arith.constant 0 : i32
    %dma_start3A_2598 = tpu.memref_slice %arg6[%dma_start3A_2593, %dma_start3A_2594, %dma_start3A_2596, %dma_start3A_2597] : memref<2x10x128x32xf32, #tpu.memory_space<vmem>> -> memref<1x1x128x32xf32, #tpu.memory_space<vmem>>
    %dma_start3A_2599 = tpu.memref_squeeze %dma_start3A_2598 : memref<1x1x128x32xf32, #tpu.memory_space<vmem>> -> memref<128x32xf32, #tpu.memory_space<vmem>>
    %dma_start3A_2600 = arith.constant 0 : i32
    %dma_start3A_2601 = tpu.memref_slice %arg4[%mul3A_2, %dma_start3A_2595, %dma_start3A_2600] : memref<4096x50x32xf32, #tpu.memory_space<hbm>> -> memref<128x1x32xf32, #tpu.memory_space<hbm>>
    %dma_start3A_2602 = tpu.memref_squeeze %dma_start3A_2601 : memref<128x1x32xf32, #tpu.memory_space<hbm>> -> memref<128x32xf32, #tpu.memory_space<hbm>>
    %dma_start3A_2603 = arith.constant 0 : i32
    %dma_start3A_2604 = tpu.memref_slice %arg4[%mul3A_2, %dma_start3A_2595, %dma_start3A_2603] : memref<4096x50x32xf32, #tpu.memory_space<hbm>> -> memref<128x1x32xf32, #tpu.memory_space<hbm>>
    %dma_start3A_2605 = tpu.memref_squeeze %dma_start3A_2604 : memref<128x1x32xf32, #tpu.memory_space<hbm>> -> memref<128x32xf32, #tpu.memory_space<hbm>>
    %dma_start3A_2606 = arith.constant 0 : i32
    %dma_start3A_2607 = arith.constant 0 : i32
    %dma_start3A_2608 = tpu.memref_slice %arg6[%dma_start3A_2593, %dma_start3A_2594, %dma_start3A_2606, %dma_start3A_2607] : memref<2x10x128x32xf32, #tpu.memory_space<vmem>> -> memref<1x1x128x32xf32, #tpu.memory_space<vmem>>
    %dma_start3A_2609 = tpu.memref_squeeze %dma_start3A_2608 : memref<1x1x128x32xf32, #tpu.memory_space<vmem>> -> memref<128x32xf32, #tpu.memory_space<vmem>>
    tpu.enqueue_dma source(%dma_start3A_2609 : memref<128x32xf32, #tpu.memory_space<vmem>>) target(%dma_start3A_2605 : memref<128x32xf32, #tpu.memory_space<hbm>>) target_semaphore(%arg9 : memref<!tpu.dma_semaphore, #tpu.memory_space<semaphore_mem>>)
    %dma_start3A_2610 = arith.constant 0 : i32
    %dma_start3A_2611 = arith.constant 7 : i32
    %dma_start3A_2612 = arith.constant 47 : i32
    %dma_start3A_2613 = arith.constant 0 : i32
    %dma_start3A_2614 = arith.constant 0 : i32
    %dma_start3A_2615 = tpu.memref_slice %arg6[%dma_start3A_2610, %dma_start3A_2611, %dma_start3A_2613, %dma_start3A_2614] : memref<2x10x128x32xf32, #tpu.memory_space<vmem>> -> memref<1x1x128x32xf32, #tpu.memory_space<vmem>>
    %dma_start3A_2616 = tpu.memref_squeeze %dma_start3A_2615 : memref<1x1x128x32xf32, #tpu.memory_space<vmem>> -> memref<128x32xf32, #tpu.memory_space<vmem>>
    %dma_start3A_2617 = arith.constant 0 : i32
    %dma_start3A_2618 = tpu.memref_slice %arg4[%mul3A_2, %dma_start3A_2612, %dma_start3A_2617] : memref<4096x50x32xf32, #tpu.memory_space<hbm>> -> memref<128x1x32xf32, #tpu.memory_space<hbm>>
    %dma_start3A_2619 = tpu.memref_squeeze %dma_start3A_2618 : memref<128x1x32xf32, #tpu.memory_space<hbm>> -> memref<128x32xf32, #tpu.memory_space<hbm>>
    %dma_start3A_2620 = arith.constant 0 : i32
    %dma_start3A_2621 = tpu.memref_slice %arg4[%mul3A_2, %dma_start3A_2612, %dma_start3A_2620] : memref<4096x50x32xf32, #tpu.memory_space<hbm>> -> memref<128x1x32xf32, #tpu.memory_space<hbm>>
    %dma_start3A_2622 = tpu.memref_squeeze %dma_start3A_2621 : memref<128x1x32xf32, #tpu.memory_space<hbm>> -> memref<128x32xf32, #tpu.memory_space<hbm>>
    %dma_start3A_2623 = arith.constant 0 : i32
    %dma_start3A_2624 = arith.constant 0 : i32
    %dma_start3A_2625 = tpu.memref_slice %arg6[%dma_start3A_2610, %dma_start3A_2611, %dma_start3A_2623, %dma_start3A_2624] : memref<2x10x128x32xf32, #tpu.memory_space<vmem>> -> memref<1x1x128x32xf32, #tpu.memory_space<vmem>>
    %dma_start3A_2626 = tpu.memref_squeeze %dma_start3A_2625 : memref<1x1x128x32xf32, #tpu.memory_space<vmem>> -> memref<128x32xf32, #tpu.memory_space<vmem>>
    tpu.enqueue_dma source(%dma_start3A_2626 : memref<128x32xf32, #tpu.memory_space<vmem>>) target(%dma_start3A_2622 : memref<128x32xf32, #tpu.memory_space<hbm>>) target_semaphore(%arg9 : memref<!tpu.dma_semaphore, #tpu.memory_space<semaphore_mem>>)
    %dma_start3A_2627 = arith.constant 0 : i32
    %dma_start3A_2628 = arith.constant 8 : i32
    %dma_start3A_2629 = arith.constant 48 : i32
    %dma_start3A_2630 = arith.constant 0 : i32
    %dma_start3A_2631 = arith.constant 0 : i32
    %dma_start3A_2632 = tpu.memref_slice %arg6[%dma_start3A_2627, %dma_start3A_2628, %dma_start3A_2630, %dma_start3A_2631] : memref<2x10x128x32xf32, #tpu.memory_space<vmem>> -> memref<1x1x128x32xf32, #tpu.memory_space<vmem>>
    %dma_start3A_2633 = tpu.memref_squeeze %dma_start3A_2632 : memref<1x1x128x32xf32, #tpu.memory_space<vmem>> -> memref<128x32xf32, #tpu.memory_space<vmem>>
    %dma_start3A_2634 = arith.constant 0 : i32
    %dma_start3A_2635 = tpu.memref_slice %arg4[%mul3A_2, %dma_start3A_2629, %dma_start3A_2634] : memref<4096x50x32xf32, #tpu.memory_space<hbm>> -> memref<128x1x32xf32, #tpu.memory_space<hbm>>
    %dma_start3A_2636 = tpu.memref_squeeze %dma_start3A_2635 : memref<128x1x32xf32, #tpu.memory_space<hbm>> -> memref<128x32xf32, #tpu.memory_space<hbm>>
    %dma_start3A_2637 = arith.constant 0 : i32
    %dma_start3A_2638 = tpu.memref_slice %arg4[%mul3A_2, %dma_start3A_2629, %dma_start3A_2637] : memref<4096x50x32xf32, #tpu.memory_space<hbm>> -> memref<128x1x32xf32, #tpu.memory_space<hbm>>
    %dma_start3A_2639 = tpu.memref_squeeze %dma_start3A_2638 : memref<128x1x32xf32, #tpu.memory_space<hbm>> -> memref<128x32xf32, #tpu.memory_space<hbm>>
    %dma_start3A_2640 = arith.constant 0 : i32
    %dma_start3A_2641 = arith.constant 0 : i32
    %dma_start3A_2642 = tpu.memref_slice %arg6[%dma_start3A_2627, %dma_start3A_2628, %dma_start3A_2640, %dma_start3A_2641] : memref<2x10x128x32xf32, #tpu.memory_space<vmem>> -> memref<1x1x128x32xf32, #tpu.memory_space<vmem>>
    %dma_start3A_2643 = tpu.memref_squeeze %dma_start3A_2642 : memref<1x1x128x32xf32, #tpu.memory_space<vmem>> -> memref<128x32xf32, #tpu.memory_space<vmem>>
    tpu.enqueue_dma source(%dma_start3A_2643 : memref<128x32xf32, #tpu.memory_space<vmem>>) target(%dma_start3A_2639 : memref<128x32xf32, #tpu.memory_space<hbm>>) target_semaphore(%arg9 : memref<!tpu.dma_semaphore, #tpu.memory_space<semaphore_mem>>)
    %dma_start3A_2644 = arith.constant 0 : i32
    %dma_start3A_2645 = arith.constant 9 : i32
    %dma_start3A_2646 = arith.constant 49 : i32
    %dma_start3A_2647 = arith.constant 0 : i32
    %dma_start3A_2648 = arith.constant 0 : i32
    %dma_start3A_2649 = tpu.memref_slice %arg6[%dma_start3A_2644, %dma_start3A_2645, %dma_start3A_2647, %dma_start3A_2648] : memref<2x10x128x32xf32, #tpu.memory_space<vmem>> -> memref<1x1x128x32xf32, #tpu.memory_space<vmem>>
    %dma_start3A_2650 = tpu.memref_squeeze %dma_start3A_2649 : memref<1x1x128x32xf32, #tpu.memory_space<vmem>> -> memref<128x32xf32, #tpu.memory_space<vmem>>
    %dma_start3A_2651 = arith.constant 0 : i32
    %dma_start3A_2652 = tpu.memref_slice %arg4[%mul3A_2, %dma_start3A_2646, %dma_start3A_2651] : memref<4096x50x32xf32, #tpu.memory_space<hbm>> -> memref<128x1x32xf32, #tpu.memory_space<hbm>>
    %dma_start3A_2653 = tpu.memref_squeeze %dma_start3A_2652 : memref<128x1x32xf32, #tpu.memory_space<hbm>> -> memref<128x32xf32, #tpu.memory_space<hbm>>
    %dma_start3A_2654 = arith.constant 0 : i32
    %dma_start3A_2655 = tpu.memref_slice %arg4[%mul3A_2, %dma_start3A_2646, %dma_start3A_2654] : memref<4096x50x32xf32, #tpu.memory_space<hbm>> -> memref<128x1x32xf32, #tpu.memory_space<hbm>>
    %dma_start3A_2656 = tpu.memref_squeeze %dma_start3A_2655 : memref<128x1x32xf32, #tpu.memory_space<hbm>> -> memref<128x32xf32, #tpu.memory_space<hbm>>
    %dma_start3A_2657 = arith.constant 0 : i32
    %dma_start3A_2658 = arith.constant 0 : i32
    %dma_start3A_2659 = tpu.memref_slice %arg6[%dma_start3A_2644, %dma_start3A_2645, %dma_start3A_2657, %dma_start3A_2658] : memref<2x10x128x32xf32, #tpu.memory_space<vmem>> -> memref<1x1x128x32xf32, #tpu.memory_space<vmem>>
    %dma_start3A_2660 = tpu.memref_squeeze %dma_start3A_2659 : memref<1x1x128x32xf32, #tpu.memory_space<vmem>> -> memref<128x32xf32, #tpu.memory_space<vmem>>
    tpu.enqueue_dma source(%dma_start3A_2660 : memref<128x32xf32, #tpu.memory_space<vmem>>) target(%dma_start3A_2656 : memref<128x32xf32, #tpu.memory_space<hbm>>) target_semaphore(%arg9 : memref<!tpu.dma_semaphore, #tpu.memory_space<semaphore_mem>>)
    %dma_wait3A_2661 = arith.constant 1 : i32
    %dma_wait3A_2662 = arith.constant 0 : i32
    %dma_wait3A_2663 = arith.constant 30 : i32
    %dma_wait3A_2664 = arith.constant 0 : i32
    %dma_wait3A_2665 = arith.constant 0 : i32
    %dma_wait3A_2666 = tpu.memref_slice %arg6[%dma_wait3A_2661, %dma_wait3A_2662, %dma_wait3A_2664, %dma_wait3A_2665] : memref<2x10x128x32xf32, #tpu.memory_space<vmem>> -> memref<1x1x128x32xf32, #tpu.memory_space<vmem>>
    %dma_wait3A_2667 = tpu.memref_squeeze %dma_wait3A_2666 : memref<1x1x128x32xf32, #tpu.memory_space<vmem>> -> memref<128x32xf32, #tpu.memory_space<vmem>>
    %dma_wait3A_2668 = arith.constant 0 : i32
    %dma_wait3A_2669 = tpu.memref_slice %arg4[%mul3A_2, %dma_wait3A_2663, %dma_wait3A_2668] : memref<4096x50x32xf32, #tpu.memory_space<hbm>> -> memref<128x1x32xf32, #tpu.memory_space<hbm>>
    %dma_wait3A_2670 = tpu.memref_squeeze %dma_wait3A_2669 : memref<128x1x32xf32, #tpu.memory_space<hbm>> -> memref<128x32xf32, #tpu.memory_space<hbm>>
    %dma_wait3A_2671 = arith.constant 0 : i32
    %dma_wait3A_2672 = tpu.memref_slice %arg4[%mul3A_2, %dma_wait3A_2663, %dma_wait3A_2671] : memref<4096x50x32xf32, #tpu.memory_space<hbm>> -> memref<128x1x32xf32, #tpu.memory_space<hbm>>
    %dma_wait3A_2673 = tpu.memref_squeeze %dma_wait3A_2672 : memref<128x1x32xf32, #tpu.memory_space<hbm>> -> memref<128x32xf32, #tpu.memory_space<hbm>>
    %dma_wait3A_2674 = arith.constant 0 : i32
    %dma_wait3A_2675 = arith.constant 0 : i32
    %dma_wait3A_2676 = tpu.memref_slice %arg6[%dma_wait3A_2661, %dma_wait3A_2662, %dma_wait3A_2674, %dma_wait3A_2675] : memref<2x10x128x32xf32, #tpu.memory_space<vmem>> -> memref<1x1x128x32xf32, #tpu.memory_space<vmem>>
    %dma_wait3A_2677 = tpu.memref_squeeze %dma_wait3A_2676 : memref<1x1x128x32xf32, #tpu.memory_space<vmem>> -> memref<128x32xf32, #tpu.memory_space<vmem>>
    tpu.wait_dma2 semaphore(%arg10 : memref<!tpu.dma_semaphore, #tpu.memory_space<semaphore_mem>>) src(%dma_wait3A_2677 : memref<128x32xf32, #tpu.memory_space<vmem>>) dst(%dma_wait3A_2673 : memref<128x32xf32, #tpu.memory_space<hbm>>)
    %dma_wait3A_2678 = arith.constant 1 : i32
    %dma_wait3A_2679 = arith.constant 1 : i32
    %dma_wait3A_2680 = arith.constant 31 : i32
    %dma_wait3A_2681 = arith.constant 0 : i32
    %dma_wait3A_2682 = arith.constant 0 : i32
    %dma_wait3A_2683 = tpu.memref_slice %arg6[%dma_wait3A_2678, %dma_wait3A_2679, %dma_wait3A_2681, %dma_wait3A_2682] : memref<2x10x128x32xf32, #tpu.memory_space<vmem>> -> memref<1x1x128x32xf32, #tpu.memory_space<vmem>>
    %dma_wait3A_2684 = tpu.memref_squeeze %dma_wait3A_2683 : memref<1x1x128x32xf32, #tpu.memory_space<vmem>> -> memref<128x32xf32, #tpu.memory_space<vmem>>
    %dma_wait3A_2685 = arith.constant 0 : i32
    %dma_wait3A_2686 = tpu.memref_slice %arg4[%mul3A_2, %dma_wait3A_2680, %dma_wait3A_2685] : memref<4096x50x32xf32, #tpu.memory_space<hbm>> -> memref<128x1x32xf32, #tpu.memory_space<hbm>>
    %dma_wait3A_2687 = tpu.memref_squeeze %dma_wait3A_2686 : memref<128x1x32xf32, #tpu.memory_space<hbm>> -> memref<128x32xf32, #tpu.memory_space<hbm>>
    %dma_wait3A_2688 = arith.constant 0 : i32
    %dma_wait3A_2689 = tpu.memref_slice %arg4[%mul3A_2, %dma_wait3A_2680, %dma_wait3A_2688] : memref<4096x50x32xf32, #tpu.memory_space<hbm>> -> memref<128x1x32xf32, #tpu.memory_space<hbm>>
    %dma_wait3A_2690 = tpu.memref_squeeze %dma_wait3A_2689 : memref<128x1x32xf32, #tpu.memory_space<hbm>> -> memref<128x32xf32, #tpu.memory_space<hbm>>
    %dma_wait3A_2691 = arith.constant 0 : i32
    %dma_wait3A_2692 = arith.constant 0 : i32
    %dma_wait3A_2693 = tpu.memref_slice %arg6[%dma_wait3A_2678, %dma_wait3A_2679, %dma_wait3A_2691, %dma_wait3A_2692] : memref<2x10x128x32xf32, #tpu.memory_space<vmem>> -> memref<1x1x128x32xf32, #tpu.memory_space<vmem>>
    %dma_wait3A_2694 = tpu.memref_squeeze %dma_wait3A_2693 : memref<1x1x128x32xf32, #tpu.memory_space<vmem>> -> memref<128x32xf32, #tpu.memory_space<vmem>>
    tpu.wait_dma2 semaphore(%arg10 : memref<!tpu.dma_semaphore, #tpu.memory_space<semaphore_mem>>) src(%dma_wait3A_2694 : memref<128x32xf32, #tpu.memory_space<vmem>>) dst(%dma_wait3A_2690 : memref<128x32xf32, #tpu.memory_space<hbm>>)
    %dma_wait3A_2695 = arith.constant 1 : i32
    %dma_wait3A_2696 = arith.constant 2 : i32
    %dma_wait3A_2697 = arith.constant 32 : i32
    %dma_wait3A_2698 = arith.constant 0 : i32
    %dma_wait3A_2699 = arith.constant 0 : i32
    %dma_wait3A_2700 = tpu.memref_slice %arg6[%dma_wait3A_2695, %dma_wait3A_2696, %dma_wait3A_2698, %dma_wait3A_2699] : memref<2x10x128x32xf32, #tpu.memory_space<vmem>> -> memref<1x1x128x32xf32, #tpu.memory_space<vmem>>
    %dma_wait3A_2701 = tpu.memref_squeeze %dma_wait3A_2700 : memref<1x1x128x32xf32, #tpu.memory_space<vmem>> -> memref<128x32xf32, #tpu.memory_space<vmem>>
    %dma_wait3A_2702 = arith.constant 0 : i32
    %dma_wait3A_2703 = tpu.memref_slice %arg4[%mul3A_2, %dma_wait3A_2697, %dma_wait3A_2702] : memref<4096x50x32xf32, #tpu.memory_space<hbm>> -> memref<128x1x32xf32, #tpu.memory_space<hbm>>
    %dma_wait3A_2704 = tpu.memref_squeeze %dma_wait3A_2703 : memref<128x1x32xf32, #tpu.memory_space<hbm>> -> memref<128x32xf32, #tpu.memory_space<hbm>>
    %dma_wait3A_2705 = arith.constant 0 : i32
    %dma_wait3A_2706 = tpu.memref_slice %arg4[%mul3A_2, %dma_wait3A_2697, %dma_wait3A_2705] : memref<4096x50x32xf32, #tpu.memory_space<hbm>> -> memref<128x1x32xf32, #tpu.memory_space<hbm>>
    %dma_wait3A_2707 = tpu.memref_squeeze %dma_wait3A_2706 : memref<128x1x32xf32, #tpu.memory_space<hbm>> -> memref<128x32xf32, #tpu.memory_space<hbm>>
    %dma_wait3A_2708 = arith.constant 0 : i32
    %dma_wait3A_2709 = arith.constant 0 : i32
    %dma_wait3A_2710 = tpu.memref_slice %arg6[%dma_wait3A_2695, %dma_wait3A_2696, %dma_wait3A_2708, %dma_wait3A_2709] : memref<2x10x128x32xf32, #tpu.memory_space<vmem>> -> memref<1x1x128x32xf32, #tpu.memory_space<vmem>>
    %dma_wait3A_2711 = tpu.memref_squeeze %dma_wait3A_2710 : memref<1x1x128x32xf32, #tpu.memory_space<vmem>> -> memref<128x32xf32, #tpu.memory_space<vmem>>
    tpu.wait_dma2 semaphore(%arg10 : memref<!tpu.dma_semaphore, #tpu.memory_space<semaphore_mem>>) src(%dma_wait3A_2711 : memref<128x32xf32, #tpu.memory_space<vmem>>) dst(%dma_wait3A_2707 : memref<128x32xf32, #tpu.memory_space<hbm>>)
    %dma_wait3A_2712 = arith.constant 1 : i32
    %dma_wait3A_2713 = arith.constant 3 : i32
    %dma_wait3A_2714 = arith.constant 33 : i32
    %dma_wait3A_2715 = arith.constant 0 : i32
    %dma_wait3A_2716 = arith.constant 0 : i32
    %dma_wait3A_2717 = tpu.memref_slice %arg6[%dma_wait3A_2712, %dma_wait3A_2713, %dma_wait3A_2715, %dma_wait3A_2716] : memref<2x10x128x32xf32, #tpu.memory_space<vmem>> -> memref<1x1x128x32xf32, #tpu.memory_space<vmem>>
    %dma_wait3A_2718 = tpu.memref_squeeze %dma_wait3A_2717 : memref<1x1x128x32xf32, #tpu.memory_space<vmem>> -> memref<128x32xf32, #tpu.memory_space<vmem>>
    %dma_wait3A_2719 = arith.constant 0 : i32
    %dma_wait3A_2720 = tpu.memref_slice %arg4[%mul3A_2, %dma_wait3A_2714, %dma_wait3A_2719] : memref<4096x50x32xf32, #tpu.memory_space<hbm>> -> memref<128x1x32xf32, #tpu.memory_space<hbm>>
    %dma_wait3A_2721 = tpu.memref_squeeze %dma_wait3A_2720 : memref<128x1x32xf32, #tpu.memory_space<hbm>> -> memref<128x32xf32, #tpu.memory_space<hbm>>
    %dma_wait3A_2722 = arith.constant 0 : i32
    %dma_wait3A_2723 = tpu.memref_slice %arg4[%mul3A_2, %dma_wait3A_2714, %dma_wait3A_2722] : memref<4096x50x32xf32, #tpu.memory_space<hbm>> -> memref<128x1x32xf32, #tpu.memory_space<hbm>>
    %dma_wait3A_2724 = tpu.memref_squeeze %dma_wait3A_2723 : memref<128x1x32xf32, #tpu.memory_space<hbm>> -> memref<128x32xf32, #tpu.memory_space<hbm>>
    %dma_wait3A_2725 = arith.constant 0 : i32
    %dma_wait3A_2726 = arith.constant 0 : i32
    %dma_wait3A_2727 = tpu.memref_slice %arg6[%dma_wait3A_2712, %dma_wait3A_2713, %dma_wait3A_2725, %dma_wait3A_2726] : memref<2x10x128x32xf32, #tpu.memory_space<vmem>> -> memref<1x1x128x32xf32, #tpu.memory_space<vmem>>
    %dma_wait3A_2728 = tpu.memref_squeeze %dma_wait3A_2727 : memref<1x1x128x32xf32, #tpu.memory_space<vmem>> -> memref<128x32xf32, #tpu.memory_space<vmem>>
    tpu.wait_dma2 semaphore(%arg10 : memref<!tpu.dma_semaphore, #tpu.memory_space<semaphore_mem>>) src(%dma_wait3A_2728 : memref<128x32xf32, #tpu.memory_space<vmem>>) dst(%dma_wait3A_2724 : memref<128x32xf32, #tpu.memory_space<hbm>>)
    %dma_wait3A_2729 = arith.constant 1 : i32
    %dma_wait3A_2730 = arith.constant 4 : i32
    %dma_wait3A_2731 = arith.constant 34 : i32
    %dma_wait3A_2732 = arith.constant 0 : i32
    %dma_wait3A_2733 = arith.constant 0 : i32
    %dma_wait3A_2734 = tpu.memref_slice %arg6[%dma_wait3A_2729, %dma_wait3A_2730, %dma_wait3A_2732, %dma_wait3A_2733] : memref<2x10x128x32xf32, #tpu.memory_space<vmem>> -> memref<1x1x128x32xf32, #tpu.memory_space<vmem>>
    %dma_wait3A_2735 = tpu.memref_squeeze %dma_wait3A_2734 : memref<1x1x128x32xf32, #tpu.memory_space<vmem>> -> memref<128x32xf32, #tpu.memory_space<vmem>>
    %dma_wait3A_2736 = arith.constant 0 : i32
    %dma_wait3A_2737 = tpu.memref_slice %arg4[%mul3A_2, %dma_wait3A_2731, %dma_wait3A_2736] : memref<4096x50x32xf32, #tpu.memory_space<hbm>> -> memref<128x1x32xf32, #tpu.memory_space<hbm>>
    %dma_wait3A_2738 = tpu.memref_squeeze %dma_wait3A_2737 : memref<128x1x32xf32, #tpu.memory_space<hbm>> -> memref<128x32xf32, #tpu.memory_space<hbm>>
    %dma_wait3A_2739 = arith.constant 0 : i32
    %dma_wait3A_2740 = tpu.memref_slice %arg4[%mul3A_2, %dma_wait3A_2731, %dma_wait3A_2739] : memref<4096x50x32xf32, #tpu.memory_space<hbm>> -> memref<128x1x32xf32, #tpu.memory_space<hbm>>
    %dma_wait3A_2741 = tpu.memref_squeeze %dma_wait3A_2740 : memref<128x1x32xf32, #tpu.memory_space<hbm>> -> memref<128x32xf32, #tpu.memory_space<hbm>>
    %dma_wait3A_2742 = arith.constant 0 : i32
    %dma_wait3A_2743 = arith.constant 0 : i32
    %dma_wait3A_2744 = tpu.memref_slice %arg6[%dma_wait3A_2729, %dma_wait3A_2730, %dma_wait3A_2742, %dma_wait3A_2743] : memref<2x10x128x32xf32, #tpu.memory_space<vmem>> -> memref<1x1x128x32xf32, #tpu.memory_space<vmem>>
    %dma_wait3A_2745 = tpu.memref_squeeze %dma_wait3A_2744 : memref<1x1x128x32xf32, #tpu.memory_space<vmem>> -> memref<128x32xf32, #tpu.memory_space<vmem>>
    tpu.wait_dma2 semaphore(%arg10 : memref<!tpu.dma_semaphore, #tpu.memory_space<semaphore_mem>>) src(%dma_wait3A_2745 : memref<128x32xf32, #tpu.memory_space<vmem>>) dst(%dma_wait3A_2741 : memref<128x32xf32, #tpu.memory_space<hbm>>)
    %dma_wait3A_2746 = arith.constant 1 : i32
    %dma_wait3A_2747 = arith.constant 5 : i32
    %dma_wait3A_2748 = arith.constant 35 : i32
    %dma_wait3A_2749 = arith.constant 0 : i32
    %dma_wait3A_2750 = arith.constant 0 : i32
    %dma_wait3A_2751 = tpu.memref_slice %arg6[%dma_wait3A_2746, %dma_wait3A_2747, %dma_wait3A_2749, %dma_wait3A_2750] : memref<2x10x128x32xf32, #tpu.memory_space<vmem>> -> memref<1x1x128x32xf32, #tpu.memory_space<vmem>>
    %dma_wait3A_2752 = tpu.memref_squeeze %dma_wait3A_2751 : memref<1x1x128x32xf32, #tpu.memory_space<vmem>> -> memref<128x32xf32, #tpu.memory_space<vmem>>
    %dma_wait3A_2753 = arith.constant 0 : i32
    %dma_wait3A_2754 = tpu.memref_slice %arg4[%mul3A_2, %dma_wait3A_2748, %dma_wait3A_2753] : memref<4096x50x32xf32, #tpu.memory_space<hbm>> -> memref<128x1x32xf32, #tpu.memory_space<hbm>>
    %dma_wait3A_2755 = tpu.memref_squeeze %dma_wait3A_2754 : memref<128x1x32xf32, #tpu.memory_space<hbm>> -> memref<128x32xf32, #tpu.memory_space<hbm>>
    %dma_wait3A_2756 = arith.constant 0 : i32
    %dma_wait3A_2757 = tpu.memref_slice %arg4[%mul3A_2, %dma_wait3A_2748, %dma_wait3A_2756] : memref<4096x50x32xf32, #tpu.memory_space<hbm>> -> memref<128x1x32xf32, #tpu.memory_space<hbm>>
    %dma_wait3A_2758 = tpu.memref_squeeze %dma_wait3A_2757 : memref<128x1x32xf32, #tpu.memory_space<hbm>> -> memref<128x32xf32, #tpu.memory_space<hbm>>
    %dma_wait3A_2759 = arith.constant 0 : i32
    %dma_wait3A_2760 = arith.constant 0 : i32
    %dma_wait3A_2761 = tpu.memref_slice %arg6[%dma_wait3A_2746, %dma_wait3A_2747, %dma_wait3A_2759, %dma_wait3A_2760] : memref<2x10x128x32xf32, #tpu.memory_space<vmem>> -> memref<1x1x128x32xf32, #tpu.memory_space<vmem>>
    %dma_wait3A_2762 = tpu.memref_squeeze %dma_wait3A_2761 : memref<1x1x128x32xf32, #tpu.memory_space<vmem>> -> memref<128x32xf32, #tpu.memory_space<vmem>>
    tpu.wait_dma2 semaphore(%arg10 : memref<!tpu.dma_semaphore, #tpu.memory_space<semaphore_mem>>) src(%dma_wait3A_2762 : memref<128x32xf32, #tpu.memory_space<vmem>>) dst(%dma_wait3A_2758 : memref<128x32xf32, #tpu.memory_space<hbm>>)
    %dma_wait3A_2763 = arith.constant 1 : i32
    %dma_wait3A_2764 = arith.constant 6 : i32
    %dma_wait3A_2765 = arith.constant 36 : i32
    %dma_wait3A_2766 = arith.constant 0 : i32
    %dma_wait3A_2767 = arith.constant 0 : i32
    %dma_wait3A_2768 = tpu.memref_slice %arg6[%dma_wait3A_2763, %dma_wait3A_2764, %dma_wait3A_2766, %dma_wait3A_2767] : memref<2x10x128x32xf32, #tpu.memory_space<vmem>> -> memref<1x1x128x32xf32, #tpu.memory_space<vmem>>
    %dma_wait3A_2769 = tpu.memref_squeeze %dma_wait3A_2768 : memref<1x1x128x32xf32, #tpu.memory_space<vmem>> -> memref<128x32xf32, #tpu.memory_space<vmem>>
    %dma_wait3A_2770 = arith.constant 0 : i32
    %dma_wait3A_2771 = tpu.memref_slice %arg4[%mul3A_2, %dma_wait3A_2765, %dma_wait3A_2770] : memref<4096x50x32xf32, #tpu.memory_space<hbm>> -> memref<128x1x32xf32, #tpu.memory_space<hbm>>
    %dma_wait3A_2772 = tpu.memref_squeeze %dma_wait3A_2771 : memref<128x1x32xf32, #tpu.memory_space<hbm>> -> memref<128x32xf32, #tpu.memory_space<hbm>>
    %dma_wait3A_2773 = arith.constant 0 : i32
    %dma_wait3A_2774 = tpu.memref_slice %arg4[%mul3A_2, %dma_wait3A_2765, %dma_wait3A_2773] : memref<4096x50x32xf32, #tpu.memory_space<hbm>> -> memref<128x1x32xf32, #tpu.memory_space<hbm>>
    %dma_wait3A_2775 = tpu.memref_squeeze %dma_wait3A_2774 : memref<128x1x32xf32, #tpu.memory_space<hbm>> -> memref<128x32xf32, #tpu.memory_space<hbm>>
    %dma_wait3A_2776 = arith.constant 0 : i32
    %dma_wait3A_2777 = arith.constant 0 : i32
    %dma_wait3A_2778 = tpu.memref_slice %arg6[%dma_wait3A_2763, %dma_wait3A_2764, %dma_wait3A_2776, %dma_wait3A_2777] : memref<2x10x128x32xf32, #tpu.memory_space<vmem>> -> memref<1x1x128x32xf32, #tpu.memory_space<vmem>>
    %dma_wait3A_2779 = tpu.memref_squeeze %dma_wait3A_2778 : memref<1x1x128x32xf32, #tpu.memory_space<vmem>> -> memref<128x32xf32, #tpu.memory_space<vmem>>
    tpu.wait_dma2 semaphore(%arg10 : memref<!tpu.dma_semaphore, #tpu.memory_space<semaphore_mem>>) src(%dma_wait3A_2779 : memref<128x32xf32, #tpu.memory_space<vmem>>) dst(%dma_wait3A_2775 : memref<128x32xf32, #tpu.memory_space<hbm>>)
    %dma_wait3A_2780 = arith.constant 1 : i32
    %dma_wait3A_2781 = arith.constant 7 : i32
    %dma_wait3A_2782 = arith.constant 37 : i32
    %dma_wait3A_2783 = arith.constant 0 : i32
    %dma_wait3A_2784 = arith.constant 0 : i32
    %dma_wait3A_2785 = tpu.memref_slice %arg6[%dma_wait3A_2780, %dma_wait3A_2781, %dma_wait3A_2783, %dma_wait3A_2784] : memref<2x10x128x32xf32, #tpu.memory_space<vmem>> -> memref<1x1x128x32xf32, #tpu.memory_space<vmem>>
    %dma_wait3A_2786 = tpu.memref_squeeze %dma_wait3A_2785 : memref<1x1x128x32xf32, #tpu.memory_space<vmem>> -> memref<128x32xf32, #tpu.memory_space<vmem>>
    %dma_wait3A_2787 = arith.constant 0 : i32
    %dma_wait3A_2788 = tpu.memref_slice %arg4[%mul3A_2, %dma_wait3A_2782, %dma_wait3A_2787] : memref<4096x50x32xf32, #tpu.memory_space<hbm>> -> memref<128x1x32xf32, #tpu.memory_space<hbm>>
    %dma_wait3A_2789 = tpu.memref_squeeze %dma_wait3A_2788 : memref<128x1x32xf32, #tpu.memory_space<hbm>> -> memref<128x32xf32, #tpu.memory_space<hbm>>
    %dma_wait3A_2790 = arith.constant 0 : i32
    %dma_wait3A_2791 = tpu.memref_slice %arg4[%mul3A_2, %dma_wait3A_2782, %dma_wait3A_2790] : memref<4096x50x32xf32, #tpu.memory_space<hbm>> -> memref<128x1x32xf32, #tpu.memory_space<hbm>>
    %dma_wait3A_2792 = tpu.memref_squeeze %dma_wait3A_2791 : memref<128x1x32xf32, #tpu.memory_space<hbm>> -> memref<128x32xf32, #tpu.memory_space<hbm>>
    %dma_wait3A_2793 = arith.constant 0 : i32
    %dma_wait3A_2794 = arith.constant 0 : i32
    %dma_wait3A_2795 = tpu.memref_slice %arg6[%dma_wait3A_2780, %dma_wait3A_2781, %dma_wait3A_2793, %dma_wait3A_2794] : memref<2x10x128x32xf32, #tpu.memory_space<vmem>> -> memref<1x1x128x32xf32, #tpu.memory_space<vmem>>
    %dma_wait3A_2796 = tpu.memref_squeeze %dma_wait3A_2795 : memref<1x1x128x32xf32, #tpu.memory_space<vmem>> -> memref<128x32xf32, #tpu.memory_space<vmem>>
    tpu.wait_dma2 semaphore(%arg10 : memref<!tpu.dma_semaphore, #tpu.memory_space<semaphore_mem>>) src(%dma_wait3A_2796 : memref<128x32xf32, #tpu.memory_space<vmem>>) dst(%dma_wait3A_2792 : memref<128x32xf32, #tpu.memory_space<hbm>>)
    %dma_wait3A_2797 = arith.constant 1 : i32
    %dma_wait3A_2798 = arith.constant 8 : i32
    %dma_wait3A_2799 = arith.constant 38 : i32
    %dma_wait3A_2800 = arith.constant 0 : i32
    %dma_wait3A_2801 = arith.constant 0 : i32
    %dma_wait3A_2802 = tpu.memref_slice %arg6[%dma_wait3A_2797, %dma_wait3A_2798, %dma_wait3A_2800, %dma_wait3A_2801] : memref<2x10x128x32xf32, #tpu.memory_space<vmem>> -> memref<1x1x128x32xf32, #tpu.memory_space<vmem>>
    %dma_wait3A_2803 = tpu.memref_squeeze %dma_wait3A_2802 : memref<1x1x128x32xf32, #tpu.memory_space<vmem>> -> memref<128x32xf32, #tpu.memory_space<vmem>>
    %dma_wait3A_2804 = arith.constant 0 : i32
    %dma_wait3A_2805 = tpu.memref_slice %arg4[%mul3A_2, %dma_wait3A_2799, %dma_wait3A_2804] : memref<4096x50x32xf32, #tpu.memory_space<hbm>> -> memref<128x1x32xf32, #tpu.memory_space<hbm>>
    %dma_wait3A_2806 = tpu.memref_squeeze %dma_wait3A_2805 : memref<128x1x32xf32, #tpu.memory_space<hbm>> -> memref<128x32xf32, #tpu.memory_space<hbm>>
    %dma_wait3A_2807 = arith.constant 0 : i32
    %dma_wait3A_2808 = tpu.memref_slice %arg4[%mul3A_2, %dma_wait3A_2799, %dma_wait3A_2807] : memref<4096x50x32xf32, #tpu.memory_space<hbm>> -> memref<128x1x32xf32, #tpu.memory_space<hbm>>
    %dma_wait3A_2809 = tpu.memref_squeeze %dma_wait3A_2808 : memref<128x1x32xf32, #tpu.memory_space<hbm>> -> memref<128x32xf32, #tpu.memory_space<hbm>>
    %dma_wait3A_2810 = arith.constant 0 : i32
    %dma_wait3A_2811 = arith.constant 0 : i32
    %dma_wait3A_2812 = tpu.memref_slice %arg6[%dma_wait3A_2797, %dma_wait3A_2798, %dma_wait3A_2810, %dma_wait3A_2811] : memref<2x10x128x32xf32, #tpu.memory_space<vmem>> -> memref<1x1x128x32xf32, #tpu.memory_space<vmem>>
    %dma_wait3A_2813 = tpu.memref_squeeze %dma_wait3A_2812 : memref<1x1x128x32xf32, #tpu.memory_space<vmem>> -> memref<128x32xf32, #tpu.memory_space<vmem>>
    tpu.wait_dma2 semaphore(%arg10 : memref<!tpu.dma_semaphore, #tpu.memory_space<semaphore_mem>>) src(%dma_wait3A_2813 : memref<128x32xf32, #tpu.memory_space<vmem>>) dst(%dma_wait3A_2809 : memref<128x32xf32, #tpu.memory_space<hbm>>)
    %dma_wait3A_2814 = arith.constant 1 : i32
    %dma_wait3A_2815 = arith.constant 9 : i32
    %dma_wait3A_2816 = arith.constant 39 : i32
    %dma_wait3A_2817 = arith.constant 0 : i32
    %dma_wait3A_2818 = arith.constant 0 : i32
    %dma_wait3A_2819 = tpu.memref_slice %arg6[%dma_wait3A_2814, %dma_wait3A_2815, %dma_wait3A_2817, %dma_wait3A_2818] : memref<2x10x128x32xf32, #tpu.memory_space<vmem>> -> memref<1x1x128x32xf32, #tpu.memory_space<vmem>>
    %dma_wait3A_2820 = tpu.memref_squeeze %dma_wait3A_2819 : memref<1x1x128x32xf32, #tpu.memory_space<vmem>> -> memref<128x32xf32, #tpu.memory_space<vmem>>
    %dma_wait3A_2821 = arith.constant 0 : i32
    %dma_wait3A_2822 = tpu.memref_slice %arg4[%mul3A_2, %dma_wait3A_2816, %dma_wait3A_2821] : memref<4096x50x32xf32, #tpu.memory_space<hbm>> -> memref<128x1x32xf32, #tpu.memory_space<hbm>>
    %dma_wait3A_2823 = tpu.memref_squeeze %dma_wait3A_2822 : memref<128x1x32xf32, #tpu.memory_space<hbm>> -> memref<128x32xf32, #tpu.memory_space<hbm>>
    %dma_wait3A_2824 = arith.constant 0 : i32
    %dma_wait3A_2825 = tpu.memref_slice %arg4[%mul3A_2, %dma_wait3A_2816, %dma_wait3A_2824] : memref<4096x50x32xf32, #tpu.memory_space<hbm>> -> memref<128x1x32xf32, #tpu.memory_space<hbm>>
    %dma_wait3A_2826 = tpu.memref_squeeze %dma_wait3A_2825 : memref<128x1x32xf32, #tpu.memory_space<hbm>> -> memref<128x32xf32, #tpu.memory_space<hbm>>
    %dma_wait3A_2827 = arith.constant 0 : i32
    %dma_wait3A_2828 = arith.constant 0 : i32
    %dma_wait3A_2829 = tpu.memref_slice %arg6[%dma_wait3A_2814, %dma_wait3A_2815, %dma_wait3A_2827, %dma_wait3A_2828] : memref<2x10x128x32xf32, #tpu.memory_space<vmem>> -> memref<1x1x128x32xf32, #tpu.memory_space<vmem>>
    %dma_wait3A_2830 = tpu.memref_squeeze %dma_wait3A_2829 : memref<1x1x128x32xf32, #tpu.memory_space<vmem>> -> memref<128x32xf32, #tpu.memory_space<vmem>>
    tpu.wait_dma2 semaphore(%arg10 : memref<!tpu.dma_semaphore, #tpu.memory_space<semaphore_mem>>) src(%dma_wait3A_2830 : memref<128x32xf32, #tpu.memory_space<vmem>>) dst(%dma_wait3A_2826 : memref<128x32xf32, #tpu.memory_space<hbm>>)
    %dma_wait3A_2831 = arith.constant 0 : i32
    %dma_wait3A_2832 = arith.constant 0 : i32
    %dma_wait3A_2833 = arith.constant 40 : i32
    %dma_wait3A_2834 = arith.constant 0 : i32
    %dma_wait3A_2835 = arith.constant 0 : i32
    %dma_wait3A_2836 = tpu.memref_slice %arg6[%dma_wait3A_2831, %dma_wait3A_2832, %dma_wait3A_2834, %dma_wait3A_2835] : memref<2x10x128x32xf32, #tpu.memory_space<vmem>> -> memref<1x1x128x32xf32, #tpu.memory_space<vmem>>
    %dma_wait3A_2837 = tpu.memref_squeeze %dma_wait3A_2836 : memref<1x1x128x32xf32, #tpu.memory_space<vmem>> -> memref<128x32xf32, #tpu.memory_space<vmem>>
    %dma_wait3A_2838 = arith.constant 0 : i32
    %dma_wait3A_2839 = tpu.memref_slice %arg4[%mul3A_2, %dma_wait3A_2833, %dma_wait3A_2838] : memref<4096x50x32xf32, #tpu.memory_space<hbm>> -> memref<128x1x32xf32, #tpu.memory_space<hbm>>
    %dma_wait3A_2840 = tpu.memref_squeeze %dma_wait3A_2839 : memref<128x1x32xf32, #tpu.memory_space<hbm>> -> memref<128x32xf32, #tpu.memory_space<hbm>>
    %dma_wait3A_2841 = arith.constant 0 : i32
    %dma_wait3A_2842 = tpu.memref_slice %arg4[%mul3A_2, %dma_wait3A_2833, %dma_wait3A_2841] : memref<4096x50x32xf32, #tpu.memory_space<hbm>> -> memref<128x1x32xf32, #tpu.memory_space<hbm>>
    %dma_wait3A_2843 = tpu.memref_squeeze %dma_wait3A_2842 : memref<128x1x32xf32, #tpu.memory_space<hbm>> -> memref<128x32xf32, #tpu.memory_space<hbm>>
    %dma_wait3A_2844 = arith.constant 0 : i32
    %dma_wait3A_2845 = arith.constant 0 : i32
    %dma_wait3A_2846 = tpu.memref_slice %arg6[%dma_wait3A_2831, %dma_wait3A_2832, %dma_wait3A_2844, %dma_wait3A_2845] : memref<2x10x128x32xf32, #tpu.memory_space<vmem>> -> memref<1x1x128x32xf32, #tpu.memory_space<vmem>>
    %dma_wait3A_2847 = tpu.memref_squeeze %dma_wait3A_2846 : memref<1x1x128x32xf32, #tpu.memory_space<vmem>> -> memref<128x32xf32, #tpu.memory_space<vmem>>
    tpu.wait_dma2 semaphore(%arg9 : memref<!tpu.dma_semaphore, #tpu.memory_space<semaphore_mem>>) src(%dma_wait3A_2847 : memref<128x32xf32, #tpu.memory_space<vmem>>) dst(%dma_wait3A_2843 : memref<128x32xf32, #tpu.memory_space<hbm>>)
    %dma_wait3A_2848 = arith.constant 0 : i32
    %dma_wait3A_2849 = arith.constant 1 : i32
    %dma_wait3A_2850 = arith.constant 41 : i32
    %dma_wait3A_2851 = arith.constant 0 : i32
    %dma_wait3A_2852 = arith.constant 0 : i32
    %dma_wait3A_2853 = tpu.memref_slice %arg6[%dma_wait3A_2848, %dma_wait3A_2849, %dma_wait3A_2851, %dma_wait3A_2852] : memref<2x10x128x32xf32, #tpu.memory_space<vmem>> -> memref<1x1x128x32xf32, #tpu.memory_space<vmem>>
    %dma_wait3A_2854 = tpu.memref_squeeze %dma_wait3A_2853 : memref<1x1x128x32xf32, #tpu.memory_space<vmem>> -> memref<128x32xf32, #tpu.memory_space<vmem>>
    %dma_wait3A_2855 = arith.constant 0 : i32
    %dma_wait3A_2856 = tpu.memref_slice %arg4[%mul3A_2, %dma_wait3A_2850, %dma_wait3A_2855] : memref<4096x50x32xf32, #tpu.memory_space<hbm>> -> memref<128x1x32xf32, #tpu.memory_space<hbm>>
    %dma_wait3A_2857 = tpu.memref_squeeze %dma_wait3A_2856 : memref<128x1x32xf32, #tpu.memory_space<hbm>> -> memref<128x32xf32, #tpu.memory_space<hbm>>
    %dma_wait3A_2858 = arith.constant 0 : i32
    %dma_wait3A_2859 = tpu.memref_slice %arg4[%mul3A_2, %dma_wait3A_2850, %dma_wait3A_2858] : memref<4096x50x32xf32, #tpu.memory_space<hbm>> -> memref<128x1x32xf32, #tpu.memory_space<hbm>>
    %dma_wait3A_2860 = tpu.memref_squeeze %dma_wait3A_2859 : memref<128x1x32xf32, #tpu.memory_space<hbm>> -> memref<128x32xf32, #tpu.memory_space<hbm>>
    %dma_wait3A_2861 = arith.constant 0 : i32
    %dma_wait3A_2862 = arith.constant 0 : i32
    %dma_wait3A_2863 = tpu.memref_slice %arg6[%dma_wait3A_2848, %dma_wait3A_2849, %dma_wait3A_2861, %dma_wait3A_2862] : memref<2x10x128x32xf32, #tpu.memory_space<vmem>> -> memref<1x1x128x32xf32, #tpu.memory_space<vmem>>
    %dma_wait3A_2864 = tpu.memref_squeeze %dma_wait3A_2863 : memref<1x1x128x32xf32, #tpu.memory_space<vmem>> -> memref<128x32xf32, #tpu.memory_space<vmem>>
    tpu.wait_dma2 semaphore(%arg9 : memref<!tpu.dma_semaphore, #tpu.memory_space<semaphore_mem>>) src(%dma_wait3A_2864 : memref<128x32xf32, #tpu.memory_space<vmem>>) dst(%dma_wait3A_2860 : memref<128x32xf32, #tpu.memory_space<hbm>>)
    %dma_wait3A_2865 = arith.constant 0 : i32
    %dma_wait3A_2866 = arith.constant 2 : i32
    %dma_wait3A_2867 = arith.constant 42 : i32
    %dma_wait3A_2868 = arith.constant 0 : i32
    %dma_wait3A_2869 = arith.constant 0 : i32
    %dma_wait3A_2870 = tpu.memref_slice %arg6[%dma_wait3A_2865, %dma_wait3A_2866, %dma_wait3A_2868, %dma_wait3A_2869] : memref<2x10x128x32xf32, #tpu.memory_space<vmem>> -> memref<1x1x128x32xf32, #tpu.memory_space<vmem>>
    %dma_wait3A_2871 = tpu.memref_squeeze %dma_wait3A_2870 : memref<1x1x128x32xf32, #tpu.memory_space<vmem>> -> memref<128x32xf32, #tpu.memory_space<vmem>>
    %dma_wait3A_2872 = arith.constant 0 : i32
    %dma_wait3A_2873 = tpu.memref_slice %arg4[%mul3A_2, %dma_wait3A_2867, %dma_wait3A_2872] : memref<4096x50x32xf32, #tpu.memory_space<hbm>> -> memref<128x1x32xf32, #tpu.memory_space<hbm>>
    %dma_wait3A_2874 = tpu.memref_squeeze %dma_wait3A_2873 : memref<128x1x32xf32, #tpu.memory_space<hbm>> -> memref<128x32xf32, #tpu.memory_space<hbm>>
    %dma_wait3A_2875 = arith.constant 0 : i32
    %dma_wait3A_2876 = tpu.memref_slice %arg4[%mul3A_2, %dma_wait3A_2867, %dma_wait3A_2875] : memref<4096x50x32xf32, #tpu.memory_space<hbm>> -> memref<128x1x32xf32, #tpu.memory_space<hbm>>
    %dma_wait3A_2877 = tpu.memref_squeeze %dma_wait3A_2876 : memref<128x1x32xf32, #tpu.memory_space<hbm>> -> memref<128x32xf32, #tpu.memory_space<hbm>>
    %dma_wait3A_2878 = arith.constant 0 : i32
    %dma_wait3A_2879 = arith.constant 0 : i32
    %dma_wait3A_2880 = tpu.memref_slice %arg6[%dma_wait3A_2865, %dma_wait3A_2866, %dma_wait3A_2878, %dma_wait3A_2879] : memref<2x10x128x32xf32, #tpu.memory_space<vmem>> -> memref<1x1x128x32xf32, #tpu.memory_space<vmem>>
    %dma_wait3A_2881 = tpu.memref_squeeze %dma_wait3A_2880 : memref<1x1x128x32xf32, #tpu.memory_space<vmem>> -> memref<128x32xf32, #tpu.memory_space<vmem>>
    tpu.wait_dma2 semaphore(%arg9 : memref<!tpu.dma_semaphore, #tpu.memory_space<semaphore_mem>>) src(%dma_wait3A_2881 : memref<128x32xf32, #tpu.memory_space<vmem>>) dst(%dma_wait3A_2877 : memref<128x32xf32, #tpu.memory_space<hbm>>)
    %dma_wait3A_2882 = arith.constant 0 : i32
    %dma_wait3A_2883 = arith.constant 3 : i32
    %dma_wait3A_2884 = arith.constant 43 : i32
    %dma_wait3A_2885 = arith.constant 0 : i32
    %dma_wait3A_2886 = arith.constant 0 : i32
    %dma_wait3A_2887 = tpu.memref_slice %arg6[%dma_wait3A_2882, %dma_wait3A_2883, %dma_wait3A_2885, %dma_wait3A_2886] : memref<2x10x128x32xf32, #tpu.memory_space<vmem>> -> memref<1x1x128x32xf32, #tpu.memory_space<vmem>>
    %dma_wait3A_2888 = tpu.memref_squeeze %dma_wait3A_2887 : memref<1x1x128x32xf32, #tpu.memory_space<vmem>> -> memref<128x32xf32, #tpu.memory_space<vmem>>
    %dma_wait3A_2889 = arith.constant 0 : i32
    %dma_wait3A_2890 = tpu.memref_slice %arg4[%mul3A_2, %dma_wait3A_2884, %dma_wait3A_2889] : memref<4096x50x32xf32, #tpu.memory_space<hbm>> -> memref<128x1x32xf32, #tpu.memory_space<hbm>>
    %dma_wait3A_2891 = tpu.memref_squeeze %dma_wait3A_2890 : memref<128x1x32xf32, #tpu.memory_space<hbm>> -> memref<128x32xf32, #tpu.memory_space<hbm>>
    %dma_wait3A_2892 = arith.constant 0 : i32
    %dma_wait3A_2893 = tpu.memref_slice %arg4[%mul3A_2, %dma_wait3A_2884, %dma_wait3A_2892] : memref<4096x50x32xf32, #tpu.memory_space<hbm>> -> memref<128x1x32xf32, #tpu.memory_space<hbm>>
    %dma_wait3A_2894 = tpu.memref_squeeze %dma_wait3A_2893 : memref<128x1x32xf32, #tpu.memory_space<hbm>> -> memref<128x32xf32, #tpu.memory_space<hbm>>
    %dma_wait3A_2895 = arith.constant 0 : i32
    %dma_wait3A_2896 = arith.constant 0 : i32
    %dma_wait3A_2897 = tpu.memref_slice %arg6[%dma_wait3A_2882, %dma_wait3A_2883, %dma_wait3A_2895, %dma_wait3A_2896] : memref<2x10x128x32xf32, #tpu.memory_space<vmem>> -> memref<1x1x128x32xf32, #tpu.memory_space<vmem>>
    %dma_wait3A_2898 = tpu.memref_squeeze %dma_wait3A_2897 : memref<1x1x128x32xf32, #tpu.memory_space<vmem>> -> memref<128x32xf32, #tpu.memory_space<vmem>>
    tpu.wait_dma2 semaphore(%arg9 : memref<!tpu.dma_semaphore, #tpu.memory_space<semaphore_mem>>) src(%dma_wait3A_2898 : memref<128x32xf32, #tpu.memory_space<vmem>>) dst(%dma_wait3A_2894 : memref<128x32xf32, #tpu.memory_space<hbm>>)
    %dma_wait3A_2899 = arith.constant 0 : i32
    %dma_wait3A_2900 = arith.constant 4 : i32
    %dma_wait3A_2901 = arith.constant 44 : i32
    %dma_wait3A_2902 = arith.constant 0 : i32
    %dma_wait3A_2903 = arith.constant 0 : i32
    %dma_wait3A_2904 = tpu.memref_slice %arg6[%dma_wait3A_2899, %dma_wait3A_2900, %dma_wait3A_2902, %dma_wait3A_2903] : memref<2x10x128x32xf32, #tpu.memory_space<vmem>> -> memref<1x1x128x32xf32, #tpu.memory_space<vmem>>
    %dma_wait3A_2905 = tpu.memref_squeeze %dma_wait3A_2904 : memref<1x1x128x32xf32, #tpu.memory_space<vmem>> -> memref<128x32xf32, #tpu.memory_space<vmem>>
    %dma_wait3A_2906 = arith.constant 0 : i32
    %dma_wait3A_2907 = tpu.memref_slice %arg4[%mul3A_2, %dma_wait3A_2901, %dma_wait3A_2906] : memref<4096x50x32xf32, #tpu.memory_space<hbm>> -> memref<128x1x32xf32, #tpu.memory_space<hbm>>
    %dma_wait3A_2908 = tpu.memref_squeeze %dma_wait3A_2907 : memref<128x1x32xf32, #tpu.memory_space<hbm>> -> memref<128x32xf32, #tpu.memory_space<hbm>>
    %dma_wait3A_2909 = arith.constant 0 : i32
    %dma_wait3A_2910 = tpu.memref_slice %arg4[%mul3A_2, %dma_wait3A_2901, %dma_wait3A_2909] : memref<4096x50x32xf32, #tpu.memory_space<hbm>> -> memref<128x1x32xf32, #tpu.memory_space<hbm>>
    %dma_wait3A_2911 = tpu.memref_squeeze %dma_wait3A_2910 : memref<128x1x32xf32, #tpu.memory_space<hbm>> -> memref<128x32xf32, #tpu.memory_space<hbm>>
    %dma_wait3A_2912 = arith.constant 0 : i32
    %dma_wait3A_2913 = arith.constant 0 : i32
    %dma_wait3A_2914 = tpu.memref_slice %arg6[%dma_wait3A_2899, %dma_wait3A_2900, %dma_wait3A_2912, %dma_wait3A_2913] : memref<2x10x128x32xf32, #tpu.memory_space<vmem>> -> memref<1x1x128x32xf32, #tpu.memory_space<vmem>>
    %dma_wait3A_2915 = tpu.memref_squeeze %dma_wait3A_2914 : memref<1x1x128x32xf32, #tpu.memory_space<vmem>> -> memref<128x32xf32, #tpu.memory_space<vmem>>
    tpu.wait_dma2 semaphore(%arg9 : memref<!tpu.dma_semaphore, #tpu.memory_space<semaphore_mem>>) src(%dma_wait3A_2915 : memref<128x32xf32, #tpu.memory_space<vmem>>) dst(%dma_wait3A_2911 : memref<128x32xf32, #tpu.memory_space<hbm>>)
    %dma_wait3A_2916 = arith.constant 0 : i32
    %dma_wait3A_2917 = arith.constant 5 : i32
    %dma_wait3A_2918 = arith.constant 45 : i32
    %dma_wait3A_2919 = arith.constant 0 : i32
    %dma_wait3A_2920 = arith.constant 0 : i32
    %dma_wait3A_2921 = tpu.memref_slice %arg6[%dma_wait3A_2916, %dma_wait3A_2917, %dma_wait3A_2919, %dma_wait3A_2920] : memref<2x10x128x32xf32, #tpu.memory_space<vmem>> -> memref<1x1x128x32xf32, #tpu.memory_space<vmem>>
    %dma_wait3A_2922 = tpu.memref_squeeze %dma_wait3A_2921 : memref<1x1x128x32xf32, #tpu.memory_space<vmem>> -> memref<128x32xf32, #tpu.memory_space<vmem>>
    %dma_wait3A_2923 = arith.constant 0 : i32
    %dma_wait3A_2924 = tpu.memref_slice %arg4[%mul3A_2, %dma_wait3A_2918, %dma_wait3A_2923] : memref<4096x50x32xf32, #tpu.memory_space<hbm>> -> memref<128x1x32xf32, #tpu.memory_space<hbm>>
    %dma_wait3A_2925 = tpu.memref_squeeze %dma_wait3A_2924 : memref<128x1x32xf32, #tpu.memory_space<hbm>> -> memref<128x32xf32, #tpu.memory_space<hbm>>
    %dma_wait3A_2926 = arith.constant 0 : i32
    %dma_wait3A_2927 = tpu.memref_slice %arg4[%mul3A_2, %dma_wait3A_2918, %dma_wait3A_2926] : memref<4096x50x32xf32, #tpu.memory_space<hbm>> -> memref<128x1x32xf32, #tpu.memory_space<hbm>>
    %dma_wait3A_2928 = tpu.memref_squeeze %dma_wait3A_2927 : memref<128x1x32xf32, #tpu.memory_space<hbm>> -> memref<128x32xf32, #tpu.memory_space<hbm>>
    %dma_wait3A_2929 = arith.constant 0 : i32
    %dma_wait3A_2930 = arith.constant 0 : i32
    %dma_wait3A_2931 = tpu.memref_slice %arg6[%dma_wait3A_2916, %dma_wait3A_2917, %dma_wait3A_2929, %dma_wait3A_2930] : memref<2x10x128x32xf32, #tpu.memory_space<vmem>> -> memref<1x1x128x32xf32, #tpu.memory_space<vmem>>
    %dma_wait3A_2932 = tpu.memref_squeeze %dma_wait3A_2931 : memref<1x1x128x32xf32, #tpu.memory_space<vmem>> -> memref<128x32xf32, #tpu.memory_space<vmem>>
    tpu.wait_dma2 semaphore(%arg9 : memref<!tpu.dma_semaphore, #tpu.memory_space<semaphore_mem>>) src(%dma_wait3A_2932 : memref<128x32xf32, #tpu.memory_space<vmem>>) dst(%dma_wait3A_2928 : memref<128x32xf32, #tpu.memory_space<hbm>>)
    %dma_wait3A_2933 = arith.constant 0 : i32
    %dma_wait3A_2934 = arith.constant 6 : i32
    %dma_wait3A_2935 = arith.constant 46 : i32
    %dma_wait3A_2936 = arith.constant 0 : i32
    %dma_wait3A_2937 = arith.constant 0 : i32
    %dma_wait3A_2938 = tpu.memref_slice %arg6[%dma_wait3A_2933, %dma_wait3A_2934, %dma_wait3A_2936, %dma_wait3A_2937] : memref<2x10x128x32xf32, #tpu.memory_space<vmem>> -> memref<1x1x128x32xf32, #tpu.memory_space<vmem>>
    %dma_wait3A_2939 = tpu.memref_squeeze %dma_wait3A_2938 : memref<1x1x128x32xf32, #tpu.memory_space<vmem>> -> memref<128x32xf32, #tpu.memory_space<vmem>>
    %dma_wait3A_2940 = arith.constant 0 : i32
    %dma_wait3A_2941 = tpu.memref_slice %arg4[%mul3A_2, %dma_wait3A_2935, %dma_wait3A_2940] : memref<4096x50x32xf32, #tpu.memory_space<hbm>> -> memref<128x1x32xf32, #tpu.memory_space<hbm>>
    %dma_wait3A_2942 = tpu.memref_squeeze %dma_wait3A_2941 : memref<128x1x32xf32, #tpu.memory_space<hbm>> -> memref<128x32xf32, #tpu.memory_space<hbm>>
    %dma_wait3A_2943 = arith.constant 0 : i32
    %dma_wait3A_2944 = tpu.memref_slice %arg4[%mul3A_2, %dma_wait3A_2935, %dma_wait3A_2943] : memref<4096x50x32xf32, #tpu.memory_space<hbm>> -> memref<128x1x32xf32, #tpu.memory_space<hbm>>
    %dma_wait3A_2945 = tpu.memref_squeeze %dma_wait3A_2944 : memref<128x1x32xf32, #tpu.memory_space<hbm>> -> memref<128x32xf32, #tpu.memory_space<hbm>>
    %dma_wait3A_2946 = arith.constant 0 : i32
    %dma_wait3A_2947 = arith.constant 0 : i32
    %dma_wait3A_2948 = tpu.memref_slice %arg6[%dma_wait3A_2933, %dma_wait3A_2934, %dma_wait3A_2946, %dma_wait3A_2947] : memref<2x10x128x32xf32, #tpu.memory_space<vmem>> -> memref<1x1x128x32xf32, #tpu.memory_space<vmem>>
    %dma_wait3A_2949 = tpu.memref_squeeze %dma_wait3A_2948 : memref<1x1x128x32xf32, #tpu.memory_space<vmem>> -> memref<128x32xf32, #tpu.memory_space<vmem>>
    tpu.wait_dma2 semaphore(%arg9 : memref<!tpu.dma_semaphore, #tpu.memory_space<semaphore_mem>>) src(%dma_wait3A_2949 : memref<128x32xf32, #tpu.memory_space<vmem>>) dst(%dma_wait3A_2945 : memref<128x32xf32, #tpu.memory_space<hbm>>)
    %dma_wait3A_2950 = arith.constant 0 : i32
    %dma_wait3A_2951 = arith.constant 7 : i32
    %dma_wait3A_2952 = arith.constant 47 : i32
    %dma_wait3A_2953 = arith.constant 0 : i32
    %dma_wait3A_2954 = arith.constant 0 : i32
    %dma_wait3A_2955 = tpu.memref_slice %arg6[%dma_wait3A_2950, %dma_wait3A_2951, %dma_wait3A_2953, %dma_wait3A_2954] : memref<2x10x128x32xf32, #tpu.memory_space<vmem>> -> memref<1x1x128x32xf32, #tpu.memory_space<vmem>>
    %dma_wait3A_2956 = tpu.memref_squeeze %dma_wait3A_2955 : memref<1x1x128x32xf32, #tpu.memory_space<vmem>> -> memref<128x32xf32, #tpu.memory_space<vmem>>
    %dma_wait3A_2957 = arith.constant 0 : i32
    %dma_wait3A_2958 = tpu.memref_slice %arg4[%mul3A_2, %dma_wait3A_2952, %dma_wait3A_2957] : memref<4096x50x32xf32, #tpu.memory_space<hbm>> -> memref<128x1x32xf32, #tpu.memory_space<hbm>>
    %dma_wait3A_2959 = tpu.memref_squeeze %dma_wait3A_2958 : memref<128x1x32xf32, #tpu.memory_space<hbm>> -> memref<128x32xf32, #tpu.memory_space<hbm>>
    %dma_wait3A_2960 = arith.constant 0 : i32
    %dma_wait3A_2961 = tpu.memref_slice %arg4[%mul3A_2, %dma_wait3A_2952, %dma_wait3A_2960] : memref<4096x50x32xf32, #tpu.memory_space<hbm>> -> memref<128x1x32xf32, #tpu.memory_space<hbm>>
    %dma_wait3A_2962 = tpu.memref_squeeze %dma_wait3A_2961 : memref<128x1x32xf32, #tpu.memory_space<hbm>> -> memref<128x32xf32, #tpu.memory_space<hbm>>
    %dma_wait3A_2963 = arith.constant 0 : i32
    %dma_wait3A_2964 = arith.constant 0 : i32
    %dma_wait3A_2965 = tpu.memref_slice %arg6[%dma_wait3A_2950, %dma_wait3A_2951, %dma_wait3A_2963, %dma_wait3A_2964] : memref<2x10x128x32xf32, #tpu.memory_space<vmem>> -> memref<1x1x128x32xf32, #tpu.memory_space<vmem>>
    %dma_wait3A_2966 = tpu.memref_squeeze %dma_wait3A_2965 : memref<1x1x128x32xf32, #tpu.memory_space<vmem>> -> memref<128x32xf32, #tpu.memory_space<vmem>>
    tpu.wait_dma2 semaphore(%arg9 : memref<!tpu.dma_semaphore, #tpu.memory_space<semaphore_mem>>) src(%dma_wait3A_2966 : memref<128x32xf32, #tpu.memory_space<vmem>>) dst(%dma_wait3A_2962 : memref<128x32xf32, #tpu.memory_space<hbm>>)
    %dma_wait3A_2967 = arith.constant 0 : i32
    %dma_wait3A_2968 = arith.constant 8 : i32
    %dma_wait3A_2969 = arith.constant 48 : i32
    %dma_wait3A_2970 = arith.constant 0 : i32
    %dma_wait3A_2971 = arith.constant 0 : i32
    %dma_wait3A_2972 = tpu.memref_slice %arg6[%dma_wait3A_2967, %dma_wait3A_2968, %dma_wait3A_2970, %dma_wait3A_2971] : memref<2x10x128x32xf32, #tpu.memory_space<vmem>> -> memref<1x1x128x32xf32, #tpu.memory_space<vmem>>
    %dma_wait3A_2973 = tpu.memref_squeeze %dma_wait3A_2972 : memref<1x1x128x32xf32, #tpu.memory_space<vmem>> -> memref<128x32xf32, #tpu.memory_space<vmem>>
    %dma_wait3A_2974 = arith.constant 0 : i32
    %dma_wait3A_2975 = tpu.memref_slice %arg4[%mul3A_2, %dma_wait3A_2969, %dma_wait3A_2974] : memref<4096x50x32xf32, #tpu.memory_space<hbm>> -> memref<128x1x32xf32, #tpu.memory_space<hbm>>
    %dma_wait3A_2976 = tpu.memref_squeeze %dma_wait3A_2975 : memref<128x1x32xf32, #tpu.memory_space<hbm>> -> memref<128x32xf32, #tpu.memory_space<hbm>>
    %dma_wait3A_2977 = arith.constant 0 : i32
    %dma_wait3A_2978 = tpu.memref_slice %arg4[%mul3A_2, %dma_wait3A_2969, %dma_wait3A_2977] : memref<4096x50x32xf32, #tpu.memory_space<hbm>> -> memref<128x1x32xf32, #tpu.memory_space<hbm>>
    %dma_wait3A_2979 = tpu.memref_squeeze %dma_wait3A_2978 : memref<128x1x32xf32, #tpu.memory_space<hbm>> -> memref<128x32xf32, #tpu.memory_space<hbm>>
    %dma_wait3A_2980 = arith.constant 0 : i32
    %dma_wait3A_2981 = arith.constant 0 : i32
    %dma_wait3A_2982 = tpu.memref_slice %arg6[%dma_wait3A_2967, %dma_wait3A_2968, %dma_wait3A_2980, %dma_wait3A_2981] : memref<2x10x128x32xf32, #tpu.memory_space<vmem>> -> memref<1x1x128x32xf32, #tpu.memory_space<vmem>>
    %dma_wait3A_2983 = tpu.memref_squeeze %dma_wait3A_2982 : memref<1x1x128x32xf32, #tpu.memory_space<vmem>> -> memref<128x32xf32, #tpu.memory_space<vmem>>
    tpu.wait_dma2 semaphore(%arg9 : memref<!tpu.dma_semaphore, #tpu.memory_space<semaphore_mem>>) src(%dma_wait3A_2983 : memref<128x32xf32, #tpu.memory_space<vmem>>) dst(%dma_wait3A_2979 : memref<128x32xf32, #tpu.memory_space<hbm>>)
    %dma_wait3A_2984 = arith.constant 0 : i32
    %dma_wait3A_2985 = arith.constant 9 : i32
    %dma_wait3A_2986 = arith.constant 49 : i32
    %dma_wait3A_2987 = arith.constant 0 : i32
    %dma_wait3A_2988 = arith.constant 0 : i32
    %dma_wait3A_2989 = tpu.memref_slice %arg6[%dma_wait3A_2984, %dma_wait3A_2985, %dma_wait3A_2987, %dma_wait3A_2988] : memref<2x10x128x32xf32, #tpu.memory_space<vmem>> -> memref<1x1x128x32xf32, #tpu.memory_space<vmem>>
    %dma_wait3A_2990 = tpu.memref_squeeze %dma_wait3A_2989 : memref<1x1x128x32xf32, #tpu.memory_space<vmem>> -> memref<128x32xf32, #tpu.memory_space<vmem>>
    %dma_wait3A_2991 = arith.constant 0 : i32
    %dma_wait3A_2992 = tpu.memref_slice %arg4[%mul3A_2, %dma_wait3A_2986, %dma_wait3A_2991] : memref<4096x50x32xf32, #tpu.memory_space<hbm>> -> memref<128x1x32xf32, #tpu.memory_space<hbm>>
    %dma_wait3A_2993 = tpu.memref_squeeze %dma_wait3A_2992 : memref<128x1x32xf32, #tpu.memory_space<hbm>> -> memref<128x32xf32, #tpu.memory_space<hbm>>
    %dma_wait3A_2994 = arith.constant 0 : i32
    %dma_wait3A_2995 = tpu.memref_slice %arg4[%mul3A_2, %dma_wait3A_2986, %dma_wait3A_2994] : memref<4096x50x32xf32, #tpu.memory_space<hbm>> -> memref<128x1x32xf32, #tpu.memory_space<hbm>>
    %dma_wait3A_2996 = tpu.memref_squeeze %dma_wait3A_2995 : memref<128x1x32xf32, #tpu.memory_space<hbm>> -> memref<128x32xf32, #tpu.memory_space<hbm>>
    %dma_wait3A_2997 = arith.constant 0 : i32
    %dma_wait3A_2998 = arith.constant 0 : i32
    %dma_wait3A_2999 = tpu.memref_slice %arg6[%dma_wait3A_2984, %dma_wait3A_2985, %dma_wait3A_2997, %dma_wait3A_2998] : memref<2x10x128x32xf32, #tpu.memory_space<vmem>> -> memref<1x1x128x32xf32, #tpu.memory_space<vmem>>
    %dma_wait3A_3000 = tpu.memref_squeeze %dma_wait3A_2999 : memref<1x1x128x32xf32, #tpu.memory_space<vmem>> -> memref<128x32xf32, #tpu.memory_space<vmem>>
    tpu.wait_dma2 semaphore(%arg9 : memref<!tpu.dma_semaphore, #tpu.memory_space<semaphore_mem>>) src(%dma_wait3A_3000 : memref<128x32xf32, #tpu.memory_space<vmem>>) dst(%dma_wait3A_2996 : memref<128x32xf32, #tpu.memory_space<hbm>>)
    return
  }
}

module attributes {stable_mosaic.version = 14 : i64} {
  func.func @_fold_table_body(%arg0: i32, %arg1: memref<32x65536xf32, #tpu.memory_space<vmem>>, %arg2: memref<16384x128xf32, #tpu.memory_space<vmem>>) attributes {dimension_semantics = [#tpu.dimension_semantics<arbitrary>], iteration_bounds = array<i64: 16>, scalar_prefetch = 0 : i64, scratch_operands = 0 : i64, tpu.core_type = #tpu.core_type<tc>, window_params = [{transform_indices = @transform_0, window_bounds = array<i64: 32, 65536>}, {transform_indices = @transform_1, window_bounds = array<i64: 16384, 128>}]} {
    %get3A = arith.constant 0 : index
    %get3A_0 = arith.constant 0 : index
    %get3A_1 = vector.load %arg1[%get3A, %get3A_0] : memref<32x65536xf32, #tpu.memory_space<vmem>>, vector<32x65536xf32>
    %slice3A = vector.extract_strided_slice %get3A_1 {offsets = [0, 0], sizes = [32, 16384], strides = [1, 1]} : vector<32x65536xf32> to vector<32x16384xf32>
    %slice3A_2 = vector.extract_strided_slice %get3A_1 {offsets = [0, 16384], sizes = [32, 16384], strides = [1, 1]} : vector<32x65536xf32> to vector<32x16384xf32>
    %slice3A_3 = vector.extract_strided_slice %get3A_1 {offsets = [0, 32768], sizes = [32, 16384], strides = [1, 1]} : vector<32x65536xf32> to vector<32x16384xf32>
    %slice3A_4 = vector.extract_strided_slice %get3A_1 {offsets = [0, 49152], sizes = [32, 16384], strides = [1, 1]} : vector<32x65536xf32> to vector<32x16384xf32>
    %concatenate3A = tpu.concatenate %slice3A, %slice3A_2, %slice3A_3, %slice3A_4 in 0 : vector<32x16384xf32>, vector<32x16384xf32>, vector<32x16384xf32>, vector<32x16384xf32> -> vector<128x16384xf32>
    %transpose3A = tpu.transpose %concatenate3A, [1, 0] : vector<128x16384xf32> -> vector<16384x128xf32>
    %swap3A = arith.constant 0 : index
    %swap3A_5 = arith.constant 0 : index
    %swap3A_6 = vector.load %arg2[%swap3A, %swap3A_5] : memref<16384x128xf32, #tpu.memory_space<vmem>>, vector<16384x128xf32>
    tpu.vector_store %arg2[%swap3A, %swap3A_5], %transpose3A {strides = array<i32>} : memref<16384x128xf32, #tpu.memory_space<vmem>>, vector<16384x128xf32>,
    return
  }
  func.func @transform_0(%arg0: i32) -> (i32, i32) {
    %c0_i32 = arith.constant 0 : i32
    %c0_i32_0 = arith.constant 0 : i32
    return %c0_i32, %arg0 : i32, i32
  }
  func.func @transform_1(%arg0: i32) -> (i32, i32) {
    %c0_i32 = arith.constant 0 : i32
    %c0_i32_0 = arith.constant 0 : i32
    return %arg0, %c0_i32 : i32, i32
  }
}

module attributes {stable_mosaic.version = 14 : i64} {
  func.func @_idx_body(%arg0: memref<50x4096xi32, #tpu.memory_space<vmem>>, %arg1: memref<56x4096xi32, #tpu.memory_space<vmem>>) attributes {dimension_semantics = [], scalar_prefetch = 0 : i64, scratch_operands = 0 : i64, tpu.core_type = #tpu.core_type<tc>} {
    %get3A = arith.constant 0 : index
    %get3A_0 = arith.constant 0 : index
    %get3A_1 = vector.load %arg0[%get3A, %get3A_0] : memref<50x4096xi32, #tpu.memory_space<vmem>>, vector<50x4096xi32>
    %and3A = arith.constant -65536 : i32
    %and3A_2 = vector.broadcast %and3A : i32 to vector<50x4096xi32>
    %and3A_3 = arith.andi %get3A_1, %and3A_2 : vector<50x4096xi32>
    %and3A_4 = arith.constant 16383 : i32
    %and3A_5 = vector.broadcast %and3A_4 : i32 to vector<50x4096xi32>
    %and3A_6 = arith.andi %get3A_1, %and3A_5 : vector<50x4096xi32>
    %shift_left3A = arith.constant 2 : i32
    %shift_left3A_7 = vector.broadcast %shift_left3A : i32 to vector<50x4096xi32>
    %shift_left3A_8 = arith.shli %and3A_6, %shift_left3A_7 : vector<50x4096xi32>
    %or3A = arith.ori %and3A_3, %shift_left3A_8 : vector<50x4096xi32>
    %shift_right_arithmetic3A = arith.constant 14 : i32
    %shift_right_arithmetic3A_9 = vector.broadcast %shift_right_arithmetic3A : i32 to vector<50x4096xi32>
    %shift_right_arithmetic3A_10 = arith.shrsi %get3A_1, %shift_right_arithmetic3A_9 : vector<50x4096xi32>
    %and3A_11 = arith.constant 3 : i32
    %and3A_12 = vector.broadcast %and3A_11 : i32 to vector<50x4096xi32>
    %and3A_13 = arith.andi %shift_right_arithmetic3A_10, %and3A_12 : vector<50x4096xi32>
    %or3A_14 = arith.ori %or3A, %and3A_13 : vector<50x4096xi32>
    %swap3A = arith.constant 0 : index
    %swap3A_15 = arith.constant 0 : index
    %swap3A_16 = vector.load %arg1[%swap3A, %swap3A_15] : memref<56x4096xi32, #tpu.memory_space<vmem>>, vector<50x4096xi32>
    tpu.vector_store %arg1[%swap3A, %swap3A_15], %or3A_14 {strides = array<i32>} : memref<56x4096xi32, #tpu.memory_space<vmem>>, vector<50x4096xi32>,
    %broadcast_in_dim3A = arith.constant 0 : i32
    %broadcast_in_dim3A_17 = vector.broadcast %broadcast_in_dim3A : i32 to vector<6x4096xi32>
    %swap3A_18 = arith.constant 50 : index
    %swap3A_19 = arith.constant 0 : index
    %swap3A_20 = vector.load %arg1[%swap3A_18, %swap3A_19] : memref<56x4096xi32, #tpu.memory_space<vmem>>, vector<6x4096xi32>
    tpu.vector_store %arg1[%swap3A_18, %swap3A_19], %broadcast_in_dim3A_17 {strides = array<i32>} : memref<56x4096xi32, #tpu.memory_space<vmem>>, vector<6x4096xi32>,
    return
  }
}

</mosaic_0001>

<sc_bundles>
// kernel: _embedding_lookup.5.cloned.1.call-start
scs
__scs_entry_jumppad:
0x0: {  	(pc) =	sbr.rel $0x88, $3  }
0x1: {  	(tag) =	ssettag $0x0;
	lr =	simm.s32 $0x1  }
0x2: {  	[smem:$0x3F9F] =	sst lr;
	_ =	strace $0xD0000000  }
0x3: {  	_ = 	snop  }
0x4: {  	_ = 	snop  }
0x5: {  	_ = 	snop  }
0x6: {  	_ = 	snop  }
0x7: {  	_ = 	snop  }
__scs_overlays_trampoline_lowered:
0x8: {  	[smem:$0x3FAE] =	sst s0  }
0x9: {  	[smem:$0x3FAF] =	sst s1  }
0xa: {  	[smem:$0x3FB0] =	sst s2  }
0xb: {  	[smem:$0x3FB1] =	sst s3  }
0xc: {  	[smem:$0x3FB2] =	sst s4  }
0xd: {  	[smem:$0x3FB3] =	sst s5  }
0xe: {  	[smem:$0x3FB4] =	sst s6  }
0xf: {  	[smem:$0x3FB5] =	sst s7  }
0x10: {  	[smem:$0x3FB6] =	sst s8  }
0x11: {  	[smem:$0x3FB7] =	sst s9;
	s0 =	simm.s32 @!p0 $0x0  }
0x12: {  	s1 =	sld [smem:$0x3F9D];
	s0 =	simm.s32 @p0 $0x1  }
0x13: {  	[smem:$0x3FB8] =	sst s0;
	s0 =	simm.s32 @!p1 $0x0  }
0x14: {  	s2 =	sld [smem:$0x3F9C];
	s0 =	simm.s32 @p1 $0x1  }
0x15: {  	[smem:$0x3FB9] =	sst s0;
	s0 =	simm.s32 @!p2 $0x0  }
0x16: {  	s3 =	sld [smem:$0x3FDB];
	s0 =	simm.s32 @p2 $0x1  }
0x17: {  	s4 =	simm.s32 $0x1BF5;
	[smem:$0x3FBB] =	sst s0  }
0x18: {  	s0 =	sld [smem:$0x3F9E];
	_ =	swait.ge [sflag:s4], $0x0  }
0x19: {  	s7 =	sld [smem:$0x3F9F]  }
0x1a: {  	s8 =	sadd.s32 $0xFFFFE003, lr  }
0x1b: {  	s9 =	sadd.s32 $0xFFFFFEF7, lr;
	s5 =	simm.s32 $0xFFFFFFFF;
	p2 =	slt.u32 s8, $0xFFFFF086  }
0x1c: {  	p1 =	slt.u32 s9, $0xF7A;
	s5 =	simm.s32 @!p2 $0x0  }
0x1d: {  	s5 =	simm.s32 @p1 $0x1;
	p0 =	seq.s32 s7, s2  }
0x1e: {  	s7 =	smul.u32 @!p0 $0xF7A, s2;
	p2 =	seq.s32 @!p0 s5, $0x0  }
0x1f: {  	s9 =	smul.u32 $0xF7A, s1;
	s8 =	simm.s32 @!p0 $0x1BF5;
	p2 =	por !p2, p0  }
0x20: {  	[sflag:s8] =	ssyncset.s32 @!p0 $0xFFFFF086;
	s6 =	sadd.s32 @!p0 s3, s7;
	s7 =	simm.s32 @!p0 $0x108  }
0x21: {  	s3 =	sadd.s32 s3, s9;
	s6 =	sadd.s32 @!p0 $0x88, s6;
	s7 =	simm.s32 @p2 $0x1082  }
0x22: {  	[simem:s7], [sflag:s8] =	dma.local @!p0 [hbm:s6], $0xF7A  }
0x23: {  	s9 =	sor.u32 $0xD0000000, s2;
	s6 =	simm.s32 $0x108;
	_ =	swait.ge @!p0 [sflag:s8], $0x0  }
0x24: {  	s3 =	sadd.s32 $0x88, s3;
	s6 =	simm.s32 @!p1 $0x1082;
	[sflag:s4] =	ssyncset.s32 $0xFFFFF086  }
0x25: {  	[simem:s6], [sflag:s4] =	dma.local [hbm:s3], $0xF7A  }
0x26: {  	[smem:$0x3F9F] =	sst s1;
	(tag) =	ssettag s2;
	_ =	strace s9  }
0x27: {  	s1 =	sld [smem:$0x3FAF]  }
0x28: {  	s2 =	sld [smem:$0x3FB0]  }
0x29: {  	s4 =	sld [smem:$0x3FB2]  }
0x2a: {  	p0 =	seq.s32 s5, $0x0;
	s5 =	sld [smem:$0x3FB3]  }
0x2b: {  	s6 =	sld [smem:$0x3FB4]  }
0x2c: {  	s7 =	sld [smem:$0x3FB5]  }
0x2d: {  	s3 =	simm.s32 $0x108;
	s8 =	sld [smem:$0x3FB6]  }
0x2e: {  	s3 =	simm.s32 @!p0 $0x1082;
	s9 =	sld [smem:$0x3FB7]  }
0x2f: {  	lr =	sadd.s32 s0, s3;
	s0 =	sld [smem:$0x3FAE]  }
0x30: {  	s3 =	sld [smem:$0x3FB1]  }
0x31: {  	[smem:$0x3FBA] =	sst s10  }
0x32: {  	s10 =	sld [smem:$0x3FB8];
	_ =	sdelay $0x3  }
0x33: {  	p0 =	seq.s32 s10, $0x1;
	s10 =	sld [smem:$0x3FBA];
	_ =	sdelay $0x3  }
0x34: {  	[smem:$0x3FBA] =	sst s10  }
0x35: {  	s10 =	sld [smem:$0x3FB9];
	_ =	sdelay $0x3  }
0x36: {  	p1 =	seq.s32 s10, $0x1;
	s10 =	sld [smem:$0x3FBA];
	_ =	sdelay $0x3  }
0x37: {  	[smem:$0x3FBA] =	sst s10  }
0x38: {  	s10 =	sld [smem:$0x3FBB]  }
0x39: {  	_ = 	snop;
	(pc) =	sbr.ind lr, $3  }
0x3a: {  	_ = 	snop  }
0x3b: {  	_ = 	snop  }
0x3c: {  	p2 =	seq.s32 s10, $0x1;
	s10 =	sld [smem:$0x3FBA]  }
0x3d: {  	_ =	shalt  }
0x3e: {  	_ =	shalt  }
0x3f: {  	_ =	shalt  }
0x40: {  	_ =	shalt  }
0x41: {  	_ =	shalt  }
0x42: {  	_ =	shalt  }
0x43: {  	_ =	shalt  }
0x44: {  	_ =	shalt  }
0x45: {  	_ =	shalt  }
0x46: {  	_ =	shalt  }
0x47: {  	_ =	shalt  }
0x48: {  	_ =	shalt  }
0x49: {  	_ =	shalt  }
0x4a: {  	_ =	shalt  }
0x4b: {  	_ =	shalt  }
0x4c: {  	_ =	shalt  }
0x4d: {  	_ =	shalt  }
0x4e: {  	_ =	shalt  }
0x4f: {  	_ =	shalt  }
0x50: {  	_ =	shalt  }
0x51: {  	_ =	shalt  }
0x52: {  	_ =	shalt  }
0x53: {  	_ =	shalt  }
0x54: {  	_ =	shalt  }
0x55: {  	_ =	shalt  }
0x56: {  	_ =	shalt  }
0x57: {  	_ =	shalt  }
0x58: {  	_ =	shalt  }
0x59: {  	_ =	shalt  }
0x5a: {  	_ =	shalt  }
0x5b: {  	_ =	shalt  }
0x5c: {  	_ =	shalt  }
0x5d: {  	_ =	shalt  }
0x5e: {  	_ =	shalt  }
0x5f: {  	_ =	shalt  }
0x60: {  	_ =	shalt  }
0x61: {  	_ =	shalt  }
0x62: {  	_ =	shalt  }
0x63: {  	_ =	shalt  }
0x64: {  	_ =	shalt  }
0x65: {  	_ =	shalt  }
0x66: {  	_ =	shalt  }
0x67: {  	_ =	shalt  }
0x68: {  	_ =	shalt  }
0x69: {  	_ =	shalt  }
0x6a: {  	_ =	shalt  }
0x6b: {  	_ =	shalt  }
0x6c: {  	_ =	shalt  }
0x6d: {  	_ =	shalt  }
0x6e: {  	_ =	shalt  }
0x6f: {  	_ =	shalt  }
0x70: {  	_ =	shalt  }
0x71: {  	_ =	shalt  }
0x72: {  	_ =	shalt  }
0x73: {  	_ =	shalt  }
0x74: {  	_ =	shalt  }
0x75: {  	_ =	shalt  }
0x76: {  	_ =	shalt  }
0x77: {  	_ =	shalt  }
0x78: {  	_ =	shalt  }
0x79: {  	_ =	shalt  }
0x7a: {  	_ =	shalt  }
0x7b: {  	_ =	shalt  }
0x7c: {  	_ =	shalt  }
0x7d: {  	_ =	shalt  }
0x7e: {  	_ =	shalt  }
0x7f: {  	_ =	shalt  }
0x80: {  	_ =	shalt  }
0x81: {  	_ =	shalt  }
0x82: {  	_ =	shalt  }
0x83: {  	_ =	shalt  }
0x84: {  	_ =	shalt  }
0x85: {  	_ =	shalt  }
0x86: {  	_ =	shalt  }
0x87: {  	_ =	shalt  }
.Lfunc_end0:
.L_simem_size_0:
called_computation_lowered:
.L_overlay_start_0:
0x88: {  	s2 =	sld [smem:$0x3FD9]  }
0x89: {  	s3 =	sld [smem:$0x3FFE];
	_ =	sdelay $0x1  }
0x8a: {  	s1 =	srdreg.scid  }
0x8b: {  	s0 =	sand.u32 $0x1, s1  }
0x8c: {  	s17 =	sshll.u32 s0, $0xA;
	s2 =	sadd.s32 s3, s2  }
0x8d: {  	s2 =	sadd.s32 s2, s17  }
0x8e: {  	[smem:$0x3FC6] =	sst s2  }
0x8f: {  	_ = 	snop  }
0x90: {  	s2 =	sld [smem:$0x3FD0];
	(tm) =	ssettm $0x1  }
0x91: {  	s18 =	sld [smem:$0x3FFB];
	_ =	sdelay $0x3  }
0x92: {  	_ =	strace s18  }
0x93: {  	s3 =	sld [smem:$0x3FFC];
	_ =	sdelay $0x3  }
0x94: {  	_ =	strace s3  }
0x95: {  	s3 =	sld [smem:$0x3FFD];
	_ =	sdelay $0x3  }
0x96: {  	_ =	strace s3  }
0x97: {  	_ =	strace $0x8FFFFFFF  }
0x98: {  	s19 =	sld [smem:$0x3FDB];
	_ =	sdelay $0x1  }
0x99: {  	s4 =	simm.s32 $_scs_section_size  }
0x9a: {  	s5 =	simm.s32 $_size__tile_overlayer_lowered;
	s6 =	simm.s32 $_tile_overlayer_lowered  }
0x9b: {  	s22 =	simm.s32 $0x1BFF;
	s21 =	sshll.u32 s6, $0x1;
	s3 =	sadd.s32 s4, s19  }
0x9c: {  	s7 =	simm.s32 $0x0;
	s20 =	sshll.u32 s5, $0x1;
	s5 =	sadd.s32 s21, s3  }
0x9d: {  	[timem:s7], [sflag:s22] =	dma.local [hbm:s5], s20  }
0x9e: {  	_ =	swait.ge [sflag:s22], s20  }
0x9f: {  	s4 =	ssub.s32 $0x0, s20;
	[sflag:s22] =	ssyncset.done $0x0  }
0xa0: {  	[sflag:s22] =	ssyncadd.s32 s4;
	_ =	sdelay $0x1  }
0xa1: {  	s23 =	simm.s32 $0x1B8B  }
0xa2: {  	_ =	swait.ge [sflag:s23], $0x1  }
0xa3: {  	[sflag:s23] =	ssyncset.done $0x0  }
0xa4: {  	s25 =	simm.s32 $0x1B8E;
	s24 =	sld [smem:$0x3FFE];
	[sflag:s23] =	ssyncadd.s32 $0xFFFFFFFF  }
0xa5: {  	s26 =	simm.s32 $execute0_lowered;
	[smem:$0x3FD2] =	sst s25  }
0xa6: {  	s5 =	sshll.u32 s26, $0x1;
	_ =	strace $0x80000046;
	[dreg:$0x1] =	wrdreg $0xFFFFFFFF  }
0xa7: {  	s28 =	simm.s32 $_size_execute0_lowered;
	s3 =	sadd.s32 s3, s5;
	[dreg:$0x0] =	wrdreg $0x0  }
0xa8: {  	s5 =	sshll.u32 s28, $0x1;
	[dreg:$0x2] =	wrdreg s3  }
0xa9: {  	[dreg:$0x3] =	wrdreg s5  }
0xaa: {  	[dreg:$0x4] =	wrdreg $0xC0  }
0xab: {  	_ =	task [dreg:s7], $0x5FFFF  }
0xac: {  	[dreg:$0x1] =	wrdreg $0xFFFFFFFF  }
0xad: {  	[dreg:$0x0] =	wrdreg $0x60  }
0xae: {  	[dreg:$0x2] =	wrdreg s24  }
0xaf: {  	[dreg:$0x3] =	wrdreg s2  }
0xb0: {  	[dreg:$0x4] =	wrdreg $0x9  }
0xb1: {  	_ =	task.clear_ibuf [dreg:s7], $0x5FFFF;
	_ =	strace $0x90000046  }
0xb2: {  	s29 =	simm.s32 $0x9;
	_ =	strace $0x80000048  }
0xb3: {  	_ =	swait.ge [sflag:s29], $0x1  }
0xb4: {  	[sflag:s29] =	ssyncadd.s32 $0xFFFFFFFF  }
0xb5: {  	_ =	strace $0x90000048  }
0xb6: {  	_ =	sfence  }
0xb7: {  	s30 =	sld [smem:$0x0];
	_ =	sdelay $0x2  }
0xb8: {  	s31 =	sshll.u32 s1, $0xD;
	s1 =	sshrl.u32 s1, $0x2  }
0xb9: {  	s3 =	sand.u32 $0x4000, s31;
	s1 =	sadd.s32 s1, s30  }
0xba: {  	s0 =	sor.u32 s3, s0;
	s1 =	sshll.u32 s1, $0x11  }
0xbb: {  	s0 =	sor.u32 s1, s0  }
0xbc: {  	s0 =	sadd.s32 $0x8F2B, s0  }
0xbd: {  	[sflag:s0] =	ssyncadd.remote.s32 $0x1  }
0xbe: {  	_ =	sfence.sel $0xFFFF  }
0xbf: {  	[dreg:$0x0] =	wrdreg $0xFFFFFFFF;
	(pc) =	sbr.abs _section_cstart, $3  }
0xc0: {  	[dreg:$0x1] =	wrdreg $0xFFFFFFFF  }
0xc1: {  	_ =	task.clear_ibuf [dreg:s7], $0x2FFFF;
	_ =	strace $0x9FFFFFFF  }
0xc2: {  	(tm) =	ssettm $0x7FFFFFFF  }
0xc3: {  	_ =	shalt  }
tec
execute0_lowered:
.L_overlay_start_1:
0x0: {  	(tag) =	ssettag $0x1  }
0x1: {  	s0 =	srdreg.scid  }
0x2: {  	s3 =	stileid.u32;
	s0 =	sand.u32 $0x1, s0  }
0x3: {  	s3 =	sshll.u32 s3, $0x8;
	s4 =	sshll.u32 s0, $0x7  }
0x4: {  	s1 =	rddreg [dreg:$0x0];
	s3 =	sor.u32 s4, s3  }
0x5: {  	s2 =	rddreg [dreg:$0x1];
	s4 =	sshrl.u32 s3, $0x3  }
0x6: {  	s5 =	simm.s32 $0x0;
	s3 =	smul.u32 $0xC8, s3;
	s4 =	sadd.s32 s4, s1  }
0x7: {  	[smem:$0x7FF] =	sst s5;
	s4 =	sadd.s32 $0x600, s4  }
0x8: {  	_ =	strace $0x80000047;
	s3 =	sadd.s32 s2, s3;
	[dreg:$0x3] =	wrdreg s4  }
0x9: {  	s2 =	sadd.s32 $0x4, s3;
	[smem:$0x7CD] =	sst s3  }
0xa: {  	s5 =	sadd.s32 $0x8, s3;
	[dreg:$0x4] =	wrdreg s2  }
0xb: {  	s6 =	sadd.s32 $0xC, s3;
	[dreg:$0x5] =	wrdreg s5  }
0xc: {  	s7 =	sadd.s32 $0x10, s3;
	[dreg:$0x6] =	wrdreg s6  }
0xd: {  	s8 =	sadd.s32 $0x14, s3;
	[dreg:$0x7] =	wrdreg s7  }
0xe: {  	s9 =	sadd.s32 $0x18, s3;
	[dreg:$0x8] =	wrdreg s8  }
0xf: {  	s10 =	sadd.s32 $0x1C, s3;
	[dreg:$0x9] =	wrdreg s9  }
0x10: {  	s11 =	sadd.s32 $0x20, s3;
	[dreg:$0xa] =	wrdreg s10  }
0x11: {  	s12 =	sadd.s32 $0x24, s3;
	[dreg:$0xb] =	wrdreg s11  }
0x12: {  	s13 =	sadd.s32 $0x28, s3;
	[dreg:$0xc] =	wrdreg s12  }
0x13: {  	s14 =	sadd.s32 $0x2C, s3;
	[dreg:$0xd] =	wrdreg s13  }
0x14: {  	s15 =	sadd.s32 $0x30, s3;
	[dreg:$0xe] =	wrdreg s14  }
0x15: {  	s16 =	sadd.s32 $0x34, s3;
	[dreg:$0xf] =	wrdreg s15  }
0x16: {  	s17 =	sadd.s32 $0x38, s3;
	[dreg:$0x10] =	wrdreg s16  }
0x17: {  	s18 =	sadd.s32 $0x3C, s3;
	[dreg:$0x11] =	wrdreg s17  }
0x18: {  	s19 =	sadd.s32 $0x40, s3;
	[dreg:$0x12] =	wrdreg s18  }
0x19: {  	s20 =	sadd.s32 $0x44, s3;
	[dreg:$0x13] =	wrdreg s19  }
0x1a: {  	s21 =	sadd.s32 $0x48, s3;
	[dreg:$0x14] =	wrdreg s20  }
0x1b: {  	s22 =	sadd.s32 $0x4C, s3;
	[dreg:$0x15] =	wrdreg s21  }
0x1c: {  	s23 =	sadd.s32 $0x50, s3;
	[dreg:$0x16] =	wrdreg s22  }
0x1d: {  	s24 =	sadd.s32 $0x54, s3;
	[dreg:$0x17] =	wrdreg s23  }
0x1e: {  	s25 =	sadd.s32 $0x58, s3;
	[dreg:$0x18] =	wrdreg s24  }
0x1f: {  	s26 =	sadd.s32 $0x5C, s3;
	[dreg:$0x19] =	wrdreg s25  }
0x20: {  	s28 =	sadd.s32 $0x60, s3;
	[dreg:$0x1a] =	wrdreg s26  }
0x21: {  	s4 =	sadd.s32 $0x64, s3;
	[dreg:$0x1b] =	wrdreg s28  }
0x22: {  	[dreg:$0x1c] =	wrdreg s4  }
0x23: {  	s5 =	sadd.s32 $0x68, s3;
	s31 =	rddreg [dreg:$0x3]  }
0x24: {  	s6 =	sadd.s32 $0x6C, s3;
	[dreg:$0x1d] =	wrdreg s5  }
0x25: {  	s7 =	sadd.s32 $0x70, s3;
	[dreg:$0x1e] =	wrdreg s6  }
0x26: {  	s8 =	sadd.s32 $0x74, s3;
	[dreg:$0x1f] =	wrdreg s7  }
0x27: {  	s9 =	sadd.s32 $0x78, s3;
	[smem:$0x7B9] =	sst s8  }
0x28: {  	s10 =	sadd.s32 $0x7C, s3;
	[smem:$0x7BA] =	sst s9  }
0x29: {  	s11 =	sadd.s32 $0x80, s3;
	[smem:$0x7BB] =	sst s10  }
0x2a: {  	s12 =	sadd.s32 $0x84, s3;
	[smem:$0x7BC] =	sst s11  }
0x2b: {  	s13 =	sadd.s32 $0x88, s3;
	[smem:$0x7BD] =	sst s12  }
0x2c: {  	s14 =	sadd.s32 $0x8C, s3;
	[smem:$0x7BE] =	sst s13  }
0x2d: {  	s15 =	sadd.s32 $0x90, s3;
	[smem:$0x7BF] =	sst s14  }
0x2e: {  	s16 =	sadd.s32 $0x94, s3;
	[smem:$0x7C0] =	sst s15  }
0x2f: {  	s17 =	sadd.s32 $0x98, s3;
	[smem:$0x7C1] =	sst s16  }
0x30: {  	s18 =	sadd.s32 $0x9C, s3;
	[smem:$0x7C2] =	sst s17  }
0x31: {  	s19 =	sadd.s32 $0xA0, s3;
	[smem:$0x7C3] =	sst s18  }
0x32: {  	s20 =	sadd.s32 $0xA4, s3;
	[smem:$0x7C4] =	sst s19  }
0x33: {  	s21 =	sadd.s32 $0xA8, s3;
	[smem:$0x7C5] =	sst s20  }
0x34: {  	s22 =	sadd.s32 $0xAC, s3;
	[smem:$0x7C6] =	sst s21  }
0x35: {  	s23 =	sadd.s32 $0xB0, s3;
	[smem:$0x7C7] =	sst s22  }
0x36: {  	s24 =	sadd.s32 $0xB4, s3;
	[smem:$0x7C8] =	sst s23  }
0x37: {  	s25 =	sadd.s32 $0xB8, s3;
	[smem:$0x7C9] =	sst s24  }
0x38: {  	s26 =	sadd.s32 $0xBC, s3;
	[smem:$0x7CA] =	sst s25  }
0x39: {  	s28 =	sadd.s32 $0xC0, s3;
	[smem:$0x7CB] =	sst s26  }
0x3a: {  	s3 =	sadd.s32 $0xC4, s3;
	[smem:$0x7CC] =	sst s28  }
0x3b: {  	s4 =	simm.s32 $0x100;
	[smem:$0x7CE] =	sst s3  }
0x3c: {  	s2 =	simm.s32 $0xD00;
	[smem:$0x7CF] =	sst s4  }
0x3d: {  	s5 =	simm.s32 $0x180;
	[smem:$0x7E7] =	sst s2  }
0x3e: {  	s6 =	simm.s32 $0x200;
	[smem:$0x7D0] =	sst s5  }
0x3f: {  	s7 =	simm.s32 $0x280;
	[smem:$0x7D1] =	sst s6  }
0x40: {  	s8 =	simm.s32 $0x300;
	[smem:$0x7D2] =	sst s7  }
0x41: {  	s9 =	simm.s32 $0x380;
	[smem:$0x7D3] =	sst s8  }
0x42: {  	s10 =	simm.s32 $0x400;
	[smem:$0x7D4] =	sst s9  }
0x43: {  	s11 =	simm.s32 $0x480;
	[smem:$0x7D5] =	sst s10  }
0x44: {  	s12 =	simm.s32 $0x500;
	[smem:$0x7D6] =	sst s11  }
0x45: {  	s13 =	simm.s32 $0x580;
	[smem:$0x7D7] =	sst s12  }
0x46: {  	s14 =	simm.s32 $0x600;
	[smem:$0x7D8] =	sst s13  }
0x47: {  	s15 =	simm.s32 $0x680;
	[smem:$0x7D9] =	sst s14  }
0x48: {  	s16 =	simm.s32 $0x700;
	[smem:$0x7DA] =	sst s15  }
0x49: {  	s17 =	simm.s32 $0x780;
	[smem:$0x7DB] =	sst s16  }
0x4a: {  	s18 =	simm.s32 $0x800;
	[smem:$0x7DC] =	sst s17  }
0x4b: {  	s19 =	simm.s32 $0x880;
	[smem:$0x7DD] =	sst s18  }
0x4c: {  	s20 =	simm.s32 $0x900;
	[smem:$0x7DE] =	sst s19  }
0x4d: {  	s21 =	simm.s32 $0x980;
	[smem:$0x7DF] =	sst s20  }
0x4e: {  	s22 =	simm.s32 $0xA00;
	[smem:$0x7E0] =	sst s21  }
0x4f: {  	s23 =	simm.s32 $0xA80;
	[smem:$0x7E1] =	sst s22  }
0x50: {  	s24 =	simm.s32 $0xB00;
	[smem:$0x7E2] =	sst s23  }
0x51: {  	s25 =	simm.s32 $0xB80;
	[smem:$0x7E3] =	sst s24  }
0x52: {  	s26 =	simm.s32 $0xC00;
	[smem:$0x7E4] =	sst s25  }
0x53: {  	s28 =	simm.s32 $0xC80;
	[smem:$0x7E5] =	sst s26  }
0x54: {  	s29 =	simm.s32 $0xA900;
	s4 =	simm.s32 $0xD80;
	[smem:$0x7E6] =	sst s28  }
0x55: {  	p0 =	por $0x0, $0x0;
	[smem:$0x7E8] =	sst s4;
	s5 =	simm.s32 $0xE00  }
0x56: {  	s30 =	simm.s32 $0x2;
	s6 =	simm.s32 $0xE80;
	[smem:$0x7E9] =	sst s5  }
0x57: {  	s0 =	ssub.s32 $0x2, s0;
	s7 =	simm.s32 $0xF00;
	[smem:$0x7EA] =	sst s6  }
0x58: {  	s3 =	sshrl.u32 s0, $0x1;
	s8 =	simm.s32 $0xF80;
	[smem:$0x7EB] =	sst s7  }
0x59: {  	s2 =	simm.s32 $0x3;
	s9 =	simm.s32 $0x1080;
	[smem:$0x7EC] =	sst s8  }
0x5a: {  	s17 =	sadd.s32 $0x7600, s1;
	s10 =	simm.s32 $0x1100;
	[smem:$0x7ED] =	sst s9  }
0x5b: {  	s0 =	ssub.s32 s0, s3;
	s11 =	simm.s32 $0x1180;
	[smem:$0x7EE] =	sst s10  }
0x5c: {  	s18 =	simm.s32 $0x80;
	s12 =	simm.s32 $0x1200;
	[smem:$0x7EF] =	sst s11  }
0x5d: {  	s4 =	simm.s32 $0x1900;
	s13 =	simm.s32 $0x1280;
	[smem:$0x7F0] =	sst s12  }
0x5e: {  	s14 =	simm.s32 $0x1300;
	s15 =	simm.s32 $0x1380;
	[smem:$0x7F1] =	sst s13  }
0x5f: {  	s16 =	simm.s32 $0x1400;
	s19 =	simm.s32 $0x1480;
	[smem:$0x7F2] =	sst s14  }
0x60: {  	s20 =	simm.s32 $0x1500;
	s21 =	simm.s32 $0x1580;
	[smem:$0x7F3] =	sst s15  }
0x61: {  	s22 =	simm.s32 $0x1600;
	s23 =	simm.s32 $0x1680;
	[smem:$0x7F4] =	sst s16  }
0x62: {  	s24 =	simm.s32 $0x1700;
	s25 =	simm.s32 $0x1780;
	[smem:$0x7F5] =	sst s19  }
0x63: {  	s26 =	simm.s32 $0x1800;
	s28 =	simm.s32 $0x1880;
	[smem:$0x7F6] =	sst s20  }
0x64: {  	s3 =	simm.s32 $0x12900;
	s0 =	smax.u32 s0, $0x1;
	[smem:$0x7F7] =	sst s21  }
0x65: {  	s5 =	simm.s32 $0x2900;
	s6 =	simm.s32 $0x3900;
	[smem:$0x7F8] =	sst s22  }
0x66: {  	s7 =	simm.s32 $0x4900;
	[smem:$0x7F9] =	sst s23;
	p1 =	sne.s32 s0, $0x1  }
.Ltmp0:
0x67: {  	s8 =	simm.s32 $0x5900;
	[smem:$0x7FA] =	sst s24;
	(pc) =	sbr.rel @!p1 .LBB2_1-.Ltmp0, $4  }
0x68: {  	s9 =	simm.s32 $0x6900;
	s10 =	simm.s32 $0x7900;
	[smem:$0x7FB] =	sst s25  }
0x69: {  	s11 =	simm.s32 $0x8900;
	s12 =	simm.s32 $0x9900;
	[smem:$0x7FC] =	sst s26  }
0x6a: {  	[smem:$0x7FD] =	sst s28;
	s16 =	simm.s32 $0x1;
	s14 =	simm.s32 $0x20  }
0x6b: {  	s15 =	simm.s32 $0x640;
	s13 =	simm.s32 $0x4;
	s19 =	sadd.s32 $0xFFFFFFFF, s0  }
0x6c: {  	[smem:$0x7B8] =	sst s19;
	s0 =	simm.s32 $0x0;
	s19 =	simm.s32 $0x1000  }
0x6d: {  	[tilespmem:s0], [sflag:$0x5] =	stream.strided.gather [hbm4b:s31+s18], $0x1900, s19, s18, $0x38;
	[tilespmem:$0x15900] =	vst v63  }
0x6e: {  	s31 =	simm.s32 $0x5  }
0x6f: {  	_ =	swait.ge [sflag:s31], $0x1900  }
0x70: {  	[sflag:s31] =	ssyncset.done $0x0  }
0x71: {  	[sflag:s31] =	ssyncadd.s32 $0xFFFFE700  }
0x72: {  	[tilespmem:s4], [sflag:$0x1] =	stream.indirect.gather [hbm4b:s17+s18], $0x20, s0, s18, $0xb8;
	[tilespmem:$0x15900] =	vst v63  }
0x73: {  	s31 =	sld [smem:$0x7CF]  }
0x74: {  	[tilespmem:s5], [sflag:$0x1] =	stream.indirect.gather [hbm4b:s17+s18], $0x20, s18, s18, $0xb8;
	[tilespmem:$0x15900] =	vst v63  }
0x75: {  	s0 =	sld [smem:$0x7D0]  }
0x76: {  	[tilespmem:s6], [sflag:$0x1] =	stream.indirect.gather [hbm4b:s17+s18], $0x20, s31, s18, $0xb8;
	[tilespmem:$0x15900] =	vst v63  }
0x77: {  	s31 =	sld [smem:$0x7D1]  }
0x78: {  	[tilespmem:s7], [sflag:$0x1] =	stream.indirect.gather [hbm4b:s17+s18], $0x20, s0, s18, $0xb8;
	[tilespmem:$0x15900] =	vst v63  }
0x79: {  	s0 =	sld [smem:$0x7D2]  }
0x7a: {  	[tilespmem:s8], [sflag:$0x1] =	stream.indirect.gather [hbm4b:s17+s18], $0x20, s31, s18, $0xb8;
	[tilespmem:$0x15900] =	vst v63  }
0x7b: {  	s31 =	sld [smem:$0x7D3]  }
0x7c: {  	[tilespmem:s9], [sflag:$0x1] =	stream.indirect.gather [hbm4b:s17+s18], $0x20, s0, s18, $0xb8;
	[tilespmem:$0x15900] =	vst v63  }
0x7d: {  	s0 =	sld [smem:$0x7D4]  }
0x7e: {  	[tilespmem:s10], [sflag:$0x1] =	stream.indirect.gather [hbm4b:s17+s18], $0x20, s31, s18, $0xb8;
	[tilespmem:$0x15900] =	vst v63  }
0x7f: {  	s31 =	sld [smem:$0x7D5]  }
0x80: {  	[tilespmem:s11], [sflag:$0x1] =	stream.indirect.gather [hbm4b:s17+s18], $0x20, s0, s18, $0xb8;
	[tilespmem:$0x15900] =	vst v63  }
0x81: {  	s0 =	sld [smem:$0x7D6]  }
0x82: {  	[tilespmem:s12], [sflag:$0x1] =	stream.indirect.gather [hbm4b:s17+s18], $0x20, s31, s18, $0xb8;
	[tilespmem:$0x15900] =	vst v63  }
0x83: {  	s31 =	sld [smem:$0x7D7]  }
0x84: {  	[tilespmem:s29], [sflag:$0x1] =	stream.indirect.gather [hbm4b:s17+s18], $0x20, s0, s18, $0xb8;
	[tilespmem:$0x15900] =	vst v63  }
0x85: {  	s20 =	simm.s32 $0xB900;
	s0 =	sld [smem:$0x7D8]  }
0x86: {  	[tilespmem:s20], [sflag:$0x2] =	stream.indirect.gather [hbm4b:s17+s18], $0x20, s31, s18, $0xb8;
	[tilespmem:$0x15900] =	vst v63  }
0x87: {  	s21 =	simm.s32 $0xC900;
	s31 =	sld [smem:$0x7D9]  }
0x88: {  	[tilespmem:s21], [sflag:$0x2] =	stream.indirect.gather [hbm4b:s17+s18], $0x20, s0, s18, $0xb8;
	[tilespmem:$0x15900] =	vst v63  }
0x89: {  	s22 =	simm.s32 $0xD900;
	s0 =	sld [smem:$0x7DA]  }
0x8a: {  	[tilespmem:s22], [sflag:$0x2] =	stream.indirect.gather [hbm4b:s17+s18], $0x20, s31, s18, $0xb8;
	[tilespmem:$0x15900] =	vst v63  }
0x8b: {  	s23 =	simm.s32 $0xE900;
	s31 =	sld [smem:$0x7DB]  }
0x8c: {  	[tilespmem:s23], [sflag:$0x2] =	stream.indirect.gather [hbm4b:s17+s18], $0x20, s0, s18, $0xb8;
	[tilespmem:$0x15900] =	vst v63  }
0x8d: {  	s24 =	simm.s32 $0xF900;
	s0 =	sld [smem:$0x7DC]  }
0x8e: {  	[tilespmem:s24], [sflag:$0x2] =	stream.indirect.gather [hbm4b:s17+s18], $0x20, s31, s18, $0xb8;
	[tilespmem:$0x15900] =	vst v63  }
0x8f: {  	s25 =	simm.s32 $0x10900;
	s31 =	sld [smem:$0x7DD]  }
0x90: {  	[tilespmem:s25], [sflag:$0x2] =	stream.indirect.gather [hbm4b:s17+s18], $0x20, s0, s18, $0xb8;
	[tilespmem:$0x15900] =	vst v63  }
0x91: {  	s26 =	simm.s32 $0x11900;
	s0 =	sld [smem:$0x7DE]  }
0x92: {  	[tilespmem:s26], [sflag:$0x2] =	stream.indirect.gather [hbm4b:s17+s18], $0x20, s31, s18, $0xb8;
	[tilespmem:$0x15900] =	vst v63  }
0x93: {  	s31 =	sld [smem:$0x7DF]  }
0x94: {  	[tilespmem:s3], [sflag:$0x2] =	stream.indirect.gather [hbm4b:s17+s18], $0x20, s0, s18, $0xb8;
	[tilespmem:$0x15900] =	vst v63  }
0x95: {  	s28 =	simm.s32 $0x13900;
	s0 =	sld [smem:$0x7E0]  }
0x96: {  	[tilespmem:s28], [sflag:$0x2] =	stream.indirect.gather [hbm4b:s17+s18], $0x20, s31, s18, $0xb8;
	[tilespmem:$0x15900] =	vst v63  }
0x97: {  	s1 =	simm.s32 $0x14900  }
0x98: {  	[tilespmem:s1], [sflag:$0x2] =	stream.indirect.gather [hbm4b:s17+s18], $0x20, s0, s18, $0xb8;
	[tilespmem:$0x15900] =	vst v63  }
0x99: {  	_ =	swait.ge [sflag:s16], $0x1000  }
0x9a: {  	[sflag:s16] =	ssyncset.done $0x0  }
0x9b: {  	[sflag:s16] =	ssyncadd.s32 $0xFFFFF000  }
0x9c: {  	_ =	swait.ge [sflag:s16], $0x1000  }
0x9d: {  	[sflag:s16] =	ssyncset.done $0x0  }
0x9e: {  	[sflag:s16] =	ssyncadd.s32 $0xFFFFF000  }
0x9f: {  	_ =	swait.ge [sflag:s16], $0x1000  }
0xa0: {  	[sflag:s16] =	ssyncset.done $0x0  }
0xa1: {  	[sflag:s16] =	ssyncadd.s32 $0xFFFFF000  }
0xa2: {  	_ =	swait.ge [sflag:s16], $0x1000  }
0xa3: {  	[sflag:s16] =	ssyncset.done $0x0  }
0xa4: {  	[sflag:s16] =	ssyncadd.s32 $0xFFFFF000  }
0xa5: {  	_ =	swait.ge [sflag:s16], $0x1000  }
0xa6: {  	[sflag:s16] =	ssyncset.done $0x0  }
0xa7: {  	[sflag:s16] =	ssyncadd.s32 $0xFFFFF000  }
0xa8: {  	_ =	swait.ge [sflag:s16], $0x1000  }
0xa9: {  	[sflag:s16] =	ssyncset.done $0x0  }
0xaa: {  	[sflag:s16] =	ssyncadd.s32 $0xFFFFF000  }
0xab: {  	_ =	swait.ge [sflag:s16], $0x1000  }
0xac: {  	[sflag:s16] =	ssyncset.done $0x0  }
0xad: {  	[sflag:s16] =	ssyncadd.s32 $0xFFFFF000  }
0xae: {  	_ =	swait.ge [sflag:s16], $0x1000  }
0xaf: {  	[sflag:s16] =	ssyncset.done $0x0  }
0xb0: {  	[sflag:s16] =	ssyncadd.s32 $0xFFFFF000  }
0xb1: {  	_ =	swait.ge [sflag:s16], $0x1000  }
0xb2: {  	[sflag:s16] =	ssyncset.done $0x0  }
0xb3: {  	[sflag:s16] =	ssyncadd.s32 $0xFFFFF000  }
0xb4: {  	_ =	swait.ge [sflag:s16], $0x1000  }
0xb5: {  	s31 =	sld [smem:$0x7CD]  }
0xb6: {  	[sflag:s16] =	ssyncset.done $0x0  }
0xb7: {  	[sflag:s16] =	ssyncadd.s32 $0xFFFFF000  }
0xb8: {  	[hbm4b:s31+s14] =	stream.strided.scatter [tilespmem:s4], [sflag:$0x3], $0x1000, s15, s14, $0x38;
	[tilespmem:$0x15900] =	vst v63  }
0xb9: {  	s0 =	rddreg [dreg:$0x4]  }
0xba: {  	[hbm4b:s0+s14] =	stream.strided.scatter [tilespmem:s5], [sflag:$0x3], $0x1000, s15, s14, $0x38;
	[tilespmem:$0x15900] =	vst v63  }
0xbb: {  	s31 =	rddreg [dreg:$0x5]  }
0xbc: {  	[hbm4b:s31+s14] =	stream.strided.scatter [tilespmem:s6], [sflag:$0x3], $0x1000, s15, s14, $0x38;
	[tilespmem:$0x15900] =	vst v63  }
0xbd: {  	s0 =	rddreg [dreg:$0x6]  }
0xbe: {  	[hbm4b:s0+s14] =	stream.strided.scatter [tilespmem:s7], [sflag:$0x3], $0x1000, s15, s14, $0x38;
	[tilespmem:$0x15900] =	vst v63  }
0xbf: {  	s31 =	rddreg [dreg:$0x7]  }
0xc0: {  	[hbm4b:s31+s14] =	stream.strided.scatter [tilespmem:s8], [sflag:$0x3], $0x1000, s15, s14, $0x38;
	[tilespmem:$0x15900] =	vst v63  }
0xc1: {  	s0 =	rddreg [dreg:$0x8]  }
0xc2: {  	[hbm4b:s0+s14] =	stream.strided.scatter [tilespmem:s9], [sflag:$0x3], $0x1000, s15, s14, $0x38;
	[tilespmem:$0x15900] =	vst v63  }
0xc3: {  	s31 =	rddreg [dreg:$0x9]  }
0xc4: {  	[hbm4b:s31+s14] =	stream.strided.scatter [tilespmem:s10], [sflag:$0x3], $0x1000, s15, s14, $0x38;
	[tilespmem:$0x15900] =	vst v63  }
0xc5: {  	s0 =	rddreg [dreg:$0xa]  }
0xc6: {  	[hbm4b:s0+s14] =	stream.strided.scatter [tilespmem:s11], [sflag:$0x3], $0x1000, s15, s14, $0x38;
	[tilespmem:$0x15900] =	vst v63  }
0xc7: {  	s31 =	rddreg [dreg:$0xb]  }
0xc8: {  	[hbm4b:s31+s14] =	stream.strided.scatter [tilespmem:s12], [sflag:$0x3], $0x1000, s15, s14, $0x38;
	[tilespmem:$0x15900] =	vst v63  }
0xc9: {  	s0 =	rddreg [dreg:$0xc]  }
0xca: {  	[hbm4b:s0+s14] =	stream.strided.scatter [tilespmem:s29], [sflag:$0x3], $0x1000, s15, s14, $0x38;
	[tilespmem:$0x15900] =	vst v63  }
0xcb: {  	_ =	swait.ge [sflag:s2], $0x1000  }
0xcc: {  	[sflag:s2] =	ssyncset.done $0x0  }
0xcd: {  	[sflag:s2] =	ssyncadd.s32 $0xFFFFF000  }
0xce: {  	_ =	swait.ge [sflag:s2], $0x1000  }
0xcf: {  	[sflag:s2] =	ssyncset.done $0x0  }
0xd0: {  	[sflag:s2] =	ssyncadd.s32 $0xFFFFF000  }
0xd1: {  	_ =	swait.ge [sflag:s2], $0x1000  }
0xd2: {  	[sflag:s2] =	ssyncset.done $0x0  }
0xd3: {  	[sflag:s2] =	ssyncadd.s32 $0xFFFFF000  }
0xd4: {  	_ =	swait.ge [sflag:s2], $0x1000  }
0xd5: {  	[sflag:s2] =	ssyncset.done $0x0  }
0xd6: {  	[sflag:s2] =	ssyncadd.s32 $0xFFFFF000  }
0xd7: {  	_ =	swait.ge [sflag:s2], $0x1000  }
0xd8: {  	[sflag:s2] =	ssyncset.done $0x0  }
0xd9: {  	[sflag:s2] =	ssyncadd.s32 $0xFFFFF000  }
0xda: {  	_ =	swait.ge [sflag:s2], $0x1000  }
0xdb: {  	[sflag:s2] =	ssyncset.done $0x0  }
0xdc: {  	[sflag:s2] =	ssyncadd.s32 $0xFFFFF000  }
0xdd: {  	_ =	swait.ge [sflag:s2], $0x1000  }
0xde: {  	[sflag:s2] =	ssyncset.done $0x0  }
0xdf: {  	[sflag:s2] =	ssyncadd.s32 $0xFFFFF000  }
0xe0: {  	_ =	swait.ge [sflag:s2], $0x1000  }
0xe1: {  	[sflag:s2] =	ssyncset.done $0x0  }
0xe2: {  	[sflag:s2] =	ssyncadd.s32 $0xFFFFF000  }
0xe3: {  	_ =	swait.ge [sflag:s2], $0x1000  }
0xe4: {  	[sflag:s2] =	ssyncset.done $0x0  }
0xe5: {  	[sflag:s2] =	ssyncadd.s32 $0xFFFFF000  }
0xe6: {  	_ =	swait.ge [sflag:s2], $0x1000  }
0xe7: {  	s0 =	sld [smem:$0x7E1]  }
0xe8: {  	[sflag:s2] =	ssyncset.done $0x0  }
0xe9: {  	s31 =	sld [smem:$0x7E2];
	[sflag:s2] =	ssyncadd.s32 $0xFFFFF000  }
0xea: {  	[tilespmem:s4], [sflag:$0x1] =	stream.indirect.gather [hbm4b:s17+s18], $0x20, s0, s18, $0xb8;
	[tilespmem:$0x15900] =	vst v63  }
0xeb: {  	s0 =	sld [smem:$0x7E3]  }
0xec: {  	[tilespmem:s5], [sflag:$0x1] =	stream.indirect.gather [hbm4b:s17+s18], $0x20, s31, s18, $0xb8;
	[tilespmem:$0x15900] =	vst v63  }
0xed: {  	s31 =	sld [smem:$0x7E4]  }
0xee: {  	[tilespmem:s6], [sflag:$0x1] =	stream.indirect.gather [hbm4b:s17+s18], $0x20, s0, s18, $0xb8;
	[tilespmem:$0x15900] =	vst v63  }
0xef: {  	s0 =	sld [smem:$0x7E5]  }
0xf0: {  	[tilespmem:s7], [sflag:$0x1] =	stream.indirect.gather [hbm4b:s17+s18], $0x20, s31, s18, $0xb8;
	[tilespmem:$0x15900] =	vst v63  }
0xf1: {  	s31 =	sld [smem:$0x7E6]  }
0xf2: {  	[tilespmem:s8], [sflag:$0x1] =	stream.indirect.gather [hbm4b:s17+s18], $0x20, s0, s18, $0xb8;
	[tilespmem:$0x15900] =	vst v63  }
0xf3: {  	s0 =	sld [smem:$0x7E7]  }
0xf4: {  	[tilespmem:s9], [sflag:$0x1] =	stream.indirect.gather [hbm4b:s17+s18], $0x20, s31, s18, $0xb8;
	[tilespmem:$0x15900] =	vst v63  }
0xf5: {  	s31 =	sld [smem:$0x7E8]  }
0xf6: {  	[tilespmem:s10], [sflag:$0x1] =	stream.indirect.gather [hbm4b:s17+s18], $0x20, s0, s18, $0xb8;
	[tilespmem:$0x15900] =	vst v63  }
0xf7: {  	s0 =	sld [smem:$0x7E9]  }
0xf8: {  	[tilespmem:s11], [sflag:$0x1] =	stream.indirect.gather [hbm4b:s17+s18], $0x20, s31, s18, $0xb8;
	[tilespmem:$0x15900] =	vst v63  }
0xf9: {  	s31 =	sld [smem:$0x7EA]  }
0xfa: {  	[tilespmem:s12], [sflag:$0x1] =	stream.indirect.gather [hbm4b:s17+s18], $0x20, s0, s18, $0xb8;
	[tilespmem:$0x15900] =	vst v63  }
0xfb: {  	_ = 	snop  }
0xfc: {  	[tilespmem:s29], [sflag:$0x1] =	stream.indirect.gather [hbm4b:s17+s18], $0x20, s31, s18, $0xb8;
	[tilespmem:$0x15900] =	vst v63  }
0xfd: {  	_ =	swait.ge [sflag:s30], $0x1000  }
0xfe: {  	[sflag:s30] =	ssyncset.done $0x0  }
0xff: {  	[sflag:s30] =	ssyncadd.s32 $0xFFFFF000  }
0x100: {  	_ =	swait.ge [sflag:s30], $0x1000  }
0x101: {  	[sflag:s30] =	ssyncset.done $0x0  }
0x102: {  	[sflag:s30] =	ssyncadd.s32 $0xFFFFF000  }
0x103: {  	_ =	swait.ge [sflag:s30], $0x1000  }
0x104: {  	[sflag:s30] =	ssyncset.done $0x0  }
0x105: {  	[sflag:s30] =	ssyncadd.s32 $0xFFFFF000  }
0x106: {  	_ =	swait.ge [sflag:s30], $0x1000  }
0x107: {  	[sflag:s30] =	ssyncset.done $0x0  }
0x108: {  	[sflag:s30] =	ssyncadd.s32 $0xFFFFF000  }
0x109: {  	_ =	swait.ge [sflag:s30], $0x1000  }
0x10a: {  	[sflag:s30] =	ssyncset.done $0x0  }
0x10b: {  	[sflag:s30] =	ssyncadd.s32 $0xFFFFF000  }
0x10c: {  	_ =	swait.ge [sflag:s30], $0x1000  }
0x10d: {  	[sflag:s30] =	ssyncset.done $0x0  }
0x10e: {  	[sflag:s30] =	ssyncadd.s32 $0xFFFFF000  }
0x10f: {  	_ =	swait.ge [sflag:s30], $0x1000  }
0x110: {  	[sflag:s30] =	ssyncset.done $0x0  }
0x111: {  	[sflag:s30] =	ssyncadd.s32 $0xFFFFF000  }
0x112: {  	_ =	swait.ge [sflag:s30], $0x1000  }
0x113: {  	[sflag:s30] =	ssyncset.done $0x0  }
0x114: {  	[sflag:s30] =	ssyncadd.s32 $0xFFFFF000  }
0x115: {  	_ =	swait.ge [sflag:s30], $0x1000  }
0x116: {  	[sflag:s30] =	ssyncset.done $0x0  }
0x117: {  	[sflag:s30] =	ssyncadd.s32 $0xFFFFF000  }
0x118: {  	_ =	swait.ge [sflag:s30], $0x1000  }
0x119: {  	[sflag:s30] =	ssyncset.done $0x0  }
0x11a: {  	s0 =	rddreg [dreg:$0xd];
	[sflag:s30] =	ssyncadd.s32 $0xFFFFF000  }
0x11b: {  	[hbm4b:s0+s14] =	stream.strided.scatter [tilespmem:s20], [sflag:$0x4], $0x1000, s15, s14, $0x38;
	[tilespmem:$0x15900] =	vst v63  }
0x11c: {  	s31 =	rddreg [dreg:$0xe]  }
0x11d: {  	[hbm4b:s31+s14] =	stream.strided.scatter [tilespmem:s21], [sflag:$0x4], $0x1000, s15, s14, $0x38;
	[tilespmem:$0x15900] =	vst v63  }
0x11e: {  	s0 =	rddreg [dreg:$0xf]  }
0x11f: {  	[hbm4b:s0+s14] =	stream.strided.scatter [tilespmem:s22], [sflag:$0x4], $0x1000, s15, s14, $0x38;
	[tilespmem:$0x15900] =	vst v63  }
0x120: {  	s31 =	rddreg [dreg:$0x10]  }
0x121: {  	[hbm4b:s31+s14] =	stream.strided.scatter [tilespmem:s23], [sflag:$0x4], $0x1000, s15, s14, $0x38;
	[tilespmem:$0x15900] =	vst v63  }
0x122: {  	s0 =	rddreg [dreg:$0x11]  }
0x123: {  	[hbm4b:s0+s14] =	stream.strided.scatter [tilespmem:s24], [sflag:$0x4], $0x1000, s15, s14, $0x38;
	[tilespmem:$0x15900] =	vst v63  }
0x124: {  	s31 =	rddreg [dreg:$0x12]  }
0x125: {  	[hbm4b:s31+s14] =	stream.strided.scatter [tilespmem:s25], [sflag:$0x4], $0x1000, s15, s14, $0x38;
	[tilespmem:$0x15900] =	vst v63  }
0x126: {  	s0 =	rddreg [dreg:$0x13]  }
0x127: {  	[hbm4b:s0+s14] =	stream.strided.scatter [tilespmem:s26], [sflag:$0x4], $0x1000, s15, s14, $0x38;
	[tilespmem:$0x15900] =	vst v63  }
0x128: {  	s31 =	rddreg [dreg:$0x14]  }
0x129: {  	[hbm4b:s31+s14] =	stream.strided.scatter [tilespmem:s3], [sflag:$0x4], $0x1000, s15, s14, $0x38;
	[tilespmem:$0x15900] =	vst v63  }
0x12a: {  	s0 =	rddreg [dreg:$0x15]  }
0x12b: {  	[hbm4b:s0+s14] =	stream.strided.scatter [tilespmem:s28], [sflag:$0x4], $0x1000, s15, s14, $0x38;
	[tilespmem:$0x15900] =	vst v63  }
0x12c: {  	s31 =	rddreg [dreg:$0x16]  }
0x12d: {  	[hbm4b:s31+s14] =	stream.strided.scatter [tilespmem:s1], [sflag:$0x4], $0x1000, s15, s14, $0x38;
	[tilespmem:$0x15900] =	vst v63  }
0x12e: {  	_ =	swait.ge [sflag:s13], $0x1000  }
0x12f: {  	[sflag:s13] =	ssyncset.done $0x0  }
0x130: {  	[sflag:s13] =	ssyncadd.s32 $0xFFFFF000  }
0x131: {  	_ =	swait.ge [sflag:s13], $0x1000  }
0x132: {  	[sflag:s13] =	ssyncset.done $0x0  }
0x133: {  	[sflag:s13] =	ssyncadd.s32 $0xFFFFF000  }
0x134: {  	_ =	swait.ge [sflag:s13], $0x1000  }
0x135: {  	[sflag:s13] =	ssyncset.done $0x0  }
0x136: {  	[sflag:s13] =	ssyncadd.s32 $0xFFFFF000  }
0x137: {  	_ =	swait.ge [sflag:s13], $0x1000  }
0x138: {  	[sflag:s13] =	ssyncset.done $0x0  }
0x139: {  	[sflag:s13] =	ssyncadd.s32 $0xFFFFF000  }
0x13a: {  	_ =	swait.ge [sflag:s13], $0x1000  }
0x13b: {  	[sflag:s13] =	ssyncset.done $0x0  }
0x13c: {  	[sflag:s13] =	ssyncadd.s32 $0xFFFFF000  }
0x13d: {  	_ =	swait.ge [sflag:s13], $0x1000  }
0x13e: {  	[sflag:s13] =	ssyncset.done $0x0  }
0x13f: {  	[sflag:s13] =	ssyncadd.s32 $0xFFFFF000  }
0x140: {  	_ =	swait.ge [sflag:s13], $0x1000  }
0x141: {  	[sflag:s13] =	ssyncset.done $0x0  }
0x142: {  	[sflag:s13] =	ssyncadd.s32 $0xFFFFF000  }
0x143: {  	_ =	swait.ge [sflag:s13], $0x1000  }
0x144: {  	[sflag:s13] =	ssyncset.done $0x0  }
0x145: {  	[sflag:s13] =	ssyncadd.s32 $0xFFFFF000  }
0x146: {  	_ =	swait.ge [sflag:s13], $0x1000  }
0x147: {  	[sflag:s13] =	ssyncset.done $0x0  }
0x148: {  	[sflag:s13] =	ssyncadd.s32 $0xFFFFF000  }
0x149: {  	_ =	swait.ge [sflag:s13], $0x1000  }
0x14a: {  	s0 =	sld [smem:$0x7EB]  }
0x14b: {  	[sflag:s13] =	ssyncset.done $0x0  }
0x14c: {  	s31 =	sld [smem:$0x7EC];
	[sflag:s13] =	ssyncadd.s32 $0xFFFFF000  }
0x14d: {  	[tilespmem:s20], [sflag:$0x2] =	stream.indirect.gather [hbm4b:s17+s18], $0x20, s0, s18, $0xb8;
	[tilespmem:$0x15900] =	vst v63  }
0x14e: {  	_ = 	snop  }
0x14f: {  	[tilespmem:s21], [sflag:$0x2] =	stream.indirect.gather [hbm4b:s17+s18], $0x20, s31, s18, $0xb8;
	[tilespmem:$0x15900] =	vst v63  }
0x150: {  	s0 =	sld [smem:$0x7ED]  }
0x151: {  	[tilespmem:s22], [sflag:$0x2] =	stream.indirect.gather [hbm4b:s17+s18], $0x20, s19, s18, $0xb8;
	[tilespmem:$0x15900] =	vst v63  }
0x152: {  	s31 =	sld [smem:$0x7EE]  }
0x153: {  	[tilespmem:s23], [sflag:$0x2] =	stream.indirect.gather [hbm4b:s17+s18], $0x20, s0, s18, $0xb8;
	[tilespmem:$0x15900] =	vst v63  }
0x154: {  	s19 =	sld [smem:$0x7EF]  }
0x155: {  	[tilespmem:s24], [sflag:$0x2] =	stream.indirect.gather [hbm4b:s17+s18], $0x20, s31, s18, $0xb8;
	[tilespmem:$0x15900] =	vst v63  }
0x156: {  	s31 =	sld [smem:$0x7F0]  }
0x157: {  	[tilespmem:s25], [sflag:$0x2] =	stream.indirect.gather [hbm4b:s17+s18], $0x20, s19, s18, $0xb8;
	[tilespmem:$0x15900] =	vst v63  }
0x158: {  	s19 =	sld [smem:$0x7F1]  }
0x159: {  	[tilespmem:s26], [sflag:$0x2] =	stream.indirect.gather [hbm4b:s17+s18], $0x20, s31, s18, $0xb8;
	[tilespmem:$0x15900] =	vst v63  }
0x15a: {  	s31 =	sld [smem:$0x7F2]  }
0x15b: {  	[tilespmem:s3], [sflag:$0x2] =	stream.indirect.gather [hbm4b:s17+s18], $0x20, s19, s18, $0xb8;
	[tilespmem:$0x15900] =	vst v63  }
0x15c: {  	s19 =	sld [smem:$0x7F3]  }
0x15d: {  	[tilespmem:s28], [sflag:$0x2] =	stream.indirect.gather [hbm4b:s17+s18], $0x20, s31, s18, $0xb8;
	[tilespmem:$0x15900] =	vst v63  }
0x15e: {  	_ = 	snop  }
0x15f: {  	[tilespmem:s1], [sflag:$0x2] =	stream.indirect.gather [hbm4b:s17+s18], $0x20, s19, s18, $0xb8;
	[tilespmem:$0x15900] =	vst v63  }
0x160: {  	_ =	swait.ge [sflag:s16], $0x1000  }
0x161: {  	[sflag:s16] =	ssyncset.done $0x0  }
0x162: {  	[sflag:s16] =	ssyncadd.s32 $0xFFFFF000  }
0x163: {  	_ =	swait.ge [sflag:s16], $0x1000  }
0x164: {  	[sflag:s16] =	ssyncset.done $0x0  }
0x165: {  	[sflag:s16] =	ssyncadd.s32 $0xFFFFF000  }
0x166: {  	_ =	swait.ge [sflag:s16], $0x1000  }
0x167: {  	[sflag:s16] =	ssyncset.done $0x0  }
0x168: {  	[sflag:s16] =	ssyncadd.s32 $0xFFFFF000  }
0x169: {  	_ =	swait.ge [sflag:s16], $0x1000  }
0x16a: {  	[sflag:s16] =	ssyncset.done $0x0  }
0x16b: {  	[sflag:s16] =	ssyncadd.s32 $0xFFFFF000  }
0x16c: {  	_ =	swait.ge [sflag:s16], $0x1000  }
0x16d: {  	[sflag:s16] =	ssyncset.done $0x0  }
0x16e: {  	[sflag:s16] =	ssyncadd.s32 $0xFFFFF000  }
0x16f: {  	_ =	swait.ge [sflag:s16], $0x1000  }
0x170: {  	[sflag:s16] =	ssyncset.done $0x0  }
0x171: {  	[sflag:s16] =	ssyncadd.s32 $0xFFFFF000  }
0x172: {  	_ =	swait.ge [sflag:s16], $0x1000  }
0x173: {  	[sflag:s16] =	ssyncset.done $0x0  }
0x174: {  	[sflag:s16] =	ssyncadd.s32 $0xFFFFF000  }
0x175: {  	_ =	swait.ge [sflag:s16], $0x1000  }
0x176: {  	[sflag:s16] =	ssyncset.done $0x0  }
0x177: {  	[sflag:s16] =	ssyncadd.s32 $0xFFFFF000  }
0x178: {  	_ =	swait.ge [sflag:s16], $0x1000  }
0x179: {  	[sflag:s16] =	ssyncset.done $0x0  }
0x17a: {  	[sflag:s16] =	ssyncadd.s32 $0xFFFFF000  }
0x17b: {  	_ =	swait.ge [sflag:s16], $0x1000  }
0x17c: {  	s19 =	rddreg [dreg:$0x17];
	[sflag:s16] =	ssyncset.done $0x0  }
0x17d: {  	s31 =	rddreg [dreg:$0x18];
	[sflag:s16] =	ssyncadd.s32 $0xFFFFF000  }
0x17e: {  	[hbm4b:s19+s14] =	stream.strided.scatter [tilespmem:s4], [sflag:$0x3], $0x1000, s15, s14, $0x38;
	[tilespmem:$0x15900] =	vst v63  }
0x17f: {  	s19 =	rddreg [dreg:$0x19]  }
0x180: {  	[hbm4b:s31+s14] =	stream.strided.scatter [tilespmem:s5], [sflag:$0x3], $0x1000, s15, s14, $0x38;
	[tilespmem:$0x15900] =	vst v63  }
0x181: {  	s31 =	rddreg [dreg:$0x1a]  }
0x182: {  	[hbm4b:s19+s14] =	stream.strided.scatter [tilespmem:s6], [sflag:$0x3], $0x1000, s15, s14, $0x38;
	[tilespmem:$0x15900] =	vst v63  }
0x183: {  	s19 =	rddreg [dreg:$0x1b]  }
0x184: {  	[hbm4b:s31+s14] =	stream.strided.scatter [tilespmem:s7], [sflag:$0x3], $0x1000, s15, s14, $0x38;
	[tilespmem:$0x15900] =	vst v63  }
0x185: {  	s31 =	rddreg [dreg:$0x1c]  }
0x186: {  	[hbm4b:s19+s14] =	stream.strided.scatter [tilespmem:s8], [sflag:$0x3], $0x1000, s15, s14, $0x38;
	[tilespmem:$0x15900] =	vst v63  }
0x187: {  	s19 =	rddreg [dreg:$0x1d]  }
0x188: {  	[hbm4b:s31+s14] =	stream.strided.scatter [tilespmem:s9], [sflag:$0x3], $0x1000, s15, s14, $0x38;
	[tilespmem:$0x15900] =	vst v63  }
0x189: {  	s31 =	rddreg [dreg:$0x1e]  }
0x18a: {  	[hbm4b:s19+s14] =	stream.strided.scatter [tilespmem:s10], [sflag:$0x3], $0x1000, s15, s14, $0x38;
	[tilespmem:$0x15900] =	vst v63  }
0x18b: {  	s19 =	rddreg [dreg:$0x1f]  }
0x18c: {  	[hbm4b:s31+s14] =	stream.strided.scatter [tilespmem:s11], [sflag:$0x3], $0x1000, s15, s14, $0x38;
	[tilespmem:$0x15900] =	vst v63  }
0x18d: {  	s31 =	sld [smem:$0x7B9]  }
0x18e: {  	[hbm4b:s19+s14] =	stream.strided.scatter [tilespmem:s12], [sflag:$0x3], $0x1000, s15, s14, $0x38;
	[tilespmem:$0x15900] =	vst v63  }
0x18f: {  	_ = 	snop  }
0x190: {  	[hbm4b:s31+s14] =	stream.strided.scatter [tilespmem:s29], [sflag:$0x3], $0x1000, s15, s14, $0x38;
	[tilespmem:$0x15900] =	vst v63  }
0x191: {  	_ =	swait.ge [sflag:s2], $0x1000  }
0x192: {  	[sflag:s2] =	ssyncset.done $0x0  }
0x193: {  	[sflag:s2] =	ssyncadd.s32 $0xFFFFF000  }
0x194: {  	_ =	swait.ge [sflag:s2], $0x1000  }
0x195: {  	[sflag:s2] =	ssyncset.done $0x0  }
0x196: {  	[sflag:s2] =	ssyncadd.s32 $0xFFFFF000  }
0x197: {  	_ =	swait.ge [sflag:s2], $0x1000  }
0x198: {  	[sflag:s2] =	ssyncset.done $0x0  }
0x199: {  	[sflag:s2] =	ssyncadd.s32 $0xFFFFF000  }
0x19a: {  	_ =	swait.ge [sflag:s2], $0x1000  }
0x19b: {  	[sflag:s2] =	ssyncset.done $0x0  }
0x19c: {  	[sflag:s2] =	ssyncadd.s32 $0xFFFFF000  }
0x19d: {  	_ =	swait.ge [sflag:s2], $0x1000  }
0x19e: {  	[sflag:s2] =	ssyncset.done $0x0  }
0x19f: {  	[sflag:s2] =	ssyncadd.s32 $0xFFFFF000  }
0x1a0: {  	_ =	swait.ge [sflag:s2], $0x1000  }
0x1a1: {  	[sflag:s2] =	ssyncset.done $0x0  }
0x1a2: {  	[sflag:s2] =	ssyncadd.s32 $0xFFFFF000  }
0x1a3: {  	_ =	swait.ge [sflag:s2], $0x1000  }
0x1a4: {  	[sflag:s2] =	ssyncset.done $0x0  }
0x1a5: {  	[sflag:s2] =	ssyncadd.s32 $0xFFFFF000  }
0x1a6: {  	_ =	swait.ge [sflag:s2], $0x1000  }
0x1a7: {  	[sflag:s2] =	ssyncset.done $0x0  }
0x1a8: {  	[sflag:s2] =	ssyncadd.s32 $0xFFFFF000  }
0x1a9: {  	_ =	swait.ge [sflag:s2], $0x1000  }
0x1aa: {  	[sflag:s2] =	ssyncset.done $0x0  }
0x1ab: {  	[sflag:s2] =	ssyncadd.s32 $0xFFFFF000  }
0x1ac: {  	_ =	swait.ge [sflag:s2], $0x1000  }
0x1ad: {  	s19 =	sld [smem:$0x7F4]  }
0x1ae: {  	[sflag:s2] =	ssyncset.done $0x0  }
0x1af: {  	s31 =	sld [smem:$0x7F5];
	[sflag:s2] =	ssyncadd.s32 $0xFFFFF000  }
0x1b0: {  	[tilespmem:s4], [sflag:$0x1] =	stream.indirect.gather [hbm4b:s17+s18], $0x20, s19, s18, $0xb8;
	[tilespmem:$0x15900] =	vst v63  }
0x1b1: {  	s19 =	sld [smem:$0x7F6]  }
0x1b2: {  	[tilespmem:s5], [sflag:$0x1] =	stream.indirect.gather [hbm4b:s17+s18], $0x20, s31, s18, $0xb8;
	[tilespmem:$0x15900] =	vst v63  }
0x1b3: {  	s31 =	sld [smem:$0x7F7]  }
0x1b4: {  	[tilespmem:s6], [sflag:$0x1] =	stream.indirect.gather [hbm4b:s17+s18], $0x20, s19, s18, $0xb8;
	[tilespmem:$0x15900] =	vst v63  }
0x1b5: {  	s19 =	sld [smem:$0x7F8]  }
0x1b6: {  	[tilespmem:s7], [sflag:$0x1] =	stream.indirect.gather [hbm4b:s17+s18], $0x20, s31, s18, $0xb8;
	[tilespmem:$0x15900] =	vst v63  }
0x1b7: {  	s31 =	sld [smem:$0x7F9]  }
0x1b8: {  	[tilespmem:s8], [sflag:$0x1] =	stream.indirect.gather [hbm4b:s17+s18], $0x20, s19, s18, $0xb8;
	[tilespmem:$0x15900] =	vst v63  }
0x1b9: {  	s19 =	sld [smem:$0x7FA]  }
0x1ba: {  	[tilespmem:s9], [sflag:$0x1] =	stream.indirect.gather [hbm4b:s17+s18], $0x20, s31, s18, $0xb8;
	[tilespmem:$0x15900] =	vst v63  }
0x1bb: {  	s31 =	sld [smem:$0x7FB]  }
0x1bc: {  	[tilespmem:s10], [sflag:$0x1] =	stream.indirect.gather [hbm4b:s17+s18], $0x20, s19, s18, $0xb8;
	[tilespmem:$0x15900] =	vst v63  }
0x1bd: {  	s19 =	sld [smem:$0x7FC]  }
0x1be: {  	[tilespmem:s11], [sflag:$0x1] =	stream.indirect.gather [hbm4b:s17+s18], $0x20, s31, s18, $0xb8;
	[tilespmem:$0x15900] =	vst v63  }
0x1bf: {  	s31 =	sld [smem:$0x7FD]  }
0x1c0: {  	[tilespmem:s12], [sflag:$0x1] =	stream.indirect.gather [hbm4b:s17+s18], $0x20, s19, s18, $0xb8;
	[tilespmem:$0x15900] =	vst v63  }
0x1c1: {  	_ = 	snop  }
0x1c2: {  	[tilespmem:s29], [sflag:$0x1] =	stream.indirect.gather [hbm4b:s17+s18], $0x20, s31, s18, $0xb8;
	[tilespmem:$0x15900] =	vst v63  }
0x1c3: {  	_ =	swait.ge [sflag:s30], $0x1000  }
0x1c4: {  	[sflag:s30] =	ssyncset.done $0x0  }
0x1c5: {  	[sflag:s30] =	ssyncadd.s32 $0xFFFFF000  }
0x1c6: {  	_ =	swait.ge [sflag:s30], $0x1000  }
0x1c7: {  	[sflag:s30] =	ssyncset.done $0x0  }
0x1c8: {  	[sflag:s30] =	ssyncadd.s32 $0xFFFFF000  }
0x1c9: {  	_ =	swait.ge [sflag:s30], $0x1000  }
0x1ca: {  	[sflag:s30] =	ssyncset.done $0x0  }
0x1cb: {  	[sflag:s30] =	ssyncadd.s32 $0xFFFFF000  }
0x1cc: {  	_ =	swait.ge [sflag:s30], $0x1000  }
0x1cd: {  	[sflag:s30] =	ssyncset.done $0x0  }
0x1ce: {  	[sflag:s30] =	ssyncadd.s32 $0xFFFFF000  }
0x1cf: {  	_ =	swait.ge [sflag:s30], $0x1000  }
0x1d0: {  	[sflag:s30] =	ssyncset.done $0x0  }
0x1d1: {  	[sflag:s30] =	ssyncadd.s32 $0xFFFFF000  }
0x1d2: {  	_ =	swait.ge [sflag:s30], $0x1000  }
0x1d3: {  	[sflag:s30] =	ssyncset.done $0x0  }
0x1d4: {  	[sflag:s30] =	ssyncadd.s32 $0xFFFFF000  }
0x1d5: {  	_ =	swait.ge [sflag:s30], $0x1000  }
0x1d6: {  	[sflag:s30] =	ssyncset.done $0x0  }
0x1d7: {  	[sflag:s30] =	ssyncadd.s32 $0xFFFFF000  }
0x1d8: {  	_ =	swait.ge [sflag:s30], $0x1000  }
0x1d9: {  	[sflag:s30] =	ssyncset.done $0x0  }
0x1da: {  	[sflag:s30] =	ssyncadd.s32 $0xFFFFF000  }
0x1db: {  	_ =	swait.ge [sflag:s30], $0x1000  }
0x1dc: {  	[sflag:s30] =	ssyncset.done $0x0  }
0x1dd: {  	[sflag:s30] =	ssyncadd.s32 $0xFFFFF000  }
0x1de: {  	_ =	swait.ge [sflag:s30], $0x1000  }
0x1df: {  	s19 =	sld [smem:$0x7BA]  }
0x1e0: {  	[sflag:s30] =	ssyncset.done $0x0  }
0x1e1: {  	s31 =	sld [smem:$0x7BB];
	[sflag:s30] =	ssyncadd.s32 $0xFFFFF000  }
0x1e2: {  	[hbm4b:s19+s14] =	stream.strided.scatter [tilespmem:s20], [sflag:$0x4], $0x1000, s15, s14, $0x38;
	[tilespmem:$0x15900] =	vst v63  }
0x1e3: {  	s19 =	sld [smem:$0x7BC]  }
0x1e4: {  	[hbm4b:s31+s14] =	stream.strided.scatter [tilespmem:s21], [sflag:$0x4], $0x1000, s15, s14, $0x38;
	[tilespmem:$0x15900] =	vst v63  }
0x1e5: {  	s31 =	sld [smem:$0x7BD]  }
0x1e6: {  	[hbm4b:s19+s14] =	stream.strided.scatter [tilespmem:s22], [sflag:$0x4], $0x1000, s15, s14, $0x38;
	[tilespmem:$0x15900] =	vst v63  }
0x1e7: {  	s20 =	sld [smem:$0x7BE]  }
0x1e8: {  	[hbm4b:s31+s14] =	stream.strided.scatter [tilespmem:s23], [sflag:$0x4], $0x1000, s15, s14, $0x38;
	[tilespmem:$0x15900] =	vst v63  }
0x1e9: {  	s31 =	sld [smem:$0x7BF]  }
0x1ea: {  	[hbm4b:s20+s14] =	stream.strided.scatter [tilespmem:s24], [sflag:$0x4], $0x1000, s15, s14, $0x38;
	[tilespmem:$0x15900] =	vst v63  }
0x1eb: {  	s21 =	sld [smem:$0x7C0]  }
0x1ec: {  	[hbm4b:s31+s14] =	stream.strided.scatter [tilespmem:s25], [sflag:$0x4], $0x1000, s15, s14, $0x38;
	[tilespmem:$0x15900] =	vst v63  }
0x1ed: {  	s31 =	sld [smem:$0x7C1]  }
0x1ee: {  	[hbm4b:s21+s14] =	stream.strided.scatter [tilespmem:s26], [sflag:$0x4], $0x1000, s15, s14, $0x38;
	[tilespmem:$0x15900] =	vst v63  }
0x1ef: {  	s22 =	sld [smem:$0x7C2]  }
0x1f0: {  	[hbm4b:s31+s14] =	stream.strided.scatter [tilespmem:s3], [sflag:$0x4], $0x1000, s15, s14, $0x38;
	[tilespmem:$0x15900] =	vst v63  }
0x1f1: {  	s31 =	sld [smem:$0x7C3]  }
0x1f2: {  	[hbm4b:s22+s14] =	stream.strided.scatter [tilespmem:s28], [sflag:$0x4], $0x1000, s15, s14, $0x38;
	[tilespmem:$0x15900] =	vst v63  }
0x1f3: {  	_ = 	snop  }
0x1f4: {  	[hbm4b:s31+s14] =	stream.strided.scatter [tilespmem:s1], [sflag:$0x4], $0x1000, s15, s14, $0x38;
	[tilespmem:$0x15900] =	vst v63  }
0x1f5: {  	_ =	swait.ge [sflag:s16], $0x1000  }
0x1f6: {  	[sflag:s16] =	ssyncset.done $0x0  }
0x1f7: {  	[sflag:s16] =	ssyncadd.s32 $0xFFFFF000  }
0x1f8: {  	_ =	swait.ge [sflag:s16], $0x1000  }
0x1f9: {  	[sflag:s16] =	ssyncset.done $0x0  }
0x1fa: {  	[sflag:s16] =	ssyncadd.s32 $0xFFFFF000  }
0x1fb: {  	_ =	swait.ge [sflag:s16], $0x1000  }
0x1fc: {  	[sflag:s16] =	ssyncset.done $0x0  }
0x1fd: {  	[sflag:s16] =	ssyncadd.s32 $0xFFFFF000  }
0x1fe: {  	_ =	swait.ge [sflag:s16], $0x1000  }
0x1ff: {  	[sflag:s16] =	ssyncset.done $0x0  }
0x200: {  	[sflag:s16] =	ssyncadd.s32 $0xFFFFF000  }
0x201: {  	_ =	swait.ge [sflag:s16], $0x1000  }
0x202: {  	[sflag:s16] =	ssyncset.done $0x0  }
0x203: {  	[sflag:s16] =	ssyncadd.s32 $0xFFFFF000  }
0x204: {  	_ =	swait.ge [sflag:s16], $0x1000  }
0x205: {  	[sflag:s16] =	ssyncset.done $0x0  }
0x206: {  	[sflag:s16] =	ssyncadd.s32 $0xFFFFF000  }
0x207: {  	_ =	swait.ge [sflag:s16], $0x1000  }
0x208: {  	[sflag:s16] =	ssyncset.done $0x0  }
0x209: {  	[sflag:s16] =	ssyncadd.s32 $0xFFFFF000  }
0x20a: {  	_ =	swait.ge [sflag:s16], $0x1000  }
0x20b: {  	[sflag:s16] =	ssyncset.done $0x0  }
0x20c: {  	[sflag:s16] =	ssyncadd.s32 $0xFFFFF000  }
0x20d: {  	_ =	swait.ge [sflag:s16], $0x1000  }
0x20e: {  	[sflag:s16] =	ssyncset.done $0x0  }
0x20f: {  	[sflag:s16] =	ssyncadd.s32 $0xFFFFF000  }
0x210: {  	_ =	swait.ge [sflag:s16], $0x1000  }
0x211: {  	s23 =	sld [smem:$0x7C4]  }
0x212: {  	[sflag:s16] =	ssyncset.done $0x0  }
0x213: {  	s31 =	sld [smem:$0x7C5];
	[sflag:s16] =	ssyncadd.s32 $0xFFFFF000  }
0x214: {  	[hbm4b:s23+s14] =	stream.strided.scatter [tilespmem:s4], [sflag:$0x3], $0x1000, s15, s14, $0x38;
	[tilespmem:$0x15900] =	vst v63  }
0x215: {  	s24 =	sld [smem:$0x7C6]  }
0x216: {  	[hbm4b:s31+s14] =	stream.strided.scatter [tilespmem:s5], [sflag:$0x3], $0x1000, s15, s14, $0x38;
	[tilespmem:$0x15900] =	vst v63  }
0x217: {  	s31 =	sld [smem:$0x7C7]  }
0x218: {  	[hbm4b:s24+s14] =	stream.strided.scatter [tilespmem:s6], [sflag:$0x3], $0x1000, s15, s14, $0x38;
	[tilespmem:$0x15900] =	vst v63  }
0x219: {  	s25 =	sld [smem:$0x7C8]  }
0x21a: {  	[hbm4b:s31+s14] =	stream.strided.scatter [tilespmem:s7], [sflag:$0x3], $0x1000, s15, s14, $0x38;
	[tilespmem:$0x15900] =	vst v63  }
0x21b: {  	s31 =	sld [smem:$0x7C9]  }
0x21c: {  	[hbm4b:s25+s14] =	stream.strided.scatter [tilespmem:s8], [sflag:$0x3], $0x1000, s15, s14, $0x38;
	[tilespmem:$0x15900] =	vst v63  }
0x21d: {  	s26 =	sld [smem:$0x7CA]  }
0x21e: {  	[hbm4b:s31+s14] =	stream.strided.scatter [tilespmem:s9], [sflag:$0x3], $0x1000, s15, s14, $0x38;
	[tilespmem:$0x15900] =	vst v63  }
0x21f: {  	s31 =	sld [smem:$0x7CB]  }
0x220: {  	[hbm4b:s26+s14] =	stream.strided.scatter [tilespmem:s10], [sflag:$0x3], $0x1000, s15, s14, $0x38;
	[tilespmem:$0x15900] =	vst v63  }
0x221: {  	s28 =	sld [smem:$0x7CC]  }
0x222: {  	[hbm4b:s31+s14] =	stream.strided.scatter [tilespmem:s11], [sflag:$0x3], $0x1000, s15, s14, $0x38;
	[tilespmem:$0x15900] =	vst v63  }
0x223: {  	s31 =	sld [smem:$0x7CE]  }
0x224: {  	[hbm4b:s28+s14] =	stream.strided.scatter [tilespmem:s12], [sflag:$0x3], $0x1000, s15, s14, $0x38;
	[tilespmem:$0x15900] =	vst v63  }
0x225: {  	_ = 	snop  }
0x226: {  	[hbm4b:s31+s14] =	stream.strided.scatter [tilespmem:s29], [sflag:$0x3], $0x1000, s15, s14, $0x38;
	[tilespmem:$0x15900] =	vst v63  }
0x227: {  	_ =	swait.ge [sflag:s13], $0x1000  }
0x228: {  	[sflag:s13] =	ssyncset.done $0x0  }
0x229: {  	[sflag:s13] =	ssyncadd.s32 $0xFFFFF000  }
0x22a: {  	_ =	swait.ge [sflag:s13], $0x1000  }
0x22b: {  	[sflag:s13] =	ssyncset.done $0x0  }
0x22c: {  	[sflag:s13] =	ssyncadd.s32 $0xFFFFF000  }
0x22d: {  	_ =	swait.ge [sflag:s13], $0x1000  }
0x22e: {  	[sflag:s13] =	ssyncset.done $0x0  }
0x22f: {  	[sflag:s13] =	ssyncadd.s32 $0xFFFFF000  }
0x230: {  	_ =	swait.ge [sflag:s13], $0x1000  }
0x231: {  	[sflag:s13] =	ssyncset.done $0x0  }
0x232: {  	[sflag:s13] =	ssyncadd.s32 $0xFFFFF000  }
0x233: {  	_ =	swait.ge [sflag:s13], $0x1000  }
0x234: {  	[sflag:s13] =	ssyncset.done $0x0  }
0x235: {  	[sflag:s13] =	ssyncadd.s32 $0xFFFFF000  }
0x236: {  	_ =	swait.ge [sflag:s13], $0x1000  }
0x237: {  	[sflag:s13] =	ssyncset.done $0x0  }
0x238: {  	[sflag:s13] =	ssyncadd.s32 $0xFFFFF000  }
0x239: {  	_ =	swait.ge [sflag:s13], $0x1000  }
0x23a: {  	[sflag:s13] =	ssyncset.done $0x0  }
0x23b: {  	[sflag:s13] =	ssyncadd.s32 $0xFFFFF000  }
0x23c: {  	_ =	swait.ge [sflag:s13], $0x1000  }
0x23d: {  	[sflag:s13] =	ssyncset.done $0x0  }
0x23e: {  	[sflag:s13] =	ssyncadd.s32 $0xFFFFF000  }
0x23f: {  	_ =	swait.ge [sflag:s13], $0x1000  }
0x240: {  	[sflag:s13] =	ssyncset.done $0x0  }
0x241: {  	[sflag:s13] =	ssyncadd.s32 $0xFFFFF000  }
0x242: {  	_ =	swait.ge [sflag:s13], $0x1000  }
0x243: {  	[sflag:s13] =	ssyncset.done $0x0  }
0x244: {  	[sflag:s13] =	ssyncadd.s32 $0xFFFFF000  }
0x245: {  	_ =	swait.ge [sflag:s2], $0x1000  }
0x246: {  	[sflag:s2] =	ssyncset.done $0x0  }
0x247: {  	[sflag:s2] =	ssyncadd.s32 $0xFFFFF000  }
0x248: {  	_ =	swait.ge [sflag:s2], $0x1000  }
0x249: {  	[sflag:s2] =	ssyncset.done $0x0  }
0x24a: {  	[sflag:s2] =	ssyncadd.s32 $0xFFFFF000  }
0x24b: {  	_ =	swait.ge [sflag:s2], $0x1000  }
0x24c: {  	[sflag:s2] =	ssyncset.done $0x0  }
0x24d: {  	[sflag:s2] =	ssyncadd.s32 $0xFFFFF000  }
0x24e: {  	_ =	swait.ge [sflag:s2], $0x1000  }
0x24f: {  	[sflag:s2] =	ssyncset.done $0x0  }
0x250: {  	[sflag:s2] =	ssyncadd.s32 $0xFFFFF000  }
0x251: {  	_ =	swait.ge [sflag:s2], $0x1000  }
0x252: {  	[sflag:s2] =	ssyncset.done $0x0  }
0x253: {  	[sflag:s2] =	ssyncadd.s32 $0xFFFFF000  }
0x254: {  	_ =	swait.ge [sflag:s2], $0x1000  }
0x255: {  	[sflag:s2] =	ssyncset.done $0x0  }
0x256: {  	[sflag:s2] =	ssyncadd.s32 $0xFFFFF000  }
0x257: {  	_ =	swait.ge [sflag:s2], $0x1000  }
0x258: {  	[sflag:s2] =	ssyncset.done $0x0  }
0x259: {  	[sflag:s2] =	ssyncadd.s32 $0xFFFFF000  }
0x25a: {  	_ =	swait.ge [sflag:s2], $0x1000  }
0x25b: {  	[sflag:s2] =	ssyncset.done $0x0  }
0x25c: {  	[sflag:s2] =	ssyncadd.s32 $0xFFFFF000  }
0x25d: {  	_ =	swait.ge [sflag:s2], $0x1000  }
0x25e: {  	s29 =	sld [smem:$0x7B8];
	_ =	sdelay $0x2  }
0x25f: {  	p1 =	sne.s32 s29, $0x1  }
.Ltmp1:
0x260: {  	_ = 	snop;
	(pc) =	sbr.rel @!p1 .LBB2_7-.Ltmp1, $4  }
0x261: {  	[sflag:s2] =	ssyncset.done $0x0  }
0x262: {  	[sflag:s2] =	ssyncadd.s32 $0xFFFFF000  }
0x263: {  	p0 =	por $0x1, $0x1;
	s1 =	simm.s32 $0x1000;
	_ =	swait.ge [sflag:s2], $0x1000  }
0x264: {  	s0 =	sadd.s32 $0xFFFFFFFF, s29;
	s31 =	rddreg [dreg:$0x3];
	[sflag:s2] =	ssyncset.done $0x0  }
0x265: {  	s5 =	simm.s32 $0x1900  }
0x266: {  	s6 =	simm.s32 $0x2900;
	s7 =	simm.s32 $0x3900;
	s8 =	simm.s32 $0x4900  }
0x267: {  	s9 =	simm.s32 $0x5900;
	s10 =	simm.s32 $0x6900;
	s11 =	simm.s32 $0x7900  }
0x268: {  	s12 =	simm.s32 $0x8900;
	s20 =	simm.s32 $0x9900;
	s3 =	simm.s32 $0xA900  }
0x269: {  	s21 =	simm.s32 $0xB900;
	s22 =	simm.s32 $0xC900;
	s23 =	simm.s32 $0xD900  }
0x26a: {  	s24 =	simm.s32 $0xE900;
	s25 =	simm.s32 $0xF900;
	s26 =	simm.s32 $0x10900  }
0x26b: {  	s28 =	simm.s32 $0x11900;
	s4 =	simm.s32 $0x12900;
	s29 =	simm.s32 $0x13900  }
.LBB2_4:
0x26c: {  	[sflag:s2] =	ssyncadd.s32 $0xFFFFF000;
	s19 =	simm.s32 $0x0  }
0x26d: {  	[tilespmem:s19], [sflag:$0x5] =	stream.strided.gather [hbm4b:s31+s18], $0x1900, s1, s18, $0x38;
	[tilespmem:$0x15900] =	vst v63  }
0x26e: {  	s1 =	simm.s32 $0x5  }
0x26f: {  	_ =	swait.ge [sflag:s1], $0x1900  }
0x270: {  	[sflag:s1] =	ssyncset.done $0x0  }
0x271: {  	[sflag:s1] =	ssyncadd.s32 $0xFFFFE700  }
0x272: {  	[tilespmem:s5], [sflag:$0x1] =	stream.indirect.gather [hbm4b:s17+s18], $0x20, s19, s18, $0xb8;
	[tilespmem:$0x15900] =	vst v63  }
0x273: {  	s31 =	sld [smem:$0x7CF]  }
0x274: {  	[tilespmem:s6], [sflag:$0x1] =	stream.indirect.gather [hbm4b:s17+s18], $0x20, s18, s18, $0xb8;
	[tilespmem:$0x15900] =	vst v63  }
0x275: {  	s19 =	sld [smem:$0x7D0]  }
0x276: {  	[tilespmem:s7], [sflag:$0x1] =	stream.indirect.gather [hbm4b:s17+s18], $0x20, s31, s18, $0xb8;
	[tilespmem:$0x15900] =	vst v63  }
0x277: {  	s31 =	sld [smem:$0x7D1]  }
0x278: {  	[tilespmem:s8], [sflag:$0x1] =	stream.indirect.gather [hbm4b:s17+s18], $0x20, s19, s18, $0xb8;
	[tilespmem:$0x15900] =	vst v63  }
0x279: {  	s19 =	sld [smem:$0x7D2]  }
0x27a: {  	[tilespmem:s9], [sflag:$0x1] =	stream.indirect.gather [hbm4b:s17+s18], $0x20, s31, s18, $0xb8;
	[tilespmem:$0x15900] =	vst v63  }
0x27b: {  	s31 =	sld [smem:$0x7D3]  }
0x27c: {  	[tilespmem:s10], [sflag:$0x1] =	stream.indirect.gather [hbm4b:s17+s18], $0x20, s19, s18, $0xb8;
	[tilespmem:$0x15900] =	vst v63  }
0x27d: {  	s19 =	sld [smem:$0x7D4]  }
0x27e: {  	[tilespmem:s11], [sflag:$0x1] =	stream.indirect.gather [hbm4b:s17+s18], $0x20, s31, s18, $0xb8;
	[tilespmem:$0x15900] =	vst v63  }
0x27f: {  	s31 =	sld [smem:$0x7D5]  }
0x280: {  	[tilespmem:s12], [sflag:$0x1] =	stream.indirect.gather [hbm4b:s17+s18], $0x20, s19, s18, $0xb8;
	[tilespmem:$0x15900] =	vst v63  }
0x281: {  	s19 =	sld [smem:$0x7D6]  }
0x282: {  	[tilespmem:s20], [sflag:$0x1] =	stream.indirect.gather [hbm4b:s17+s18], $0x20, s31, s18, $0xb8;
	[tilespmem:$0x15900] =	vst v63  }
0x283: {  	s31 =	sld [smem:$0x7D7]  }
0x284: {  	[tilespmem:s3], [sflag:$0x1] =	stream.indirect.gather [hbm4b:s17+s18], $0x20, s19, s18, $0xb8;
	[tilespmem:$0x15900] =	vst v63  }
0x285: {  	s19 =	sld [smem:$0x7D8]  }
0x286: {  	[tilespmem:s21], [sflag:$0x2] =	stream.indirect.gather [hbm4b:s17+s18], $0x20, s31, s18, $0xb8;
	[tilespmem:$0x15900] =	vst v63  }
0x287: {  	s31 =	sld [smem:$0x7D9]  }
0x288: {  	[tilespmem:s22], [sflag:$0x2] =	stream.indirect.gather [hbm4b:s17+s18], $0x20, s19, s18, $0xb8;
	[tilespmem:$0x15900] =	vst v63  }
0x289: {  	s19 =	sld [smem:$0x7DA]  }
0x28a: {  	[tilespmem:s23], [sflag:$0x2] =	stream.indirect.gather [hbm4b:s17+s18], $0x20, s31, s18, $0xb8;
	[tilespmem:$0x15900] =	vst v63  }
0x28b: {  	s31 =	sld [smem:$0x7DB]  }
0x28c: {  	[tilespmem:s24], [sflag:$0x2] =	stream.indirect.gather [hbm4b:s17+s18], $0x20, s19, s18, $0xb8;
	[tilespmem:$0x15900] =	vst v63  }
0x28d: {  	s19 =	sld [smem:$0x7DC]  }
0x28e: {  	[tilespmem:s25], [sflag:$0x2] =	stream.indirect.gather [hbm4b:s17+s18], $0x20, s31, s18, $0xb8;
	[tilespmem:$0x15900] =	vst v63  }
0x28f: {  	s31 =	sld [smem:$0x7DD]  }
0x290: {  	[tilespmem:s26], [sflag:$0x2] =	stream.indirect.gather [hbm4b:s17+s18], $0x20, s19, s18, $0xb8;
	[tilespmem:$0x15900] =	vst v63  }
0x291: {  	s19 =	sld [smem:$0x7DE]  }
0x292: {  	[tilespmem:s28], [sflag:$0x2] =	stream.indirect.gather [hbm4b:s17+s18], $0x20, s31, s18, $0xb8;
	[tilespmem:$0x15900] =	vst v63  }
0x293: {  	s31 =	sld [smem:$0x7DF]  }
0x294: {  	[tilespmem:s4], [sflag:$0x2] =	stream.indirect.gather [hbm4b:s17+s18], $0x20, s19, s18, $0xb8;
	[tilespmem:$0x15900] =	vst v63  }
0x295: {  	s1 =	sld [smem:$0x7E0]  }
0x296: {  	[tilespmem:s29], [sflag:$0x2] =	stream.indirect.gather [hbm4b:s17+s18], $0x20, s31, s18, $0xb8;
	[tilespmem:$0x15900] =	vst v63  }
0x297: {  	s19 =	simm.s32 $0x14900  }
0x298: {  	[tilespmem:s19], [sflag:$0x2] =	stream.indirect.gather [hbm4b:s17+s18], $0x20, s1, s18, $0xb8;
	[tilespmem:$0x15900] =	vst v63  }
0x299: {  	_ =	swait.ge [sflag:s16], $0x1000  }
0x29a: {  	[sflag:s16] =	ssyncset.done $0x0  }
0x29b: {  	[sflag:s16] =	ssyncadd.s32 $0xFFFFF000  }
0x29c: {  	_ =	swait.ge [sflag:s16], $0x1000  }
0x29d: {  	[sflag:s16] =	ssyncset.done $0x0  }
0x29e: {  	[sflag:s16] =	ssyncadd.s32 $0xFFFFF000  }
0x29f: {  	_ =	swait.ge [sflag:s16], $0x1000  }
0x2a0: {  	[sflag:s16] =	ssyncset.done $0x0  }
0x2a1: {  	[sflag:s16] =	ssyncadd.s32 $0xFFFFF000  }
0x2a2: {  	_ =	swait.ge [sflag:s16], $0x1000  }
0x2a3: {  	[sflag:s16] =	ssyncset.done $0x0  }
0x2a4: {  	[sflag:s16] =	ssyncadd.s32 $0xFFFFF000  }
0x2a5: {  	_ =	swait.ge [sflag:s16], $0x1000  }
0x2a6: {  	[sflag:s16] =	ssyncset.done $0x0  }
0x2a7: {  	[sflag:s16] =	ssyncadd.s32 $0xFFFFF000  }
0x2a8: {  	_ =	swait.ge [sflag:s16], $0x1000  }
0x2a9: {  	[sflag:s16] =	ssyncset.done $0x0  }
0x2aa: {  	[sflag:s16] =	ssyncadd.s32 $0xFFFFF000  }
0x2ab: {  	_ =	swait.ge [sflag:s16], $0x1000  }
0x2ac: {  	[sflag:s16] =	ssyncset.done $0x0  }
0x2ad: {  	[sflag:s16] =	ssyncadd.s32 $0xFFFFF000  }
0x2ae: {  	_ =	swait.ge [sflag:s16], $0x1000  }
0x2af: {  	[sflag:s16] =	ssyncset.done $0x0  }
0x2b0: {  	[sflag:s16] =	ssyncadd.s32 $0xFFFFF000  }
0x2b1: {  	_ =	swait.ge [sflag:s16], $0x1000  }
0x2b2: {  	[sflag:s16] =	ssyncset.done $0x0  }
0x2b3: {  	[sflag:s16] =	ssyncadd.s32 $0xFFFFF000  }
0x2b4: {  	_ =	swait.ge [sflag:s16], $0x1000  }
0x2b5: {  	s31 =	sld [smem:$0x7CD]  }
0x2b6: {  	[sflag:s16] =	ssyncset.done $0x0  }
0x2b7: {  	[sflag:s16] =	ssyncadd.s32 $0xFFFFF000  }
0x2b8: {  	[hbm4b:s31+s14] =	stream.strided.scatter [tilespmem:s5], [sflag:$0x3], $0x1000, s15, s14, $0x38;
	[tilespmem:$0x15900] =	vst v63  }
0x2b9: {  	s1 =	rddreg [dreg:$0x4]  }
0x2ba: {  	[hbm4b:s1+s14] =	stream.strided.scatter [tilespmem:s6], [sflag:$0x3], $0x1000, s15, s14, $0x38;
	[tilespmem:$0x15900] =	vst v63  }
0x2bb: {  	s31 =	rddreg [dreg:$0x5]  }
0x2bc: {  	[hbm4b:s31+s14] =	stream.strided.scatter [tilespmem:s7], [sflag:$0x3], $0x1000, s15, s14, $0x38;
	[tilespmem:$0x15900] =	vst v63  }
0x2bd: {  	s1 =	rddreg [dreg:$0x6]  }
0x2be: {  	[hbm4b:s1+s14] =	stream.strided.scatter [tilespmem:s8], [sflag:$0x3], $0x1000, s15, s14, $0x38;
	[tilespmem:$0x15900] =	vst v63  }
0x2bf: {  	s31 =	rddreg [dreg:$0x7]  }
0x2c0: {  	[hbm4b:s31+s14] =	stream.strided.scatter [tilespmem:s9], [sflag:$0x3], $0x1000, s15, s14, $0x38;
	[tilespmem:$0x15900] =	vst v63  }
0x2c1: {  	s1 =	rddreg [dreg:$0x8]  }
0x2c2: {  	[hbm4b:s1+s14] =	stream.strided.scatter [tilespmem:s10], [sflag:$0x3], $0x1000, s15, s14, $0x38;
	[tilespmem:$0x15900] =	vst v63  }
0x2c3: {  	s31 =	rddreg [dreg:$0x9]  }
0x2c4: {  	[hbm4b:s31+s14] =	stream.strided.scatter [tilespmem:s11], [sflag:$0x3], $0x1000, s15, s14, $0x38;
	[tilespmem:$0x15900] =	vst v63  }
0x2c5: {  	s1 =	rddreg [dreg:$0xa]  }
0x2c6: {  	[hbm4b:s1+s14] =	stream.strided.scatter [tilespmem:s12], [sflag:$0x3], $0x1000, s15, s14, $0x38;
	[tilespmem:$0x15900] =	vst v63  }
0x2c7: {  	s31 =	rddreg [dreg:$0xb]  }
0x2c8: {  	[hbm4b:s31+s14] =	stream.strided.scatter [tilespmem:s20], [sflag:$0x3], $0x1000, s15, s14, $0x38;
	[tilespmem:$0x15900] =	vst v63  }
0x2c9: {  	s1 =	rddreg [dreg:$0xc]  }
0x2ca: {  	[hbm4b:s1+s14] =	stream.strided.scatter [tilespmem:s3], [sflag:$0x3], $0x1000, s15, s14, $0x38;
	[tilespmem:$0x15900] =	vst v63  }
0x2cb: {  	_ =	swait.ge [sflag:s2], $0x1000  }
0x2cc: {  	[sflag:s2] =	ssyncset.done $0x0  }
0x2cd: {  	[sflag:s2] =	ssyncadd.s32 $0xFFFFF000  }
0x2ce: {  	_ =	swait.ge [sflag:s2], $0x1000  }
0x2cf: {  	[sflag:s2] =	ssyncset.done $0x0  }
0x2d0: {  	[sflag:s2] =	ssyncadd.s32 $0xFFFFF000  }
0x2d1: {  	_ =	swait.ge [sflag:s2], $0x1000  }
0x2d2: {  	[sflag:s2] =	ssyncset.done $0x0  }
0x2d3: {  	[sflag:s2] =	ssyncadd.s32 $0xFFFFF000  }
0x2d4: {  	_ =	swait.ge [sflag:s2], $0x1000  }
0x2d5: {  	[sflag:s2] =	ssyncset.done $0x0  }
0x2d6: {  	[sflag:s2] =	ssyncadd.s32 $0xFFFFF000  }
0x2d7: {  	_ =	swait.ge [sflag:s2], $0x1000  }
0x2d8: {  	[sflag:s2] =	ssyncset.done $0x0  }
0x2d9: {  	[sflag:s2] =	ssyncadd.s32 $0xFFFFF000  }
0x2da: {  	_ =	swait.ge [sflag:s2], $0x1000  }
0x2db: {  	[sflag:s2] =	ssyncset.done $0x0  }
0x2dc: {  	[sflag:s2] =	ssyncadd.s32 $0xFFFFF000  }
0x2dd: {  	_ =	swait.ge [sflag:s2], $0x1000  }
0x2de: {  	[sflag:s2] =	ssyncset.done $0x0  }
0x2df: {  	[sflag:s2] =	ssyncadd.s32 $0xFFFFF000  }
0x2e0: {  	_ =	swait.ge [sflag:s2], $0x1000  }
0x2e1: {  	[sflag:s2] =	ssyncset.done $0x0  }
0x2e2: {  	[sflag:s2] =	ssyncadd.s32 $0xFFFFF000  }
0x2e3: {  	_ =	swait.ge [sflag:s2], $0x1000  }
0x2e4: {  	[sflag:s2] =	ssyncset.done $0x0  }
0x2e5: {  	[sflag:s2] =	ssyncadd.s32 $0xFFFFF000  }
0x2e6: {  	_ =	swait.ge [sflag:s2], $0x1000  }
0x2e7: {  	s1 =	sld [smem:$0x7E1]  }
0x2e8: {  	[sflag:s2] =	ssyncset.done $0x0  }
0x2e9: {  	s31 =	sld [smem:$0x7E2];
	[sflag:s2] =	ssyncadd.s32 $0xFFFFF000  }
0x2ea: {  	[tilespmem:s5], [sflag:$0x1] =	stream.indirect.gather [hbm4b:s17+s18], $0x20, s1, s18, $0xb8;
	[tilespmem:$0x15900] =	vst v63  }
0x2eb: {  	s1 =	sld [smem:$0x7E3]  }
0x2ec: {  	[tilespmem:s6], [sflag:$0x1] =	stream.indirect.gather [hbm4b:s17+s18], $0x20, s31, s18, $0xb8;
	[tilespmem:$0x15900] =	vst v63  }
0x2ed: {  	s31 =	sld [smem:$0x7E4]  }
0x2ee: {  	[tilespmem:s7], [sflag:$0x1] =	stream.indirect.gather [hbm4b:s17+s18], $0x20, s1, s18, $0xb8;
	[tilespmem:$0x15900] =	vst v63  }
0x2ef: {  	s1 =	sld [smem:$0x7E5]  }
0x2f0: {  	[tilespmem:s8], [sflag:$0x1] =	stream.indirect.gather [hbm4b:s17+s18], $0x20, s31, s18, $0xb8;
	[tilespmem:$0x15900] =	vst v63  }
0x2f1: {  	s31 =	sld [smem:$0x7E6]  }
0x2f2: {  	[tilespmem:s9], [sflag:$0x1] =	stream.indirect.gather [hbm4b:s17+s18], $0x20, s1, s18, $0xb8;
	[tilespmem:$0x15900] =	vst v63  }
0x2f3: {  	s1 =	sld [smem:$0x7E7]  }
0x2f4: {  	[tilespmem:s10], [sflag:$0x1] =	stream.indirect.gather [hbm4b:s17+s18], $0x20, s31, s18, $0xb8;
	[tilespmem:$0x15900] =	vst v63  }
0x2f5: {  	s31 =	sld [smem:$0x7E8]  }
0x2f6: {  	[tilespmem:s11], [sflag:$0x1] =	stream.indirect.gather [hbm4b:s17+s18], $0x20, s1, s18, $0xb8;
	[tilespmem:$0x15900] =	vst v63  }
0x2f7: {  	s1 =	sld [smem:$0x7E9]  }
0x2f8: {  	[tilespmem:s12], [sflag:$0x1] =	stream.indirect.gather [hbm4b:s17+s18], $0x20, s31, s18, $0xb8;
	[tilespmem:$0x15900] =	vst v63  }
0x2f9: {  	s31 =	sld [smem:$0x7EA]  }
0x2fa: {  	[tilespmem:s20], [sflag:$0x1] =	stream.indirect.gather [hbm4b:s17+s18], $0x20, s1, s18, $0xb8;
	[tilespmem:$0x15900] =	vst v63  }
0x2fb: {  	_ = 	snop  }
0x2fc: {  	[tilespmem:s3], [sflag:$0x1] =	stream.indirect.gather [hbm4b:s17+s18], $0x20, s31, s18, $0xb8;
	[tilespmem:$0x15900] =	vst v63  }
0x2fd: {  	_ =	swait.ge [sflag:s30], $0x1000  }
0x2fe: {  	[sflag:s30] =	ssyncset.done $0x0  }
0x2ff: {  	[sflag:s30] =	ssyncadd.s32 $0xFFFFF000  }
0x300: {  	_ =	swait.ge [sflag:s30], $0x1000  }
0x301: {  	[sflag:s30] =	ssyncset.done $0x0  }
0x302: {  	[sflag:s30] =	ssyncadd.s32 $0xFFFFF000  }
0x303: {  	_ =	swait.ge [sflag:s30], $0x1000  }
0x304: {  	[sflag:s30] =	ssyncset.done $0x0  }
0x305: {  	[sflag:s30] =	ssyncadd.s32 $0xFFFFF000  }
0x306: {  	_ =	swait.ge [sflag:s30], $0x1000  }
0x307: {  	[sflag:s30] =	ssyncset.done $0x0  }
0x308: {  	[sflag:s30] =	ssyncadd.s32 $0xFFFFF000  }
0x309: {  	_ =	swait.ge [sflag:s30], $0x1000  }
0x30a: {  	[sflag:s30] =	ssyncset.done $0x0  }
0x30b: {  	[sflag:s30] =	ssyncadd.s32 $0xFFFFF000  }
0x30c: {  	_ =	swait.ge [sflag:s30], $0x1000  }
0x30d: {  	[sflag:s30] =	ssyncset.done $0x0  }
0x30e: {  	[sflag:s30] =	ssyncadd.s32 $0xFFFFF000  }
0x30f: {  	_ =	swait.ge [sflag:s30], $0x1000  }
0x310: {  	[sflag:s30] =	ssyncset.done $0x0  }
0x311: {  	[sflag:s30] =	ssyncadd.s32 $0xFFFFF000  }
0x312: {  	_ =	swait.ge [sflag:s30], $0x1000  }
0x313: {  	[sflag:s30] =	ssyncset.done $0x0  }
0x314: {  	[sflag:s30] =	ssyncadd.s32 $0xFFFFF000  }
0x315: {  	_ =	swait.ge [sflag:s30], $0x1000  }
0x316: {  	[sflag:s30] =	ssyncset.done $0x0  }
0x317: {  	[sflag:s30] =	ssyncadd.s32 $0xFFFFF000  }
0x318: {  	_ =	swait.ge [sflag:s30], $0x1000  }
0x319: {  	[sflag:s30] =	ssyncset.done $0x0  }
0x31a: {  	s1 =	rddreg [dreg:$0xd];
	[sflag:s30] =	ssyncadd.s32 $0xFFFFF000  }
0x31b: {  	[hbm4b:s1+s14] =	stream.strided.scatter [tilespmem:s21], [sflag:$0x4], $0x1000, s15, s14, $0x38;
	[tilespmem:$0x15900] =	vst v63  }
0x31c: {  	s31 =	rddreg [dreg:$0xe]  }
0x31d: {  	[hbm4b:s31+s14] =	stream.strided.scatter [tilespmem:s22], [sflag:$0x4], $0x1000, s15, s14, $0x38;
	[tilespmem:$0x15900] =	vst v63  }
0x31e: {  	s1 =	rddreg [dreg:$0xf]  }
0x31f: {  	[hbm4b:s1+s14] =	stream.strided.scatter [tilespmem:s23], [sflag:$0x4], $0x1000, s15, s14, $0x38;
	[tilespmem:$0x15900] =	vst v63  }
0x320: {  	s31 =	rddreg [dreg:$0x10]  }
0x321: {  	[hbm4b:s31+s14] =	stream.strided.scatter [tilespmem:s24], [sflag:$0x4], $0x1000, s15, s14, $0x38;
	[tilespmem:$0x15900] =	vst v63  }
0x322: {  	s1 =	rddreg [dreg:$0x11]  }
0x323: {  	[hbm4b:s1+s14] =	stream.strided.scatter [tilespmem:s25], [sflag:$0x4], $0x1000, s15, s14, $0x38;
	[tilespmem:$0x15900] =	vst v63  }
0x324: {  	s31 =	rddreg [dreg:$0x12]  }
0x325: {  	[hbm4b:s31+s14] =	stream.strided.scatter [tilespmem:s26], [sflag:$0x4], $0x1000, s15, s14, $0x38;
	[tilespmem:$0x15900] =	vst v63  }
0x326: {  	s1 =	rddreg [dreg:$0x13]  }
0x327: {  	[hbm4b:s1+s14] =	stream.strided.scatter [tilespmem:s28], [sflag:$0x4], $0x1000, s15, s14, $0x38;
	[tilespmem:$0x15900] =	vst v63  }
0x328: {  	s31 =	rddreg [dreg:$0x14]  }
0x329: {  	[hbm4b:s31+s14] =	stream.strided.scatter [tilespmem:s4], [sflag:$0x4], $0x1000, s15, s14, $0x38;
	[tilespmem:$0x15900] =	vst v63  }
0x32a: {  	s1 =	rddreg [dreg:$0x15]  }
0x32b: {  	[hbm4b:s1+s14] =	stream.strided.scatter [tilespmem:s29], [sflag:$0x4], $0x1000, s15, s14, $0x38;
	[tilespmem:$0x15900] =	vst v63  }
0x32c: {  	s31 =	rddreg [dreg:$0x16]  }
0x32d: {  	[hbm4b:s31+s14] =	stream.strided.scatter [tilespmem:s19], [sflag:$0x4], $0x1000, s15, s14, $0x38;
	[tilespmem:$0x15900] =	vst v63  }
0x32e: {  	_ =	swait.ge [sflag:s13], $0x1000  }
0x32f: {  	[sflag:s13] =	ssyncset.done $0x0  }
0x330: {  	[sflag:s13] =	ssyncadd.s32 $0xFFFFF000  }
0x331: {  	_ =	swait.ge [sflag:s13], $0x1000  }
0x332: {  	[sflag:s13] =	ssyncset.done $0x0  }
0x333: {  	[sflag:s13] =	ssyncadd.s32 $0xFFFFF000  }
0x334: {  	_ =	swait.ge [sflag:s13], $0x1000  }
0x335: {  	[sflag:s13] =	ssyncset.done $0x0  }
0x336: {  	[sflag:s13] =	ssyncadd.s32 $0xFFFFF000  }
0x337: {  	_ =	swait.ge [sflag:s13], $0x1000  }
0x338: {  	[sflag:s13] =	ssyncset.done $0x0  }
0x339: {  	[sflag:s13] =	ssyncadd.s32 $0xFFFFF000  }
0x33a: {  	_ =	swait.ge [sflag:s13], $0x1000  }
0x33b: {  	[sflag:s13] =	ssyncset.done $0x0  }
0x33c: {  	[sflag:s13] =	ssyncadd.s32 $0xFFFFF000  }
0x33d: {  	_ =	swait.ge [sflag:s13], $0x1000  }
0x33e: {  	[sflag:s13] =	ssyncset.done $0x0  }
0x33f: {  	[sflag:s13] =	ssyncadd.s32 $0xFFFFF000  }
0x340: {  	_ =	swait.ge [sflag:s13], $0x1000  }
0x341: {  	[sflag:s13] =	ssyncset.done $0x0  }
0x342: {  	[sflag:s13] =	ssyncadd.s32 $0xFFFFF000  }
0x343: {  	_ =	swait.ge [sflag:s13], $0x1000  }
0x344: {  	[sflag:s13] =	ssyncset.done $0x0  }
0x345: {  	[sflag:s13] =	ssyncadd.s32 $0xFFFFF000  }
0x346: {  	_ =	swait.ge [sflag:s13], $0x1000  }
0x347: {  	[sflag:s13] =	ssyncset.done $0x0  }
0x348: {  	[sflag:s13] =	ssyncadd.s32 $0xFFFFF000  }
0x349: {  	_ =	swait.ge [sflag:s13], $0x1000  }
0x34a: {  	s1 =	sld [smem:$0x7EB]  }
0x34b: {  	[sflag:s13] =	ssyncset.done $0x0  }
0x34c: {  	s31 =	sld [smem:$0x7EC];
	[sflag:s13] =	ssyncadd.s32 $0xFFFFF000  }
0x34d: {  	[tilespmem:s21], [sflag:$0x2] =	stream.indirect.gather [hbm4b:s17+s18], $0x20, s1, s18, $0xb8;
	[tilespmem:$0x15900] =	vst v63  }
0x34e: {  	_ = 	snop  }
0x34f: {  	[tilespmem:s22], [sflag:$0x2] =	stream.indirect.gather [hbm4b:s17+s18], $0x20, s31, s18, $0xb8;
	[tilespmem:$0x15900] =	vst v63  }
0x350: {  	s1 =	sld [smem:$0x7ED];
	s31 =	simm.s32 $0x1000  }
0x351: {  	[tilespmem:s23], [sflag:$0x2] =	stream.indirect.gather [hbm4b:s17+s18], $0x20, s31, s18, $0xb8;
	[tilespmem:$0x15900] =	vst v63  }
0x352: {  	s31 =	sld [smem:$0x7EE]  }
0x353: {  	[tilespmem:s24], [sflag:$0x2] =	stream.indirect.gather [hbm4b:s17+s18], $0x20, s1, s18, $0xb8;
	[tilespmem:$0x15900] =	vst v63  }
0x354: {  	s1 =	sld [smem:$0x7EF]  }
0x355: {  	[tilespmem:s25], [sflag:$0x2] =	stream.indirect.gather [hbm4b:s17+s18], $0x20, s31, s18, $0xb8;
	[tilespmem:$0x15900] =	vst v63  }
0x356: {  	s31 =	sld [smem:$0x7F0]  }
0x357: {  	[tilespmem:s26], [sflag:$0x2] =	stream.indirect.gather [hbm4b:s17+s18], $0x20, s1, s18, $0xb8;
	[tilespmem:$0x15900] =	vst v63  }
0x358: {  	s1 =	sld [smem:$0x7F1]  }
0x359: {  	[tilespmem:s28], [sflag:$0x2] =	stream.indirect.gather [hbm4b:s17+s18], $0x20, s31, s18, $0xb8;
	[tilespmem:$0x15900] =	vst v63  }
0x35a: {  	s31 =	sld [smem:$0x7F2]  }
0x35b: {  	[tilespmem:s4], [sflag:$0x2] =	stream.indirect.gather [hbm4b:s17+s18], $0x20, s1, s18, $0xb8;
	[tilespmem:$0x15900] =	vst v63  }
0x35c: {  	s1 =	sld [smem:$0x7F3]  }
0x35d: {  	[tilespmem:s29], [sflag:$0x2] =	stream.indirect.gather [hbm4b:s17+s18], $0x20, s31, s18, $0xb8;
	[tilespmem:$0x15900] =	vst v63  }
0x35e: {  	_ = 	snop  }
0x35f: {  	[tilespmem:s19], [sflag:$0x2] =	stream.indirect.gather [hbm4b:s17+s18], $0x20, s1, s18, $0xb8;
	[tilespmem:$0x15900] =	vst v63  }
0x360: {  	_ =	swait.ge [sflag:s16], $0x1000  }
0x361: {  	[sflag:s16] =	ssyncset.done $0x0  }
0x362: {  	[sflag:s16] =	ssyncadd.s32 $0xFFFFF000  }
0x363: {  	_ =	swait.ge [sflag:s16], $0x1000  }
0x364: {  	[sflag:s16] =	ssyncset.done $0x0  }
0x365: {  	[sflag:s16] =	ssyncadd.s32 $0xFFFFF000  }
0x366: {  	_ =	swait.ge [sflag:s16], $0x1000  }
0x367: {  	[sflag:s16] =	ssyncset.done $0x0  }
0x368: {  	[sflag:s16] =	ssyncadd.s32 $0xFFFFF000  }
0x369: {  	_ =	swait.ge [sflag:s16], $0x1000  }
0x36a: {  	[sflag:s16] =	ssyncset.done $0x0  }
0x36b: {  	[sflag:s16] =	ssyncadd.s32 $0xFFFFF000  }
0x36c: {  	_ =	swait.ge [sflag:s16], $0x1000  }
0x36d: {  	[sflag:s16] =	ssyncset.done $0x0  }
0x36e: {  	[sflag:s16] =	ssyncadd.s32 $0xFFFFF000  }
0x36f: {  	_ =	swait.ge [sflag:s16], $0x1000  }
0x370: {  	[sflag:s16] =	ssyncset.done $0x0  }
0x371: {  	[sflag:s16] =	ssyncadd.s32 $0xFFFFF000  }
0x372: {  	_ =	swait.ge [sflag:s16], $0x1000  }
0x373: {  	[sflag:s16] =	ssyncset.done $0x0  }
0x374: {  	[sflag:s16] =	ssyncadd.s32 $0xFFFFF000  }
0x375: {  	_ =	swait.ge [sflag:s16], $0x1000  }
0x376: {  	[sflag:s16] =	ssyncset.done $0x0  }
0x377: {  	[sflag:s16] =	ssyncadd.s32 $0xFFFFF000  }
0x378: {  	_ =	swait.ge [sflag:s16], $0x1000  }
0x379: {  	[sflag:s16] =	ssyncset.done $0x0  }
0x37a: {  	[sflag:s16] =	ssyncadd.s32 $0xFFFFF000  }
0x37b: {  	_ =	swait.ge [sflag:s16], $0x1000  }
0x37c: {  	s1 =	rddreg [dreg:$0x17];
	[sflag:s16] =	ssyncset.done $0x0  }
0x37d: {  	s31 =	rddreg [dreg:$0x18];
	[sflag:s16] =	ssyncadd.s32 $0xFFFFF000  }
0x37e: {  	[hbm4b:s1+s14] =	stream.strided.scatter [tilespmem:s5], [sflag:$0x3], $0x1000, s15, s14, $0x38;
	[tilespmem:$0x15900] =	vst v63  }
0x37f: {  	s1 =	rddreg [dreg:$0x19]  }
0x380: {  	[hbm4b:s31+s14] =	stream.strided.scatter [tilespmem:s6], [sflag:$0x3], $0x1000, s15, s14, $0x38;
	[tilespmem:$0x15900] =	vst v63  }
0x381: {  	s31 =	rddreg [dreg:$0x1a]  }
0x382: {  	[hbm4b:s1+s14] =	stream.strided.scatter [tilespmem:s7], [sflag:$0x3], $0x1000, s15, s14, $0x38;
	[tilespmem:$0x15900] =	vst v63  }
0x383: {  	s1 =	rddreg [dreg:$0x1b]  }
0x384: {  	[hbm4b:s31+s14] =	stream.strided.scatter [tilespmem:s8], [sflag:$0x3], $0x1000, s15, s14, $0x38;
	[tilespmem:$0x15900] =	vst v63  }
0x385: {  	s31 =	rddreg [dreg:$0x1c]  }
0x386: {  	[hbm4b:s1+s14] =	stream.strided.scatter [tilespmem:s9], [sflag:$0x3], $0x1000, s15, s14, $0x38;
	[tilespmem:$0x15900] =	vst v63  }
0x387: {  	s1 =	rddreg [dreg:$0x1d]  }
0x388: {  	[hbm4b:s31+s14] =	stream.strided.scatter [tilespmem:s10], [sflag:$0x3], $0x1000, s15, s14, $0x38;
	[tilespmem:$0x15900] =	vst v63  }
0x389: {  	s31 =	rddreg [dreg:$0x1e]  }
0x38a: {  	[hbm4b:s1+s14] =	stream.strided.scatter [tilespmem:s11], [sflag:$0x3], $0x1000, s15, s14, $0x38;
	[tilespmem:$0x15900] =	vst v63  }
0x38b: {  	s1 =	rddreg [dreg:$0x1f]  }
0x38c: {  	[hbm4b:s31+s14] =	stream.strided.scatter [tilespmem:s12], [sflag:$0x3], $0x1000, s15, s14, $0x38;
	[tilespmem:$0x15900] =	vst v63  }
0x38d: {  	s31 =	sld [smem:$0x7B9]  }
0x38e: {  	[hbm4b:s1+s14] =	stream.strided.scatter [tilespmem:s20], [sflag:$0x3], $0x1000, s15, s14, $0x38;
	[tilespmem:$0x15900] =	vst v63  }
0x38f: {  	_ = 	snop  }
0x390: {  	[hbm4b:s31+s14] =	stream.strided.scatter [tilespmem:s3], [sflag:$0x3], $0x1000, s15, s14, $0x38;
	[tilespmem:$0x15900] =	vst v63  }
0x391: {  	_ =	swait.ge [sflag:s2], $0x1000  }
0x392: {  	[sflag:s2] =	ssyncset.done $0x0  }
0x393: {  	[sflag:s2] =	ssyncadd.s32 $0xFFFFF000  }
0x394: {  	_ =	swait.ge [sflag:s2], $0x1000  }
0x395: {  	[sflag:s2] =	ssyncset.done $0x0  }
0x396: {  	[sflag:s2] =	ssyncadd.s32 $0xFFFFF000  }
0x397: {  	_ =	swait.ge [sflag:s2], $0x1000  }
0x398: {  	[sflag:s2] =	ssyncset.done $0x0  }
0x399: {  	[sflag:s2] =	ssyncadd.s32 $0xFFFFF000  }
0x39a: {  	_ =	swait.ge [sflag:s2], $0x1000  }
0x39b: {  	[sflag:s2] =	ssyncset.done $0x0  }
0x39c: {  	[sflag:s2] =	ssyncadd.s32 $0xFFFFF000  }
0x39d: {  	_ =	swait.ge [sflag:s2], $0x1000  }
0x39e: {  	[sflag:s2] =	ssyncset.done $0x0  }
0x39f: {  	[sflag:s2] =	ssyncadd.s32 $0xFFFFF000  }
0x3a0: {  	_ =	swait.ge [sflag:s2], $0x1000  }
0x3a1: {  	[sflag:s2] =	ssyncset.done $0x0  }
0x3a2: {  	[sflag:s2] =	ssyncadd.s32 $0xFFFFF000  }
0x3a3: {  	_ =	swait.ge [sflag:s2], $0x1000  }
0x3a4: {  	[sflag:s2] =	ssyncset.done $0x0  }
0x3a5: {  	[sflag:s2] =	ssyncadd.s32 $0xFFFFF000  }
0x3a6: {  	_ =	swait.ge [sflag:s2], $0x1000  }
0x3a7: {  	[sflag:s2] =	ssyncset.done $0x0  }
0x3a8: {  	[sflag:s2] =	ssyncadd.s32 $0xFFFFF000  }
0x3a9: {  	_ =	swait.ge [sflag:s2], $0x1000  }
0x3aa: {  	[sflag:s2] =	ssyncset.done $0x0  }
0x3ab: {  	[sflag:s2] =	ssyncadd.s32 $0xFFFFF000  }
0x3ac: {  	_ =	swait.ge [sflag:s2], $0x1000  }
0x3ad: {  	s1 =	sld [smem:$0x7F4]  }
0x3ae: {  	[sflag:s2] =	ssyncset.done $0x0  }
0x3af: {  	s31 =	sld [smem:$0x7F5];
	[sflag:s2] =	ssyncadd.s32 $0xFFFFF000  }
0x3b0: {  	[tilespmem:s5], [sflag:$0x1] =	stream.indirect.gather [hbm4b:s17+s18], $0x20, s1, s18, $0xb8;
	[tilespmem:$0x15900] =	vst v63  }
0x3b1: {  	s1 =	sld [smem:$0x7F6]  }
0x3b2: {  	[tilespmem:s6], [sflag:$0x1] =	stream.indirect.gather [hbm4b:s17+s18], $0x20, s31, s18, $0xb8;
	[tilespmem:$0x15900] =	vst v63  }
0x3b3: {  	s31 =	sld [smem:$0x7F7]  }
0x3b4: {  	[tilespmem:s7], [sflag:$0x1] =	stream.indirect.gather [hbm4b:s17+s18], $0x20, s1, s18, $0xb8;
	[tilespmem:$0x15900] =	vst v63  }
0x3b5: {  	s1 =	sld [smem:$0x7F8]  }
0x3b6: {  	[tilespmem:s8], [sflag:$0x1] =	stream.indirect.gather [hbm4b:s17+s18], $0x20, s31, s18, $0xb8;
	[tilespmem:$0x15900] =	vst v63  }
0x3b7: {  	s31 =	sld [smem:$0x7F9]  }
0x3b8: {  	[tilespmem:s9], [sflag:$0x1] =	stream.indirect.gather [hbm4b:s17+s18], $0x20, s1, s18, $0xb8;
	[tilespmem:$0x15900] =	vst v63  }
0x3b9: {  	s1 =	sld [smem:$0x7FA]  }
0x3ba: {  	[tilespmem:s10], [sflag:$0x1] =	stream.indirect.gather [hbm4b:s17+s18], $0x20, s31, s18, $0xb8;
	[tilespmem:$0x15900] =	vst v63  }
0x3bb: {  	s31 =	sld [smem:$0x7FB]  }
0x3bc: {  	[tilespmem:s11], [sflag:$0x1] =	stream.indirect.gather [hbm4b:s17+s18], $0x20, s1, s18, $0xb8;
	[tilespmem:$0x15900] =	vst v63  }
0x3bd: {  	s1 =	sld [smem:$0x7FC]  }
0x3be: {  	[tilespmem:s12], [sflag:$0x1] =	stream.indirect.gather [hbm4b:s17+s18], $0x20, s31, s18, $0xb8;
	[tilespmem:$0x15900] =	vst v63  }
0x3bf: {  	s31 =	sld [smem:$0x7FD]  }
0x3c0: {  	[tilespmem:s20], [sflag:$0x1] =	stream.indirect.gather [hbm4b:s17+s18], $0x20, s1, s18, $0xb8;
	[tilespmem:$0x15900] =	vst v63  }
0x3c1: {  	_ = 	snop  }
0x3c2: {  	[tilespmem:s3], [sflag:$0x1] =	stream.indirect.gather [hbm4b:s17+s18], $0x20, s31, s18, $0xb8;
	[tilespmem:$0x15900] =	vst v63  }
0x3c3: {  	_ =	swait.ge [sflag:s30], $0x1000  }
0x3c4: {  	[sflag:s30] =	ssyncset.done $0x0  }
0x3c5: {  	[sflag:s30] =	ssyncadd.s32 $0xFFFFF000  }
0x3c6: {  	_ =	swait.ge [sflag:s30], $0x1000  }
0x3c7: {  	[sflag:s30] =	ssyncset.done $0x0  }
0x3c8: {  	[sflag:s30] =	ssyncadd.s32 $0xFFFFF000  }
0x3c9: {  	_ =	swait.ge [sflag:s30], $0x1000  }
0x3ca: {  	[sflag:s30] =	ssyncset.done $0x0  }
0x3cb: {  	[sflag:s30] =	ssyncadd.s32 $0xFFFFF000  }
0x3cc: {  	_ =	swait.ge [sflag:s30], $0x1000  }
0x3cd: {  	[sflag:s30] =	ssyncset.done $0x0  }
0x3ce: {  	[sflag:s30] =	ssyncadd.s32 $0xFFFFF000  }
0x3cf: {  	_ =	swait.ge [sflag:s30], $0x1000  }
0x3d0: {  	[sflag:s30] =	ssyncset.done $0x0  }
0x3d1: {  	[sflag:s30] =	ssyncadd.s32 $0xFFFFF000  }
0x3d2: {  	_ =	swait.ge [sflag:s30], $0x1000  }
0x3d3: {  	[sflag:s30] =	ssyncset.done $0x0  }
0x3d4: {  	[sflag:s30] =	ssyncadd.s32 $0xFFFFF000  }
0x3d5: {  	_ =	swait.ge [sflag:s30], $0x1000  }
0x3d6: {  	[sflag:s30] =	ssyncset.done $0x0  }
0x3d7: {  	[sflag:s30] =	ssyncadd.s32 $0xFFFFF000  }
0x3d8: {  	_ =	swait.ge [sflag:s30], $0x1000  }
0x3d9: {  	[sflag:s30] =	ssyncset.done $0x0  }
0x3da: {  	[sflag:s30] =	ssyncadd.s32 $0xFFFFF000  }
0x3db: {  	_ =	swait.ge [sflag:s30], $0x1000  }
0x3dc: {  	[sflag:s30] =	ssyncset.done $0x0  }
0x3dd: {  	[sflag:s30] =	ssyncadd.s32 $0xFFFFF000  }
0x3de: {  	_ =	swait.ge [sflag:s30], $0x1000  }
0x3df: {  	s1 =	sld [smem:$0x7BA]  }
0x3e0: {  	[sflag:s30] =	ssyncset.done $0x0  }
0x3e1: {  	s31 =	sld [smem:$0x7BB];
	[sflag:s30] =	ssyncadd.s32 $0xFFFFF000  }
0x3e2: {  	[hbm4b:s1+s14] =	stream.strided.scatter [tilespmem:s21], [sflag:$0x4], $0x1000, s15, s14, $0x38;
	[tilespmem:$0x15900] =	vst v63  }
0x3e3: {  	s1 =	sld [smem:$0x7BC]  }
0x3e4: {  	[hbm4b:s31+s14] =	stream.strided.scatter [tilespmem:s22], [sflag:$0x4], $0x1000, s15, s14, $0x38;
	[tilespmem:$0x15900] =	vst v63  }
0x3e5: {  	s31 =	sld [smem:$0x7BD]  }
0x3e6: {  	[hbm4b:s1+s14] =	stream.strided.scatter [tilespmem:s23], [sflag:$0x4], $0x1000, s15, s14, $0x38;
	[tilespmem:$0x15900] =	vst v63  }
0x3e7: {  	s1 =	sld [smem:$0x7BE]  }
0x3e8: {  	[hbm4b:s31+s14] =	stream.strided.scatter [tilespmem:s24], [sflag:$0x4], $0x1000, s15, s14, $0x38;
	[tilespmem:$0x15900] =	vst v63  }
0x3e9: {  	s31 =	sld [smem:$0x7BF]  }
0x3ea: {  	[hbm4b:s1+s14] =	stream.strided.scatter [tilespmem:s25], [sflag:$0x4], $0x1000, s15, s14, $0x38;
	[tilespmem:$0x15900] =	vst v63  }
0x3eb: {  	s1 =	sld [smem:$0x7C0]  }
0x3ec: {  	[hbm4b:s31+s14] =	stream.strided.scatter [tilespmem:s26], [sflag:$0x4], $0x1000, s15, s14, $0x38;
	[tilespmem:$0x15900] =	vst v63  }
0x3ed: {  	s31 =	sld [smem:$0x7C1]  }
0x3ee: {  	[hbm4b:s1+s14] =	stream.strided.scatter [tilespmem:s28], [sflag:$0x4], $0x1000, s15, s14, $0x38;
	[tilespmem:$0x15900] =	vst v63  }
0x3ef: {  	s1 =	sld [smem:$0x7C2]  }
0x3f0: {  	[hbm4b:s31+s14] =	stream.strided.scatter [tilespmem:s4], [sflag:$0x4], $0x1000, s15, s14, $0x38;
	[tilespmem:$0x15900] =	vst v63  }
0x3f1: {  	s31 =	sld [smem:$0x7C3]  }
0x3f2: {  	[hbm4b:s1+s14] =	stream.strided.scatter [tilespmem:s29], [sflag:$0x4], $0x1000, s15, s14, $0x38;
	[tilespmem:$0x15900] =	vst v63  }
0x3f3: {  	_ = 	snop  }
0x3f4: {  	[hbm4b:s31+s14] =	stream.strided.scatter [tilespmem:s19], [sflag:$0x4], $0x1000, s15, s14, $0x38;
	[tilespmem:$0x15900] =	vst v63  }
0x3f5: {  	_ =	swait.ge [sflag:s16], $0x1000  }
0x3f6: {  	[sflag:s16] =	ssyncset.done $0x0  }
0x3f7: {  	[sflag:s16] =	ssyncadd.s32 $0xFFFFF000  }
0x3f8: {  	_ =	swait.ge [sflag:s16], $0x1000  }
0x3f9: {  	[sflag:s16] =	ssyncset.done $0x0  }
0x3fa: {  	[sflag:s16] =	ssyncadd.s32 $0xFFFFF000  }
0x3fb: {  	_ =	swait.ge [sflag:s16], $0x1000  }
0x3fc: {  	[sflag:s16] =	ssyncset.done $0x0  }
0x3fd: {  	[sflag:s16] =	ssyncadd.s32 $0xFFFFF000  }
0x3fe: {  	_ =	swait.ge [sflag:s16], $0x1000  }
0x3ff: {  	[sflag:s16] =	ssyncset.done $0x0  }
0x400: {  	[sflag:s16] =	ssyncadd.s32 $0xFFFFF000  }
0x401: {  	_ =	swait.ge [sflag:s16], $0x1000  }
0x402: {  	[sflag:s16] =	ssyncset.done $0x0  }
0x403: {  	[sflag:s16] =	ssyncadd.s32 $0xFFFFF000  }
0x404: {  	_ =	swait.ge [sflag:s16], $0x1000  }
0x405: {  	[sflag:s16] =	ssyncset.done $0x0  }
0x406: {  	[sflag:s16] =	ssyncadd.s32 $0xFFFFF000  }
0x407: {  	_ =	swait.ge [sflag:s16], $0x1000  }
0x408: {  	[sflag:s16] =	ssyncset.done $0x0  }
0x409: {  	[sflag:s16] =	ssyncadd.s32 $0xFFFFF000  }
0x40a: {  	_ =	swait.ge [sflag:s16], $0x1000  }
0x40b: {  	[sflag:s16] =	ssyncset.done $0x0  }
0x40c: {  	[sflag:s16] =	ssyncadd.s32 $0xFFFFF000  }
0x40d: {  	_ =	swait.ge [sflag:s16], $0x1000  }
0x40e: {  	[sflag:s16] =	ssyncset.done $0x0  }
0x40f: {  	[sflag:s16] =	ssyncadd.s32 $0xFFFFF000  }
0x410: {  	_ =	swait.ge [sflag:s16], $0x1000  }
0x411: {  	s19 =	sld [smem:$0x7C4]  }
0x412: {  	[sflag:s16] =	ssyncset.done $0x0  }
0x413: {  	s31 =	sld [smem:$0x7C5];
	[sflag:s16] =	ssyncadd.s32 $0xFFFFF000  }
0x414: {  	[hbm4b:s19+s14] =	stream.strided.scatter [tilespmem:s5], [sflag:$0x3], $0x1000, s15, s14, $0x38;
	[tilespmem:$0x15900] =	vst v63  }
0x415: {  	s19 =	sld [smem:$0x7C6]  }
0x416: {  	[hbm4b:s31+s14] =	stream.strided.scatter [tilespmem:s6], [sflag:$0x3], $0x1000, s15, s14, $0x38;
	[tilespmem:$0x15900] =	vst v63  }
0x417: {  	s31 =	sld [smem:$0x7C7]  }
0x418: {  	[hbm4b:s19+s14] =	stream.strided.scatter [tilespmem:s7], [sflag:$0x3], $0x1000, s15, s14, $0x38;
	[tilespmem:$0x15900] =	vst v63  }
0x419: {  	s19 =	sld [smem:$0x7C8]  }
0x41a: {  	[hbm4b:s31+s14] =	stream.strided.scatter [tilespmem:s8], [sflag:$0x3], $0x1000, s15, s14, $0x38;
	[tilespmem:$0x15900] =	vst v63  }
0x41b: {  	s31 =	sld [smem:$0x7C9]  }
0x41c: {  	[hbm4b:s19+s14] =	stream.strided.scatter [tilespmem:s9], [sflag:$0x3], $0x1000, s15, s14, $0x38;
	[tilespmem:$0x15900] =	vst v63  }
0x41d: {  	s19 =	sld [smem:$0x7CA]  }
0x41e: {  	[hbm4b:s31+s14] =	stream.strided.scatter [tilespmem:s10], [sflag:$0x3], $0x1000, s15, s14, $0x38;
	[tilespmem:$0x15900] =	vst v63  }
0x41f: {  	s31 =	sld [smem:$0x7CB]  }
0x420: {  	[hbm4b:s19+s14] =	stream.strided.scatter [tilespmem:s11], [sflag:$0x3], $0x1000, s15, s14, $0x38;
	[tilespmem:$0x15900] =	vst v63  }
0x421: {  	s19 =	sld [smem:$0x7CC]  }
0x422: {  	[hbm4b:s31+s14] =	stream.strided.scatter [tilespmem:s12], [sflag:$0x3], $0x1000, s15, s14, $0x38;
	[tilespmem:$0x15900] =	vst v63  }
0x423: {  	s31 =	sld [smem:$0x7CE]  }
0x424: {  	[hbm4b:s19+s14] =	stream.strided.scatter [tilespmem:s20], [sflag:$0x3], $0x1000, s15, s14, $0x38;
	[tilespmem:$0x15900] =	vst v63  }
0x425: {  	_ = 	snop  }
0x426: {  	[hbm4b:s31+s14] =	stream.strided.scatter [tilespmem:s3], [sflag:$0x3], $0x1000, s15, s14, $0x38;
	[tilespmem:$0x15900] =	vst v63  }
0x427: {  	_ =	swait.ge [sflag:s13], $0x1000  }
0x428: {  	[sflag:s13] =	ssyncset.done $0x0  }
0x429: {  	[sflag:s13] =	ssyncadd.s32 $0xFFFFF000  }
0x42a: {  	_ =	swait.ge [sflag:s13], $0x1000  }
0x42b: {  	[sflag:s13] =	ssyncset.done $0x0  }
0x42c: {  	[sflag:s13] =	ssyncadd.s32 $0xFFFFF000  }
0x42d: {  	_ =	swait.ge [sflag:s13], $0x1000  }
0x42e: {  	[sflag:s13] =	ssyncset.done $0x0  }
0x42f: {  	[sflag:s13] =	ssyncadd.s32 $0xFFFFF000  }
0x430: {  	_ =	swait.ge [sflag:s13], $0x1000  }
0x431: {  	[sflag:s13] =	ssyncset.done $0x0  }
0x432: {  	[sflag:s13] =	ssyncadd.s32 $0xFFFFF000  }
0x433: {  	_ =	swait.ge [sflag:s13], $0x1000  }
0x434: {  	[sflag:s13] =	ssyncset.done $0x0  }
0x435: {  	[sflag:s13] =	ssyncadd.s32 $0xFFFFF000  }
0x436: {  	_ =	swait.ge [sflag:s13], $0x1000  }
0x437: {  	[sflag:s13] =	ssyncset.done $0x0  }
0x438: {  	[sflag:s13] =	ssyncadd.s32 $0xFFFFF000  }
0x439: {  	_ =	swait.ge [sflag:s13], $0x1000  }
0x43a: {  	[sflag:s13] =	ssyncset.done $0x0  }
0x43b: {  	[sflag:s13] =	ssyncadd.s32 $0xFFFFF000  }
0x43c: {  	_ =	swait.ge [sflag:s13], $0x1000  }
0x43d: {  	[sflag:s13] =	ssyncset.done $0x0  }
0x43e: {  	[sflag:s13] =	ssyncadd.s32 $0xFFFFF000  }
0x43f: {  	_ =	swait.ge [sflag:s13], $0x1000  }
0x440: {  	[sflag:s13] =	ssyncset.done $0x0  }
0x441: {  	[sflag:s13] =	ssyncadd.s32 $0xFFFFF000  }
0x442: {  	_ =	swait.ge [sflag:s13], $0x1000  }
0x443: {  	[sflag:s13] =	ssyncset.done $0x0  }
0x444: {  	[sflag:s13] =	ssyncadd.s32 $0xFFFFF000  }
0x445: {  	_ =	swait.ge [sflag:s2], $0x1000  }
0x446: {  	[sflag:s2] =	ssyncset.done $0x0  }
0x447: {  	[sflag:s2] =	ssyncadd.s32 $0xFFFFF000  }
0x448: {  	_ =	swait.ge [sflag:s2], $0x1000  }
0x449: {  	[sflag:s2] =	ssyncset.done $0x0  }
0x44a: {  	[sflag:s2] =	ssyncadd.s32 $0xFFFFF000  }
0x44b: {  	_ =	swait.ge [sflag:s2], $0x1000  }
0x44c: {  	[sflag:s2] =	ssyncset.done $0x0  }
0x44d: {  	[sflag:s2] =	ssyncadd.s32 $0xFFFFF000  }
0x44e: {  	_ =	swait.ge [sflag:s2], $0x1000  }
0x44f: {  	[sflag:s2] =	ssyncset.done $0x0  }
0x450: {  	[sflag:s2] =	ssyncadd.s32 $0xFFFFF000  }
0x451: {  	_ =	swait.ge [sflag:s2], $0x1000  }
0x452: {  	[sflag:s2] =	ssyncset.done $0x0  }
0x453: {  	[sflag:s2] =	ssyncadd.s32 $0xFFFFF000  }
0x454: {  	_ =	swait.ge [sflag:s2], $0x1000  }
0x455: {  	[sflag:s2] =	ssyncset.done $0x0  }
0x456: {  	[sflag:s2] =	ssyncadd.s32 $0xFFFFF000  }
0x457: {  	_ =	swait.ge [sflag:s2], $0x1000  }
0x458: {  	[sflag:s2] =	ssyncset.done $0x0  }
0x459: {  	[sflag:s2] =	ssyncadd.s32 $0xFFFFF000  }
0x45a: {  	_ =	swait.ge [sflag:s2], $0x1000  }
0x45b: {  	[sflag:s2] =	ssyncset.done $0x0  }
0x45c: {  	p1 =	sne.s32 s0, $0x1;
	[sflag:s2] =	ssyncadd.s32 $0xFFFFF000  }
.Ltmp2:
0x45d: {  	_ =	swait.ge [sflag:s2], $0x1000;
	(pc) =	sbr.rel @p1 .LBB2_4-.Ltmp2, $4  }
0x45e: {  	[sflag:s2] =	ssyncset.done $0x0  }
0x45f: {  	[sflag:s2] =	ssyncadd.s32 $0xFFFFF000  }
0x460: {  	s0 =	sadd.s32 $0xFFFFFFFF, s0;
	_ =	swait.ge [sflag:s2], $0x1000  }
0x461: {  	s1 =	simm.s32 $0x1000;
	s31 =	rddreg [dreg:$0x3];
	[sflag:s2] =	ssyncset.done $0x0  }
0x462: {  	s3 =	simm.s32 $0x12900;
	s4 =	simm.s32 $0x1900  }
0x463: {  	s5 =	simm.s32 $0x2900;
	s6 =	simm.s32 $0x3900;
	s7 =	simm.s32 $0x4900  }
0x464: {  	s8 =	simm.s32 $0x5900;
	s9 =	simm.s32 $0x6900;
	s10 =	simm.s32 $0x7900  }
0x465: {  	s11 =	simm.s32 $0x8900;
	s12 =	simm.s32 $0x9900;
	s29 =	simm.s32 $0xA900  }
.LBB2_6:
0x466: {  	[sflag:s2] =	ssyncadd.s32 @p0 $0xFFFFF000;
	s0 =	simm.s32 $0x0;
	s20 =	simm.s32 $0x5  }
0x467: {  	[tilespmem:s0], [sflag:$0x5] =	stream.strided.gather [hbm4b:s31+s18], $0x1900, s1, s18, $0x38;
	[tilespmem:$0x15900] =	vst v63  }
0x468: {  	_ =	swait.ge [sflag:s20], $0x1900  }
0x469: {  	[sflag:s20] =	ssyncset.done $0x0  }
0x46a: {  	[sflag:s20] =	ssyncadd.s32 $0xFFFFE700  }
0x46b: {  	[tilespmem:s4], [sflag:$0x1] =	stream.indirect.gather [hbm4b:s17+s18], $0x20, s0, s18, $0xb8;
	[tilespmem:$0x15900] =	vst v63  }
0x46c: {  	s21 =	sld [smem:$0x7CF]  }
0x46d: {  	[tilespmem:s5], [sflag:$0x1] =	stream.indirect.gather [hbm4b:s17+s18], $0x20, s18, s18, $0xb8;
	[tilespmem:$0x15900] =	vst v63  }
0x46e: {  	s22 =	sld [smem:$0x7D0]  }
0x46f: {  	[tilespmem:s6], [sflag:$0x1] =	stream.indirect.gather [hbm4b:s17+s18], $0x20, s21, s18, $0xb8;
	[tilespmem:$0x15900] =	vst v63  }
0x470: {  	s23 =	sld [smem:$0x7D1]  }
0x471: {  	[tilespmem:s7], [sflag:$0x1] =	stream.indirect.gather [hbm4b:s17+s18], $0x20, s22, s18, $0xb8;
	[tilespmem:$0x15900] =	vst v63  }
0x472: {  	s24 =	sld [smem:$0x7D2]  }
0x473: {  	[tilespmem:s8], [sflag:$0x1] =	stream.indirect.gather [hbm4b:s17+s18], $0x20, s23, s18, $0xb8;
	[tilespmem:$0x15900] =	vst v63  }
0x474: {  	s25 =	sld [smem:$0x7D3]  }
0x475: {  	[tilespmem:s9], [sflag:$0x1] =	stream.indirect.gather [hbm4b:s17+s18], $0x20, s24, s18, $0xb8;
	[tilespmem:$0x15900] =	vst v63  }
0x476: {  	s26 =	sld [smem:$0x7D4]  }
0x477: {  	[tilespmem:s10], [sflag:$0x1] =	stream.indirect.gather [hbm4b:s17+s18], $0x20, s25, s18, $0xb8;
	[tilespmem:$0x15900] =	vst v63  }
0x478: {  	s28 =	sld [smem:$0x7D5]  }
0x479: {  	[tilespmem:s11], [sflag:$0x1] =	stream.indirect.gather [hbm4b:s17+s18], $0x20, s26, s18, $0xb8;
	[tilespmem:$0x15900] =	vst v63  }
0x47a: {  	s31 =	sld [smem:$0x7D6]  }
0x47b: {  	[tilespmem:s12], [sflag:$0x1] =	stream.indirect.gather [hbm4b:s17+s18], $0x20, s28, s18, $0xb8;
	[tilespmem:$0x15900] =	vst v63  }
0x47c: {  	s4 =	sld [smem:$0x7D7]  }
0x47d: {  	[tilespmem:s29], [sflag:$0x1] =	stream.indirect.gather [hbm4b:s17+s18], $0x20, s31, s18, $0xb8;
	[tilespmem:$0x15900] =	vst v63  }
0x47e: {  	s20 =	simm.s32 $0xB900;
	s5 =	sld [smem:$0x7D8]  }
0x47f: {  	[tilespmem:s20], [sflag:$0x2] =	stream.indirect.gather [hbm4b:s17+s18], $0x20, s4, s18, $0xb8;
	[tilespmem:$0x15900] =	vst v63  }
0x480: {  	s6 =	sld [smem:$0x7D9];
	s21 =	simm.s32 $0xC900  }
0x481: {  	[tilespmem:s21], [sflag:$0x2] =	stream.indirect.gather [hbm4b:s17+s18], $0x20, s5, s18, $0xb8;
	[tilespmem:$0x15900] =	vst v63  }
0x482: {  	s7 =	sld [smem:$0x7DA];
	s22 =	simm.s32 $0xD900  }
0x483: {  	[tilespmem:s22], [sflag:$0x2] =	stream.indirect.gather [hbm4b:s17+s18], $0x20, s6, s18, $0xb8;
	[tilespmem:$0x15900] =	vst v63  }
0x484: {  	s8 =	sld [smem:$0x7DB];
	s23 =	simm.s32 $0xE900  }
0x485: {  	[tilespmem:s23], [sflag:$0x2] =	stream.indirect.gather [hbm4b:s17+s18], $0x20, s7, s18, $0xb8;
	[tilespmem:$0x15900] =	vst v63  }
0x486: {  	s9 =	sld [smem:$0x7DC];
	s24 =	simm.s32 $0xF900  }
0x487: {  	[tilespmem:s24], [sflag:$0x2] =	stream.indirect.gather [hbm4b:s17+s18], $0x20, s8, s18, $0xb8;
	[tilespmem:$0x15900] =	vst v63  }
0x488: {  	s10 =	sld [smem:$0x7DD];
	s25 =	simm.s32 $0x10900  }
0x489: {  	[tilespmem:s25], [sflag:$0x2] =	stream.indirect.gather [hbm4b:s17+s18], $0x20, s9, s18, $0xb8;
	[tilespmem:$0x15900] =	vst v63  }
0x48a: {  	s11 =	sld [smem:$0x7DE];
	s26 =	simm.s32 $0x11900  }
0x48b: {  	[tilespmem:s26], [sflag:$0x2] =	stream.indirect.gather [hbm4b:s17+s18], $0x20, s10, s18, $0xb8;
	[tilespmem:$0x15900] =	vst v63  }
0x48c: {  	s12 =	sld [smem:$0x7DF]  }
0x48d: {  	[tilespmem:s3], [sflag:$0x2] =	stream.indirect.gather [hbm4b:s17+s18], $0x20, s11, s18, $0xb8;
	[tilespmem:$0x15900] =	vst v63  }
0x48e: {  	s1 =	sld [smem:$0x7E0];
	s28 =	simm.s32 $0x13900  }
0x48f: {  	[tilespmem:s28], [sflag:$0x2] =	stream.indirect.gather [hbm4b:s17+s18], $0x20, s12, s18, $0xb8;
	[tilespmem:$0x15900] =	vst v63  }
0x490: {  	s29 =	simm.s32 $0x14900  }
0x491: {  	[tilespmem:s29], [sflag:$0x2] =	stream.indirect.gather [hbm4b:s17+s18], $0x20, s1, s18, $0xb8;
	[tilespmem:$0x15900] =	vst v63  }
0x492: {  	_ =	swait.ge [sflag:s16], $0x1000  }
0x493: {  	[sflag:s16] =	ssyncset.done $0x0  }
0x494: {  	[sflag:s16] =	ssyncadd.s32 $0xFFFFF000  }
0x495: {  	_ =	swait.ge [sflag:s16], $0x1000  }
0x496: {  	[sflag:s16] =	ssyncset.done $0x0  }
0x497: {  	[sflag:s16] =	ssyncadd.s32 $0xFFFFF000  }
0x498: {  	_ =	swait.ge [sflag:s16], $0x1000  }
0x499: {  	[sflag:s16] =	ssyncset.done $0x0  }
0x49a: {  	[sflag:s16] =	ssyncadd.s32 $0xFFFFF000  }
0x49b: {  	_ =	swait.ge [sflag:s16], $0x1000  }
0x49c: {  	[sflag:s16] =	ssyncset.done $0x0  }
0x49d: {  	[sflag:s16] =	ssyncadd.s32 $0xFFFFF000  }
0x49e: {  	_ =	swait.ge [sflag:s16], $0x1000  }
0x49f: {  	[sflag:s16] =	ssyncset.done $0x0  }
0x4a0: {  	[sflag:s16] =	ssyncadd.s32 $0xFFFFF000  }
0x4a1: {  	_ =	swait.ge [sflag:s16], $0x1000  }
0x4a2: {  	[sflag:s16] =	ssyncset.done $0x0  }
0x4a3: {  	[sflag:s16] =	ssyncadd.s32 $0xFFFFF000  }
0x4a4: {  	_ =	swait.ge [sflag:s16], $0x1000  }
0x4a5: {  	[sflag:s16] =	ssyncset.done $0x0  }
0x4a6: {  	[sflag:s16] =	ssyncadd.s32 $0xFFFFF000  }
0x4a7: {  	_ =	swait.ge [sflag:s16], $0x1000  }
0x4a8: {  	[sflag:s16] =	ssyncset.done $0x0  }
0x4a9: {  	[sflag:s16] =	ssyncadd.s32 $0xFFFFF000  }
0x4aa: {  	_ =	swait.ge [sflag:s16], $0x1000  }
0x4ab: {  	[sflag:s16] =	ssyncset.done $0x0  }
0x4ac: {  	[sflag:s16] =	ssyncadd.s32 $0xFFFFF000  }
0x4ad: {  	_ =	swait.ge [sflag:s16], $0x1000  }
0x4ae: {  	s1 =	sld [smem:$0x7CD]  }
0x4af: {  	[sflag:s16] =	ssyncset.done $0x0  }
0x4b0: {  	s4 =	simm.s32 $0x1900;
	[sflag:s16] =	ssyncadd.s32 $0xFFFFF000  }
0x4b1: {  	[hbm4b:s1+s14] =	stream.strided.scatter [tilespmem:s4], [sflag:$0x3], $0x1000, s15, s14, $0x38;
	[tilespmem:$0x15900] =	vst v63  }
0x4b2: {  	s5 =	simm.s32 $0x2900;
	s0 =	rddreg [dreg:$0x4]  }
0x4b3: {  	[hbm4b:s0+s14] =	stream.strided.scatter [tilespmem:s5], [sflag:$0x3], $0x1000, s15, s14, $0x38;
	[tilespmem:$0x15900] =	vst v63  }
0x4b4: {  	s6 =	simm.s32 $0x3900;
	s1 =	rddreg [dreg:$0x5]  }
0x4b5: {  	[hbm4b:s1+s14] =	stream.strided.scatter [tilespmem:s6], [sflag:$0x3], $0x1000, s15, s14, $0x38;
	[tilespmem:$0x15900] =	vst v63  }
0x4b6: {  	s7 =	simm.s32 $0x4900;
	s0 =	rddreg [dreg:$0x6]  }
0x4b7: {  	[hbm4b:s0+s14] =	stream.strided.scatter [tilespmem:s7], [sflag:$0x3], $0x1000, s15, s14, $0x38;
	[tilespmem:$0x15900] =	vst v63  }
0x4b8: {  	s8 =	simm.s32 $0x5900;
	s1 =	rddreg [dreg:$0x7]  }
0x4b9: {  	[hbm4b:s1+s14] =	stream.strided.scatter [tilespmem:s8], [sflag:$0x3], $0x1000, s15, s14, $0x38;
	[tilespmem:$0x15900] =	vst v63  }
0x4ba: {  	s9 =	simm.s32 $0x6900;
	s0 =	rddreg [dreg:$0x8]  }
0x4bb: {  	[hbm4b:s0+s14] =	stream.strided.scatter [tilespmem:s9], [sflag:$0x3], $0x1000, s15, s14, $0x38;
	[tilespmem:$0x15900] =	vst v63  }
0x4bc: {  	s10 =	simm.s32 $0x7900;
	s1 =	rddreg [dreg:$0x9]  }
0x4bd: {  	[hbm4b:s1+s14] =	stream.strided.scatter [tilespmem:s10], [sflag:$0x3], $0x1000, s15, s14, $0x38;
	[tilespmem:$0x15900] =	vst v63  }
0x4be: {  	s11 =	simm.s32 $0x8900;
	s0 =	rddreg [dreg:$0xa]  }
0x4bf: {  	[hbm4b:s0+s14] =	stream.strided.scatter [tilespmem:s11], [sflag:$0x3], $0x1000, s15, s14, $0x38;
	[tilespmem:$0x15900] =	vst v63  }
0x4c0: {  	s12 =	simm.s32 $0x9900;
	s1 =	rddreg [dreg:$0xb]  }
0x4c1: {  	[hbm4b:s1+s14] =	stream.strided.scatter [tilespmem:s12], [sflag:$0x3], $0x1000, s15, s14, $0x38;
	[tilespmem:$0x15900] =	vst v63  }
0x4c2: {  	s31 =	simm.s32 $0xA900;
	s0 =	rddreg [dreg:$0xc]  }
0x4c3: {  	[hbm4b:s0+s14] =	stream.strided.scatter [tilespmem:s31], [sflag:$0x3], $0x1000, s15, s14, $0x38;
	[tilespmem:$0x15900] =	vst v63  }
0x4c4: {  	_ =	swait.ge [sflag:s2], $0x1000  }
0x4c5: {  	[sflag:s2] =	ssyncset.done $0x0  }
0x4c6: {  	[sflag:s2] =	ssyncadd.s32 $0xFFFFF000  }
0x4c7: {  	_ =	swait.ge [sflag:s2], $0x1000  }
0x4c8: {  	[sflag:s2] =	ssyncset.done $0x0  }
0x4c9: {  	[sflag:s2] =	ssyncadd.s32 $0xFFFFF000  }
0x4ca: {  	_ =	swait.ge [sflag:s2], $0x1000  }
0x4cb: {  	[sflag:s2] =	ssyncset.done $0x0  }
0x4cc: {  	[sflag:s2] =	ssyncadd.s32 $0xFFFFF000  }
0x4cd: {  	_ =	swait.ge [sflag:s2], $0x1000  }
0x4ce: {  	[sflag:s2] =	ssyncset.done $0x0  }
0x4cf: {  	[sflag:s2] =	ssyncadd.s32 $0xFFFFF000  }
0x4d0: {  	_ =	swait.ge [sflag:s2], $0x1000  }
0x4d1: {  	[sflag:s2] =	ssyncset.done $0x0  }
0x4d2: {  	[sflag:s2] =	ssyncadd.s32 $0xFFFFF000  }
0x4d3: {  	_ =	swait.ge [sflag:s2], $0x1000  }
0x4d4: {  	[sflag:s2] =	ssyncset.done $0x0  }
0x4d5: {  	[sflag:s2] =	ssyncadd.s32 $0xFFFFF000  }
0x4d6: {  	_ =	swait.ge [sflag:s2], $0x1000  }
0x4d7: {  	[sflag:s2] =	ssyncset.done $0x0  }
0x4d8: {  	[sflag:s2] =	ssyncadd.s32 $0xFFFFF000  }
0x4d9: {  	_ =	swait.ge [sflag:s2], $0x1000  }
0x4da: {  	[sflag:s2] =	ssyncset.done $0x0  }
0x4db: {  	[sflag:s2] =	ssyncadd.s32 $0xFFFFF000  }
0x4dc: {  	_ =	swait.ge [sflag:s2], $0x1000  }
0x4dd: {  	[sflag:s2] =	ssyncset.done $0x0  }
0x4de: {  	[sflag:s2] =	ssyncadd.s32 $0xFFFFF000  }
0x4df: {  	_ =	swait.ge [sflag:s2], $0x1000  }
0x4e0: {  	s0 =	sld [smem:$0x7E1]  }
0x4e1: {  	[sflag:s2] =	ssyncset.done $0x0  }
0x4e2: {  	s1 =	sld [smem:$0x7E2];
	[sflag:s2] =	ssyncadd.s32 $0xFFFFF000  }
0x4e3: {  	[tilespmem:s4], [sflag:$0x1] =	stream.indirect.gather [hbm4b:s17+s18], $0x20, s0, s18, $0xb8;
	[tilespmem:$0x15900] =	vst v63  }
0x4e4: {  	s0 =	sld [smem:$0x7E3]  }
0x4e5: {  	[tilespmem:s5], [sflag:$0x1] =	stream.indirect.gather [hbm4b:s17+s18], $0x20, s1, s18, $0xb8;
	[tilespmem:$0x15900] =	vst v63  }
0x4e6: {  	s1 =	sld [smem:$0x7E4]  }
0x4e7: {  	[tilespmem:s6], [sflag:$0x1] =	stream.indirect.gather [hbm4b:s17+s18], $0x20, s0, s18, $0xb8;
	[tilespmem:$0x15900] =	vst v63  }
0x4e8: {  	s0 =	sld [smem:$0x7E5]  }
0x4e9: {  	[tilespmem:s7], [sflag:$0x1] =	stream.indirect.gather [hbm4b:s17+s18], $0x20, s1, s18, $0xb8;
	[tilespmem:$0x15900] =	vst v63  }
0x4ea: {  	s1 =	sld [smem:$0x7E6]  }
0x4eb: {  	[tilespmem:s8], [sflag:$0x1] =	stream.indirect.gather [hbm4b:s17+s18], $0x20, s0, s18, $0xb8;
	[tilespmem:$0x15900] =	vst v63  }
0x4ec: {  	s0 =	sld [smem:$0x7E7]  }
0x4ed: {  	[tilespmem:s9], [sflag:$0x1] =	stream.indirect.gather [hbm4b:s17+s18], $0x20, s1, s18, $0xb8;
	[tilespmem:$0x15900] =	vst v63  }
0x4ee: {  	s1 =	sld [smem:$0x7E8]  }
0x4ef: {  	[tilespmem:s10], [sflag:$0x1] =	stream.indirect.gather [hbm4b:s17+s18], $0x20, s0, s18, $0xb8;
	[tilespmem:$0x15900] =	vst v63  }
0x4f0: {  	s0 =	sld [smem:$0x7E9]  }
0x4f1: {  	[tilespmem:s11], [sflag:$0x1] =	stream.indirect.gather [hbm4b:s17+s18], $0x20, s1, s18, $0xb8;
	[tilespmem:$0x15900] =	vst v63  }
0x4f2: {  	s1 =	sld [smem:$0x7EA]  }
0x4f3: {  	[tilespmem:s12], [sflag:$0x1] =	stream.indirect.gather [hbm4b:s17+s18], $0x20, s0, s18, $0xb8;
	[tilespmem:$0x15900] =	vst v63  }
0x4f4: {  	_ = 	snop  }
0x4f5: {  	[tilespmem:s31], [sflag:$0x1] =	stream.indirect.gather [hbm4b:s17+s18], $0x20, s1, s18, $0xb8;
	[tilespmem:$0x15900] =	vst v63  }
0x4f6: {  	_ =	swait.ge [sflag:s30], $0x1000  }
0x4f7: {  	[sflag:s30] =	ssyncset.done $0x0  }
0x4f8: {  	[sflag:s30] =	ssyncadd.s32 $0xFFFFF000  }
0x4f9: {  	_ =	swait.ge [sflag:s30], $0x1000  }
0x4fa: {  	[sflag:s30] =	ssyncset.done $0x0  }
0x4fb: {  	[sflag:s30] =	ssyncadd.s32 $0xFFFFF000  }
0x4fc: {  	_ =	swait.ge [sflag:s30], $0x1000  }
0x4fd: {  	[sflag:s30] =	ssyncset.done $0x0  }
0x4fe: {  	[sflag:s30] =	ssyncadd.s32 $0xFFFFF000  }
0x4ff: {  	_ =	swait.ge [sflag:s30], $0x1000  }
0x500: {  	[sflag:s30] =	ssyncset.done $0x0  }
0x501: {  	[sflag:s30] =	ssyncadd.s32 $0xFFFFF000  }
0x502: {  	_ =	swait.ge [sflag:s30], $0x1000  }
0x503: {  	[sflag:s30] =	ssyncset.done $0x0  }
0x504: {  	[sflag:s30] =	ssyncadd.s32 $0xFFFFF000  }
0x505: {  	_ =	swait.ge [sflag:s30], $0x1000  }
0x506: {  	[sflag:s30] =	ssyncset.done $0x0  }
0x507: {  	[sflag:s30] =	ssyncadd.s32 $0xFFFFF000  }
0x508: {  	_ =	swait.ge [sflag:s30], $0x1000  }
0x509: {  	[sflag:s30] =	ssyncset.done $0x0  }
0x50a: {  	[sflag:s30] =	ssyncadd.s32 $0xFFFFF000  }
0x50b: {  	_ =	swait.ge [sflag:s30], $0x1000  }
0x50c: {  	[sflag:s30] =	ssyncset.done $0x0  }
0x50d: {  	[sflag:s30] =	ssyncadd.s32 $0xFFFFF000  }
0x50e: {  	_ =	swait.ge [sflag:s30], $0x1000  }
0x50f: {  	[sflag:s30] =	ssyncset.done $0x0  }
0x510: {  	[sflag:s30] =	ssyncadd.s32 $0xFFFFF000  }
0x511: {  	_ =	swait.ge [sflag:s30], $0x1000  }
0x512: {  	[sflag:s30] =	ssyncset.done $0x0  }
0x513: {  	s0 =	rddreg [dreg:$0xd];
	[sflag:s30] =	ssyncadd.s32 $0xFFFFF000  }
0x514: {  	[hbm4b:s0+s14] =	stream.strided.scatter [tilespmem:s20], [sflag:$0x4], $0x1000, s15, s14, $0x38;
	[tilespmem:$0x15900] =	vst v63  }
0x515: {  	s1 =	rddreg [dreg:$0xe]  }
0x516: {  	[hbm4b:s1+s14] =	stream.strided.scatter [tilespmem:s21], [sflag:$0x4], $0x1000, s15, s14, $0x38;
	[tilespmem:$0x15900] =	vst v63  }
0x517: {  	s0 =	rddreg [dreg:$0xf]  }
0x518: {  	[hbm4b:s0+s14] =	stream.strided.scatter [tilespmem:s22], [sflag:$0x4], $0x1000, s15, s14, $0x38;
	[tilespmem:$0x15900] =	vst v63  }
0x519: {  	s1 =	rddreg [dreg:$0x10]  }
0x51a: {  	[hbm4b:s1+s14] =	stream.strided.scatter [tilespmem:s23], [sflag:$0x4], $0x1000, s15, s14, $0x38;
	[tilespmem:$0x15900] =	vst v63  }
0x51b: {  	s0 =	rddreg [dreg:$0x11]  }
0x51c: {  	[hbm4b:s0+s14] =	stream.strided.scatter [tilespmem:s24], [sflag:$0x4], $0x1000, s15, s14, $0x38;
	[tilespmem:$0x15900] =	vst v63  }
0x51d: {  	s1 =	rddreg [dreg:$0x12]  }
0x51e: {  	[hbm4b:s1+s14] =	stream.strided.scatter [tilespmem:s25], [sflag:$0x4], $0x1000, s15, s14, $0x38;
	[tilespmem:$0x15900] =	vst v63  }
0x51f: {  	s0 =	rddreg [dreg:$0x13]  }
0x520: {  	[hbm4b:s0+s14] =	stream.strided.scatter [tilespmem:s26], [sflag:$0x4], $0x1000, s15, s14, $0x38;
	[tilespmem:$0x15900] =	vst v63  }
0x521: {  	s3 =	simm.s32 $0x12900;
	s1 =	rddreg [dreg:$0x14]  }
0x522: {  	[hbm4b:s1+s14] =	stream.strided.scatter [tilespmem:s3], [sflag:$0x4], $0x1000, s15, s14, $0x38;
	[tilespmem:$0x15900] =	vst v63  }
0x523: {  	s0 =	rddreg [dreg:$0x15]  }
0x524: {  	[hbm4b:s0+s14] =	stream.strided.scatter [tilespmem:s28], [sflag:$0x4], $0x1000, s15, s14, $0x38;
	[tilespmem:$0x15900] =	vst v63  }
0x525: {  	s1 =	rddreg [dreg:$0x16]  }
0x526: {  	[hbm4b:s1+s14] =	stream.strided.scatter [tilespmem:s29], [sflag:$0x4], $0x1000, s15, s14, $0x38;
	[tilespmem:$0x15900] =	vst v63  }
0x527: {  	_ =	swait.ge [sflag:s13], $0x1000  }
0x528: {  	[sflag:s13] =	ssyncset.done $0x0  }
0x529: {  	[sflag:s13] =	ssyncadd.s32 $0xFFFFF000  }
0x52a: {  	_ =	swait.ge [sflag:s13], $0x1000  }
0x52b: {  	[sflag:s13] =	ssyncset.done $0x0  }
0x52c: {  	[sflag:s13] =	ssyncadd.s32 $0xFFFFF000  }
0x52d: {  	_ =	swait.ge [sflag:s13], $0x1000  }
0x52e: {  	[sflag:s13] =	ssyncset.done $0x0  }
0x52f: {  	[sflag:s13] =	ssyncadd.s32 $0xFFFFF000  }
0x530: {  	_ =	swait.ge [sflag:s13], $0x1000  }
0x531: {  	[sflag:s13] =	ssyncset.done $0x0  }
0x532: {  	[sflag:s13] =	ssyncadd.s32 $0xFFFFF000  }
0x533: {  	_ =	swait.ge [sflag:s13], $0x1000  }
0x534: {  	[sflag:s13] =	ssyncset.done $0x0  }
0x535: {  	[sflag:s13] =	ssyncadd.s32 $0xFFFFF000  }
0x536: {  	_ =	swait.ge [sflag:s13], $0x1000  }
0x537: {  	[sflag:s13] =	ssyncset.done $0x0  }
0x538: {  	[sflag:s13] =	ssyncadd.s32 $0xFFFFF000  }
0x539: {  	_ =	swait.ge [sflag:s13], $0x1000  }
0x53a: {  	[sflag:s13] =	ssyncset.done $0x0  }
0x53b: {  	[sflag:s13] =	ssyncadd.s32 $0xFFFFF000  }
0x53c: {  	_ =	swait.ge [sflag:s13], $0x1000  }
0x53d: {  	[sflag:s13] =	ssyncset.done $0x0  }
0x53e: {  	[sflag:s13] =	ssyncadd.s32 $0xFFFFF000  }
0x53f: {  	_ =	swait.ge [sflag:s13], $0x1000  }
0x540: {  	[sflag:s13] =	ssyncset.done $0x0  }
0x541: {  	[sflag:s13] =	ssyncadd.s32 $0xFFFFF000  }
0x542: {  	_ =	swait.ge [sflag:s13], $0x1000  }
0x543: {  	s0 =	sld [smem:$0x7EB]  }
0x544: {  	[sflag:s13] =	ssyncset.done $0x0  }
0x545: {  	s1 =	sld [smem:$0x7EC];
	[sflag:s13] =	ssyncadd.s32 $0xFFFFF000  }
0x546: {  	[tilespmem:s20], [sflag:$0x2] =	stream.indirect.gather [hbm4b:s17+s18], $0x20, s0, s18, $0xb8;
	[tilespmem:$0x15900] =	vst v63  }
0x547: {  	_ = 	snop  }
0x548: {  	[tilespmem:s21], [sflag:$0x2] =	stream.indirect.gather [hbm4b:s17+s18], $0x20, s1, s18, $0xb8;
	[tilespmem:$0x15900] =	vst v63  }
0x549: {  	s19 =	simm.s32 $0x1000;
	s0 =	sld [smem:$0x7ED]  }
0x54a: {  	[tilespmem:s22], [sflag:$0x2] =	stream.indirect.gather [hbm4b:s17+s18], $0x20, s19, s18, $0xb8;
	[tilespmem:$0x15900] =	vst v63  }
0x54b: {  	s1 =	sld [smem:$0x7EE]  }
0x54c: {  	[tilespmem:s23], [sflag:$0x2] =	stream.indirect.gather [hbm4b:s17+s18], $0x20, s0, s18, $0xb8;
	[tilespmem:$0x15900] =	vst v63  }
0x54d: {  	s19 =	sld [smem:$0x7EF]  }
0x54e: {  	[tilespmem:s24], [sflag:$0x2] =	stream.indirect.gather [hbm4b:s17+s18], $0x20, s1, s18, $0xb8;
	[tilespmem:$0x15900] =	vst v63  }
0x54f: {  	s1 =	sld [smem:$0x7F0]  }
0x550: {  	[tilespmem:s25], [sflag:$0x2] =	stream.indirect.gather [hbm4b:s17+s18], $0x20, s19, s18, $0xb8;
	[tilespmem:$0x15900] =	vst v63  }
0x551: {  	s19 =	sld [smem:$0x7F1]  }
0x552: {  	[tilespmem:s26], [sflag:$0x2] =	stream.indirect.gather [hbm4b:s17+s18], $0x20, s1, s18, $0xb8;
	[tilespmem:$0x15900] =	vst v63  }
0x553: {  	s1 =	sld [smem:$0x7F2]  }
0x554: {  	[tilespmem:s3], [sflag:$0x2] =	stream.indirect.gather [hbm4b:s17+s18], $0x20, s19, s18, $0xb8;
	[tilespmem:$0x15900] =	vst v63  }
0x555: {  	s19 =	sld [smem:$0x7F3]  }
0x556: {  	[tilespmem:s28], [sflag:$0x2] =	stream.indirect.gather [hbm4b:s17+s18], $0x20, s1, s18, $0xb8;
	[tilespmem:$0x15900] =	vst v63  }
0x557: {  	_ = 	snop  }
0x558: {  	[tilespmem:s29], [sflag:$0x2] =	stream.indirect.gather [hbm4b:s17+s18], $0x20, s19, s18, $0xb8;
	[tilespmem:$0x15900] =	vst v63  }
0x559: {  	_ =	swait.ge [sflag:s16], $0x1000  }
0x55a: {  	[sflag:s16] =	ssyncset.done $0x0  }
0x55b: {  	[sflag:s16] =	ssyncadd.s32 $0xFFFFF000  }
0x55c: {  	_ =	swait.ge [sflag:s16], $0x1000  }
0x55d: {  	[sflag:s16] =	ssyncset.done $0x0  }
0x55e: {  	[sflag:s16] =	ssyncadd.s32 $0xFFFFF000  }
0x55f: {  	_ =	swait.ge [sflag:s16], $0x1000  }
0x560: {  	[sflag:s16] =	ssyncset.done $0x0  }
0x561: {  	[sflag:s16] =	ssyncadd.s32 $0xFFFFF000  }
0x562: {  	_ =	swait.ge [sflag:s16], $0x1000  }
0x563: {  	[sflag:s16] =	ssyncset.done $0x0  }
0x564: {  	[sflag:s16] =	ssyncadd.s32 $0xFFFFF000  }
0x565: {  	_ =	swait.ge [sflag:s16], $0x1000  }
0x566: {  	[sflag:s16] =	ssyncset.done $0x0  }
0x567: {  	[sflag:s16] =	ssyncadd.s32 $0xFFFFF000  }
0x568: {  	_ =	swait.ge [sflag:s16], $0x1000  }
0x569: {  	[sflag:s16] =	ssyncset.done $0x0  }
0x56a: {  	[sflag:s16] =	ssyncadd.s32 $0xFFFFF000  }
0x56b: {  	_ =	swait.ge [sflag:s16], $0x1000  }
0x56c: {  	[sflag:s16] =	ssyncset.done $0x0  }
0x56d: {  	[sflag:s16] =	ssyncadd.s32 $0xFFFFF000  }
0x56e: {  	_ =	swait.ge [sflag:s16], $0x1000  }
0x56f: {  	[sflag:s16] =	ssyncset.done $0x0  }
0x570: {  	[sflag:s16] =	ssyncadd.s32 $0xFFFFF000  }
0x571: {  	_ =	swait.ge [sflag:s16], $0x1000  }
0x572: {  	[sflag:s16] =	ssyncset.done $0x0  }
0x573: {  	[sflag:s16] =	ssyncadd.s32 $0xFFFFF000  }
0x574: {  	_ =	swait.ge [sflag:s16], $0x1000  }
0x575: {  	s1 =	rddreg [dreg:$0x17];
	[sflag:s16] =	ssyncset.done $0x0  }
0x576: {  	s19 =	rddreg [dreg:$0x18];
	[sflag:s16] =	ssyncadd.s32 $0xFFFFF000  }
0x577: {  	[hbm4b:s1+s14] =	stream.strided.scatter [tilespmem:s4], [sflag:$0x3], $0x1000, s15, s14, $0x38;
	[tilespmem:$0x15900] =	vst v63  }
0x578: {  	s0 =	rddreg [dreg:$0x19]  }
0x579: {  	[hbm4b:s19+s14] =	stream.strided.scatter [tilespmem:s5], [sflag:$0x3], $0x1000, s15, s14, $0x38;
	[tilespmem:$0x15900] =	vst v63  }
0x57a: {  	s19 =	rddreg [dreg:$0x1a]  }
0x57b: {  	[hbm4b:s0+s14] =	stream.strided.scatter [tilespmem:s6], [sflag:$0x3], $0x1000, s15, s14, $0x38;
	[tilespmem:$0x15900] =	vst v63  }
0x57c: {  	s0 =	rddreg [dreg:$0x1b]  }
0x57d: {  	[hbm4b:s19+s14] =	stream.strided.scatter [tilespmem:s7], [sflag:$0x3], $0x1000, s15, s14, $0x38;
	[tilespmem:$0x15900] =	vst v63  }
0x57e: {  	s19 =	rddreg [dreg:$0x1c]  }
0x57f: {  	[hbm4b:s0+s14] =	stream.strided.scatter [tilespmem:s8], [sflag:$0x3], $0x1000, s15, s14, $0x38;
	[tilespmem:$0x15900] =	vst v63  }
0x580: {  	s0 =	rddreg [dreg:$0x1d]  }
0x581: {  	[hbm4b:s19+s14] =	stream.strided.scatter [tilespmem:s9], [sflag:$0x3], $0x1000, s15, s14, $0x38;
	[tilespmem:$0x15900] =	vst v63  }
0x582: {  	s19 =	rddreg [dreg:$0x1e]  }
0x583: {  	[hbm4b:s0+s14] =	stream.strided.scatter [tilespmem:s10], [sflag:$0x3], $0x1000, s15, s14, $0x38;
	[tilespmem:$0x15900] =	vst v63  }
0x584: {  	s0 =	rddreg [dreg:$0x1f]  }
0x585: {  	[hbm4b:s19+s14] =	stream.strided.scatter [tilespmem:s11], [sflag:$0x3], $0x1000, s15, s14, $0x38;
	[tilespmem:$0x15900] =	vst v63  }
0x586: {  	s19 =	sld [smem:$0x7B9]  }
0x587: {  	[hbm4b:s0+s14] =	stream.strided.scatter [tilespmem:s12], [sflag:$0x3], $0x1000, s15, s14, $0x38;
	[tilespmem:$0x15900] =	vst v63  }
0x588: {  	_ = 	snop  }
0x589: {  	[hbm4b:s19+s14] =	stream.strided.scatter [tilespmem:s31], [sflag:$0x3], $0x1000, s15, s14, $0x38;
	[tilespmem:$0x15900] =	vst v63  }
0x58a: {  	_ =	swait.ge [sflag:s2], $0x1000  }
0x58b: {  	[sflag:s2] =	ssyncset.done $0x0  }
0x58c: {  	[sflag:s2] =	ssyncadd.s32 $0xFFFFF000  }
0x58d: {  	_ =	swait.ge [sflag:s2], $0x1000  }
0x58e: {  	[sflag:s2] =	ssyncset.done $0x0  }
0x58f: {  	[sflag:s2] =	ssyncadd.s32 $0xFFFFF000  }
0x590: {  	_ =	swait.ge [sflag:s2], $0x1000  }
0x591: {  	[sflag:s2] =	ssyncset.done $0x0  }
0x592: {  	[sflag:s2] =	ssyncadd.s32 $0xFFFFF000  }
0x593: {  	_ =	swait.ge [sflag:s2], $0x1000  }
0x594: {  	[sflag:s2] =	ssyncset.done $0x0  }
0x595: {  	[sflag:s2] =	ssyncadd.s32 $0xFFFFF000  }
0x596: {  	_ =	swait.ge [sflag:s2], $0x1000  }
0x597: {  	[sflag:s2] =	ssyncset.done $0x0  }
0x598: {  	[sflag:s2] =	ssyncadd.s32 $0xFFFFF000  }
0x599: {  	_ =	swait.ge [sflag:s2], $0x1000  }
0x59a: {  	[sflag:s2] =	ssyncset.done $0x0  }
0x59b: {  	[sflag:s2] =	ssyncadd.s32 $0xFFFFF000  }
0x59c: {  	_ =	swait.ge [sflag:s2], $0x1000  }
0x59d: {  	[sflag:s2] =	ssyncset.done $0x0  }
0x59e: {  	[sflag:s2] =	ssyncadd.s32 $0xFFFFF000  }
0x59f: {  	_ =	swait.ge [sflag:s2], $0x1000  }
0x5a0: {  	[sflag:s2] =	ssyncset.done $0x0  }
0x5a1: {  	[sflag:s2] =	ssyncadd.s32 $0xFFFFF000  }
0x5a2: {  	_ =	swait.ge [sflag:s2], $0x1000  }
0x5a3: {  	[sflag:s2] =	ssyncset.done $0x0  }
0x5a4: {  	[sflag:s2] =	ssyncadd.s32 $0xFFFFF000  }
0x5a5: {  	_ =	swait.ge [sflag:s2], $0x1000  }
0x5a6: {  	s1 =	sld [smem:$0x7F4]  }
0x5a7: {  	[sflag:s2] =	ssyncset.done $0x0  }
0x5a8: {  	s19 =	sld [smem:$0x7F5];
	[sflag:s2] =	ssyncadd.s32 $0xFFFFF000  }
0x5a9: {  	[tilespmem:s4], [sflag:$0x1] =	stream.indirect.gather [hbm4b:s17+s18], $0x20, s1, s18, $0xb8;
	[tilespmem:$0x15900] =	vst v63  }
0x5aa: {  	s0 =	sld [smem:$0x7F6]  }
0x5ab: {  	[tilespmem:s5], [sflag:$0x1] =	stream.indirect.gather [hbm4b:s17+s18], $0x20, s19, s18, $0xb8;
	[tilespmem:$0x15900] =	vst v63  }
0x5ac: {  	s19 =	sld [smem:$0x7F7]  }
0x5ad: {  	[tilespmem:s6], [sflag:$0x1] =	stream.indirect.gather [hbm4b:s17+s18], $0x20, s0, s18, $0xb8;
	[tilespmem:$0x15900] =	vst v63  }
0x5ae: {  	s0 =	sld [smem:$0x7F8]  }
0x5af: {  	[tilespmem:s7], [sflag:$0x1] =	stream.indirect.gather [hbm4b:s17+s18], $0x20, s19, s18, $0xb8;
	[tilespmem:$0x15900] =	vst v63  }
0x5b0: {  	s19 =	sld [smem:$0x7F9]  }
0x5b1: {  	[tilespmem:s8], [sflag:$0x1] =	stream.indirect.gather [hbm4b:s17+s18], $0x20, s0, s18, $0xb8;
	[tilespmem:$0x15900] =	vst v63  }
0x5b2: {  	s0 =	sld [smem:$0x7FA]  }
0x5b3: {  	[tilespmem:s9], [sflag:$0x1] =	stream.indirect.gather [hbm4b:s17+s18], $0x20, s19, s18, $0xb8;
	[tilespmem:$0x15900] =	vst v63  }
0x5b4: {  	s19 =	sld [smem:$0x7FB]  }
0x5b5: {  	[tilespmem:s10], [sflag:$0x1] =	stream.indirect.gather [hbm4b:s17+s18], $0x20, s0, s18, $0xb8;
	[tilespmem:$0x15900] =	vst v63  }
0x5b6: {  	s0 =	sld [smem:$0x7FC]  }
0x5b7: {  	[tilespmem:s11], [sflag:$0x1] =	stream.indirect.gather [hbm4b:s17+s18], $0x20, s19, s18, $0xb8;
	[tilespmem:$0x15900] =	vst v63  }
0x5b8: {  	s19 =	sld [smem:$0x7FD]  }
0x5b9: {  	[tilespmem:s12], [sflag:$0x1] =	stream.indirect.gather [hbm4b:s17+s18], $0x20, s0, s18, $0xb8;
	[tilespmem:$0x15900] =	vst v63  }
0x5ba: {  	_ = 	snop  }
0x5bb: {  	[tilespmem:s31], [sflag:$0x1] =	stream.indirect.gather [hbm4b:s17+s18], $0x20, s19, s18, $0xb8;
	[tilespmem:$0x15900] =	vst v63  }
0x5bc: {  	_ =	swait.ge [sflag:s30], $0x1000  }
0x5bd: {  	[sflag:s30] =	ssyncset.done $0x0  }
0x5be: {  	[sflag:s30] =	ssyncadd.s32 $0xFFFFF000  }
0x5bf: {  	_ =	swait.ge [sflag:s30], $0x1000  }
0x5c0: {  	[sflag:s30] =	ssyncset.done $0x0  }
0x5c1: {  	[sflag:s30] =	ssyncadd.s32 $0xFFFFF000  }
0x5c2: {  	_ =	swait.ge [sflag:s30], $0x1000  }
0x5c3: {  	[sflag:s30] =	ssyncset.done $0x0  }
0x5c4: {  	[sflag:s30] =	ssyncadd.s32 $0xFFFFF000  }
0x5c5: {  	_ =	swait.ge [sflag:s30], $0x1000  }
0x5c6: {  	[sflag:s30] =	ssyncset.done $0x0  }
0x5c7: {  	[sflag:s30] =	ssyncadd.s32 $0xFFFFF000  }
0x5c8: {  	_ =	swait.ge [sflag:s30], $0x1000  }
0x5c9: {  	[sflag:s30] =	ssyncset.done $0x0  }
0x5ca: {  	[sflag:s30] =	ssyncadd.s32 $0xFFFFF000  }
0x5cb: {  	_ =	swait.ge [sflag:s30], $0x1000  }
0x5cc: {  	[sflag:s30] =	ssyncset.done $0x0  }
0x5cd: {  	[sflag:s30] =	ssyncadd.s32 $0xFFFFF000  }
0x5ce: {  	_ =	swait.ge [sflag:s30], $0x1000  }
0x5cf: {  	[sflag:s30] =	ssyncset.done $0x0  }
0x5d0: {  	[sflag:s30] =	ssyncadd.s32 $0xFFFFF000  }
0x5d1: {  	_ =	swait.ge [sflag:s30], $0x1000  }
0x5d2: {  	[sflag:s30] =	ssyncset.done $0x0  }
0x5d3: {  	[sflag:s30] =	ssyncadd.s32 $0xFFFFF000  }
0x5d4: {  	_ =	swait.ge [sflag:s30], $0x1000  }
0x5d5: {  	[sflag:s30] =	ssyncset.done $0x0  }
0x5d6: {  	[sflag:s30] =	ssyncadd.s32 $0xFFFFF000  }
0x5d7: {  	_ =	swait.ge [sflag:s30], $0x1000  }
0x5d8: {  	s18 =	sld [smem:$0x7BA]  }
0x5d9: {  	[sflag:s30] =	ssyncset.done $0x0  }
0x5da: {  	s19 =	sld [smem:$0x7BB];
	[sflag:s30] =	ssyncadd.s32 $0xFFFFF000  }
0x5db: {  	[hbm4b:s18+s14] =	stream.strided.scatter [tilespmem:s20], [sflag:$0x4], $0x1000, s15, s14, $0x38;
	[tilespmem:$0x15900] =	vst v63  }
0x5dc: {  	s20 =	sld [smem:$0x7BC]  }
0x5dd: {  	[hbm4b:s19+s14] =	stream.strided.scatter [tilespmem:s21], [sflag:$0x4], $0x1000, s15, s14, $0x38;
	[tilespmem:$0x15900] =	vst v63  }
0x5de: {  	s21 =	sld [smem:$0x7BD]  }
0x5df: {  	[hbm4b:s20+s14] =	stream.strided.scatter [tilespmem:s22], [sflag:$0x4], $0x1000, s15, s14, $0x38;
	[tilespmem:$0x15900] =	vst v63  }
0x5e0: {  	s22 =	sld [smem:$0x7BE]  }
0x5e1: {  	[hbm4b:s21+s14] =	stream.strided.scatter [tilespmem:s23], [sflag:$0x4], $0x1000, s15, s14, $0x38;
	[tilespmem:$0x15900] =	vst v63  }
0x5e2: {  	s23 =	sld [smem:$0x7BF]  }
0x5e3: {  	[hbm4b:s22+s14] =	stream.strided.scatter [tilespmem:s24], [sflag:$0x4], $0x1000, s15, s14, $0x38;
	[tilespmem:$0x15900] =	vst v63  }
0x5e4: {  	s30 =	sld [smem:$0x7C0]  }
0x5e5: {  	[hbm4b:s23+s14] =	stream.strided.scatter [tilespmem:s25], [sflag:$0x4], $0x1000, s15, s14, $0x38;
	[tilespmem:$0x15900] =	vst v63  }
0x5e6: {  	s17 =	sld [smem:$0x7C1]  }
0x5e7: {  	[hbm4b:s30+s14] =	stream.strided.scatter [tilespmem:s26], [sflag:$0x4], $0x1000, s15, s14, $0x38;
	[tilespmem:$0x15900] =	vst v63  }
0x5e8: {  	s18 =	sld [smem:$0x7C2]  }
0x5e9: {  	[hbm4b:s17+s14] =	stream.strided.scatter [tilespmem:s3], [sflag:$0x4], $0x1000, s15, s14, $0x38;
	[tilespmem:$0x15900] =	vst v63  }
0x5ea: {  	s19 =	sld [smem:$0x7C3]  }
0x5eb: {  	[hbm4b:s18+s14] =	stream.strided.scatter [tilespmem:s28], [sflag:$0x4], $0x1000, s15, s14, $0x38;
	[tilespmem:$0x15900] =	vst v63  }
0x5ec: {  	_ = 	snop  }
0x5ed: {  	[hbm4b:s19+s14] =	stream.strided.scatter [tilespmem:s29], [sflag:$0x4], $0x1000, s15, s14, $0x38;
	[tilespmem:$0x15900] =	vst v63  }
0x5ee: {  	_ =	swait.ge [sflag:s16], $0x1000  }
0x5ef: {  	[sflag:s16] =	ssyncset.done $0x0  }
0x5f0: {  	[sflag:s16] =	ssyncadd.s32 $0xFFFFF000  }
0x5f1: {  	_ =	swait.ge [sflag:s16], $0x1000  }
0x5f2: {  	[sflag:s16] =	ssyncset.done $0x0  }
0x5f3: {  	[sflag:s16] =	ssyncadd.s32 $0xFFFFF000  }
0x5f4: {  	_ =	swait.ge [sflag:s16], $0x1000  }
0x5f5: {  	[sflag:s16] =	ssyncset.done $0x0  }
0x5f6: {  	[sflag:s16] =	ssyncadd.s32 $0xFFFFF000  }
0x5f7: {  	_ =	swait.ge [sflag:s16], $0x1000  }
0x5f8: {  	[sflag:s16] =	ssyncset.done $0x0  }
0x5f9: {  	[sflag:s16] =	ssyncadd.s32 $0xFFFFF000  }
0x5fa: {  	_ =	swait.ge [sflag:s16], $0x1000  }
0x5fb: {  	[sflag:s16] =	ssyncset.done $0x0  }
0x5fc: {  	[sflag:s16] =	ssyncadd.s32 $0xFFFFF000  }
0x5fd: {  	_ =	swait.ge [sflag:s16], $0x1000  }
0x5fe: {  	[sflag:s16] =	ssyncset.done $0x0  }
0x5ff: {  	[sflag:s16] =	ssyncadd.s32 $0xFFFFF000  }
0x600: {  	_ =	swait.ge [sflag:s16], $0x1000  }
0x601: {  	[sflag:s16] =	ssyncset.done $0x0  }
0x602: {  	[sflag:s16] =	ssyncadd.s32 $0xFFFFF000  }
0x603: {  	_ =	swait.ge [sflag:s16], $0x1000  }
0x604: {  	[sflag:s16] =	ssyncset.done $0x0  }
0x605: {  	[sflag:s16] =	ssyncadd.s32 $0xFFFFF000  }
0x606: {  	_ =	swait.ge [sflag:s16], $0x1000  }
0x607: {  	[sflag:s16] =	ssyncset.done $0x0  }
0x608: {  	[sflag:s16] =	ssyncadd.s32 $0xFFFFF000  }
0x609: {  	_ =	swait.ge [sflag:s16], $0x1000  }
0x60a: {  	s20 =	sld [smem:$0x7C4]  }
0x60b: {  	[sflag:s16] =	ssyncset.done $0x0  }
0x60c: {  	s21 =	sld [smem:$0x7C5];
	[sflag:s16] =	ssyncadd.s32 $0xFFFFF000  }
0x60d: {  	[hbm4b:s20+s14] =	stream.strided.scatter [tilespmem:s4], [sflag:$0x3], $0x1000, s15, s14, $0x38;
	[tilespmem:$0x15900] =	vst v63  }
0x60e: {  	s22 =	sld [smem:$0x7C6]  }
0x60f: {  	[hbm4b:s21+s14] =	stream.strided.scatter [tilespmem:s5], [sflag:$0x3], $0x1000, s15, s14, $0x38;
	[tilespmem:$0x15900] =	vst v63  }
0x610: {  	s23 =	sld [smem:$0x7C7]  }
0x611: {  	[hbm4b:s22+s14] =	stream.strided.scatter [tilespmem:s6], [sflag:$0x3], $0x1000, s15, s14, $0x38;
	[tilespmem:$0x15900] =	vst v63  }
0x612: {  	s24 =	sld [smem:$0x7C8]  }
0x613: {  	[hbm4b:s23+s14] =	stream.strided.scatter [tilespmem:s7], [sflag:$0x3], $0x1000, s15, s14, $0x38;
	[tilespmem:$0x15900] =	vst v63  }
0x614: {  	s25 =	sld [smem:$0x7C9]  }
0x615: {  	[hbm4b:s24+s14] =	stream.strided.scatter [tilespmem:s8], [sflag:$0x3], $0x1000, s15, s14, $0x38;
	[tilespmem:$0x15900] =	vst v63  }
0x616: {  	s26 =	sld [smem:$0x7CA]  }
0x617: {  	[hbm4b:s25+s14] =	stream.strided.scatter [tilespmem:s9], [sflag:$0x3], $0x1000, s15, s14, $0x38;
	[tilespmem:$0x15900] =	vst v63  }
0x618: {  	s28 =	sld [smem:$0x7CB]  }
0x619: {  	[hbm4b:s26+s14] =	stream.strided.scatter [tilespmem:s10], [sflag:$0x3], $0x1000, s15, s14, $0x38;
	[tilespmem:$0x15900] =	vst v63  }
0x61a: {  	s29 =	sld [smem:$0x7CC]  }
0x61b: {  	[hbm4b:s28+s14] =	stream.strided.scatter [tilespmem:s11], [sflag:$0x3], $0x1000, s15, s14, $0x38;
	[tilespmem:$0x15900] =	vst v63  }
0x61c: {  	s30 =	sld [smem:$0x7CE]  }
0x61d: {  	[hbm4b:s29+s14] =	stream.strided.scatter [tilespmem:s12], [sflag:$0x3], $0x1000, s15, s14, $0x38;
	[tilespmem:$0x15900] =	vst v63  }
0x61e: {  	_ = 	snop  }
0x61f: {  	[hbm4b:s30+s14] =	stream.strided.scatter [tilespmem:s31], [sflag:$0x3], $0x1000, s15, s14, $0x38;
	[tilespmem:$0x15900] =	vst v63  }
0x620: {  	_ =	swait.ge [sflag:s13], $0x1000  }
0x621: {  	[sflag:s13] =	ssyncset.done $0x0  }
0x622: {  	[sflag:s13] =	ssyncadd.s32 $0xFFFFF000  }
0x623: {  	_ =	swait.ge [sflag:s13], $0x1000  }
0x624: {  	[sflag:s13] =	ssyncset.done $0x0  }
0x625: {  	[sflag:s13] =	ssyncadd.s32 $0xFFFFF000  }
0x626: {  	_ =	swait.ge [sflag:s13], $0x1000  }
0x627: {  	[sflag:s13] =	ssyncset.done $0x0  }
0x628: {  	[sflag:s13] =	ssyncadd.s32 $0xFFFFF000  }
0x629: {  	_ =	swait.ge [sflag:s13], $0x1000  }
0x62a: {  	[sflag:s13] =	ssyncset.done $0x0  }
0x62b: {  	[sflag:s13] =	ssyncadd.s32 $0xFFFFF000  }
0x62c: {  	_ =	swait.ge [sflag:s13], $0x1000  }
0x62d: {  	[sflag:s13] =	ssyncset.done $0x0  }
0x62e: {  	[sflag:s13] =	ssyncadd.s32 $0xFFFFF000  }
0x62f: {  	_ =	swait.ge [sflag:s13], $0x1000  }
0x630: {  	[sflag:s13] =	ssyncset.done $0x0  }
0x631: {  	[sflag:s13] =	ssyncadd.s32 $0xFFFFF000  }
0x632: {  	_ =	swait.ge [sflag:s13], $0x1000  }
0x633: {  	[sflag:s13] =	ssyncset.done $0x0  }
0x634: {  	[sflag:s13] =	ssyncadd.s32 $0xFFFFF000  }
0x635: {  	_ =	swait.ge [sflag:s13], $0x1000  }
0x636: {  	[sflag:s13] =	ssyncset.done $0x0  }
0x637: {  	[sflag:s13] =	ssyncadd.s32 $0xFFFFF000  }
0x638: {  	_ =	swait.ge [sflag:s13], $0x1000  }
0x639: {  	[sflag:s13] =	ssyncset.done $0x0  }
0x63a: {  	[sflag:s13] =	ssyncadd.s32 $0xFFFFF000  }
0x63b: {  	_ =	swait.ge [sflag:s13], $0x1000  }
0x63c: {  	[sflag:s13] =	ssyncset.done $0x0  }
0x63d: {  	[sflag:s13] =	ssyncadd.s32 $0xFFFFF000  }
0x63e: {  	_ =	swait.ge [sflag:s2], $0x1000  }
0x63f: {  	[sflag:s2] =	ssyncset.done $0x0  }
0x640: {  	[sflag:s2] =	ssyncadd.s32 $0xFFFFF000  }
0x641: {  	_ =	swait.ge [sflag:s2], $0x1000  }
0x642: {  	[sflag:s2] =	ssyncset.done $0x0  }
0x643: {  	[sflag:s2] =	ssyncadd.s32 $0xFFFFF000  }
0x644: {  	_ =	swait.ge [sflag:s2], $0x1000  }
0x645: {  	[sflag:s2] =	ssyncset.done $0x0  }
0x646: {  	[sflag:s2] =	ssyncadd.s32 $0xFFFFF000  }
0x647: {  	_ =	swait.ge [sflag:s2], $0x1000  }
0x648: {  	[sflag:s2] =	ssyncset.done $0x0  }
0x649: {  	[sflag:s2] =	ssyncadd.s32 $0xFFFFF000  }
0x64a: {  	_ =	swait.ge [sflag:s2], $0x1000  }
0x64b: {  	[sflag:s2] =	ssyncset.done $0x0  }
0x64c: {  	[sflag:s2] =	ssyncadd.s32 $0xFFFFF000  }
0x64d: {  	_ =	swait.ge [sflag:s2], $0x1000  }
0x64e: {  	[sflag:s2] =	ssyncset.done $0x0  }
0x64f: {  	[sflag:s2] =	ssyncadd.s32 $0xFFFFF000  }
0x650: {  	_ =	swait.ge [sflag:s2], $0x1000  }
0x651: {  	[sflag:s2] =	ssyncset.done $0x0  }
0x652: {  	[sflag:s2] =	ssyncadd.s32 $0xFFFFF000  }
0x653: {  	_ =	swait.ge [sflag:s2], $0x1000  }
0x654: {  	[sflag:s2] =	ssyncset.done $0x0  }
0x655: {  	[sflag:s2] =	ssyncadd.s32 $0xFFFFF000  }
0x656: {  	_ =	swait.ge [sflag:s2], $0x1000  }
0x657: {  	[sflag:s2] =	ssyncset.done $0x0  }
0x658: {  	[sflag:s2] =	ssyncadd.s32 $0xFFFFF000  }
0x659: {  	_ =	swait.ge [sflag:s2], $0x1000  }
0x65a: {  	[sflag:s2] =	ssyncset.done $0x0  }
0x65b: {  	[sflag:s2] =	ssyncadd.s32 $0xFFFFF000  }
0x65c: {  	_ =	sfence.sel $0x180000  }
0x65d: {  	[bflag:$0x0] =	sbarrier.arrive $0xFFFF  }
0x65e: {  	_ =	strace $0x90000047  }
0x65f: {  	s31 =	stileid.u32;
	[bflag:$0x2] =	sbarrier.arrive $0xFFFF  }
0x660: {  	p0 =	sne.s32 s31, $0x0;
	s0 =	rddreg [dreg:$0x2]  }
0x661: {  	s0 =	sadd.s32 @!p0 $0x100000, s0  }
0x662: {  	[sflag:s0] =	ssyncadd.tile.s32 @!p0 $0x1;
	_ =	shalt  }
.LBB2_1:
.Ltmp3:
0x663: {  	(pc) =	sbr.rel .LBB2_6-.Ltmp3, $2  }
0x664: {  	_ =	sdelay $0x2  }
0x665: {  	s1 =	simm.s32 $0x1000  }
.LBB2_7:
.Ltmp4:
0x666: {  	(pc) =	sbr.rel .LBB2_6-.Ltmp4, $4  }
0x667: {  	s3 =	simm.s32 $0x12900;
	s4 =	simm.s32 $0x1900  }
0x668: {  	s5 =	simm.s32 $0x2900;
	s6 =	simm.s32 $0x3900;
	s7 =	simm.s32 $0x4900  }
0x669: {  	s8 =	simm.s32 $0x5900;
	s9 =	simm.s32 $0x6900;
	s10 =	simm.s32 $0x7900  }
0x66a: {  	s11 =	simm.s32 $0x8900;
	s12 =	simm.s32 $0x9900;
	s29 =	simm.s32 $0xA900  }
.Lfunc_end2:
_tile_overlayer_lowered:
.L_overlay_start_2:
0x66b: {  	(tag) =	ssettag $0x2  }
0x66c: {  	s0 =	rddreg [dreg:$0x0];
	s2 =	stileid.u32  }
0x66d: {  	s1 =	rddreg [dreg:$0x1];
	p0 =	sne.s32 s2, $0x0  }
0x66e: {  	s3 =	rddreg [dreg:$0x2];
	[bflag:$0x3] =	sbarrier.arrive $0xFFFF;
	s2 =	simm.s32 @!p0 $0x1C05  }
0x66f: {  	[timem:s3], [sflag:s2] =	dma.local @!p0 [hbm:s0], s1  }
0x670: {  	s0 =	simm.s32 @!p0 $0x5  }
0x671: {  	_ =	swait.ge @!p0 [sflag:s0], s1  }
0x672: {  	s1 =	ssub.s32 @!p0 $0x0, s1;
	[sflag:s0] =	ssyncset.done @!p0 $0x0  }
0x673: {  	[sflag:s0] =	ssyncadd.s32 @!p0 s1  }
0x674: {  	[bflag:$0x3] =	sbarrier.arrive $0xFFFF  }
0x675: {  	_ =	shalt  }

</sc_bundles>
